<compile_context>
chip_gen: v7x
topology: tpu7x:2x2x1
jax: 0.10.2.dev20260603
libtpu: 0.0.44.dev20260713+nightly
codegen_flags: <defaults>
</compile_context>

<pallas_src>
import functools

import jax
import jax.numpy as jnp
from jax import lax
from jax.experimental import pallas as pl
from jax.experimental.pallas import tpu as pltpu
from jax.experimental.pallas import tpu_sc as plsc

N = 10000
E = 320000
D = 128
L = 3
K = 32

NC = 2
NS = 16
NW = NC * NS
EPW = E // NW
CHUNK = 80
NCHUNK = EPW // CHUNK
NRING = 4
NTAIL = NCHUNK - (NCHUNK // NRING) * NRING
RPW = 624
ZR = 16

BR = 2000



def _maxk_mask(t, _roll=None):
    if _roll is None:
        _roll = lambda v, s: pltpu.roll(v, s, 1)
    n = t.shape[1]
    cols = lax.broadcasted_iota(jnp.int32, t.shape, 1)
    u = lax.bitcast_convert_type(t, jnp.int32)
    m = u ^ (lax.shift_right_arithmetic(u, 31) & jnp.int32(0x7FFFFFFF))
    key0 = (m & jnp.int32(-128)) | (127 - cols)
    x = key0
    k = 2
    while k <= n // 2:
        kbit0 = (cols & k) == 0
        j = k // 2
        while j >= 1:
            jbit0 = (cols & j) == 0
            pv = jnp.where(jbit0, _roll(x, n - j), _roll(x, j))
            take_min = kbit0 == jbit0
            x = jnp.where(take_min, jnp.minimum(x, pv), jnp.maximum(x, pv))
            j //= 2
        k *= 2
    for j in (n // 2, n // 4):
        jbit0 = (cols & j) == 0
        pv = jnp.where(jbit0, _roll(x, n - j), _roll(x, j))
        x = jnp.where(jbit0, jnp.minimum(x, pv), jnp.maximum(x, pv))
    m = jnp.where(cols >= n - K, x, jnp.int32(0x7FFFFFFF))
    sh = K // 2
    while sh >= 1:
        m = jnp.minimum(m, _roll(m, n - sh))
        sh //= 2
    thr = lax.slice(m, (0, n - K), (t.shape[0], n - K + 1))
    return jnp.where(key0 >= thr, t, 0.0)


def _tc_in_body(x_ref, wi_ref, bi_ref, w0_ref, b0_ref, o_ref):
    h0 = jnp.dot(x_ref[...], wi_ref[...], preferred_element_type=jnp.float32)
    h0 = jnp.maximum(h0 + bi_ref[...], 0.0)
    t = jnp.dot(h0, w0_ref[...], preferred_element_type=jnp.float32) + b0_ref[...]
    o_ref[...] = _maxk_mask(t)


def _tc_mid_body(hs_ref, p0_ref, p1_ref, e_ref, w_ref, b_ref, o_ref):
    h = e_ref[...] * hs_ref[...] + p0_ref[...] + p1_ref[...]
    t = jnp.dot(h, w_ref[...], preferred_element_type=jnp.float32) + b_ref[...]
    o_ref[...] = _maxk_mask(t)


def _tc_out_body(hs_ref, p0_ref, p1_ref, e_ref, w_ref, b_ref, o_ref):
    h = e_ref[...] * hs_ref[...] + p0_ref[...] + p1_ref[...]
    o_ref[...] = jnp.dot(h, w_ref[...], preferred_element_type=jnp.float32) + b_ref[...]


def _rows():
    return pl.BlockSpec((BR, D), lambda i: (i, 0))


def _mat():
    return pl.BlockSpec((D, D), lambda i: (0, 0))


def _vec():
    return pl.BlockSpec((1, D), lambda i: (0, 0))


_out_rows = jax.ShapeDtypeStruct((N, D), jnp.float32)

_tc_in = pl.pallas_call(
    _tc_in_body, grid=(N // BR,),
    in_specs=[_rows(), _mat(), _vec(), _mat(), _vec()],
    out_specs=_rows(), out_shape=_out_rows)

_tc_mid = pl.pallas_call(
    _tc_mid_body, grid=(N // BR,),
    in_specs=[_rows(), _rows(), _rows(), _vec(), _mat(), _vec()],
    out_specs=_rows(), out_shape=_out_rows)

_tc_out = pl.pallas_call(
    _tc_out_body, grid=(N // BR,),
    in_specs=[_rows(), _rows(), _rows(), _vec(), _mat(), _vec()],
    out_specs=_rows(), out_shape=_out_rows)



@functools.lru_cache(maxsize=None)
def _make_sc_agg():
    mesh = plsc.VectorSubcoreMesh(core_axis_name="c", subcore_axis_name="s")
    return pl.kernel(
        _sc_agg_body,
        mesh=mesh,
        out_type=jax.ShapeDtypeStruct((NC * N, D), jnp.float32),
        scratch_types=[pltpu.VMEM((CHUNK, D), jnp.float32) for _ in range(NRING)]
        + [pltpu.VMEM((CHUNK,), jnp.int32) for _ in range(2 * NRING)]
        + [pltpu.VMEM((ZR, D), jnp.float32)]
        + [pltpu.VMEM_SHARED((N, D), jnp.float32)]
        + [pltpu.SemaphoreType.DMA for _ in range(4 * NRING)],
    )


def _sc_agg_body(hs_hbm, src_hbm, dst_hbm, out_hbm, *rest):
    rows = rest[0:NRING]
    sbuf = rest[NRING:2 * NRING]
    dbuf = rest[2 * NRING:3 * NRING]
    zbuf = rest[3 * NRING]
    acc_sh = rest[3 * NRING + 1]
    sems = rest[3 * NRING + 2:]
    gs = sems[0:NRING]
    ss = sems[NRING:2 * NRING]
    isx = sems[2 * NRING:3 * NRING]
    jsx = sems[3 * NRING:4 * NRING]

    cid = lax.axis_index("c")
    sid = lax.axis_index("s")
    wg = cid * NS + sid

    def fire_isrc(c, b):
        pltpu.async_copy(src_hbm.at[wg, c], sbuf[b], isx[b])

    def wait_isrc(b):
        pltpu.make_async_copy(src_hbm.at[wg, 0], sbuf[b], isx[b]).wait()

    def fire_idst(c, b):
        pltpu.async_copy(dst_hbm.at[wg, c], dbuf[b], jsx[b])

    def wait_idst(b):
        pltpu.make_async_copy(dst_hbm.at[wg, 0], dbuf[b], jsx[b]).wait()

    def fire_gather(b):
        pltpu.async_copy(hs_hbm.at[sbuf[b]], rows[b], gs[b])

    def wait_gather(b):
        pltpu.make_async_copy(hs_hbm.at[sbuf[b]], rows[b], gs[b]).wait()

    def fire_scatter(b):
        pltpu.async_copy(rows[b], acc_sh.at[dbuf[b]], ss[b], add=True)

    def wait_scatter(b):
        pltpu.make_async_copy(rows[b], acc_sh.at[dbuf[b]], ss[b]).wait()

    for b in range(NRING):
        fire_isrc(b, b)
        fire_idst(b, b)
    for b in range(NRING):
        wait_isrc(b)
        fire_gather(b)

    def _zrow(r, carry):
        for c in range(D // 16):
            zbuf[r, pl.ds(c * 16, 16)] = jnp.zeros((16,), jnp.float32)
        return carry

    lax.fori_loop(0, ZR, _zrow, 0)

    base = pl.multiple_of(sid * RPW, 16)

    def _zcp(j, carry):
        pltpu.sync_copy(zbuf, acc_sh.at[pl.ds(base + j * ZR, ZR)])
        return carry

    lax.fori_loop(0, RPW // ZR, _zcp, 0)

    @pl.when(sid == NS - 1)
    def _zero_tail():
        pltpu.sync_copy(zbuf, acc_sh.at[pl.ds(NS * RPW, N - NS * RPW)])

    plsc.subcore_barrier()

    def _grp(k, carry):
        for b in range(NRING):
            c = k * NRING + b
            wait_gather(b)
            wait_idst(b)
            fire_scatter(b)

            @pl.when(c + NRING < NCHUNK)
            def _pre(b=b, c=c):
                fire_isrc(c + NRING, b)

            wait_scatter(b)

            @pl.when(c + NRING < NCHUNK)
            def _nxt(b=b, c=c):
                fire_idst(c + NRING, b)
                wait_isrc(b)
                fire_gather(b)
        return carry

    lax.fori_loop(0, NCHUNK // NRING, _grp, 0)

    for b in range(NTAIL):
        wait_gather(b)
        wait_idst(b)
        fire_scatter(b)
        wait_scatter(b)

    plsc.subcore_barrier()
    obase = pl.multiple_of(cid * N + sid * RPW, 16)
    pltpu.sync_copy(acc_sh.at[pl.ds(base, RPW)], out_hbm.at[pl.ds(obase, RPW)])

    @pl.when(sid == NS - 1)
    def _write_tail():
        pltpu.sync_copy(acc_sh.at[pl.ds(NS * RPW, N - NS * RPW)],
                        out_hbm.at[pl.ds(cid * N + NS * RPW, N - NS * RPW)])



def kernel(x, edge_index, W_in, b_in, Ws, bs, eps, W_out, b_out):
    src = edge_index[0].astype(jnp.int32).reshape(NW, NCHUNK, CHUNK)
    dst = edge_index[1].astype(jnp.int32).reshape(NW, NCHUNK, CHUNK)
    ones = jnp.ones((1, D), jnp.float32)

    hs = _tc_in(x, W_in, b_in.reshape(1, D), Ws[0], bs[0].reshape(1, D))
    for i in range(L):
        part = _make_sc_agg()(hs, src, dst)
        p0, p1 = part[:N], part[N:]
        epsb = (1.0 + eps[i]) * ones
        if i < L - 1:
            hs = _tc_mid(hs, p0, p1, epsb, Ws[i + 1], bs[i + 1].reshape(1, D))
        else:
            return _tc_out(hs, p0, p1, epsb, W_out, b_out.reshape(1, D))

# --- scband reference (transcript-rebuilt; emitter-appended) ---
"""Pipeline reference for scband-max-kgin-62388694942259 (READ-ONLY COPY).

The authoritative reference and input builder live on the scoring server;
editing this copy changes nothing except your own understanding.
"""

import jax, jax.numpy as jnp
import numpy as np

N = 10000
E = 320000
D = 128
L = 3
K = 32


def setup_inputs(seed: int = 0) -> dict:
    key = jax.random.key(seed)
    ks = jax.random.split(key, 12)
    x = jax.random.normal(ks[0], (N, D), dtype=jnp.float32)
    edge_index = jax.random.randint(ks[1], (2, E), 0, N, dtype=jnp.int64)
    # xavier-uniform-like scale for [D, D] linears
    lim = float(np.sqrt(6.0 / (D + D)))
    W_in = jax.random.uniform(ks[2], (D, D), minval=-lim, maxval=lim, dtype=jnp.float32)
    b_in = jnp.zeros((D,), dtype=jnp.float32)
    Ws = jax.random.uniform(ks[3], (L, D, D), minval=-lim, maxval=lim, dtype=jnp.float32)
    bs = jnp.zeros((L, D), dtype=jnp.float32)
    eps = jnp.zeros((L,), dtype=jnp.float32)  # learn_eps=True, init_eps=0
    W_out = jax.random.uniform(ks[4], (D, D), minval=-lim, maxval=lim, dtype=jnp.float32)
    b_out = jnp.zeros((D,), dtype=jnp.float32)
    return {"x": x, "edge_index": edge_index, "W_in": W_in, "b_in": b_in,
            "Ws": Ws, "bs": bs, "eps": eps, "W_out": W_out, "b_out": b_out}


def _maxk(h, k):
    # OPTMaxK: keep top-k per row (dim=1), zero the rest
    vals, idx = jax.lax.top_k(h, k)
    rows = jnp.arange(h.shape[0])[:, None]
    mask = jnp.zeros_like(h).at[rows, idx].set(1.0)
    return h * mask


def reference(x, edge_index, W_in, b_in, Ws, bs, eps, W_out, b_out):
    src = edge_index[0]
    dst = edge_index[1]
    h = jax.nn.relu(x @ W_in + b_in)  # lin_in + relu
    for i in range(L):
        h = h @ Ws[i] + bs[i]          # linlayers[i]
        hs = _maxk(h, K)               # maxk nonlinearity (dropout p=0)
        # GIN sum aggregation: neigh[dst] += hs[src]
        neigh = jax.ops.segment_sum(hs[src], dst, num_segments=N)
        h = (1.0 + eps[i]) * hs + neigh
    out = h @ W_out + b_out            # lin_out
    return out

if __name__ == "__main__":
    import jax
    _d = setup_inputs()
    print(jax.jit(kernel)(*tuple(_d.values())))

</pallas_src>

<mosaic_0001>
#map = affine_map<(d0, d1) -> (0, 0)>
#map1 = affine_map<(d0, d1) -> (0, 0, 0)>
module attributes {stable_mosaic.version = 14 : i64} {
  func.func @_sc_agg_body(%arg0: i32, %arg1: i32, %arg2: memref<10000x128xf32, #tpu.memory_space<hbm>>, %arg3: memref<32x125x80xi32, #tpu.memory_space<hbm>>, %arg4: memref<32x125x80xi32, #tpu.memory_space<hbm>>, %arg5: memref<20000x128xf32, #tpu.memory_space<hbm>>, %arg6: memref<80x128xf32, #tpu.memory_space<vmem>>, %arg7: memref<80x128xf32, #tpu.memory_space<vmem>>, %arg8: memref<80x128xf32, #tpu.memory_space<vmem>>, %arg9: memref<80x128xf32, #tpu.memory_space<vmem>>, %arg10: memref<80xi32, #tpu.memory_space<vmem>>, %arg11: memref<80xi32, #tpu.memory_space<vmem>>, %arg12: memref<80xi32, #tpu.memory_space<vmem>>, %arg13: memref<80xi32, #tpu.memory_space<vmem>>, %arg14: memref<80xi32, #tpu.memory_space<vmem>>, %arg15: memref<80xi32, #tpu.memory_space<vmem>>, %arg16: memref<80xi32, #tpu.memory_space<vmem>>, %arg17: memref<80xi32, #tpu.memory_space<vmem>>, %arg18: memref<16x128xf32, #tpu.memory_space<vmem>>, %arg19: memref<10000x128xf32, #tpu.memory_space<vmem_shared>>, %arg20: memref<!tpu.dma_semaphore, #tpu.memory_space<semaphore_mem>>, %arg21: memref<!tpu.dma_semaphore, #tpu.memory_space<semaphore_mem>>, %arg22: memref<!tpu.dma_semaphore, #tpu.memory_space<semaphore_mem>>, %arg23: memref<!tpu.dma_semaphore, #tpu.memory_space<semaphore_mem>>, %arg24: memref<!tpu.dma_semaphore, #tpu.memory_space<semaphore_mem>>, %arg25: memref<!tpu.dma_semaphore, #tpu.memory_space<semaphore_mem>>, %arg26: memref<!tpu.dma_semaphore, #tpu.memory_space<semaphore_mem>>, %arg27: memref<!tpu.dma_semaphore, #tpu.memory_space<semaphore_mem>>, %arg28: memref<!tpu.dma_semaphore, #tpu.memory_space<semaphore_mem>>, %arg29: memref<!tpu.dma_semaphore, #tpu.memory_space<semaphore_mem>>, %arg30: memref<!tpu.dma_semaphore, #tpu.memory_space<semaphore_mem>>, %arg31: memref<!tpu.dma_semaphore, #tpu.memory_space<semaphore_mem>>, %arg32: memref<!tpu.dma_semaphore, #tpu.memory_space<semaphore_mem>>, %arg33: memref<!tpu.dma_semaphore, #tpu.memory_space<semaphore_mem>>, %arg34: memref<!tpu.dma_semaphore, #tpu.memory_space<semaphore_mem>>, %arg35: memref<!tpu.dma_semaphore, #tpu.memory_space<semaphore_mem>>) attributes {dimension_semantics = [#tpu.dimension_semantics<core_parallel>, #tpu.dimension_semantics<subcore_parallel>], iteration_bounds = array<i64: 2, 16>, scalar_prefetch = 0 : i64, scratch_operands = 30 : i64, tpu.core_type = #tpu.core_type<sc_vector_subcore>, window_params = [{transform_indices = #map}, {transform_indices = #map1}, {transform_indices = #map1}, {transform_indices = #map}]} {
    %mul3A = arith.constant 16 : i32
    %mul3A_0 = arith.muli %arg0, %mul3A : i32
    %add3A = arith.addi %mul3A_0, %arg1 : i32
    %dma_start3A = arith.constant 0 : i32
    %dma_start3A_1 = arith.constant 0 : i32
    %dma_start3A_2 = tpu.memref_slice %arg3[%add3A, %dma_start3A, %dma_start3A_1] : memref<32x125x80xi32, #tpu.memory_space<hbm>> -> memref<1x1x80xi32, #tpu.memory_space<hbm>>
    %dma_start3A_3 = tpu.memref_squeeze %dma_start3A_2 : memref<1x1x80xi32, #tpu.memory_space<hbm>> -> memref<80xi32, #tpu.memory_space<hbm>>
    %dma_start3A_4 = arith.constant 0 : i32
    %dma_start3A_5 = tpu.memref_slice %arg3[%add3A, %dma_start3A, %dma_start3A_4] : memref<32x125x80xi32, #tpu.memory_space<hbm>> -> memref<1x1x80xi32, #tpu.memory_space<hbm>>
    %dma_start3A_6 = tpu.memref_squeeze %dma_start3A_5 : memref<1x1x80xi32, #tpu.memory_space<hbm>> -> memref<80xi32, #tpu.memory_space<hbm>>
    tpu.enqueue_dma source(%dma_start3A_6 : memref<80xi32, #tpu.memory_space<hbm>>) target(%arg10 : memref<80xi32, #tpu.memory_space<vmem>>) target_semaphore(%arg28 : memref<!tpu.dma_semaphore, #tpu.memory_space<semaphore_mem>>)
    %dma_start3A_7 = arith.constant 0 : i32
    %dma_start3A_8 = arith.constant 0 : i32
    %dma_start3A_9 = tpu.memref_slice %arg4[%add3A, %dma_start3A_7, %dma_start3A_8] : memref<32x125x80xi32, #tpu.memory_space<hbm>> -> memref<1x1x80xi32, #tpu.memory_space<hbm>>
    %dma_start3A_10 = tpu.memref_squeeze %dma_start3A_9 : memref<1x1x80xi32, #tpu.memory_space<hbm>> -> memref<80xi32, #tpu.memory_space<hbm>>
    %dma_start3A_11 = arith.constant 0 : i32
    %dma_start3A_12 = tpu.memref_slice %arg4[%add3A, %dma_start3A_7, %dma_start3A_11] : memref<32x125x80xi32, #tpu.memory_space<hbm>> -> memref<1x1x80xi32, #tpu.memory_space<hbm>>
    %dma_start3A_13 = tpu.memref_squeeze %dma_start3A_12 : memref<1x1x80xi32, #tpu.memory_space<hbm>> -> memref<80xi32, #tpu.memory_space<hbm>>
    tpu.enqueue_dma source(%dma_start3A_13 : memref<80xi32, #tpu.memory_space<hbm>>) target(%arg14 : memref<80xi32, #tpu.memory_space<vmem>>) target_semaphore(%arg32 : memref<!tpu.dma_semaphore, #tpu.memory_space<semaphore_mem>>)
    %dma_start3A_14 = arith.constant 1 : i32
    %dma_start3A_15 = arith.constant 0 : i32
    %dma_start3A_16 = tpu.memref_slice %arg3[%add3A, %dma_start3A_14, %dma_start3A_15] : memref<32x125x80xi32, #tpu.memory_space<hbm>> -> memref<1x1x80xi32, #tpu.memory_space<hbm>>
    %dma_start3A_17 = tpu.memref_squeeze %dma_start3A_16 : memref<1x1x80xi32, #tpu.memory_space<hbm>> -> memref<80xi32, #tpu.memory_space<hbm>>
    %dma_start3A_18 = arith.constant 0 : i32
    %dma_start3A_19 = tpu.memref_slice %arg3[%add3A, %dma_start3A_14, %dma_start3A_18] : memref<32x125x80xi32, #tpu.memory_space<hbm>> -> memref<1x1x80xi32, #tpu.memory_space<hbm>>
    %dma_start3A_20 = tpu.memref_squeeze %dma_start3A_19 : memref<1x1x80xi32, #tpu.memory_space<hbm>> -> memref<80xi32, #tpu.memory_space<hbm>>
    tpu.enqueue_dma source(%dma_start3A_20 : memref<80xi32, #tpu.memory_space<hbm>>) target(%arg11 : memref<80xi32, #tpu.memory_space<vmem>>) target_semaphore(%arg29 : memref<!tpu.dma_semaphore, #tpu.memory_space<semaphore_mem>>)
    %dma_start3A_21 = arith.constant 1 : i32
    %dma_start3A_22 = arith.constant 0 : i32
    %dma_start3A_23 = tpu.memref_slice %arg4[%add3A, %dma_start3A_21, %dma_start3A_22] : memref<32x125x80xi32, #tpu.memory_space<hbm>> -> memref<1x1x80xi32, #tpu.memory_space<hbm>>
    %dma_start3A_24 = tpu.memref_squeeze %dma_start3A_23 : memref<1x1x80xi32, #tpu.memory_space<hbm>> -> memref<80xi32, #tpu.memory_space<hbm>>
    %dma_start3A_25 = arith.constant 0 : i32
    %dma_start3A_26 = tpu.memref_slice %arg4[%add3A, %dma_start3A_21, %dma_start3A_25] : memref<32x125x80xi32, #tpu.memory_space<hbm>> -> memref<1x1x80xi32, #tpu.memory_space<hbm>>
    %dma_start3A_27 = tpu.memref_squeeze %dma_start3A_26 : memref<1x1x80xi32, #tpu.memory_space<hbm>> -> memref<80xi32, #tpu.memory_space<hbm>>
    tpu.enqueue_dma source(%dma_start3A_27 : memref<80xi32, #tpu.memory_space<hbm>>) target(%arg15 : memref<80xi32, #tpu.memory_space<vmem>>) target_semaphore(%arg33 : memref<!tpu.dma_semaphore, #tpu.memory_space<semaphore_mem>>)
    %dma_start3A_28 = arith.constant 2 : i32
    %dma_start3A_29 = arith.constant 0 : i32
    %dma_start3A_30 = tpu.memref_slice %arg3[%add3A, %dma_start3A_28, %dma_start3A_29] : memref<32x125x80xi32, #tpu.memory_space<hbm>> -> memref<1x1x80xi32, #tpu.memory_space<hbm>>
    %dma_start3A_31 = tpu.memref_squeeze %dma_start3A_30 : memref<1x1x80xi32, #tpu.memory_space<hbm>> -> memref<80xi32, #tpu.memory_space<hbm>>
    %dma_start3A_32 = arith.constant 0 : i32
    %dma_start3A_33 = tpu.memref_slice %arg3[%add3A, %dma_start3A_28, %dma_start3A_32] : memref<32x125x80xi32, #tpu.memory_space<hbm>> -> memref<1x1x80xi32, #tpu.memory_space<hbm>>
    %dma_start3A_34 = tpu.memref_squeeze %dma_start3A_33 : memref<1x1x80xi32, #tpu.memory_space<hbm>> -> memref<80xi32, #tpu.memory_space<hbm>>
    tpu.enqueue_dma source(%dma_start3A_34 : memref<80xi32, #tpu.memory_space<hbm>>) target(%arg12 : memref<80xi32, #tpu.memory_space<vmem>>) target_semaphore(%arg30 : memref<!tpu.dma_semaphore, #tpu.memory_space<semaphore_mem>>)
    %dma_start3A_35 = arith.constant 2 : i32
    %dma_start3A_36 = arith.constant 0 : i32
    %dma_start3A_37 = tpu.memref_slice %arg4[%add3A, %dma_start3A_35, %dma_start3A_36] : memref<32x125x80xi32, #tpu.memory_space<hbm>> -> memref<1x1x80xi32, #tpu.memory_space<hbm>>
    %dma_start3A_38 = tpu.memref_squeeze %dma_start3A_37 : memref<1x1x80xi32, #tpu.memory_space<hbm>> -> memref<80xi32, #tpu.memory_space<hbm>>
    %dma_start3A_39 = arith.constant 0 : i32
    %dma_start3A_40 = tpu.memref_slice %arg4[%add3A, %dma_start3A_35, %dma_start3A_39] : memref<32x125x80xi32, #tpu.memory_space<hbm>> -> memref<1x1x80xi32, #tpu.memory_space<hbm>>
    %dma_start3A_41 = tpu.memref_squeeze %dma_start3A_40 : memref<1x1x80xi32, #tpu.memory_space<hbm>> -> memref<80xi32, #tpu.memory_space<hbm>>
    tpu.enqueue_dma source(%dma_start3A_41 : memref<80xi32, #tpu.memory_space<hbm>>) target(%arg16 : memref<80xi32, #tpu.memory_space<vmem>>) target_semaphore(%arg34 : memref<!tpu.dma_semaphore, #tpu.memory_space<semaphore_mem>>)
    %dma_start3A_42 = arith.constant 3 : i32
    %dma_start3A_43 = arith.constant 0 : i32
    %dma_start3A_44 = tpu.memref_slice %arg3[%add3A, %dma_start3A_42, %dma_start3A_43] : memref<32x125x80xi32, #tpu.memory_space<hbm>> -> memref<1x1x80xi32, #tpu.memory_space<hbm>>
    %dma_start3A_45 = tpu.memref_squeeze %dma_start3A_44 : memref<1x1x80xi32, #tpu.memory_space<hbm>> -> memref<80xi32, #tpu.memory_space<hbm>>
    %dma_start3A_46 = arith.constant 0 : i32
    %dma_start3A_47 = tpu.memref_slice %arg3[%add3A, %dma_start3A_42, %dma_start3A_46] : memref<32x125x80xi32, #tpu.memory_space<hbm>> -> memref<1x1x80xi32, #tpu.memory_space<hbm>>
    %dma_start3A_48 = tpu.memref_squeeze %dma_start3A_47 : memref<1x1x80xi32, #tpu.memory_space<hbm>> -> memref<80xi32, #tpu.memory_space<hbm>>
    tpu.enqueue_dma source(%dma_start3A_48 : memref<80xi32, #tpu.memory_space<hbm>>) target(%arg13 : memref<80xi32, #tpu.memory_space<vmem>>) target_semaphore(%arg31 : memref<!tpu.dma_semaphore, #tpu.memory_space<semaphore_mem>>)
    %dma_start3A_49 = arith.constant 3 : i32
    %dma_start3A_50 = arith.constant 0 : i32
    %dma_start3A_51 = tpu.memref_slice %arg4[%add3A, %dma_start3A_49, %dma_start3A_50] : memref<32x125x80xi32, #tpu.memory_space<hbm>> -> memref<1x1x80xi32, #tpu.memory_space<hbm>>
    %dma_start3A_52 = tpu.memref_squeeze %dma_start3A_51 : memref<1x1x80xi32, #tpu.memory_space<hbm>> -> memref<80xi32, #tpu.memory_space<hbm>>
    %dma_start3A_53 = arith.constant 0 : i32
    %dma_start3A_54 = tpu.memref_slice %arg4[%add3A, %dma_start3A_49, %dma_start3A_53] : memref<32x125x80xi32, #tpu.memory_space<hbm>> -> memref<1x1x80xi32, #tpu.memory_space<hbm>>
    %dma_start3A_55 = tpu.memref_squeeze %dma_start3A_54 : memref<1x1x80xi32, #tpu.memory_space<hbm>> -> memref<80xi32, #tpu.memory_space<hbm>>
    tpu.enqueue_dma source(%dma_start3A_55 : memref<80xi32, #tpu.memory_space<hbm>>) target(%arg17 : memref<80xi32, #tpu.memory_space<vmem>>) target_semaphore(%arg35 : memref<!tpu.dma_semaphore, #tpu.memory_space<semaphore_mem>>)
    %dma_wait3A = arith.constant 0 : i32
    %dma_wait3A_56 = arith.constant 0 : i32
    %dma_wait3A_57 = tpu.memref_slice %arg3[%add3A, %dma_wait3A, %dma_wait3A_56] : memref<32x125x80xi32, #tpu.memory_space<hbm>> -> memref<1x1x80xi32, #tpu.memory_space<hbm>>
    %dma_wait3A_58 = tpu.memref_squeeze %dma_wait3A_57 : memref<1x1x80xi32, #tpu.memory_space<hbm>> -> memref<80xi32, #tpu.memory_space<hbm>>
    %dma_wait3A_59 = arith.constant 0 : i32
    %dma_wait3A_60 = tpu.memref_slice %arg3[%add3A, %dma_wait3A, %dma_wait3A_59] : memref<32x125x80xi32, #tpu.memory_space<hbm>> -> memref<1x1x80xi32, #tpu.memory_space<hbm>>
    %dma_wait3A_61 = tpu.memref_squeeze %dma_wait3A_60 : memref<1x1x80xi32, #tpu.memory_space<hbm>> -> memref<80xi32, #tpu.memory_space<hbm>>
    tpu.wait_dma2 semaphore(%arg28 : memref<!tpu.dma_semaphore, #tpu.memory_space<semaphore_mem>>) src(%dma_wait3A_61 : memref<80xi32, #tpu.memory_space<hbm>>) dst(%arg10 : memref<80xi32, #tpu.memory_space<vmem>>)
    %dma_start3A_62 = arith.constant 0 : i32
    %dma_start3A_63 = arith.constant 0 : i32
    %dma_start3A_64 = tpu.memref_slice %arg2[%dma_start3A_62, %dma_start3A_63] : memref<10000x128xf32, #tpu.memory_space<hbm>> -> memref<10000x128xf32, #tpu.memory_space<hbm>>
    tpu.enqueue_indirect_dma source(%dma_start3A_64 : memref<10000x128xf32, #tpu.memory_space<hbm>>) target(%arg6 : memref<80x128xf32, #tpu.memory_space<vmem>>) offsets(%arg10 : memref<80xi32, #tpu.memory_space<vmem>>) semaphore(%arg20 : memref<!tpu.dma_semaphore, #tpu.memory_space<semaphore_mem>>)
    %dma_wait3A_65 = arith.constant 0 : i32
    %dma_wait3A_66 = arith.constant 0 : i32
    %dma_wait3A_67 = tpu.memref_slice %arg3[%add3A, %dma_wait3A_65, %dma_wait3A_66] : memref<32x125x80xi32, #tpu.memory_space<hbm>> -> memref<1x1x80xi32, #tpu.memory_space<hbm>>
    %dma_wait3A_68 = tpu.memref_squeeze %dma_wait3A_67 : memref<1x1x80xi32, #tpu.memory_space<hbm>> -> memref<80xi32, #tpu.memory_space<hbm>>
    %dma_wait3A_69 = arith.constant 0 : i32
    %dma_wait3A_70 = tpu.memref_slice %arg3[%add3A, %dma_wait3A_65, %dma_wait3A_69] : memref<32x125x80xi32, #tpu.memory_space<hbm>> -> memref<1x1x80xi32, #tpu.memory_space<hbm>>
    %dma_wait3A_71 = tpu.memref_squeeze %dma_wait3A_70 : memref<1x1x80xi32, #tpu.memory_space<hbm>> -> memref<80xi32, #tpu.memory_space<hbm>>
    tpu.wait_dma2 semaphore(%arg29 : memref<!tpu.dma_semaphore, #tpu.memory_space<semaphore_mem>>) src(%dma_wait3A_71 : memref<80xi32, #tpu.memory_space<hbm>>) dst(%arg11 : memref<80xi32, #tpu.memory_space<vmem>>)
    %dma_start3A_72 = arith.constant 0 : i32
    %dma_start3A_73 = arith.constant 0 : i32
    %dma_start3A_74 = tpu.memref_slice %arg2[%dma_start3A_72, %dma_start3A_73] : memref<10000x128xf32, #tpu.memory_space<hbm>> -> memref<10000x128xf32, #tpu.memory_space<hbm>>
    tpu.enqueue_indirect_dma source(%dma_start3A_74 : memref<10000x128xf32, #tpu.memory_space<hbm>>) target(%arg7 : memref<80x128xf32, #tpu.memory_space<vmem>>) offsets(%arg11 : memref<80xi32, #tpu.memory_space<vmem>>) semaphore(%arg21 : memref<!tpu.dma_semaphore, #tpu.memory_space<semaphore_mem>>)
    %dma_wait3A_75 = arith.constant 0 : i32
    %dma_wait3A_76 = arith.constant 0 : i32
    %dma_wait3A_77 = tpu.memref_slice %arg3[%add3A, %dma_wait3A_75, %dma_wait3A_76] : memref<32x125x80xi32, #tpu.memory_space<hbm>> -> memref<1x1x80xi32, #tpu.memory_space<hbm>>
    %dma_wait3A_78 = tpu.memref_squeeze %dma_wait3A_77 : memref<1x1x80xi32, #tpu.memory_space<hbm>> -> memref<80xi32, #tpu.memory_space<hbm>>
    %dma_wait3A_79 = arith.constant 0 : i32
    %dma_wait3A_80 = tpu.memref_slice %arg3[%add3A, %dma_wait3A_75, %dma_wait3A_79] : memref<32x125x80xi32, #tpu.memory_space<hbm>> -> memref<1x1x80xi32, #tpu.memory_space<hbm>>
    %dma_wait3A_81 = tpu.memref_squeeze %dma_wait3A_80 : memref<1x1x80xi32, #tpu.memory_space<hbm>> -> memref<80xi32, #tpu.memory_space<hbm>>
    tpu.wait_dma2 semaphore(%arg30 : memref<!tpu.dma_semaphore, #tpu.memory_space<semaphore_mem>>) src(%dma_wait3A_81 : memref<80xi32, #tpu.memory_space<hbm>>) dst(%arg12 : memref<80xi32, #tpu.memory_space<vmem>>)
    %dma_start3A_82 = arith.constant 0 : i32
    %dma_start3A_83 = arith.constant 0 : i32
    %dma_start3A_84 = tpu.memref_slice %arg2[%dma_start3A_82, %dma_start3A_83] : memref<10000x128xf32, #tpu.memory_space<hbm>> -> memref<10000x128xf32, #tpu.memory_space<hbm>>
    tpu.enqueue_indirect_dma source(%dma_start3A_84 : memref<10000x128xf32, #tpu.memory_space<hbm>>) target(%arg8 : memref<80x128xf32, #tpu.memory_space<vmem>>) offsets(%arg12 : memref<80xi32, #tpu.memory_space<vmem>>) semaphore(%arg22 : memref<!tpu.dma_semaphore, #tpu.memory_space<semaphore_mem>>)
    %dma_wait3A_85 = arith.constant 0 : i32
    %dma_wait3A_86 = arith.constant 0 : i32
    %dma_wait3A_87 = tpu.memref_slice %arg3[%add3A, %dma_wait3A_85, %dma_wait3A_86] : memref<32x125x80xi32, #tpu.memory_space<hbm>> -> memref<1x1x80xi32, #tpu.memory_space<hbm>>
    %dma_wait3A_88 = tpu.memref_squeeze %dma_wait3A_87 : memref<1x1x80xi32, #tpu.memory_space<hbm>> -> memref<80xi32, #tpu.memory_space<hbm>>
    %dma_wait3A_89 = arith.constant 0 : i32
    %dma_wait3A_90 = tpu.memref_slice %arg3[%add3A, %dma_wait3A_85, %dma_wait3A_89] : memref<32x125x80xi32, #tpu.memory_space<hbm>> -> memref<1x1x80xi32, #tpu.memory_space<hbm>>
    %dma_wait3A_91 = tpu.memref_squeeze %dma_wait3A_90 : memref<1x1x80xi32, #tpu.memory_space<hbm>> -> memref<80xi32, #tpu.memory_space<hbm>>
    tpu.wait_dma2 semaphore(%arg31 : memref<!tpu.dma_semaphore, #tpu.memory_space<semaphore_mem>>) src(%dma_wait3A_91 : memref<80xi32, #tpu.memory_space<hbm>>) dst(%arg13 : memref<80xi32, #tpu.memory_space<vmem>>)
    %dma_start3A_92 = arith.constant 0 : i32
    %dma_start3A_93 = arith.constant 0 : i32
    %dma_start3A_94 = tpu.memref_slice %arg2[%dma_start3A_92, %dma_start3A_93] : memref<10000x128xf32, #tpu.memory_space<hbm>> -> memref<10000x128xf32, #tpu.memory_space<hbm>>
    tpu.enqueue_indirect_dma source(%dma_start3A_94 : memref<10000x128xf32, #tpu.memory_space<hbm>>) target(%arg9 : memref<80x128xf32, #tpu.memory_space<vmem>>) offsets(%arg13 : memref<80xi32, #tpu.memory_space<vmem>>) semaphore(%arg23 : memref<!tpu.dma_semaphore, #tpu.memory_space<semaphore_mem>>)
    %scan3A = arith.constant 0 : i32
    %scan3A_95 = arith.constant 0 : i32
    %scan3A_96 = arith.constant 16 : i32
    %scan3A_97 = arith.addi %scan3A_95, %scan3A_96 : i32
    %scan3A_98 = arith.constant 1 : i32
    scf.for %scan3A_144 = %scan3A_95 to %scan3A_97 step %scan3A_98  : i32 {
      %broadcast_in_dim3A = arith.constant 0.000000e+00 : f32
      %broadcast_in_dim3A_145 = vector.broadcast %broadcast_in_dim3A : f32 to vector<16xf32>
      %swap3A = arith.index_cast %scan3A_144 : i32 to index
      %swap3A_146 = arith.constant 0 : index
      %swap3A_147 = tpu.vector_load %arg18[%swap3A, %swap3A_146] {strides = array<i32>} : memref<16x128xf32, #tpu.memory_space<vmem>>, vector<1x16xf32>,
      %swap3A_148 = vector.shape_cast %swap3A_147 : vector<1x16xf32> to vector<16xf32>
      %swap3A_149 = vector.shape_cast %broadcast_in_dim3A_145 : vector<16xf32> to vector<1x16xf32>
      tpu.vector_store %arg18[%swap3A, %swap3A_146], %swap3A_149 {strides = array<i32>} : memref<16x128xf32, #tpu.memory_space<vmem>>, vector<1x16xf32>,
      %broadcast_in_dim3A_150 = arith.constant 0.000000e+00 : f32
      %broadcast_in_dim3A_151 = vector.broadcast %broadcast_in_dim3A_150 : f32 to vector<16xf32>
      %swap3A_152 = arith.index_cast %scan3A_144 : i32 to index
      %swap3A_153 = arith.constant 16 : index
      %swap3A_154 = tpu.vector_load %arg18[%swap3A_152, %swap3A_153] {strides = array<i32>} : memref<16x128xf32, #tpu.memory_space<vmem>>, vector<1x16xf32>,
      %swap3A_155 = vector.shape_cast %swap3A_154 : vector<1x16xf32> to vector<16xf32>
      %swap3A_156 = vector.shape_cast %broadcast_in_dim3A_151 : vector<16xf32> to vector<1x16xf32>
      tpu.vector_store %arg18[%swap3A_152, %swap3A_153], %swap3A_156 {strides = array<i32>} : memref<16x128xf32, #tpu.memory_space<vmem>>, vector<1x16xf32>,
      %broadcast_in_dim3A_157 = arith.constant 0.000000e+00 : f32
      %broadcast_in_dim3A_158 = vector.broadcast %broadcast_in_dim3A_157 : f32 to vector<16xf32>
      %swap3A_159 = arith.index_cast %scan3A_144 : i32 to index
      %swap3A_160 = arith.constant 32 : index
      %swap3A_161 = tpu.vector_load %arg18[%swap3A_159, %swap3A_160] {strides = array<i32>} : memref<16x128xf32, #tpu.memory_space<vmem>>, vector<1x16xf32>,
      %swap3A_162 = vector.shape_cast %swap3A_161 : vector<1x16xf32> to vector<16xf32>
      %swap3A_163 = vector.shape_cast %broadcast_in_dim3A_158 : vector<16xf32> to vector<1x16xf32>
      tpu.vector_store %arg18[%swap3A_159, %swap3A_160], %swap3A_163 {strides = array<i32>} : memref<16x128xf32, #tpu.memory_space<vmem>>, vector<1x16xf32>,
      %broadcast_in_dim3A_164 = arith.constant 0.000000e+00 : f32
      %broadcast_in_dim3A_165 = vector.broadcast %broadcast_in_dim3A_164 : f32 to vector<16xf32>
      %swap3A_166 = arith.index_cast %scan3A_144 : i32 to index
      %swap3A_167 = arith.constant 48 : index
      %swap3A_168 = tpu.vector_load %arg18[%swap3A_166, %swap3A_167] {strides = array<i32>} : memref<16x128xf32, #tpu.memory_space<vmem>>, vector<1x16xf32>,
      %swap3A_169 = vector.shape_cast %swap3A_168 : vector<1x16xf32> to vector<16xf32>
      %swap3A_170 = vector.shape_cast %broadcast_in_dim3A_165 : vector<16xf32> to vector<1x16xf32>
      tpu.vector_store %arg18[%swap3A_166, %swap3A_167], %swap3A_170 {strides = array<i32>} : memref<16x128xf32, #tpu.memory_space<vmem>>, vector<1x16xf32>,
      %broadcast_in_dim3A_171 = arith.constant 0.000000e+00 : f32
      %broadcast_in_dim3A_172 = vector.broadcast %broadcast_in_dim3A_171 : f32 to vector<16xf32>
      %swap3A_173 = arith.index_cast %scan3A_144 : i32 to index
      %swap3A_174 = arith.constant 64 : index
      %swap3A_175 = tpu.vector_load %arg18[%swap3A_173, %swap3A_174] {strides = array<i32>} : memref<16x128xf32, #tpu.memory_space<vmem>>, vector<1x16xf32>,
      %swap3A_176 = vector.shape_cast %swap3A_175 : vector<1x16xf32> to vector<16xf32>
      %swap3A_177 = vector.shape_cast %broadcast_in_dim3A_172 : vector<16xf32> to vector<1x16xf32>
      tpu.vector_store %arg18[%swap3A_173, %swap3A_174], %swap3A_177 {strides = array<i32>} : memref<16x128xf32, #tpu.memory_space<vmem>>, vector<1x16xf32>,
      %broadcast_in_dim3A_178 = arith.constant 0.000000e+00 : f32
      %broadcast_in_dim3A_179 = vector.broadcast %broadcast_in_dim3A_178 : f32 to vector<16xf32>
      %swap3A_180 = arith.index_cast %scan3A_144 : i32 to index
      %swap3A_181 = arith.constant 80 : index
      %swap3A_182 = tpu.vector_load %arg18[%swap3A_180, %swap3A_181] {strides = array<i32>} : memref<16x128xf32, #tpu.memory_space<vmem>>, vector<1x16xf32>,
      %swap3A_183 = vector.shape_cast %swap3A_182 : vector<1x16xf32> to vector<16xf32>
      %swap3A_184 = vector.shape_cast %broadcast_in_dim3A_179 : vector<16xf32> to vector<1x16xf32>
      tpu.vector_store %arg18[%swap3A_180, %swap3A_181], %swap3A_184 {strides = array<i32>} : memref<16x128xf32, #tpu.memory_space<vmem>>, vector<1x16xf32>,
      %broadcast_in_dim3A_185 = arith.constant 0.000000e+00 : f32
      %broadcast_in_dim3A_186 = vector.broadcast %broadcast_in_dim3A_185 : f32 to vector<16xf32>
      %swap3A_187 = arith.index_cast %scan3A_144 : i32 to index
      %swap3A_188 = arith.constant 96 : index
      %swap3A_189 = tpu.vector_load %arg18[%swap3A_187, %swap3A_188] {strides = array<i32>} : memref<16x128xf32, #tpu.memory_space<vmem>>, vector<1x16xf32>,
      %swap3A_190 = vector.shape_cast %swap3A_189 : vector<1x16xf32> to vector<16xf32>
      %swap3A_191 = vector.shape_cast %broadcast_in_dim3A_186 : vector<16xf32> to vector<1x16xf32>
      tpu.vector_store %arg18[%swap3A_187, %swap3A_188], %swap3A_191 {strides = array<i32>} : memref<16x128xf32, #tpu.memory_space<vmem>>, vector<1x16xf32>,
      %broadcast_in_dim3A_192 = arith.constant 0.000000e+00 : f32
      %broadcast_in_dim3A_193 = vector.broadcast %broadcast_in_dim3A_192 : f32 to vector<16xf32>
      %swap3A_194 = arith.index_cast %scan3A_144 : i32 to index
      %swap3A_195 = arith.constant 112 : index
      %swap3A_196 = tpu.vector_load %arg18[%swap3A_194, %swap3A_195] {strides = array<i32>} : memref<16x128xf32, #tpu.memory_space<vmem>>, vector<1x16xf32>,
      %swap3A_197 = vector.shape_cast %swap3A_196 : vector<1x16xf32> to vector<16xf32>
      %swap3A_198 = vector.shape_cast %broadcast_in_dim3A_193 : vector<16xf32> to vector<1x16xf32>
      tpu.vector_store %arg18[%swap3A_194, %swap3A_195], %swap3A_198 {strides = array<i32>} : memref<16x128xf32, #tpu.memory_space<vmem>>, vector<1x16xf32>,
    }
    %scan3A_99 = arith.constant 16 : i32
    %mul3A_100 = arith.constant 624 : i32
    %mul3A_101 = arith.muli %arg1, %mul3A_100 : i32
    %multiple_of3A = tpu.assume_multiple %mul3A_101, 16 : i32
    %scan3A_102 = arith.constant 0 : i32
    %scan3A_103 = arith.constant 0 : i32
    %scan3A_104 = arith.constant 39 : i32
    %scan3A_105 = arith.addi %scan3A_103, %scan3A_104 : i32
    %scan3A_106 = arith.constant 1 : i32
    scf.for %scan3A_144 = %scan3A_103 to %scan3A_105 step %scan3A_106  : i32 {
      %mul3A_145 = arith.constant 16 : i32
      %mul3A_146 = arith.muli %scan3A_144, %mul3A_145 : i32
      %add3A_147 = arith.addi %multiple_of3A, %mul3A_146 : i32
      "tpu.region"() ({
        %run_scoped3A = tpu.sem_alloc : memref<!tpu.dma_semaphore, #tpu.memory_space<semaphore_mem>>
        %dma_start3A_148 = arith.constant 0 : i32
        %dma_start3A_149 = tpu.memref_slice %arg19[%add3A_147, %dma_start3A_148] : memref<10000x128xf32, #tpu.memory_space<vmem_shared>> -> memref<16x128xf32, #tpu.memory_space<vmem_shared>>
        %dma_start3A_150 = arith.constant 0 : i32
        %dma_start3A_151 = tpu.memref_slice %arg19[%add3A_147, %dma_start3A_150] : memref<10000x128xf32, #tpu.memory_space<vmem_shared>> -> memref<16x128xf32, #tpu.memory_space<vmem_shared>>
        tpu.enqueue_dma source(%arg18 : memref<16x128xf32, #tpu.memory_space<vmem>>) target(%dma_start3A_151 : memref<16x128xf32, #tpu.memory_space<vmem_shared>>) target_semaphore(%run_scoped3A : memref<!tpu.dma_semaphore, #tpu.memory_space<semaphore_mem>>)
        %dma_wait3A_152 = arith.constant 0 : i32
        %dma_wait3A_153 = tpu.memref_slice %arg19[%add3A_147, %dma_wait3A_152] : memref<10000x128xf32, #tpu.memory_space<vmem_shared>> -> memref<16x128xf32, #tpu.memory_space<vmem_shared>>
        %dma_wait3A_154 = arith.constant 0 : i32
        %dma_wait3A_155 = tpu.memref_slice %arg19[%add3A_147, %dma_wait3A_154] : memref<10000x128xf32, #tpu.memory_space<vmem_shared>> -> memref<16x128xf32, #tpu.memory_space<vmem_shared>>
        tpu.wait_dma2 semaphore(%run_scoped3A : memref<!tpu.dma_semaphore, #tpu.memory_space<semaphore_mem>>) src(%arg18 : memref<16x128xf32, #tpu.memory_space<vmem>>) dst(%dma_wait3A_155 : memref<16x128xf32, #tpu.memory_space<vmem_shared>>)
        tpu.yield
      }) : () -> ()
    }
    %scan3A_107 = arith.constant 39 : i32
    %eq3A = arith.constant 15 : i32
    %eq3A_108 = arith.cmpi eq, %arg1, %eq3A : i32
    %convert_element_type3A = arith.extui %eq3A_108 : i1 to i32
    %cond3A = arith.constant 0 : i32
    %cond3A_109 = arith.cmpi ne, %convert_element_type3A, %cond3A : i32
    scf.if %cond3A_109 {
      "tpu.region"() ({
        %run_scoped3A = tpu.sem_alloc : memref<!tpu.dma_semaphore, #tpu.memory_space<semaphore_mem>>
        %dma_start3A_144 = arith.constant 9984 : i32
        %dma_start3A_145 = arith.constant 0 : i32
        %dma_start3A_146 = tpu.memref_slice %arg19[%dma_start3A_144, %dma_start3A_145] : memref<10000x128xf32, #tpu.memory_space<vmem_shared>> -> memref<16x128xf32, #tpu.memory_space<vmem_shared>>
        %dma_start3A_147 = arith.constant 9984 : i32
        %dma_start3A_148 = arith.constant 0 : i32
        %dma_start3A_149 = tpu.memref_slice %arg19[%dma_start3A_147, %dma_start3A_148] : memref<10000x128xf32, #tpu.memory_space<vmem_shared>> -> memref<16x128xf32, #tpu.memory_space<vmem_shared>>
        tpu.enqueue_dma source(%arg18 : memref<16x128xf32, #tpu.memory_space<vmem>>) target(%dma_start3A_149 : memref<16x128xf32, #tpu.memory_space<vmem_shared>>) target_semaphore(%run_scoped3A : memref<!tpu.dma_semaphore, #tpu.memory_space<semaphore_mem>>)
        %dma_wait3A_150 = arith.constant 9984 : i32
        %dma_wait3A_151 = arith.constant 0 : i32
        %dma_wait3A_152 = tpu.memref_slice %arg19[%dma_wait3A_150, %dma_wait3A_151] : memref<10000x128xf32, #tpu.memory_space<vmem_shared>> -> memref<16x128xf32, #tpu.memory_space<vmem_shared>>
        %dma_wait3A_153 = arith.constant 9984 : i32
        %dma_wait3A_154 = arith.constant 0 : i32
        %dma_wait3A_155 = tpu.memref_slice %arg19[%dma_wait3A_153, %dma_wait3A_154] : memref<10000x128xf32, #tpu.memory_space<vmem_shared>> -> memref<16x128xf32, #tpu.memory_space<vmem_shared>>
        tpu.wait_dma2 semaphore(%run_scoped3A : memref<!tpu.dma_semaphore, #tpu.memory_space<semaphore_mem>>) src(%arg18 : memref<16x128xf32, #tpu.memory_space<vmem>>) dst(%dma_wait3A_155 : memref<16x128xf32, #tpu.memory_space<vmem_shared>>)
        tpu.yield
      }) : () -> ()
    } else {
    }
    %barrier3A = arith.constant 0 : index
    tpu.barrier barrier_id(%barrier3A)
    %scan3A_110 = arith.constant 0 : i32
    %scan3A_111 = arith.constant 0 : i32
    %scan3A_112 = arith.constant 31 : i32
    %scan3A_113 = arith.addi %scan3A_111, %scan3A_112 : i32
    %scan3A_114 = arith.constant 1 : i32
    scf.for %scan3A_144 = %scan3A_111 to %scan3A_113 step %scan3A_114  : i32 {
      %mul3A_145 = arith.constant 4 : i32
      %mul3A_146 = arith.muli %scan3A_144, %mul3A_145 : i32
      %add3A_147 = arith.constant 0 : i32
      %add3A_148 = arith.addi %mul3A_146, %add3A_147 : i32
      %dma_wait3A_149 = arith.constant 0 : i32
      %dma_wait3A_150 = arith.constant 0 : i32
      %dma_wait3A_151 = tpu.memref_slice %arg2[%dma_wait3A_149, %dma_wait3A_150] : memref<10000x128xf32, #tpu.memory_space<hbm>> -> memref<10000x128xf32, #tpu.memory_space<hbm>>
      tpu.wait_indirect_dma semaphore(%arg20 : memref<!tpu.dma_semaphore, #tpu.memory_space<semaphore_mem>>) src(%dma_wait3A_151 : memref<10000x128xf32, #tpu.memory_space<hbm>>) dst(%arg6 : memref<80x128xf32, #tpu.memory_space<vmem>>)
      %dma_wait3A_152 = arith.constant 0 : i32
      %dma_wait3A_153 = arith.constant 0 : i32
      %dma_wait3A_154 = tpu.memref_slice %arg4[%add3A, %dma_wait3A_152, %dma_wait3A_153] : memref<32x125x80xi32, #tpu.memory_space<hbm>> -> memref<1x1x80xi32, #tpu.memory_space<hbm>>
      %dma_wait3A_155 = tpu.memref_squeeze %dma_wait3A_154 : memref<1x1x80xi32, #tpu.memory_space<hbm>> -> memref<80xi32, #tpu.memory_space<hbm>>
      %dma_wait3A_156 = arith.constant 0 : i32
      %dma_wait3A_157 = tpu.memref_slice %arg4[%add3A, %dma_wait3A_152, %dma_wait3A_156] : memref<32x125x80xi32, #tpu.memory_space<hbm>> -> memref<1x1x80xi32, #tpu.memory_space<hbm>>
      %dma_wait3A_158 = tpu.memref_squeeze %dma_wait3A_157 : memref<1x1x80xi32, #tpu.memory_space<hbm>> -> memref<80xi32, #tpu.memory_space<hbm>>
      tpu.wait_dma2 semaphore(%arg32 : memref<!tpu.dma_semaphore, #tpu.memory_space<semaphore_mem>>) src(%dma_wait3A_158 : memref<80xi32, #tpu.memory_space<hbm>>) dst(%arg14 : memref<80xi32, #tpu.memory_space<vmem>>)
      %dma_start3A_159 = arith.constant 0 : i32
      %dma_start3A_160 = arith.constant 0 : i32
      %dma_start3A_161 = tpu.memref_slice %arg19[%dma_start3A_159, %dma_start3A_160] : memref<10000x128xf32, #tpu.memory_space<vmem_shared>> -> memref<10000x128xf32, #tpu.memory_space<vmem_shared>>
      tpu.enqueue_indirect_dma source(%arg6 : memref<80x128xf32, #tpu.memory_space<vmem>>) target(%dma_start3A_161 : memref<10000x128xf32, #tpu.memory_space<vmem_shared>>) offsets(%arg14 : memref<80xi32, #tpu.memory_space<vmem>>) semaphore(%arg24 : memref<!tpu.dma_semaphore, #tpu.memory_space<semaphore_mem>>) {add = true}
      %add3A_162 = arith.constant 4 : i32
      %add3A_163 = arith.addi %add3A_148, %add3A_162 : i32
      %lt3A = arith.constant 125 : i32
      %lt3A_164 = arith.cmpi slt, %add3A_163, %lt3A : i32
      %convert_element_type3A_165 = arith.extui %lt3A_164 : i1 to i32
      %cond3A_166 = arith.constant 0 : i32
      %cond3A_167 = arith.cmpi ne, %convert_element_type3A_165, %cond3A_166 : i32
      scf.if %cond3A_167 {
        %add3A_280 = arith.constant 4 : i32
        %add3A_281 = arith.addi %add3A_148, %add3A_280 : i32
        %dma_start3A_282 = arith.constant 0 : i32
        %dma_start3A_283 = tpu.memref_slice %arg3[%add3A, %add3A_281, %dma_start3A_282] : memref<32x125x80xi32, #tpu.memory_space<hbm>> -> memref<1x1x80xi32, #tpu.memory_space<hbm>>
        %dma_start3A_284 = tpu.memref_squeeze %dma_start3A_283 : memref<1x1x80xi32, #tpu.memory_space<hbm>> -> memref<80xi32, #tpu.memory_space<hbm>>
        %dma_start3A_285 = arith.constant 0 : i32
        %dma_start3A_286 = tpu.memref_slice %arg3[%add3A, %add3A_281, %dma_start3A_285] : memref<32x125x80xi32, #tpu.memory_space<hbm>> -> memref<1x1x80xi32, #tpu.memory_space<hbm>>
        %dma_start3A_287 = tpu.memref_squeeze %dma_start3A_286 : memref<1x1x80xi32, #tpu.memory_space<hbm>> -> memref<80xi32, #tpu.memory_space<hbm>>
        tpu.enqueue_dma source(%dma_start3A_287 : memref<80xi32, #tpu.memory_space<hbm>>) target(%arg10 : memref<80xi32, #tpu.memory_space<vmem>>) target_semaphore(%arg28 : memref<!tpu.dma_semaphore, #tpu.memory_space<semaphore_mem>>)
      } else {
      }
      %dma_wait3A_168 = arith.constant 0 : i32
      %dma_wait3A_169 = arith.constant 0 : i32
      %dma_wait3A_170 = tpu.memref_slice %arg19[%dma_wait3A_168, %dma_wait3A_169] : memref<10000x128xf32, #tpu.memory_space<vmem_shared>> -> memref<10000x128xf32, #tpu.memory_space<vmem_shared>>
      tpu.wait_indirect_dma semaphore(%arg24 : memref<!tpu.dma_semaphore, #tpu.memory_space<semaphore_mem>>) src(%arg6 : memref<80x128xf32, #tpu.memory_space<vmem>>) dst(%dma_wait3A_170 : memref<10000x128xf32, #tpu.memory_space<vmem_shared>>)
      %add3A_171 = arith.constant 4 : i32
      %add3A_172 = arith.addi %add3A_148, %add3A_171 : i32
      %lt3A_173 = arith.constant 125 : i32
      %lt3A_174 = arith.cmpi slt, %add3A_172, %lt3A_173 : i32
      %convert_element_type3A_175 = arith.extui %lt3A_174 : i1 to i32
      %cond3A_176 = arith.constant 0 : i32
      %cond3A_177 = arith.cmpi ne, %convert_element_type3A_175, %cond3A_176 : i32
      scf.if %cond3A_177 {
        %add3A_280 = arith.constant 4 : i32
        %add3A_281 = arith.addi %add3A_148, %add3A_280 : i32
        %dma_start3A_282 = arith.constant 0 : i32
        %dma_start3A_283 = tpu.memref_slice %arg4[%add3A, %add3A_281, %dma_start3A_282] : memref<32x125x80xi32, #tpu.memory_space<hbm>> -> memref<1x1x80xi32, #tpu.memory_space<hbm>>
        %dma_start3A_284 = tpu.memref_squeeze %dma_start3A_283 : memref<1x1x80xi32, #tpu.memory_space<hbm>> -> memref<80xi32, #tpu.memory_space<hbm>>
        %dma_start3A_285 = arith.constant 0 : i32
        %dma_start3A_286 = tpu.memref_slice %arg4[%add3A, %add3A_281, %dma_start3A_285] : memref<32x125x80xi32, #tpu.memory_space<hbm>> -> memref<1x1x80xi32, #tpu.memory_space<hbm>>
        %dma_start3A_287 = tpu.memref_squeeze %dma_start3A_286 : memref<1x1x80xi32, #tpu.memory_space<hbm>> -> memref<80xi32, #tpu.memory_space<hbm>>
        tpu.enqueue_dma source(%dma_start3A_287 : memref<80xi32, #tpu.memory_space<hbm>>) target(%arg14 : memref<80xi32, #tpu.memory_space<vmem>>) target_semaphore(%arg32 : memref<!tpu.dma_semaphore, #tpu.memory_space<semaphore_mem>>)
        %dma_wait3A_288 = arith.constant 0 : i32
        %dma_wait3A_289 = arith.constant 0 : i32
        %dma_wait3A_290 = tpu.memref_slice %arg3[%add3A, %dma_wait3A_288, %dma_wait3A_289] : memref<32x125x80xi32, #tpu.memory_space<hbm>> -> memref<1x1x80xi32, #tpu.memory_space<hbm>>
        %dma_wait3A_291 = tpu.memref_squeeze %dma_wait3A_290 : memref<1x1x80xi32, #tpu.memory_space<hbm>> -> memref<80xi32, #tpu.memory_space<hbm>>
        %dma_wait3A_292 = arith.constant 0 : i32
        %dma_wait3A_293 = tpu.memref_slice %arg3[%add3A, %dma_wait3A_288, %dma_wait3A_292] : memref<32x125x80xi32, #tpu.memory_space<hbm>> -> memref<1x1x80xi32, #tpu.memory_space<hbm>>
        %dma_wait3A_294 = tpu.memref_squeeze %dma_wait3A_293 : memref<1x1x80xi32, #tpu.memory_space<hbm>> -> memref<80xi32, #tpu.memory_space<hbm>>
        tpu.wait_dma2 semaphore(%arg28 : memref<!tpu.dma_semaphore, #tpu.memory_space<semaphore_mem>>) src(%dma_wait3A_294 : memref<80xi32, #tpu.memory_space<hbm>>) dst(%arg10 : memref<80xi32, #tpu.memory_space<vmem>>)
        %dma_start3A_295 = arith.constant 0 : i32
        %dma_start3A_296 = arith.constant 0 : i32
        %dma_start3A_297 = tpu.memref_slice %arg2[%dma_start3A_295, %dma_start3A_296] : memref<10000x128xf32, #tpu.memory_space<hbm>> -> memref<10000x128xf32, #tpu.memory_space<hbm>>
        tpu.enqueue_indirect_dma source(%dma_start3A_297 : memref<10000x128xf32, #tpu.memory_space<hbm>>) target(%arg6 : memref<80x128xf32, #tpu.memory_space<vmem>>) offsets(%arg10 : memref<80xi32, #tpu.memory_space<vmem>>) semaphore(%arg20 : memref<!tpu.dma_semaphore, #tpu.memory_space<semaphore_mem>>)
      } else {
      }
      %mul3A_178 = arith.constant 4 : i32
      %mul3A_179 = arith.muli %scan3A_144, %mul3A_178 : i32
      %add3A_180 = arith.constant 1 : i32
      %add3A_181 = arith.addi %mul3A_179, %add3A_180 : i32
      %dma_wait3A_182 = arith.constant 0 : i32
      %dma_wait3A_183 = arith.constant 0 : i32
      %dma_wait3A_184 = tpu.memref_slice %arg2[%dma_wait3A_182, %dma_wait3A_183] : memref<10000x128xf32, #tpu.memory_space<hbm>> -> memref<10000x128xf32, #tpu.memory_space<hbm>>
      tpu.wait_indirect_dma semaphore(%arg21 : memref<!tpu.dma_semaphore, #tpu.memory_space<semaphore_mem>>) src(%dma_wait3A_184 : memref<10000x128xf32, #tpu.memory_space<hbm>>) dst(%arg7 : memref<80x128xf32, #tpu.memory_space<vmem>>)
      %dma_wait3A_185 = arith.constant 0 : i32
      %dma_wait3A_186 = arith.constant 0 : i32
      %dma_wait3A_187 = tpu.memref_slice %arg4[%add3A, %dma_wait3A_185, %dma_wait3A_186] : memref<32x125x80xi32, #tpu.memory_space<hbm>> -> memref<1x1x80xi32, #tpu.memory_space<hbm>>
      %dma_wait3A_188 = tpu.memref_squeeze %dma_wait3A_187 : memref<1x1x80xi32, #tpu.memory_space<hbm>> -> memref<80xi32, #tpu.memory_space<hbm>>
      %dma_wait3A_189 = arith.constant 0 : i32
      %dma_wait3A_190 = tpu.memref_slice %arg4[%add3A, %dma_wait3A_185, %dma_wait3A_189] : memref<32x125x80xi32, #tpu.memory_space<hbm>> -> memref<1x1x80xi32, #tpu.memory_space<hbm>>
      %dma_wait3A_191 = tpu.memref_squeeze %dma_wait3A_190 : memref<1x1x80xi32, #tpu.memory_space<hbm>> -> memref<80xi32, #tpu.memory_space<hbm>>
      tpu.wait_dma2 semaphore(%arg33 : memref<!tpu.dma_semaphore, #tpu.memory_space<semaphore_mem>>) src(%dma_wait3A_191 : memref<80xi32, #tpu.memory_space<hbm>>) dst(%arg15 : memref<80xi32, #tpu.memory_space<vmem>>)
      %dma_start3A_192 = arith.constant 0 : i32
      %dma_start3A_193 = arith.constant 0 : i32
      %dma_start3A_194 = tpu.memref_slice %arg19[%dma_start3A_192, %dma_start3A_193] : memref<10000x128xf32, #tpu.memory_space<vmem_shared>> -> memref<10000x128xf32, #tpu.memory_space<vmem_shared>>
      tpu.enqueue_indirect_dma source(%arg7 : memref<80x128xf32, #tpu.memory_space<vmem>>) target(%dma_start3A_194 : memref<10000x128xf32, #tpu.memory_space<vmem_shared>>) offsets(%arg15 : memref<80xi32, #tpu.memory_space<vmem>>) semaphore(%arg25 : memref<!tpu.dma_semaphore, #tpu.memory_space<semaphore_mem>>) {add = true}
      %add3A_195 = arith.constant 4 : i32
      %add3A_196 = arith.addi %add3A_181, %add3A_195 : i32
      %lt3A_197 = arith.constant 125 : i32
      %lt3A_198 = arith.cmpi slt, %add3A_196, %lt3A_197 : i32
      %convert_element_type3A_199 = arith.extui %lt3A_198 : i1 to i32
      %cond3A_200 = arith.constant 0 : i32
      %cond3A_201 = arith.cmpi ne, %convert_element_type3A_199, %cond3A_200 : i32
      scf.if %cond3A_201 {
        %add3A_280 = arith.constant 4 : i32
        %add3A_281 = arith.addi %add3A_181, %add3A_280 : i32
        %dma_start3A_282 = arith.constant 0 : i32
        %dma_start3A_283 = tpu.memref_slice %arg3[%add3A, %add3A_281, %dma_start3A_282] : memref<32x125x80xi32, #tpu.memory_space<hbm>> -> memref<1x1x80xi32, #tpu.memory_space<hbm>>
        %dma_start3A_284 = tpu.memref_squeeze %dma_start3A_283 : memref<1x1x80xi32, #tpu.memory_space<hbm>> -> memref<80xi32, #tpu.memory_space<hbm>>
        %dma_start3A_285 = arith.constant 0 : i32
        %dma_start3A_286 = tpu.memref_slice %arg3[%add3A, %add3A_281, %dma_start3A_285] : memref<32x125x80xi32, #tpu.memory_space<hbm>> -> memref<1x1x80xi32, #tpu.memory_space<hbm>>
        %dma_start3A_287 = tpu.memref_squeeze %dma_start3A_286 : memref<1x1x80xi32, #tpu.memory_space<hbm>> -> memref<80xi32, #tpu.memory_space<hbm>>
        tpu.enqueue_dma source(%dma_start3A_287 : memref<80xi32, #tpu.memory_space<hbm>>) target(%arg11 : memref<80xi32, #tpu.memory_space<vmem>>) target_semaphore(%arg29 : memref<!tpu.dma_semaphore, #tpu.memory_space<semaphore_mem>>)
      } else {
      }
      %dma_wait3A_202 = arith.constant 0 : i32
      %dma_wait3A_203 = arith.constant 0 : i32
      %dma_wait3A_204 = tpu.memref_slice %arg19[%dma_wait3A_202, %dma_wait3A_203] : memref<10000x128xf32, #tpu.memory_space<vmem_shared>> -> memref<10000x128xf32, #tpu.memory_space<vmem_shared>>
      tpu.wait_indirect_dma semaphore(%arg25 : memref<!tpu.dma_semaphore, #tpu.memory_space<semaphore_mem>>) src(%arg7 : memref<80x128xf32, #tpu.memory_space<vmem>>) dst(%dma_wait3A_204 : memref<10000x128xf32, #tpu.memory_space<vmem_shared>>)
      %add3A_205 = arith.constant 4 : i32
      %add3A_206 = arith.addi %add3A_181, %add3A_205 : i32
      %lt3A_207 = arith.constant 125 : i32
      %lt3A_208 = arith.cmpi slt, %add3A_206, %lt3A_207 : i32
      %convert_element_type3A_209 = arith.extui %lt3A_208 : i1 to i32
      %cond3A_210 = arith.constant 0 : i32
      %cond3A_211 = arith.cmpi ne, %convert_element_type3A_209, %cond3A_210 : i32
      scf.if %cond3A_211 {
        %add3A_280 = arith.constant 4 : i32
        %add3A_281 = arith.addi %add3A_181, %add3A_280 : i32
        %dma_start3A_282 = arith.constant 0 : i32
        %dma_start3A_283 = tpu.memref_slice %arg4[%add3A, %add3A_281, %dma_start3A_282] : memref<32x125x80xi32, #tpu.memory_space<hbm>> -> memref<1x1x80xi32, #tpu.memory_space<hbm>>
        %dma_start3A_284 = tpu.memref_squeeze %dma_start3A_283 : memref<1x1x80xi32, #tpu.memory_space<hbm>> -> memref<80xi32, #tpu.memory_space<hbm>>
        %dma_start3A_285 = arith.constant 0 : i32
        %dma_start3A_286 = tpu.memref_slice %arg4[%add3A, %add3A_281, %dma_start3A_285] : memref<32x125x80xi32, #tpu.memory_space<hbm>> -> memref<1x1x80xi32, #tpu.memory_space<hbm>>
        %dma_start3A_287 = tpu.memref_squeeze %dma_start3A_286 : memref<1x1x80xi32, #tpu.memory_space<hbm>> -> memref<80xi32, #tpu.memory_space<hbm>>
        tpu.enqueue_dma source(%dma_start3A_287 : memref<80xi32, #tpu.memory_space<hbm>>) target(%arg15 : memref<80xi32, #tpu.memory_space<vmem>>) target_semaphore(%arg33 : memref<!tpu.dma_semaphore, #tpu.memory_space<semaphore_mem>>)
        %dma_wait3A_288 = arith.constant 0 : i32
        %dma_wait3A_289 = arith.constant 0 : i32
        %dma_wait3A_290 = tpu.memref_slice %arg3[%add3A, %dma_wait3A_288, %dma_wait3A_289] : memref<32x125x80xi32, #tpu.memory_space<hbm>> -> memref<1x1x80xi32, #tpu.memory_space<hbm>>
        %dma_wait3A_291 = tpu.memref_squeeze %dma_wait3A_290 : memref<1x1x80xi32, #tpu.memory_space<hbm>> -> memref<80xi32, #tpu.memory_space<hbm>>
        %dma_wait3A_292 = arith.constant 0 : i32
        %dma_wait3A_293 = tpu.memref_slice %arg3[%add3A, %dma_wait3A_288, %dma_wait3A_292] : memref<32x125x80xi32, #tpu.memory_space<hbm>> -> memref<1x1x80xi32, #tpu.memory_space<hbm>>
        %dma_wait3A_294 = tpu.memref_squeeze %dma_wait3A_293 : memref<1x1x80xi32, #tpu.memory_space<hbm>> -> memref<80xi32, #tpu.memory_space<hbm>>
        tpu.wait_dma2 semaphore(%arg29 : memref<!tpu.dma_semaphore, #tpu.memory_space<semaphore_mem>>) src(%dma_wait3A_294 : memref<80xi32, #tpu.memory_space<hbm>>) dst(%arg11 : memref<80xi32, #tpu.memory_space<vmem>>)
        %dma_start3A_295 = arith.constant 0 : i32
        %dma_start3A_296 = arith.constant 0 : i32
        %dma_start3A_297 = tpu.memref_slice %arg2[%dma_start3A_295, %dma_start3A_296] : memref<10000x128xf32, #tpu.memory_space<hbm>> -> memref<10000x128xf32, #tpu.memory_space<hbm>>
        tpu.enqueue_indirect_dma source(%dma_start3A_297 : memref<10000x128xf32, #tpu.memory_space<hbm>>) target(%arg7 : memref<80x128xf32, #tpu.memory_space<vmem>>) offsets(%arg11 : memref<80xi32, #tpu.memory_space<vmem>>) semaphore(%arg21 : memref<!tpu.dma_semaphore, #tpu.memory_space<semaphore_mem>>)
      } else {
      }
      %mul3A_212 = arith.constant 4 : i32
      %mul3A_213 = arith.muli %scan3A_144, %mul3A_212 : i32
      %add3A_214 = arith.constant 2 : i32
      %add3A_215 = arith.addi %mul3A_213, %add3A_214 : i32
      %dma_wait3A_216 = arith.constant 0 : i32
      %dma_wait3A_217 = arith.constant 0 : i32
      %dma_wait3A_218 = tpu.memref_slice %arg2[%dma_wait3A_216, %dma_wait3A_217] : memref<10000x128xf32, #tpu.memory_space<hbm>> -> memref<10000x128xf32, #tpu.memory_space<hbm>>
      tpu.wait_indirect_dma semaphore(%arg22 : memref<!tpu.dma_semaphore, #tpu.memory_space<semaphore_mem>>) src(%dma_wait3A_218 : memref<10000x128xf32, #tpu.memory_space<hbm>>) dst(%arg8 : memref<80x128xf32, #tpu.memory_space<vmem>>)
      %dma_wait3A_219 = arith.constant 0 : i32
      %dma_wait3A_220 = arith.constant 0 : i32
      %dma_wait3A_221 = tpu.memref_slice %arg4[%add3A, %dma_wait3A_219, %dma_wait3A_220] : memref<32x125x80xi32, #tpu.memory_space<hbm>> -> memref<1x1x80xi32, #tpu.memory_space<hbm>>
      %dma_wait3A_222 = tpu.memref_squeeze %dma_wait3A_221 : memref<1x1x80xi32, #tpu.memory_space<hbm>> -> memref<80xi32, #tpu.memory_space<hbm>>
      %dma_wait3A_223 = arith.constant 0 : i32
      %dma_wait3A_224 = tpu.memref_slice %arg4[%add3A, %dma_wait3A_219, %dma_wait3A_223] : memref<32x125x80xi32, #tpu.memory_space<hbm>> -> memref<1x1x80xi32, #tpu.memory_space<hbm>>
      %dma_wait3A_225 = tpu.memref_squeeze %dma_wait3A_224 : memref<1x1x80xi32, #tpu.memory_space<hbm>> -> memref<80xi32, #tpu.memory_space<hbm>>
      tpu.wait_dma2 semaphore(%arg34 : memref<!tpu.dma_semaphore, #tpu.memory_space<semaphore_mem>>) src(%dma_wait3A_225 : memref<80xi32, #tpu.memory_space<hbm>>) dst(%arg16 : memref<80xi32, #tpu.memory_space<vmem>>)
      %dma_start3A_226 = arith.constant 0 : i32
      %dma_start3A_227 = arith.constant 0 : i32
      %dma_start3A_228 = tpu.memref_slice %arg19[%dma_start3A_226, %dma_start3A_227] : memref<10000x128xf32, #tpu.memory_space<vmem_shared>> -> memref<10000x128xf32, #tpu.memory_space<vmem_shared>>
      tpu.enqueue_indirect_dma source(%arg8 : memref<80x128xf32, #tpu.memory_space<vmem>>) target(%dma_start3A_228 : memref<10000x128xf32, #tpu.memory_space<vmem_shared>>) offsets(%arg16 : memref<80xi32, #tpu.memory_space<vmem>>) semaphore(%arg26 : memref<!tpu.dma_semaphore, #tpu.memory_space<semaphore_mem>>) {add = true}
      %add3A_229 = arith.constant 4 : i32
      %add3A_230 = arith.addi %add3A_215, %add3A_229 : i32
      %lt3A_231 = arith.constant 125 : i32
      %lt3A_232 = arith.cmpi slt, %add3A_230, %lt3A_231 : i32
      %convert_element_type3A_233 = arith.extui %lt3A_232 : i1 to i32
      %cond3A_234 = arith.constant 0 : i32
      %cond3A_235 = arith.cmpi ne, %convert_element_type3A_233, %cond3A_234 : i32
      scf.if %cond3A_235 {
        %add3A_280 = arith.constant 4 : i32
        %add3A_281 = arith.addi %add3A_215, %add3A_280 : i32
        %dma_start3A_282 = arith.constant 0 : i32
        %dma_start3A_283 = tpu.memref_slice %arg3[%add3A, %add3A_281, %dma_start3A_282] : memref<32x125x80xi32, #tpu.memory_space<hbm>> -> memref<1x1x80xi32, #tpu.memory_space<hbm>>
        %dma_start3A_284 = tpu.memref_squeeze %dma_start3A_283 : memref<1x1x80xi32, #tpu.memory_space<hbm>> -> memref<80xi32, #tpu.memory_space<hbm>>
        %dma_start3A_285 = arith.constant 0 : i32
        %dma_start3A_286 = tpu.memref_slice %arg3[%add3A, %add3A_281, %dma_start3A_285] : memref<32x125x80xi32, #tpu.memory_space<hbm>> -> memref<1x1x80xi32, #tpu.memory_space<hbm>>
        %dma_start3A_287 = tpu.memref_squeeze %dma_start3A_286 : memref<1x1x80xi32, #tpu.memory_space<hbm>> -> memref<80xi32, #tpu.memory_space<hbm>>
        tpu.enqueue_dma source(%dma_start3A_287 : memref<80xi32, #tpu.memory_space<hbm>>) target(%arg12 : memref<80xi32, #tpu.memory_space<vmem>>) target_semaphore(%arg30 : memref<!tpu.dma_semaphore, #tpu.memory_space<semaphore_mem>>)
      } else {
      }
      %dma_wait3A_236 = arith.constant 0 : i32
      %dma_wait3A_237 = arith.constant 0 : i32
      %dma_wait3A_238 = tpu.memref_slice %arg19[%dma_wait3A_236, %dma_wait3A_237] : memref<10000x128xf32, #tpu.memory_space<vmem_shared>> -> memref<10000x128xf32, #tpu.memory_space<vmem_shared>>
      tpu.wait_indirect_dma semaphore(%arg26 : memref<!tpu.dma_semaphore, #tpu.memory_space<semaphore_mem>>) src(%arg8 : memref<80x128xf32, #tpu.memory_space<vmem>>) dst(%dma_wait3A_238 : memref<10000x128xf32, #tpu.memory_space<vmem_shared>>)
      %add3A_239 = arith.constant 4 : i32
      %add3A_240 = arith.addi %add3A_215, %add3A_239 : i32
      %lt3A_241 = arith.constant 125 : i32
      %lt3A_242 = arith.cmpi slt, %add3A_240, %lt3A_241 : i32
      %convert_element_type3A_243 = arith.extui %lt3A_242 : i1 to i32
      %cond3A_244 = arith.constant 0 : i32
      %cond3A_245 = arith.cmpi ne, %convert_element_type3A_243, %cond3A_244 : i32
      scf.if %cond3A_245 {
        %add3A_280 = arith.constant 4 : i32
        %add3A_281 = arith.addi %add3A_215, %add3A_280 : i32
        %dma_start3A_282 = arith.constant 0 : i32
        %dma_start3A_283 = tpu.memref_slice %arg4[%add3A, %add3A_281, %dma_start3A_282] : memref<32x125x80xi32, #tpu.memory_space<hbm>> -> memref<1x1x80xi32, #tpu.memory_space<hbm>>
        %dma_start3A_284 = tpu.memref_squeeze %dma_start3A_283 : memref<1x1x80xi32, #tpu.memory_space<hbm>> -> memref<80xi32, #tpu.memory_space<hbm>>
        %dma_start3A_285 = arith.constant 0 : i32
        %dma_start3A_286 = tpu.memref_slice %arg4[%add3A, %add3A_281, %dma_start3A_285] : memref<32x125x80xi32, #tpu.memory_space<hbm>> -> memref<1x1x80xi32, #tpu.memory_space<hbm>>
        %dma_start3A_287 = tpu.memref_squeeze %dma_start3A_286 : memref<1x1x80xi32, #tpu.memory_space<hbm>> -> memref<80xi32, #tpu.memory_space<hbm>>
        tpu.enqueue_dma source(%dma_start3A_287 : memref<80xi32, #tpu.memory_space<hbm>>) target(%arg16 : memref<80xi32, #tpu.memory_space<vmem>>) target_semaphore(%arg34 : memref<!tpu.dma_semaphore, #tpu.memory_space<semaphore_mem>>)
        %dma_wait3A_288 = arith.constant 0 : i32
        %dma_wait3A_289 = arith.constant 0 : i32
        %dma_wait3A_290 = tpu.memref_slice %arg3[%add3A, %dma_wait3A_288, %dma_wait3A_289] : memref<32x125x80xi32, #tpu.memory_space<hbm>> -> memref<1x1x80xi32, #tpu.memory_space<hbm>>
        %dma_wait3A_291 = tpu.memref_squeeze %dma_wait3A_290 : memref<1x1x80xi32, #tpu.memory_space<hbm>> -> memref<80xi32, #tpu.memory_space<hbm>>
        %dma_wait3A_292 = arith.constant 0 : i32
        %dma_wait3A_293 = tpu.memref_slice %arg3[%add3A, %dma_wait3A_288, %dma_wait3A_292] : memref<32x125x80xi32, #tpu.memory_space<hbm>> -> memref<1x1x80xi32, #tpu.memory_space<hbm>>
        %dma_wait3A_294 = tpu.memref_squeeze %dma_wait3A_293 : memref<1x1x80xi32, #tpu.memory_space<hbm>> -> memref<80xi32, #tpu.memory_space<hbm>>
        tpu.wait_dma2 semaphore(%arg30 : memref<!tpu.dma_semaphore, #tpu.memory_space<semaphore_mem>>) src(%dma_wait3A_294 : memref<80xi32, #tpu.memory_space<hbm>>) dst(%arg12 : memref<80xi32, #tpu.memory_space<vmem>>)
        %dma_start3A_295 = arith.constant 0 : i32
        %dma_start3A_296 = arith.constant 0 : i32
        %dma_start3A_297 = tpu.memref_slice %arg2[%dma_start3A_295, %dma_start3A_296] : memref<10000x128xf32, #tpu.memory_space<hbm>> -> memref<10000x128xf32, #tpu.memory_space<hbm>>
        tpu.enqueue_indirect_dma source(%dma_start3A_297 : memref<10000x128xf32, #tpu.memory_space<hbm>>) target(%arg8 : memref<80x128xf32, #tpu.memory_space<vmem>>) offsets(%arg12 : memref<80xi32, #tpu.memory_space<vmem>>) semaphore(%arg22 : memref<!tpu.dma_semaphore, #tpu.memory_space<semaphore_mem>>)
      } else {
      }
      %mul3A_246 = arith.constant 4 : i32
      %mul3A_247 = arith.muli %scan3A_144, %mul3A_246 : i32
      %add3A_248 = arith.constant 3 : i32
      %add3A_249 = arith.addi %mul3A_247, %add3A_248 : i32
      %dma_wait3A_250 = arith.constant 0 : i32
      %dma_wait3A_251 = arith.constant 0 : i32
      %dma_wait3A_252 = tpu.memref_slice %arg2[%dma_wait3A_250, %dma_wait3A_251] : memref<10000x128xf32, #tpu.memory_space<hbm>> -> memref<10000x128xf32, #tpu.memory_space<hbm>>
      tpu.wait_indirect_dma semaphore(%arg23 : memref<!tpu.dma_semaphore, #tpu.memory_space<semaphore_mem>>) src(%dma_wait3A_252 : memref<10000x128xf32, #tpu.memory_space<hbm>>) dst(%arg9 : memref<80x128xf32, #tpu.memory_space<vmem>>)
      %dma_wait3A_253 = arith.constant 0 : i32
      %dma_wait3A_254 = arith.constant 0 : i32
      %dma_wait3A_255 = tpu.memref_slice %arg4[%add3A, %dma_wait3A_253, %dma_wait3A_254] : memref<32x125x80xi32, #tpu.memory_space<hbm>> -> memref<1x1x80xi32, #tpu.memory_space<hbm>>
      %dma_wait3A_256 = tpu.memref_squeeze %dma_wait3A_255 : memref<1x1x80xi32, #tpu.memory_space<hbm>> -> memref<80xi32, #tpu.memory_space<hbm>>
      %dma_wait3A_257 = arith.constant 0 : i32
      %dma_wait3A_258 = tpu.memref_slice %arg4[%add3A, %dma_wait3A_253, %dma_wait3A_257] : memref<32x125x80xi32, #tpu.memory_space<hbm>> -> memref<1x1x80xi32, #tpu.memory_space<hbm>>
      %dma_wait3A_259 = tpu.memref_squeeze %dma_wait3A_258 : memref<1x1x80xi32, #tpu.memory_space<hbm>> -> memref<80xi32, #tpu.memory_space<hbm>>
      tpu.wait_dma2 semaphore(%arg35 : memref<!tpu.dma_semaphore, #tpu.memory_space<semaphore_mem>>) src(%dma_wait3A_259 : memref<80xi32, #tpu.memory_space<hbm>>) dst(%arg17 : memref<80xi32, #tpu.memory_space<vmem>>)
      %dma_start3A_260 = arith.constant 0 : i32
      %dma_start3A_261 = arith.constant 0 : i32
      %dma_start3A_262 = tpu.memref_slice %arg19[%dma_start3A_260, %dma_start3A_261] : memref<10000x128xf32, #tpu.memory_space<vmem_shared>> -> memref<10000x128xf32, #tpu.memory_space<vmem_shared>>
      tpu.enqueue_indirect_dma source(%arg9 : memref<80x128xf32, #tpu.memory_space<vmem>>) target(%dma_start3A_262 : memref<10000x128xf32, #tpu.memory_space<vmem_shared>>) offsets(%arg17 : memref<80xi32, #tpu.memory_space<vmem>>) semaphore(%arg27 : memref<!tpu.dma_semaphore, #tpu.memory_space<semaphore_mem>>) {add = true}
      %add3A_263 = arith.constant 4 : i32
      %add3A_264 = arith.addi %add3A_249, %add3A_263 : i32
      %lt3A_265 = arith.constant 125 : i32
      %lt3A_266 = arith.cmpi slt, %add3A_264, %lt3A_265 : i32
      %convert_element_type3A_267 = arith.extui %lt3A_266 : i1 to i32
      %cond3A_268 = arith.constant 0 : i32
      %cond3A_269 = arith.cmpi ne, %convert_element_type3A_267, %cond3A_268 : i32
      scf.if %cond3A_269 {
        %add3A_280 = arith.constant 4 : i32
        %add3A_281 = arith.addi %add3A_249, %add3A_280 : i32
        %dma_start3A_282 = arith.constant 0 : i32
        %dma_start3A_283 = tpu.memref_slice %arg3[%add3A, %add3A_281, %dma_start3A_282] : memref<32x125x80xi32, #tpu.memory_space<hbm>> -> memref<1x1x80xi32, #tpu.memory_space<hbm>>
        %dma_start3A_284 = tpu.memref_squeeze %dma_start3A_283 : memref<1x1x80xi32, #tpu.memory_space<hbm>> -> memref<80xi32, #tpu.memory_space<hbm>>
        %dma_start3A_285 = arith.constant 0 : i32
        %dma_start3A_286 = tpu.memref_slice %arg3[%add3A, %add3A_281, %dma_start3A_285] : memref<32x125x80xi32, #tpu.memory_space<hbm>> -> memref<1x1x80xi32, #tpu.memory_space<hbm>>
        %dma_start3A_287 = tpu.memref_squeeze %dma_start3A_286 : memref<1x1x80xi32, #tpu.memory_space<hbm>> -> memref<80xi32, #tpu.memory_space<hbm>>
        tpu.enqueue_dma source(%dma_start3A_287 : memref<80xi32, #tpu.memory_space<hbm>>) target(%arg13 : memref<80xi32, #tpu.memory_space<vmem>>) target_semaphore(%arg31 : memref<!tpu.dma_semaphore, #tpu.memory_space<semaphore_mem>>)
      } else {
      }
      %dma_wait3A_270 = arith.constant 0 : i32
      %dma_wait3A_271 = arith.constant 0 : i32
      %dma_wait3A_272 = tpu.memref_slice %arg19[%dma_wait3A_270, %dma_wait3A_271] : memref<10000x128xf32, #tpu.memory_space<vmem_shared>> -> memref<10000x128xf32, #tpu.memory_space<vmem_shared>>
      tpu.wait_indirect_dma semaphore(%arg27 : memref<!tpu.dma_semaphore, #tpu.memory_space<semaphore_mem>>) src(%arg9 : memref<80x128xf32, #tpu.memory_space<vmem>>) dst(%dma_wait3A_272 : memref<10000x128xf32, #tpu.memory_space<vmem_shared>>)
      %add3A_273 = arith.constant 4 : i32
      %add3A_274 = arith.addi %add3A_249, %add3A_273 : i32
      %lt3A_275 = arith.constant 125 : i32
      %lt3A_276 = arith.cmpi slt, %add3A_274, %lt3A_275 : i32
      %convert_element_type3A_277 = arith.extui %lt3A_276 : i1 to i32
      %cond3A_278 = arith.constant 0 : i32
      %cond3A_279 = arith.cmpi ne, %convert_element_type3A_277, %cond3A_278 : i32
      scf.if %cond3A_279 {
        %add3A_280 = arith.constant 4 : i32
        %add3A_281 = arith.addi %add3A_249, %add3A_280 : i32
        %dma_start3A_282 = arith.constant 0 : i32
        %dma_start3A_283 = tpu.memref_slice %arg4[%add3A, %add3A_281, %dma_start3A_282] : memref<32x125x80xi32, #tpu.memory_space<hbm>> -> memref<1x1x80xi32, #tpu.memory_space<hbm>>
        %dma_start3A_284 = tpu.memref_squeeze %dma_start3A_283 : memref<1x1x80xi32, #tpu.memory_space<hbm>> -> memref<80xi32, #tpu.memory_space<hbm>>
        %dma_start3A_285 = arith.constant 0 : i32
        %dma_start3A_286 = tpu.memref_slice %arg4[%add3A, %add3A_281, %dma_start3A_285] : memref<32x125x80xi32, #tpu.memory_space<hbm>> -> memref<1x1x80xi32, #tpu.memory_space<hbm>>
        %dma_start3A_287 = tpu.memref_squeeze %dma_start3A_286 : memref<1x1x80xi32, #tpu.memory_space<hbm>> -> memref<80xi32, #tpu.memory_space<hbm>>
        tpu.enqueue_dma source(%dma_start3A_287 : memref<80xi32, #tpu.memory_space<hbm>>) target(%arg17 : memref<80xi32, #tpu.memory_space<vmem>>) target_semaphore(%arg35 : memref<!tpu.dma_semaphore, #tpu.memory_space<semaphore_mem>>)
        %dma_wait3A_288 = arith.constant 0 : i32
        %dma_wait3A_289 = arith.constant 0 : i32
        %dma_wait3A_290 = tpu.memref_slice %arg3[%add3A, %dma_wait3A_288, %dma_wait3A_289] : memref<32x125x80xi32, #tpu.memory_space<hbm>> -> memref<1x1x80xi32, #tpu.memory_space<hbm>>
        %dma_wait3A_291 = tpu.memref_squeeze %dma_wait3A_290 : memref<1x1x80xi32, #tpu.memory_space<hbm>> -> memref<80xi32, #tpu.memory_space<hbm>>
        %dma_wait3A_292 = arith.constant 0 : i32
        %dma_wait3A_293 = tpu.memref_slice %arg3[%add3A, %dma_wait3A_288, %dma_wait3A_292] : memref<32x125x80xi32, #tpu.memory_space<hbm>> -> memref<1x1x80xi32, #tpu.memory_space<hbm>>
        %dma_wait3A_294 = tpu.memref_squeeze %dma_wait3A_293 : memref<1x1x80xi32, #tpu.memory_space<hbm>> -> memref<80xi32, #tpu.memory_space<hbm>>
        tpu.wait_dma2 semaphore(%arg31 : memref<!tpu.dma_semaphore, #tpu.memory_space<semaphore_mem>>) src(%dma_wait3A_294 : memref<80xi32, #tpu.memory_space<hbm>>) dst(%arg13 : memref<80xi32, #tpu.memory_space<vmem>>)
        %dma_start3A_295 = arith.constant 0 : i32
        %dma_start3A_296 = arith.constant 0 : i32
        %dma_start3A_297 = tpu.memref_slice %arg2[%dma_start3A_295, %dma_start3A_296] : memref<10000x128xf32, #tpu.memory_space<hbm>> -> memref<10000x128xf32, #tpu.memory_space<hbm>>
        tpu.enqueue_indirect_dma source(%dma_start3A_297 : memref<10000x128xf32, #tpu.memory_space<hbm>>) target(%arg9 : memref<80x128xf32, #tpu.memory_space<vmem>>) offsets(%arg13 : memref<80xi32, #tpu.memory_space<vmem>>) semaphore(%arg23 : memref<!tpu.dma_semaphore, #tpu.memory_space<semaphore_mem>>)
      } else {
      }
    }
    %scan3A_115 = arith.constant 31 : i32
    %dma_wait3A_116 = arith.constant 0 : i32
    %dma_wait3A_117 = arith.constant 0 : i32
    %dma_wait3A_118 = tpu.memref_slice %arg2[%dma_wait3A_116, %dma_wait3A_117] : memref<10000x128xf32, #tpu.memory_space<hbm>> -> memref<10000x128xf32, #tpu.memory_space<hbm>>
    tpu.wait_indirect_dma semaphore(%arg20 : memref<!tpu.dma_semaphore, #tpu.memory_space<semaphore_mem>>) src(%dma_wait3A_118 : memref<10000x128xf32, #tpu.memory_space<hbm>>) dst(%arg6 : memref<80x128xf32, #tpu.memory_space<vmem>>)
    %dma_wait3A_119 = arith.constant 0 : i32
    %dma_wait3A_120 = arith.constant 0 : i32
    %dma_wait3A_121 = tpu.memref_slice %arg4[%add3A, %dma_wait3A_119, %dma_wait3A_120] : memref<32x125x80xi32, #tpu.memory_space<hbm>> -> memref<1x1x80xi32, #tpu.memory_space<hbm>>
    %dma_wait3A_122 = tpu.memref_squeeze %dma_wait3A_121 : memref<1x1x80xi32, #tpu.memory_space<hbm>> -> memref<80xi32, #tpu.memory_space<hbm>>
    %dma_wait3A_123 = arith.constant 0 : i32
    %dma_wait3A_124 = tpu.memref_slice %arg4[%add3A, %dma_wait3A_119, %dma_wait3A_123] : memref<32x125x80xi32, #tpu.memory_space<hbm>> -> memref<1x1x80xi32, #tpu.memory_space<hbm>>
    %dma_wait3A_125 = tpu.memref_squeeze %dma_wait3A_124 : memref<1x1x80xi32, #tpu.memory_space<hbm>> -> memref<80xi32, #tpu.memory_space<hbm>>
    tpu.wait_dma2 semaphore(%arg32 : memref<!tpu.dma_semaphore, #tpu.memory_space<semaphore_mem>>) src(%dma_wait3A_125 : memref<80xi32, #tpu.memory_space<hbm>>) dst(%arg14 : memref<80xi32, #tpu.memory_space<vmem>>)
    %dma_start3A_126 = arith.constant 0 : i32
    %dma_start3A_127 = arith.constant 0 : i32
    %dma_start3A_128 = tpu.memref_slice %arg19[%dma_start3A_126, %dma_start3A_127] : memref<10000x128xf32, #tpu.memory_space<vmem_shared>> -> memref<10000x128xf32, #tpu.memory_space<vmem_shared>>
    tpu.enqueue_indirect_dma source(%arg6 : memref<80x128xf32, #tpu.memory_space<vmem>>) target(%dma_start3A_128 : memref<10000x128xf32, #tpu.memory_space<vmem_shared>>) offsets(%arg14 : memref<80xi32, #tpu.memory_space<vmem>>) semaphore(%arg24 : memref<!tpu.dma_semaphore, #tpu.memory_space<semaphore_mem>>) {add = true}
    %dma_wait3A_129 = arith.constant 0 : i32
    %dma_wait3A_130 = arith.constant 0 : i32
    %dma_wait3A_131 = tpu.memref_slice %arg19[%dma_wait3A_129, %dma_wait3A_130] : memref<10000x128xf32, #tpu.memory_space<vmem_shared>> -> memref<10000x128xf32, #tpu.memory_space<vmem_shared>>
    tpu.wait_indirect_dma semaphore(%arg24 : memref<!tpu.dma_semaphore, #tpu.memory_space<semaphore_mem>>) src(%arg6 : memref<80x128xf32, #tpu.memory_space<vmem>>) dst(%dma_wait3A_131 : memref<10000x128xf32, #tpu.memory_space<vmem_shared>>)
    %barrier3A_132 = arith.constant 0 : index
    tpu.barrier barrier_id(%barrier3A_132)
    %mul3A_133 = arith.constant 10000 : i32
    %mul3A_134 = arith.muli %arg0, %mul3A_133 : i32
    %mul3A_135 = arith.constant 624 : i32
    %mul3A_136 = arith.muli %arg1, %mul3A_135 : i32
    %add3A_137 = arith.addi %mul3A_134, %mul3A_136 : i32
    %multiple_of3A_138 = tpu.assume_multiple %add3A_137, 16 : i32
    "tpu.region"() ({
      %run_scoped3A = tpu.sem_alloc : memref<!tpu.dma_semaphore, #tpu.memory_space<semaphore_mem>>
      %dma_start3A_144 = arith.constant 0 : i32
      %dma_start3A_145 = tpu.memref_slice %arg5[%multiple_of3A_138, %dma_start3A_144] : memref<20000x128xf32, #tpu.memory_space<hbm>> -> memref<624x128xf32, #tpu.memory_space<hbm>>
      %dma_start3A_146 = arith.constant 0 : i32
      %dma_start3A_147 = tpu.memref_slice %arg19[%multiple_of3A, %dma_start3A_146] : memref<10000x128xf32, #tpu.memory_space<vmem_shared>> -> memref<624x128xf32, #tpu.memory_space<vmem_shared>>
      tpu.enqueue_dma source(%dma_start3A_147 : memref<624x128xf32, #tpu.memory_space<vmem_shared>>) target(%dma_start3A_145 : memref<624x128xf32, #tpu.memory_space<hbm>>) target_semaphore(%run_scoped3A : memref<!tpu.dma_semaphore, #tpu.memory_space<semaphore_mem>>)
      %dma_wait3A_148 = arith.constant 0 : i32
      %dma_wait3A_149 = tpu.memref_slice %arg5[%multiple_of3A_138, %dma_wait3A_148] : memref<20000x128xf32, #tpu.memory_space<hbm>> -> memref<624x128xf32, #tpu.memory_space<hbm>>
      %dma_wait3A_150 = arith.constant 0 : i32
      %dma_wait3A_151 = tpu.memref_slice %arg19[%multiple_of3A, %dma_wait3A_150] : memref<10000x128xf32, #tpu.memory_space<vmem_shared>> -> memref<624x128xf32, #tpu.memory_space<vmem_shared>>
      tpu.wait_dma2 semaphore(%run_scoped3A : memref<!tpu.dma_semaphore, #tpu.memory_space<semaphore_mem>>) src(%dma_wait3A_151 : memref<624x128xf32, #tpu.memory_space<vmem_shared>>) dst(%dma_wait3A_149 : memref<624x128xf32, #tpu.memory_space<hbm>>)
      tpu.yield
    }) : () -> ()
    %eq3A_139 = arith.constant 15 : i32
    %eq3A_140 = arith.cmpi eq, %arg1, %eq3A_139 : i32
    %convert_element_type3A_141 = arith.extui %eq3A_140 : i1 to i32
    %cond3A_142 = arith.constant 0 : i32
    %cond3A_143 = arith.cmpi ne, %convert_element_type3A_141, %cond3A_142 : i32
    scf.if %cond3A_143 {
      %mul3A_144 = arith.constant 10000 : i32
      %mul3A_145 = arith.muli %arg0, %mul3A_144 : i32
      %add3A_146 = arith.constant 9984 : i32
      %add3A_147 = arith.addi %mul3A_145, %add3A_146 : i32
      "tpu.region"() ({
        %run_scoped3A = tpu.sem_alloc : memref<!tpu.dma_semaphore, #tpu.memory_space<semaphore_mem>>
        %dma_start3A_148 = arith.constant 0 : i32
        %dma_start3A_149 = tpu.memref_slice %arg5[%add3A_147, %dma_start3A_148] : memref<20000x128xf32, #tpu.memory_space<hbm>> -> memref<16x128xf32, #tpu.memory_space<hbm>>
        %dma_start3A_150 = arith.constant 9984 : i32
        %dma_start3A_151 = arith.constant 0 : i32
        %dma_start3A_152 = tpu.memref_slice %arg19[%dma_start3A_150, %dma_start3A_151] : memref<10000x128xf32, #tpu.memory_space<vmem_shared>> -> memref<16x128xf32, #tpu.memory_space<vmem_shared>>
        tpu.enqueue_dma source(%dma_start3A_152 : memref<16x128xf32, #tpu.memory_space<vmem_shared>>) target(%dma_start3A_149 : memref<16x128xf32, #tpu.memory_space<hbm>>) target_semaphore(%run_scoped3A : memref<!tpu.dma_semaphore, #tpu.memory_space<semaphore_mem>>)
        %dma_wait3A_153 = arith.constant 0 : i32
        %dma_wait3A_154 = tpu.memref_slice %arg5[%add3A_147, %dma_wait3A_153] : memref<20000x128xf32, #tpu.memory_space<hbm>> -> memref<16x128xf32, #tpu.memory_space<hbm>>
        %dma_wait3A_155 = arith.constant 9984 : i32
        %dma_wait3A_156 = arith.constant 0 : i32
        %dma_wait3A_157 = tpu.memref_slice %arg19[%dma_wait3A_155, %dma_wait3A_156] : memref<10000x128xf32, #tpu.memory_space<vmem_shared>> -> memref<16x128xf32, #tpu.memory_space<vmem_shared>>
        tpu.wait_dma2 semaphore(%run_scoped3A : memref<!tpu.dma_semaphore, #tpu.memory_space<semaphore_mem>>) src(%dma_wait3A_157 : memref<16x128xf32, #tpu.memory_space<vmem_shared>>) dst(%dma_wait3A_154 : memref<16x128xf32, #tpu.memory_space<hbm>>)
        tpu.yield
      }) : () -> ()
    } else {
    }
    return
  }
}

#map = affine_map<(d0, d1) -> (0, 0)>
#map1 = affine_map<(d0, d1) -> (0, 0, 0)>
module attributes {stable_mosaic.version = 14 : i64} {
  func.func @_sc_agg_body(%arg0: i32, %arg1: i32, %arg2: memref<10000x128xf32, #tpu.memory_space<hbm>>, %arg3: memref<32x125x80xi32, #tpu.memory_space<hbm>>, %arg4: memref<32x125x80xi32, #tpu.memory_space<hbm>>, %arg5: memref<20000x128xf32, #tpu.memory_space<hbm>>, %arg6: memref<80x128xf32, #tpu.memory_space<vmem>>, %arg7: memref<80x128xf32, #tpu.memory_space<vmem>>, %arg8: memref<80x128xf32, #tpu.memory_space<vmem>>, %arg9: memref<80x128xf32, #tpu.memory_space<vmem>>, %arg10: memref<80xi32, #tpu.memory_space<vmem>>, %arg11: memref<80xi32, #tpu.memory_space<vmem>>, %arg12: memref<80xi32, #tpu.memory_space<vmem>>, %arg13: memref<80xi32, #tpu.memory_space<vmem>>, %arg14: memref<80xi32, #tpu.memory_space<vmem>>, %arg15: memref<80xi32, #tpu.memory_space<vmem>>, %arg16: memref<80xi32, #tpu.memory_space<vmem>>, %arg17: memref<80xi32, #tpu.memory_space<vmem>>, %arg18: memref<16x128xf32, #tpu.memory_space<vmem>>, %arg19: memref<10000x128xf32, #tpu.memory_space<vmem_shared>>, %arg20: memref<!tpu.dma_semaphore, #tpu.memory_space<semaphore_mem>>, %arg21: memref<!tpu.dma_semaphore, #tpu.memory_space<semaphore_mem>>, %arg22: memref<!tpu.dma_semaphore, #tpu.memory_space<semaphore_mem>>, %arg23: memref<!tpu.dma_semaphore, #tpu.memory_space<semaphore_mem>>, %arg24: memref<!tpu.dma_semaphore, #tpu.memory_space<semaphore_mem>>, %arg25: memref<!tpu.dma_semaphore, #tpu.memory_space<semaphore_mem>>, %arg26: memref<!tpu.dma_semaphore, #tpu.memory_space<semaphore_mem>>, %arg27: memref<!tpu.dma_semaphore, #tpu.memory_space<semaphore_mem>>, %arg28: memref<!tpu.dma_semaphore, #tpu.memory_space<semaphore_mem>>, %arg29: memref<!tpu.dma_semaphore, #tpu.memory_space<semaphore_mem>>, %arg30: memref<!tpu.dma_semaphore, #tpu.memory_space<semaphore_mem>>, %arg31: memref<!tpu.dma_semaphore, #tpu.memory_space<semaphore_mem>>, %arg32: memref<!tpu.dma_semaphore, #tpu.memory_space<semaphore_mem>>, %arg33: memref<!tpu.dma_semaphore, #tpu.memory_space<semaphore_mem>>, %arg34: memref<!tpu.dma_semaphore, #tpu.memory_space<semaphore_mem>>, %arg35: memref<!tpu.dma_semaphore, #tpu.memory_space<semaphore_mem>>) attributes {dimension_semantics = [#tpu.dimension_semantics<core_parallel>, #tpu.dimension_semantics<subcore_parallel>], iteration_bounds = array<i64: 2, 16>, scalar_prefetch = 0 : i64, scratch_operands = 30 : i64, tpu.core_type = #tpu.core_type<sc_vector_subcore>, window_params = [{transform_indices = #map}, {transform_indices = #map1}, {transform_indices = #map1}, {transform_indices = #map}]} {
    %mul3A = arith.constant 16 : i32
    %mul3A_0 = arith.muli %arg0, %mul3A : i32
    %add3A = arith.addi %mul3A_0, %arg1 : i32
    %dma_start3A = arith.constant 0 : i32
    %dma_start3A_1 = arith.constant 0 : i32
    %dma_start3A_2 = tpu.memref_slice %arg3[%add3A, %dma_start3A, %dma_start3A_1] : memref<32x125x80xi32, #tpu.memory_space<hbm>> -> memref<1x1x80xi32, #tpu.memory_space<hbm>>
    %dma_start3A_3 = tpu.memref_squeeze %dma_start3A_2 : memref<1x1x80xi32, #tpu.memory_space<hbm>> -> memref<80xi32, #tpu.memory_space<hbm>>
    %dma_start3A_4 = arith.constant 0 : i32
    %dma_start3A_5 = tpu.memref_slice %arg3[%add3A, %dma_start3A, %dma_start3A_4] : memref<32x125x80xi32, #tpu.memory_space<hbm>> -> memref<1x1x80xi32, #tpu.memory_space<hbm>>
    %dma_start3A_6 = tpu.memref_squeeze %dma_start3A_5 : memref<1x1x80xi32, #tpu.memory_space<hbm>> -> memref<80xi32, #tpu.memory_space<hbm>>
    tpu.enqueue_dma source(%dma_start3A_6 : memref<80xi32, #tpu.memory_space<hbm>>) target(%arg10 : memref<80xi32, #tpu.memory_space<vmem>>) target_semaphore(%arg28 : memref<!tpu.dma_semaphore, #tpu.memory_space<semaphore_mem>>)
    %dma_start3A_7 = arith.constant 0 : i32
    %dma_start3A_8 = arith.constant 0 : i32
    %dma_start3A_9 = tpu.memref_slice %arg4[%add3A, %dma_start3A_7, %dma_start3A_8] : memref<32x125x80xi32, #tpu.memory_space<hbm>> -> memref<1x1x80xi32, #tpu.memory_space<hbm>>
    %dma_start3A_10 = tpu.memref_squeeze %dma_start3A_9 : memref<1x1x80xi32, #tpu.memory_space<hbm>> -> memref<80xi32, #tpu.memory_space<hbm>>
    %dma_start3A_11 = arith.constant 0 : i32
    %dma_start3A_12 = tpu.memref_slice %arg4[%add3A, %dma_start3A_7, %dma_start3A_11] : memref<32x125x80xi32, #tpu.memory_space<hbm>> -> memref<1x1x80xi32, #tpu.memory_space<hbm>>
    %dma_start3A_13 = tpu.memref_squeeze %dma_start3A_12 : memref<1x1x80xi32, #tpu.memory_space<hbm>> -> memref<80xi32, #tpu.memory_space<hbm>>
    tpu.enqueue_dma source(%dma_start3A_13 : memref<80xi32, #tpu.memory_space<hbm>>) target(%arg14 : memref<80xi32, #tpu.memory_space<vmem>>) target_semaphore(%arg32 : memref<!tpu.dma_semaphore, #tpu.memory_space<semaphore_mem>>)
    %dma_start3A_14 = arith.constant 1 : i32
    %dma_start3A_15 = arith.constant 0 : i32
    %dma_start3A_16 = tpu.memref_slice %arg3[%add3A, %dma_start3A_14, %dma_start3A_15] : memref<32x125x80xi32, #tpu.memory_space<hbm>> -> memref<1x1x80xi32, #tpu.memory_space<hbm>>
    %dma_start3A_17 = tpu.memref_squeeze %dma_start3A_16 : memref<1x1x80xi32, #tpu.memory_space<hbm>> -> memref<80xi32, #tpu.memory_space<hbm>>
    %dma_start3A_18 = arith.constant 0 : i32
    %dma_start3A_19 = tpu.memref_slice %arg3[%add3A, %dma_start3A_14, %dma_start3A_18] : memref<32x125x80xi32, #tpu.memory_space<hbm>> -> memref<1x1x80xi32, #tpu.memory_space<hbm>>
    %dma_start3A_20 = tpu.memref_squeeze %dma_start3A_19 : memref<1x1x80xi32, #tpu.memory_space<hbm>> -> memref<80xi32, #tpu.memory_space<hbm>>
    tpu.enqueue_dma source(%dma_start3A_20 : memref<80xi32, #tpu.memory_space<hbm>>) target(%arg11 : memref<80xi32, #tpu.memory_space<vmem>>) target_semaphore(%arg29 : memref<!tpu.dma_semaphore, #tpu.memory_space<semaphore_mem>>)
    %dma_start3A_21 = arith.constant 1 : i32
    %dma_start3A_22 = arith.constant 0 : i32
    %dma_start3A_23 = tpu.memref_slice %arg4[%add3A, %dma_start3A_21, %dma_start3A_22] : memref<32x125x80xi32, #tpu.memory_space<hbm>> -> memref<1x1x80xi32, #tpu.memory_space<hbm>>
    %dma_start3A_24 = tpu.memref_squeeze %dma_start3A_23 : memref<1x1x80xi32, #tpu.memory_space<hbm>> -> memref<80xi32, #tpu.memory_space<hbm>>
    %dma_start3A_25 = arith.constant 0 : i32
    %dma_start3A_26 = tpu.memref_slice %arg4[%add3A, %dma_start3A_21, %dma_start3A_25] : memref<32x125x80xi32, #tpu.memory_space<hbm>> -> memref<1x1x80xi32, #tpu.memory_space<hbm>>
    %dma_start3A_27 = tpu.memref_squeeze %dma_start3A_26 : memref<1x1x80xi32, #tpu.memory_space<hbm>> -> memref<80xi32, #tpu.memory_space<hbm>>
    tpu.enqueue_dma source(%dma_start3A_27 : memref<80xi32, #tpu.memory_space<hbm>>) target(%arg15 : memref<80xi32, #tpu.memory_space<vmem>>) target_semaphore(%arg33 : memref<!tpu.dma_semaphore, #tpu.memory_space<semaphore_mem>>)
    %dma_start3A_28 = arith.constant 2 : i32
    %dma_start3A_29 = arith.constant 0 : i32
    %dma_start3A_30 = tpu.memref_slice %arg3[%add3A, %dma_start3A_28, %dma_start3A_29] : memref<32x125x80xi32, #tpu.memory_space<hbm>> -> memref<1x1x80xi32, #tpu.memory_space<hbm>>
    %dma_start3A_31 = tpu.memref_squeeze %dma_start3A_30 : memref<1x1x80xi32, #tpu.memory_space<hbm>> -> memref<80xi32, #tpu.memory_space<hbm>>
    %dma_start3A_32 = arith.constant 0 : i32
    %dma_start3A_33 = tpu.memref_slice %arg3[%add3A, %dma_start3A_28, %dma_start3A_32] : memref<32x125x80xi32, #tpu.memory_space<hbm>> -> memref<1x1x80xi32, #tpu.memory_space<hbm>>
    %dma_start3A_34 = tpu.memref_squeeze %dma_start3A_33 : memref<1x1x80xi32, #tpu.memory_space<hbm>> -> memref<80xi32, #tpu.memory_space<hbm>>
    tpu.enqueue_dma source(%dma_start3A_34 : memref<80xi32, #tpu.memory_space<hbm>>) target(%arg12 : memref<80xi32, #tpu.memory_space<vmem>>) target_semaphore(%arg30 : memref<!tpu.dma_semaphore, #tpu.memory_space<semaphore_mem>>)
    %dma_start3A_35 = arith.constant 2 : i32
    %dma_start3A_36 = arith.constant 0 : i32
    %dma_start3A_37 = tpu.memref_slice %arg4[%add3A, %dma_start3A_35, %dma_start3A_36] : memref<32x125x80xi32, #tpu.memory_space<hbm>> -> memref<1x1x80xi32, #tpu.memory_space<hbm>>
    %dma_start3A_38 = tpu.memref_squeeze %dma_start3A_37 : memref<1x1x80xi32, #tpu.memory_space<hbm>> -> memref<80xi32, #tpu.memory_space<hbm>>
    %dma_start3A_39 = arith.constant 0 : i32
    %dma_start3A_40 = tpu.memref_slice %arg4[%add3A, %dma_start3A_35, %dma_start3A_39] : memref<32x125x80xi32, #tpu.memory_space<hbm>> -> memref<1x1x80xi32, #tpu.memory_space<hbm>>
    %dma_start3A_41 = tpu.memref_squeeze %dma_start3A_40 : memref<1x1x80xi32, #tpu.memory_space<hbm>> -> memref<80xi32, #tpu.memory_space<hbm>>
    tpu.enqueue_dma source(%dma_start3A_41 : memref<80xi32, #tpu.memory_space<hbm>>) target(%arg16 : memref<80xi32, #tpu.memory_space<vmem>>) target_semaphore(%arg34 : memref<!tpu.dma_semaphore, #tpu.memory_space<semaphore_mem>>)
    %dma_start3A_42 = arith.constant 3 : i32
    %dma_start3A_43 = arith.constant 0 : i32
    %dma_start3A_44 = tpu.memref_slice %arg3[%add3A, %dma_start3A_42, %dma_start3A_43] : memref<32x125x80xi32, #tpu.memory_space<hbm>> -> memref<1x1x80xi32, #tpu.memory_space<hbm>>
    %dma_start3A_45 = tpu.memref_squeeze %dma_start3A_44 : memref<1x1x80xi32, #tpu.memory_space<hbm>> -> memref<80xi32, #tpu.memory_space<hbm>>
    %dma_start3A_46 = arith.constant 0 : i32
    %dma_start3A_47 = tpu.memref_slice %arg3[%add3A, %dma_start3A_42, %dma_start3A_46] : memref<32x125x80xi32, #tpu.memory_space<hbm>> -> memref<1x1x80xi32, #tpu.memory_space<hbm>>
    %dma_start3A_48 = tpu.memref_squeeze %dma_start3A_47 : memref<1x1x80xi32, #tpu.memory_space<hbm>> -> memref<80xi32, #tpu.memory_space<hbm>>
    tpu.enqueue_dma source(%dma_start3A_48 : memref<80xi32, #tpu.memory_space<hbm>>) target(%arg13 : memref<80xi32, #tpu.memory_space<vmem>>) target_semaphore(%arg31 : memref<!tpu.dma_semaphore, #tpu.memory_space<semaphore_mem>>)
    %dma_start3A_49 = arith.constant 3 : i32
    %dma_start3A_50 = arith.constant 0 : i32
    %dma_start3A_51 = tpu.memref_slice %arg4[%add3A, %dma_start3A_49, %dma_start3A_50] : memref<32x125x80xi32, #tpu.memory_space<hbm>> -> memref<1x1x80xi32, #tpu.memory_space<hbm>>
    %dma_start3A_52 = tpu.memref_squeeze %dma_start3A_51 : memref<1x1x80xi32, #tpu.memory_space<hbm>> -> memref<80xi32, #tpu.memory_space<hbm>>
    %dma_start3A_53 = arith.constant 0 : i32
    %dma_start3A_54 = tpu.memref_slice %arg4[%add3A, %dma_start3A_49, %dma_start3A_53] : memref<32x125x80xi32, #tpu.memory_space<hbm>> -> memref<1x1x80xi32, #tpu.memory_space<hbm>>
    %dma_start3A_55 = tpu.memref_squeeze %dma_start3A_54 : memref<1x1x80xi32, #tpu.memory_space<hbm>> -> memref<80xi32, #tpu.memory_space<hbm>>
    tpu.enqueue_dma source(%dma_start3A_55 : memref<80xi32, #tpu.memory_space<hbm>>) target(%arg17 : memref<80xi32, #tpu.memory_space<vmem>>) target_semaphore(%arg35 : memref<!tpu.dma_semaphore, #tpu.memory_space<semaphore_mem>>)
    %dma_wait3A = arith.constant 0 : i32
    %dma_wait3A_56 = arith.constant 0 : i32
    %dma_wait3A_57 = tpu.memref_slice %arg3[%add3A, %dma_wait3A, %dma_wait3A_56] : memref<32x125x80xi32, #tpu.memory_space<hbm>> -> memref<1x1x80xi32, #tpu.memory_space<hbm>>
    %dma_wait3A_58 = tpu.memref_squeeze %dma_wait3A_57 : memref<1x1x80xi32, #tpu.memory_space<hbm>> -> memref<80xi32, #tpu.memory_space<hbm>>
    %dma_wait3A_59 = arith.constant 0 : i32
    %dma_wait3A_60 = tpu.memref_slice %arg3[%add3A, %dma_wait3A, %dma_wait3A_59] : memref<32x125x80xi32, #tpu.memory_space<hbm>> -> memref<1x1x80xi32, #tpu.memory_space<hbm>>
    %dma_wait3A_61 = tpu.memref_squeeze %dma_wait3A_60 : memref<1x1x80xi32, #tpu.memory_space<hbm>> -> memref<80xi32, #tpu.memory_space<hbm>>
    tpu.wait_dma2 semaphore(%arg28 : memref<!tpu.dma_semaphore, #tpu.memory_space<semaphore_mem>>) src(%dma_wait3A_61 : memref<80xi32, #tpu.memory_space<hbm>>) dst(%arg10 : memref<80xi32, #tpu.memory_space<vmem>>)
    %dma_start3A_62 = arith.constant 0 : i32
    %dma_start3A_63 = arith.constant 0 : i32
    %dma_start3A_64 = tpu.memref_slice %arg2[%dma_start3A_62, %dma_start3A_63] : memref<10000x128xf32, #tpu.memory_space<hbm>> -> memref<10000x128xf32, #tpu.memory_space<hbm>>
    tpu.enqueue_indirect_dma source(%dma_start3A_64 : memref<10000x128xf32, #tpu.memory_space<hbm>>) target(%arg6 : memref<80x128xf32, #tpu.memory_space<vmem>>) offsets(%arg10 : memref<80xi32, #tpu.memory_space<vmem>>) semaphore(%arg20 : memref<!tpu.dma_semaphore, #tpu.memory_space<semaphore_mem>>)
    %dma_wait3A_65 = arith.constant 0 : i32
    %dma_wait3A_66 = arith.constant 0 : i32
    %dma_wait3A_67 = tpu.memref_slice %arg3[%add3A, %dma_wait3A_65, %dma_wait3A_66] : memref<32x125x80xi32, #tpu.memory_space<hbm>> -> memref<1x1x80xi32, #tpu.memory_space<hbm>>
    %dma_wait3A_68 = tpu.memref_squeeze %dma_wait3A_67 : memref<1x1x80xi32, #tpu.memory_space<hbm>> -> memref<80xi32, #tpu.memory_space<hbm>>
    %dma_wait3A_69 = arith.constant 0 : i32
    %dma_wait3A_70 = tpu.memref_slice %arg3[%add3A, %dma_wait3A_65, %dma_wait3A_69] : memref<32x125x80xi32, #tpu.memory_space<hbm>> -> memref<1x1x80xi32, #tpu.memory_space<hbm>>
    %dma_wait3A_71 = tpu.memref_squeeze %dma_wait3A_70 : memref<1x1x80xi32, #tpu.memory_space<hbm>> -> memref<80xi32, #tpu.memory_space<hbm>>
    tpu.wait_dma2 semaphore(%arg29 : memref<!tpu.dma_semaphore, #tpu.memory_space<semaphore_mem>>) src(%dma_wait3A_71 : memref<80xi32, #tpu.memory_space<hbm>>) dst(%arg11 : memref<80xi32, #tpu.memory_space<vmem>>)
    %dma_start3A_72 = arith.constant 0 : i32
    %dma_start3A_73 = arith.constant 0 : i32
    %dma_start3A_74 = tpu.memref_slice %arg2[%dma_start3A_72, %dma_start3A_73] : memref<10000x128xf32, #tpu.memory_space<hbm>> -> memref<10000x128xf32, #tpu.memory_space<hbm>>
    tpu.enqueue_indirect_dma source(%dma_start3A_74 : memref<10000x128xf32, #tpu.memory_space<hbm>>) target(%arg7 : memref<80x128xf32, #tpu.memory_space<vmem>>) offsets(%arg11 : memref<80xi32, #tpu.memory_space<vmem>>) semaphore(%arg21 : memref<!tpu.dma_semaphore, #tpu.memory_space<semaphore_mem>>)
    %dma_wait3A_75 = arith.constant 0 : i32
    %dma_wait3A_76 = arith.constant 0 : i32
    %dma_wait3A_77 = tpu.memref_slice %arg3[%add3A, %dma_wait3A_75, %dma_wait3A_76] : memref<32x125x80xi32, #tpu.memory_space<hbm>> -> memref<1x1x80xi32, #tpu.memory_space<hbm>>
    %dma_wait3A_78 = tpu.memref_squeeze %dma_wait3A_77 : memref<1x1x80xi32, #tpu.memory_space<hbm>> -> memref<80xi32, #tpu.memory_space<hbm>>
    %dma_wait3A_79 = arith.constant 0 : i32
    %dma_wait3A_80 = tpu.memref_slice %arg3[%add3A, %dma_wait3A_75, %dma_wait3A_79] : memref<32x125x80xi32, #tpu.memory_space<hbm>> -> memref<1x1x80xi32, #tpu.memory_space<hbm>>
    %dma_wait3A_81 = tpu.memref_squeeze %dma_wait3A_80 : memref<1x1x80xi32, #tpu.memory_space<hbm>> -> memref<80xi32, #tpu.memory_space<hbm>>
    tpu.wait_dma2 semaphore(%arg30 : memref<!tpu.dma_semaphore, #tpu.memory_space<semaphore_mem>>) src(%dma_wait3A_81 : memref<80xi32, #tpu.memory_space<hbm>>) dst(%arg12 : memref<80xi32, #tpu.memory_space<vmem>>)
    %dma_start3A_82 = arith.constant 0 : i32
    %dma_start3A_83 = arith.constant 0 : i32
    %dma_start3A_84 = tpu.memref_slice %arg2[%dma_start3A_82, %dma_start3A_83] : memref<10000x128xf32, #tpu.memory_space<hbm>> -> memref<10000x128xf32, #tpu.memory_space<hbm>>
    tpu.enqueue_indirect_dma source(%dma_start3A_84 : memref<10000x128xf32, #tpu.memory_space<hbm>>) target(%arg8 : memref<80x128xf32, #tpu.memory_space<vmem>>) offsets(%arg12 : memref<80xi32, #tpu.memory_space<vmem>>) semaphore(%arg22 : memref<!tpu.dma_semaphore, #tpu.memory_space<semaphore_mem>>)
    %dma_wait3A_85 = arith.constant 0 : i32
    %dma_wait3A_86 = arith.constant 0 : i32
    %dma_wait3A_87 = tpu.memref_slice %arg3[%add3A, %dma_wait3A_85, %dma_wait3A_86] : memref<32x125x80xi32, #tpu.memory_space<hbm>> -> memref<1x1x80xi32, #tpu.memory_space<hbm>>
    %dma_wait3A_88 = tpu.memref_squeeze %dma_wait3A_87 : memref<1x1x80xi32, #tpu.memory_space<hbm>> -> memref<80xi32, #tpu.memory_space<hbm>>
    %dma_wait3A_89 = arith.constant 0 : i32
    %dma_wait3A_90 = tpu.memref_slice %arg3[%add3A, %dma_wait3A_85, %dma_wait3A_89] : memref<32x125x80xi32, #tpu.memory_space<hbm>> -> memref<1x1x80xi32, #tpu.memory_space<hbm>>
    %dma_wait3A_91 = tpu.memref_squeeze %dma_wait3A_90 : memref<1x1x80xi32, #tpu.memory_space<hbm>> -> memref<80xi32, #tpu.memory_space<hbm>>
    tpu.wait_dma2 semaphore(%arg31 : memref<!tpu.dma_semaphore, #tpu.memory_space<semaphore_mem>>) src(%dma_wait3A_91 : memref<80xi32, #tpu.memory_space<hbm>>) dst(%arg13 : memref<80xi32, #tpu.memory_space<vmem>>)
    %dma_start3A_92 = arith.constant 0 : i32
    %dma_start3A_93 = arith.constant 0 : i32
    %dma_start3A_94 = tpu.memref_slice %arg2[%dma_start3A_92, %dma_start3A_93] : memref<10000x128xf32, #tpu.memory_space<hbm>> -> memref<10000x128xf32, #tpu.memory_space<hbm>>
    tpu.enqueue_indirect_dma source(%dma_start3A_94 : memref<10000x128xf32, #tpu.memory_space<hbm>>) target(%arg9 : memref<80x128xf32, #tpu.memory_space<vmem>>) offsets(%arg13 : memref<80xi32, #tpu.memory_space<vmem>>) semaphore(%arg23 : memref<!tpu.dma_semaphore, #tpu.memory_space<semaphore_mem>>)
    %scan3A = arith.constant 0 : i32
    %scan3A_95 = arith.constant 0 : i32
    %scan3A_96 = arith.constant 16 : i32
    %scan3A_97 = arith.addi %scan3A_95, %scan3A_96 : i32
    %scan3A_98 = arith.constant 1 : i32
    scf.for %scan3A_144 = %scan3A_95 to %scan3A_97 step %scan3A_98  : i32 {
      %broadcast_in_dim3A = arith.constant 0.000000e+00 : f32
      %broadcast_in_dim3A_145 = vector.broadcast %broadcast_in_dim3A : f32 to vector<16xf32>
      %swap3A = arith.index_cast %scan3A_144 : i32 to index
      %swap3A_146 = arith.constant 0 : index
      %swap3A_147 = tpu.vector_load %arg18[%swap3A, %swap3A_146] {strides = array<i32>} : memref<16x128xf32, #tpu.memory_space<vmem>>, vector<1x16xf32>,
      %swap3A_148 = vector.shape_cast %swap3A_147 : vector<1x16xf32> to vector<16xf32>
      %swap3A_149 = vector.shape_cast %broadcast_in_dim3A_145 : vector<16xf32> to vector<1x16xf32>
      tpu.vector_store %arg18[%swap3A, %swap3A_146], %swap3A_149 {strides = array<i32>} : memref<16x128xf32, #tpu.memory_space<vmem>>, vector<1x16xf32>,
      %broadcast_in_dim3A_150 = arith.constant 0.000000e+00 : f32
      %broadcast_in_dim3A_151 = vector.broadcast %broadcast_in_dim3A_150 : f32 to vector<16xf32>
      %swap3A_152 = arith.index_cast %scan3A_144 : i32 to index
      %swap3A_153 = arith.constant 16 : index
      %swap3A_154 = tpu.vector_load %arg18[%swap3A_152, %swap3A_153] {strides = array<i32>} : memref<16x128xf32, #tpu.memory_space<vmem>>, vector<1x16xf32>,
      %swap3A_155 = vector.shape_cast %swap3A_154 : vector<1x16xf32> to vector<16xf32>
      %swap3A_156 = vector.shape_cast %broadcast_in_dim3A_151 : vector<16xf32> to vector<1x16xf32>
      tpu.vector_store %arg18[%swap3A_152, %swap3A_153], %swap3A_156 {strides = array<i32>} : memref<16x128xf32, #tpu.memory_space<vmem>>, vector<1x16xf32>,
      %broadcast_in_dim3A_157 = arith.constant 0.000000e+00 : f32
      %broadcast_in_dim3A_158 = vector.broadcast %broadcast_in_dim3A_157 : f32 to vector<16xf32>
      %swap3A_159 = arith.index_cast %scan3A_144 : i32 to index
      %swap3A_160 = arith.constant 32 : index
      %swap3A_161 = tpu.vector_load %arg18[%swap3A_159, %swap3A_160] {strides = array<i32>} : memref<16x128xf32, #tpu.memory_space<vmem>>, vector<1x16xf32>,
      %swap3A_162 = vector.shape_cast %swap3A_161 : vector<1x16xf32> to vector<16xf32>
      %swap3A_163 = vector.shape_cast %broadcast_in_dim3A_158 : vector<16xf32> to vector<1x16xf32>
      tpu.vector_store %arg18[%swap3A_159, %swap3A_160], %swap3A_163 {strides = array<i32>} : memref<16x128xf32, #tpu.memory_space<vmem>>, vector<1x16xf32>,
      %broadcast_in_dim3A_164 = arith.constant 0.000000e+00 : f32
      %broadcast_in_dim3A_165 = vector.broadcast %broadcast_in_dim3A_164 : f32 to vector<16xf32>
      %swap3A_166 = arith.index_cast %scan3A_144 : i32 to index
      %swap3A_167 = arith.constant 48 : index
      %swap3A_168 = tpu.vector_load %arg18[%swap3A_166, %swap3A_167] {strides = array<i32>} : memref<16x128xf32, #tpu.memory_space<vmem>>, vector<1x16xf32>,
      %swap3A_169 = vector.shape_cast %swap3A_168 : vector<1x16xf32> to vector<16xf32>
      %swap3A_170 = vector.shape_cast %broadcast_in_dim3A_165 : vector<16xf32> to vector<1x16xf32>
      tpu.vector_store %arg18[%swap3A_166, %swap3A_167], %swap3A_170 {strides = array<i32>} : memref<16x128xf32, #tpu.memory_space<vmem>>, vector<1x16xf32>,
      %broadcast_in_dim3A_171 = arith.constant 0.000000e+00 : f32
      %broadcast_in_dim3A_172 = vector.broadcast %broadcast_in_dim3A_171 : f32 to vector<16xf32>
      %swap3A_173 = arith.index_cast %scan3A_144 : i32 to index
      %swap3A_174 = arith.constant 64 : index
      %swap3A_175 = tpu.vector_load %arg18[%swap3A_173, %swap3A_174] {strides = array<i32>} : memref<16x128xf32, #tpu.memory_space<vmem>>, vector<1x16xf32>,
      %swap3A_176 = vector.shape_cast %swap3A_175 : vector<1x16xf32> to vector<16xf32>
      %swap3A_177 = vector.shape_cast %broadcast_in_dim3A_172 : vector<16xf32> to vector<1x16xf32>
      tpu.vector_store %arg18[%swap3A_173, %swap3A_174], %swap3A_177 {strides = array<i32>} : memref<16x128xf32, #tpu.memory_space<vmem>>, vector<1x16xf32>,
      %broadcast_in_dim3A_178 = arith.constant 0.000000e+00 : f32
      %broadcast_in_dim3A_179 = vector.broadcast %broadcast_in_dim3A_178 : f32 to vector<16xf32>
      %swap3A_180 = arith.index_cast %scan3A_144 : i32 to index
      %swap3A_181 = arith.constant 80 : index
      %swap3A_182 = tpu.vector_load %arg18[%swap3A_180, %swap3A_181] {strides = array<i32>} : memref<16x128xf32, #tpu.memory_space<vmem>>, vector<1x16xf32>,
      %swap3A_183 = vector.shape_cast %swap3A_182 : vector<1x16xf32> to vector<16xf32>
      %swap3A_184 = vector.shape_cast %broadcast_in_dim3A_179 : vector<16xf32> to vector<1x16xf32>
      tpu.vector_store %arg18[%swap3A_180, %swap3A_181], %swap3A_184 {strides = array<i32>} : memref<16x128xf32, #tpu.memory_space<vmem>>, vector<1x16xf32>,
      %broadcast_in_dim3A_185 = arith.constant 0.000000e+00 : f32
      %broadcast_in_dim3A_186 = vector.broadcast %broadcast_in_dim3A_185 : f32 to vector<16xf32>
      %swap3A_187 = arith.index_cast %scan3A_144 : i32 to index
      %swap3A_188 = arith.constant 96 : index
      %swap3A_189 = tpu.vector_load %arg18[%swap3A_187, %swap3A_188] {strides = array<i32>} : memref<16x128xf32, #tpu.memory_space<vmem>>, vector<1x16xf32>,
      %swap3A_190 = vector.shape_cast %swap3A_189 : vector<1x16xf32> to vector<16xf32>
      %swap3A_191 = vector.shape_cast %broadcast_in_dim3A_186 : vector<16xf32> to vector<1x16xf32>
      tpu.vector_store %arg18[%swap3A_187, %swap3A_188], %swap3A_191 {strides = array<i32>} : memref<16x128xf32, #tpu.memory_space<vmem>>, vector<1x16xf32>,
      %broadcast_in_dim3A_192 = arith.constant 0.000000e+00 : f32
      %broadcast_in_dim3A_193 = vector.broadcast %broadcast_in_dim3A_192 : f32 to vector<16xf32>
      %swap3A_194 = arith.index_cast %scan3A_144 : i32 to index
      %swap3A_195 = arith.constant 112 : index
      %swap3A_196 = tpu.vector_load %arg18[%swap3A_194, %swap3A_195] {strides = array<i32>} : memref<16x128xf32, #tpu.memory_space<vmem>>, vector<1x16xf32>,
      %swap3A_197 = vector.shape_cast %swap3A_196 : vector<1x16xf32> to vector<16xf32>
      %swap3A_198 = vector.shape_cast %broadcast_in_dim3A_193 : vector<16xf32> to vector<1x16xf32>
      tpu.vector_store %arg18[%swap3A_194, %swap3A_195], %swap3A_198 {strides = array<i32>} : memref<16x128xf32, #tpu.memory_space<vmem>>, vector<1x16xf32>,
    }
    %scan3A_99 = arith.constant 16 : i32
    %mul3A_100 = arith.constant 624 : i32
    %mul3A_101 = arith.muli %arg1, %mul3A_100 : i32
    %multiple_of3A = tpu.assume_multiple %mul3A_101, 16 : i32
    %scan3A_102 = arith.constant 0 : i32
    %scan3A_103 = arith.constant 0 : i32
    %scan3A_104 = arith.constant 39 : i32
    %scan3A_105 = arith.addi %scan3A_103, %scan3A_104 : i32
    %scan3A_106 = arith.constant 1 : i32
    scf.for %scan3A_144 = %scan3A_103 to %scan3A_105 step %scan3A_106  : i32 {
      %mul3A_145 = arith.constant 16 : i32
      %mul3A_146 = arith.muli %scan3A_144, %mul3A_145 : i32
      %add3A_147 = arith.addi %multiple_of3A, %mul3A_146 : i32
      "tpu.region"() ({
        %run_scoped3A = tpu.sem_alloc : memref<!tpu.dma_semaphore, #tpu.memory_space<semaphore_mem>>
        %dma_start3A_148 = arith.constant 0 : i32
        %dma_start3A_149 = tpu.memref_slice %arg19[%add3A_147, %dma_start3A_148] : memref<10000x128xf32, #tpu.memory_space<vmem_shared>> -> memref<16x128xf32, #tpu.memory_space<vmem_shared>>
        %dma_start3A_150 = arith.constant 0 : i32
        %dma_start3A_151 = tpu.memref_slice %arg19[%add3A_147, %dma_start3A_150] : memref<10000x128xf32, #tpu.memory_space<vmem_shared>> -> memref<16x128xf32, #tpu.memory_space<vmem_shared>>
        tpu.enqueue_dma source(%arg18 : memref<16x128xf32, #tpu.memory_space<vmem>>) target(%dma_start3A_151 : memref<16x128xf32, #tpu.memory_space<vmem_shared>>) target_semaphore(%run_scoped3A : memref<!tpu.dma_semaphore, #tpu.memory_space<semaphore_mem>>)
        %dma_wait3A_152 = arith.constant 0 : i32
        %dma_wait3A_153 = tpu.memref_slice %arg19[%add3A_147, %dma_wait3A_152] : memref<10000x128xf32, #tpu.memory_space<vmem_shared>> -> memref<16x128xf32, #tpu.memory_space<vmem_shared>>
        %dma_wait3A_154 = arith.constant 0 : i32
        %dma_wait3A_155 = tpu.memref_slice %arg19[%add3A_147, %dma_wait3A_154] : memref<10000x128xf32, #tpu.memory_space<vmem_shared>> -> memref<16x128xf32, #tpu.memory_space<vmem_shared>>
        tpu.wait_dma2 semaphore(%run_scoped3A : memref<!tpu.dma_semaphore, #tpu.memory_space<semaphore_mem>>) src(%arg18 : memref<16x128xf32, #tpu.memory_space<vmem>>) dst(%dma_wait3A_155 : memref<16x128xf32, #tpu.memory_space<vmem_shared>>)
        tpu.yield
      }) : () -> ()
    }
    %scan3A_107 = arith.constant 39 : i32
    %eq3A = arith.constant 15 : i32
    %eq3A_108 = arith.cmpi eq, %arg1, %eq3A : i32
    %convert_element_type3A = arith.extui %eq3A_108 : i1 to i32
    %cond3A = arith.constant 0 : i32
    %cond3A_109 = arith.cmpi ne, %convert_element_type3A, %cond3A : i32
    scf.if %cond3A_109 {
      "tpu.region"() ({
        %run_scoped3A = tpu.sem_alloc : memref<!tpu.dma_semaphore, #tpu.memory_space<semaphore_mem>>
        %dma_start3A_144 = arith.constant 9984 : i32
        %dma_start3A_145 = arith.constant 0 : i32
        %dma_start3A_146 = tpu.memref_slice %arg19[%dma_start3A_144, %dma_start3A_145] : memref<10000x128xf32, #tpu.memory_space<vmem_shared>> -> memref<16x128xf32, #tpu.memory_space<vmem_shared>>
        %dma_start3A_147 = arith.constant 9984 : i32
        %dma_start3A_148 = arith.constant 0 : i32
        %dma_start3A_149 = tpu.memref_slice %arg19[%dma_start3A_147, %dma_start3A_148] : memref<10000x128xf32, #tpu.memory_space<vmem_shared>> -> memref<16x128xf32, #tpu.memory_space<vmem_shared>>
        tpu.enqueue_dma source(%arg18 : memref<16x128xf32, #tpu.memory_space<vmem>>) target(%dma_start3A_149 : memref<16x128xf32, #tpu.memory_space<vmem_shared>>) target_semaphore(%run_scoped3A : memref<!tpu.dma_semaphore, #tpu.memory_space<semaphore_mem>>)
        %dma_wait3A_150 = arith.constant 9984 : i32
        %dma_wait3A_151 = arith.constant 0 : i32
        %dma_wait3A_152 = tpu.memref_slice %arg19[%dma_wait3A_150, %dma_wait3A_151] : memref<10000x128xf32, #tpu.memory_space<vmem_shared>> -> memref<16x128xf32, #tpu.memory_space<vmem_shared>>
        %dma_wait3A_153 = arith.constant 9984 : i32
        %dma_wait3A_154 = arith.constant 0 : i32
        %dma_wait3A_155 = tpu.memref_slice %arg19[%dma_wait3A_153, %dma_wait3A_154] : memref<10000x128xf32, #tpu.memory_space<vmem_shared>> -> memref<16x128xf32, #tpu.memory_space<vmem_shared>>
        tpu.wait_dma2 semaphore(%run_scoped3A : memref<!tpu.dma_semaphore, #tpu.memory_space<semaphore_mem>>) src(%arg18 : memref<16x128xf32, #tpu.memory_space<vmem>>) dst(%dma_wait3A_155 : memref<16x128xf32, #tpu.memory_space<vmem_shared>>)
        tpu.yield
      }) : () -> ()
    } else {
    }
    %barrier3A = arith.constant 0 : index
    tpu.barrier barrier_id(%barrier3A)
    %scan3A_110 = arith.constant 0 : i32
    %scan3A_111 = arith.constant 0 : i32
    %scan3A_112 = arith.constant 31 : i32
    %scan3A_113 = arith.addi %scan3A_111, %scan3A_112 : i32
    %scan3A_114 = arith.constant 1 : i32
    scf.for %scan3A_144 = %scan3A_111 to %scan3A_113 step %scan3A_114  : i32 {
      %mul3A_145 = arith.constant 4 : i32
      %mul3A_146 = arith.muli %scan3A_144, %mul3A_145 : i32
      %add3A_147 = arith.constant 0 : i32
      %add3A_148 = arith.addi %mul3A_146, %add3A_147 : i32
      %dma_wait3A_149 = arith.constant 0 : i32
      %dma_wait3A_150 = arith.constant 0 : i32
      %dma_wait3A_151 = tpu.memref_slice %arg2[%dma_wait3A_149, %dma_wait3A_150] : memref<10000x128xf32, #tpu.memory_space<hbm>> -> memref<10000x128xf32, #tpu.memory_space<hbm>>
      tpu.wait_indirect_dma semaphore(%arg20 : memref<!tpu.dma_semaphore, #tpu.memory_space<semaphore_mem>>) src(%dma_wait3A_151 : memref<10000x128xf32, #tpu.memory_space<hbm>>) dst(%arg6 : memref<80x128xf32, #tpu.memory_space<vmem>>)
      %dma_wait3A_152 = arith.constant 0 : i32
      %dma_wait3A_153 = arith.constant 0 : i32
      %dma_wait3A_154 = tpu.memref_slice %arg4[%add3A, %dma_wait3A_152, %dma_wait3A_153] : memref<32x125x80xi32, #tpu.memory_space<hbm>> -> memref<1x1x80xi32, #tpu.memory_space<hbm>>
      %dma_wait3A_155 = tpu.memref_squeeze %dma_wait3A_154 : memref<1x1x80xi32, #tpu.memory_space<hbm>> -> memref<80xi32, #tpu.memory_space<hbm>>
      %dma_wait3A_156 = arith.constant 0 : i32
      %dma_wait3A_157 = tpu.memref_slice %arg4[%add3A, %dma_wait3A_152, %dma_wait3A_156] : memref<32x125x80xi32, #tpu.memory_space<hbm>> -> memref<1x1x80xi32, #tpu.memory_space<hbm>>
      %dma_wait3A_158 = tpu.memref_squeeze %dma_wait3A_157 : memref<1x1x80xi32, #tpu.memory_space<hbm>> -> memref<80xi32, #tpu.memory_space<hbm>>
      tpu.wait_dma2 semaphore(%arg32 : memref<!tpu.dma_semaphore, #tpu.memory_space<semaphore_mem>>) src(%dma_wait3A_158 : memref<80xi32, #tpu.memory_space<hbm>>) dst(%arg14 : memref<80xi32, #tpu.memory_space<vmem>>)
      %dma_start3A_159 = arith.constant 0 : i32
      %dma_start3A_160 = arith.constant 0 : i32
      %dma_start3A_161 = tpu.memref_slice %arg19[%dma_start3A_159, %dma_start3A_160] : memref<10000x128xf32, #tpu.memory_space<vmem_shared>> -> memref<10000x128xf32, #tpu.memory_space<vmem_shared>>
      tpu.enqueue_indirect_dma source(%arg6 : memref<80x128xf32, #tpu.memory_space<vmem>>) target(%dma_start3A_161 : memref<10000x128xf32, #tpu.memory_space<vmem_shared>>) offsets(%arg14 : memref<80xi32, #tpu.memory_space<vmem>>) semaphore(%arg24 : memref<!tpu.dma_semaphore, #tpu.memory_space<semaphore_mem>>) {add = true}
      %add3A_162 = arith.constant 4 : i32
      %add3A_163 = arith.addi %add3A_148, %add3A_162 : i32
      %lt3A = arith.constant 125 : i32
      %lt3A_164 = arith.cmpi slt, %add3A_163, %lt3A : i32
      %convert_element_type3A_165 = arith.extui %lt3A_164 : i1 to i32
      %cond3A_166 = arith.constant 0 : i32
      %cond3A_167 = arith.cmpi ne, %convert_element_type3A_165, %cond3A_166 : i32
      scf.if %cond3A_167 {
        %add3A_280 = arith.constant 4 : i32
        %add3A_281 = arith.addi %add3A_148, %add3A_280 : i32
        %dma_start3A_282 = arith.constant 0 : i32
        %dma_start3A_283 = tpu.memref_slice %arg3[%add3A, %add3A_281, %dma_start3A_282] : memref<32x125x80xi32, #tpu.memory_space<hbm>> -> memref<1x1x80xi32, #tpu.memory_space<hbm>>
        %dma_start3A_284 = tpu.memref_squeeze %dma_start3A_283 : memref<1x1x80xi32, #tpu.memory_space<hbm>> -> memref<80xi32, #tpu.memory_space<hbm>>
        %dma_start3A_285 = arith.constant 0 : i32
        %dma_start3A_286 = tpu.memref_slice %arg3[%add3A, %add3A_281, %dma_start3A_285] : memref<32x125x80xi32, #tpu.memory_space<hbm>> -> memref<1x1x80xi32, #tpu.memory_space<hbm>>
        %dma_start3A_287 = tpu.memref_squeeze %dma_start3A_286 : memref<1x1x80xi32, #tpu.memory_space<hbm>> -> memref<80xi32, #tpu.memory_space<hbm>>
        tpu.enqueue_dma source(%dma_start3A_287 : memref<80xi32, #tpu.memory_space<hbm>>) target(%arg10 : memref<80xi32, #tpu.memory_space<vmem>>) target_semaphore(%arg28 : memref<!tpu.dma_semaphore, #tpu.memory_space<semaphore_mem>>)
      } else {
      }
      %dma_wait3A_168 = arith.constant 0 : i32
      %dma_wait3A_169 = arith.constant 0 : i32
      %dma_wait3A_170 = tpu.memref_slice %arg19[%dma_wait3A_168, %dma_wait3A_169] : memref<10000x128xf32, #tpu.memory_space<vmem_shared>> -> memref<10000x128xf32, #tpu.memory_space<vmem_shared>>
      tpu.wait_indirect_dma semaphore(%arg24 : memref<!tpu.dma_semaphore, #tpu.memory_space<semaphore_mem>>) src(%arg6 : memref<80x128xf32, #tpu.memory_space<vmem>>) dst(%dma_wait3A_170 : memref<10000x128xf32, #tpu.memory_space<vmem_shared>>)
      %add3A_171 = arith.constant 4 : i32
      %add3A_172 = arith.addi %add3A_148, %add3A_171 : i32
      %lt3A_173 = arith.constant 125 : i32
      %lt3A_174 = arith.cmpi slt, %add3A_172, %lt3A_173 : i32
      %convert_element_type3A_175 = arith.extui %lt3A_174 : i1 to i32
      %cond3A_176 = arith.constant 0 : i32
      %cond3A_177 = arith.cmpi ne, %convert_element_type3A_175, %cond3A_176 : i32
      scf.if %cond3A_177 {
        %add3A_280 = arith.constant 4 : i32
        %add3A_281 = arith.addi %add3A_148, %add3A_280 : i32
        %dma_start3A_282 = arith.constant 0 : i32
        %dma_start3A_283 = tpu.memref_slice %arg4[%add3A, %add3A_281, %dma_start3A_282] : memref<32x125x80xi32, #tpu.memory_space<hbm>> -> memref<1x1x80xi32, #tpu.memory_space<hbm>>
        %dma_start3A_284 = tpu.memref_squeeze %dma_start3A_283 : memref<1x1x80xi32, #tpu.memory_space<hbm>> -> memref<80xi32, #tpu.memory_space<hbm>>
        %dma_start3A_285 = arith.constant 0 : i32
        %dma_start3A_286 = tpu.memref_slice %arg4[%add3A, %add3A_281, %dma_start3A_285] : memref<32x125x80xi32, #tpu.memory_space<hbm>> -> memref<1x1x80xi32, #tpu.memory_space<hbm>>
        %dma_start3A_287 = tpu.memref_squeeze %dma_start3A_286 : memref<1x1x80xi32, #tpu.memory_space<hbm>> -> memref<80xi32, #tpu.memory_space<hbm>>
        tpu.enqueue_dma source(%dma_start3A_287 : memref<80xi32, #tpu.memory_space<hbm>>) target(%arg14 : memref<80xi32, #tpu.memory_space<vmem>>) target_semaphore(%arg32 : memref<!tpu.dma_semaphore, #tpu.memory_space<semaphore_mem>>)
        %dma_wait3A_288 = arith.constant 0 : i32
        %dma_wait3A_289 = arith.constant 0 : i32
        %dma_wait3A_290 = tpu.memref_slice %arg3[%add3A, %dma_wait3A_288, %dma_wait3A_289] : memref<32x125x80xi32, #tpu.memory_space<hbm>> -> memref<1x1x80xi32, #tpu.memory_space<hbm>>
        %dma_wait3A_291 = tpu.memref_squeeze %dma_wait3A_290 : memref<1x1x80xi32, #tpu.memory_space<hbm>> -> memref<80xi32, #tpu.memory_space<hbm>>
        %dma_wait3A_292 = arith.constant 0 : i32
        %dma_wait3A_293 = tpu.memref_slice %arg3[%add3A, %dma_wait3A_288, %dma_wait3A_292] : memref<32x125x80xi32, #tpu.memory_space<hbm>> -> memref<1x1x80xi32, #tpu.memory_space<hbm>>
        %dma_wait3A_294 = tpu.memref_squeeze %dma_wait3A_293 : memref<1x1x80xi32, #tpu.memory_space<hbm>> -> memref<80xi32, #tpu.memory_space<hbm>>
        tpu.wait_dma2 semaphore(%arg28 : memref<!tpu.dma_semaphore, #tpu.memory_space<semaphore_mem>>) src(%dma_wait3A_294 : memref<80xi32, #tpu.memory_space<hbm>>) dst(%arg10 : memref<80xi32, #tpu.memory_space<vmem>>)
        %dma_start3A_295 = arith.constant 0 : i32
        %dma_start3A_296 = arith.constant 0 : i32
        %dma_start3A_297 = tpu.memref_slice %arg2[%dma_start3A_295, %dma_start3A_296] : memref<10000x128xf32, #tpu.memory_space<hbm>> -> memref<10000x128xf32, #tpu.memory_space<hbm>>
        tpu.enqueue_indirect_dma source(%dma_start3A_297 : memref<10000x128xf32, #tpu.memory_space<hbm>>) target(%arg6 : memref<80x128xf32, #tpu.memory_space<vmem>>) offsets(%arg10 : memref<80xi32, #tpu.memory_space<vmem>>) semaphore(%arg20 : memref<!tpu.dma_semaphore, #tpu.memory_space<semaphore_mem>>)
      } else {
      }
      %mul3A_178 = arith.constant 4 : i32
      %mul3A_179 = arith.muli %scan3A_144, %mul3A_178 : i32
      %add3A_180 = arith.constant 1 : i32
      %add3A_181 = arith.addi %mul3A_179, %add3A_180 : i32
      %dma_wait3A_182 = arith.constant 0 : i32
      %dma_wait3A_183 = arith.constant 0 : i32
      %dma_wait3A_184 = tpu.memref_slice %arg2[%dma_wait3A_182, %dma_wait3A_183] : memref<10000x128xf32, #tpu.memory_space<hbm>> -> memref<10000x128xf32, #tpu.memory_space<hbm>>
      tpu.wait_indirect_dma semaphore(%arg21 : memref<!tpu.dma_semaphore, #tpu.memory_space<semaphore_mem>>) src(%dma_wait3A_184 : memref<10000x128xf32, #tpu.memory_space<hbm>>) dst(%arg7 : memref<80x128xf32, #tpu.memory_space<vmem>>)
      %dma_wait3A_185 = arith.constant 0 : i32
      %dma_wait3A_186 = arith.constant 0 : i32
      %dma_wait3A_187 = tpu.memref_slice %arg4[%add3A, %dma_wait3A_185, %dma_wait3A_186] : memref<32x125x80xi32, #tpu.memory_space<hbm>> -> memref<1x1x80xi32, #tpu.memory_space<hbm>>
      %dma_wait3A_188 = tpu.memref_squeeze %dma_wait3A_187 : memref<1x1x80xi32, #tpu.memory_space<hbm>> -> memref<80xi32, #tpu.memory_space<hbm>>
      %dma_wait3A_189 = arith.constant 0 : i32
      %dma_wait3A_190 = tpu.memref_slice %arg4[%add3A, %dma_wait3A_185, %dma_wait3A_189] : memref<32x125x80xi32, #tpu.memory_space<hbm>> -> memref<1x1x80xi32, #tpu.memory_space<hbm>>
      %dma_wait3A_191 = tpu.memref_squeeze %dma_wait3A_190 : memref<1x1x80xi32, #tpu.memory_space<hbm>> -> memref<80xi32, #tpu.memory_space<hbm>>
      tpu.wait_dma2 semaphore(%arg33 : memref<!tpu.dma_semaphore, #tpu.memory_space<semaphore_mem>>) src(%dma_wait3A_191 : memref<80xi32, #tpu.memory_space<hbm>>) dst(%arg15 : memref<80xi32, #tpu.memory_space<vmem>>)
      %dma_start3A_192 = arith.constant 0 : i32
      %dma_start3A_193 = arith.constant 0 : i32
      %dma_start3A_194 = tpu.memref_slice %arg19[%dma_start3A_192, %dma_start3A_193] : memref<10000x128xf32, #tpu.memory_space<vmem_shared>> -> memref<10000x128xf32, #tpu.memory_space<vmem_shared>>
      tpu.enqueue_indirect_dma source(%arg7 : memref<80x128xf32, #tpu.memory_space<vmem>>) target(%dma_start3A_194 : memref<10000x128xf32, #tpu.memory_space<vmem_shared>>) offsets(%arg15 : memref<80xi32, #tpu.memory_space<vmem>>) semaphore(%arg25 : memref<!tpu.dma_semaphore, #tpu.memory_space<semaphore_mem>>) {add = true}
      %add3A_195 = arith.constant 4 : i32
      %add3A_196 = arith.addi %add3A_181, %add3A_195 : i32
      %lt3A_197 = arith.constant 125 : i32
      %lt3A_198 = arith.cmpi slt, %add3A_196, %lt3A_197 : i32
      %convert_element_type3A_199 = arith.extui %lt3A_198 : i1 to i32
      %cond3A_200 = arith.constant 0 : i32
      %cond3A_201 = arith.cmpi ne, %convert_element_type3A_199, %cond3A_200 : i32
      scf.if %cond3A_201 {
        %add3A_280 = arith.constant 4 : i32
        %add3A_281 = arith.addi %add3A_181, %add3A_280 : i32
        %dma_start3A_282 = arith.constant 0 : i32
        %dma_start3A_283 = tpu.memref_slice %arg3[%add3A, %add3A_281, %dma_start3A_282] : memref<32x125x80xi32, #tpu.memory_space<hbm>> -> memref<1x1x80xi32, #tpu.memory_space<hbm>>
        %dma_start3A_284 = tpu.memref_squeeze %dma_start3A_283 : memref<1x1x80xi32, #tpu.memory_space<hbm>> -> memref<80xi32, #tpu.memory_space<hbm>>
        %dma_start3A_285 = arith.constant 0 : i32
        %dma_start3A_286 = tpu.memref_slice %arg3[%add3A, %add3A_281, %dma_start3A_285] : memref<32x125x80xi32, #tpu.memory_space<hbm>> -> memref<1x1x80xi32, #tpu.memory_space<hbm>>
        %dma_start3A_287 = tpu.memref_squeeze %dma_start3A_286 : memref<1x1x80xi32, #tpu.memory_space<hbm>> -> memref<80xi32, #tpu.memory_space<hbm>>
        tpu.enqueue_dma source(%dma_start3A_287 : memref<80xi32, #tpu.memory_space<hbm>>) target(%arg11 : memref<80xi32, #tpu.memory_space<vmem>>) target_semaphore(%arg29 : memref<!tpu.dma_semaphore, #tpu.memory_space<semaphore_mem>>)
      } else {
      }
      %dma_wait3A_202 = arith.constant 0 : i32
      %dma_wait3A_203 = arith.constant 0 : i32
      %dma_wait3A_204 = tpu.memref_slice %arg19[%dma_wait3A_202, %dma_wait3A_203] : memref<10000x128xf32, #tpu.memory_space<vmem_shared>> -> memref<10000x128xf32, #tpu.memory_space<vmem_shared>>
      tpu.wait_indirect_dma semaphore(%arg25 : memref<!tpu.dma_semaphore, #tpu.memory_space<semaphore_mem>>) src(%arg7 : memref<80x128xf32, #tpu.memory_space<vmem>>) dst(%dma_wait3A_204 : memref<10000x128xf32, #tpu.memory_space<vmem_shared>>)
      %add3A_205 = arith.constant 4 : i32
      %add3A_206 = arith.addi %add3A_181, %add3A_205 : i32
      %lt3A_207 = arith.constant 125 : i32
      %lt3A_208 = arith.cmpi slt, %add3A_206, %lt3A_207 : i32
      %convert_element_type3A_209 = arith.extui %lt3A_208 : i1 to i32
      %cond3A_210 = arith.constant 0 : i32
      %cond3A_211 = arith.cmpi ne, %convert_element_type3A_209, %cond3A_210 : i32
      scf.if %cond3A_211 {
        %add3A_280 = arith.constant 4 : i32
        %add3A_281 = arith.addi %add3A_181, %add3A_280 : i32
        %dma_start3A_282 = arith.constant 0 : i32
        %dma_start3A_283 = tpu.memref_slice %arg4[%add3A, %add3A_281, %dma_start3A_282] : memref<32x125x80xi32, #tpu.memory_space<hbm>> -> memref<1x1x80xi32, #tpu.memory_space<hbm>>
        %dma_start3A_284 = tpu.memref_squeeze %dma_start3A_283 : memref<1x1x80xi32, #tpu.memory_space<hbm>> -> memref<80xi32, #tpu.memory_space<hbm>>
        %dma_start3A_285 = arith.constant 0 : i32
        %dma_start3A_286 = tpu.memref_slice %arg4[%add3A, %add3A_281, %dma_start3A_285] : memref<32x125x80xi32, #tpu.memory_space<hbm>> -> memref<1x1x80xi32, #tpu.memory_space<hbm>>
        %dma_start3A_287 = tpu.memref_squeeze %dma_start3A_286 : memref<1x1x80xi32, #tpu.memory_space<hbm>> -> memref<80xi32, #tpu.memory_space<hbm>>
        tpu.enqueue_dma source(%dma_start3A_287 : memref<80xi32, #tpu.memory_space<hbm>>) target(%arg15 : memref<80xi32, #tpu.memory_space<vmem>>) target_semaphore(%arg33 : memref<!tpu.dma_semaphore, #tpu.memory_space<semaphore_mem>>)
        %dma_wait3A_288 = arith.constant 0 : i32
        %dma_wait3A_289 = arith.constant 0 : i32
        %dma_wait3A_290 = tpu.memref_slice %arg3[%add3A, %dma_wait3A_288, %dma_wait3A_289] : memref<32x125x80xi32, #tpu.memory_space<hbm>> -> memref<1x1x80xi32, #tpu.memory_space<hbm>>
        %dma_wait3A_291 = tpu.memref_squeeze %dma_wait3A_290 : memref<1x1x80xi32, #tpu.memory_space<hbm>> -> memref<80xi32, #tpu.memory_space<hbm>>
        %dma_wait3A_292 = arith.constant 0 : i32
        %dma_wait3A_293 = tpu.memref_slice %arg3[%add3A, %dma_wait3A_288, %dma_wait3A_292] : memref<32x125x80xi32, #tpu.memory_space<hbm>> -> memref<1x1x80xi32, #tpu.memory_space<hbm>>
        %dma_wait3A_294 = tpu.memref_squeeze %dma_wait3A_293 : memref<1x1x80xi32, #tpu.memory_space<hbm>> -> memref<80xi32, #tpu.memory_space<hbm>>
        tpu.wait_dma2 semaphore(%arg29 : memref<!tpu.dma_semaphore, #tpu.memory_space<semaphore_mem>>) src(%dma_wait3A_294 : memref<80xi32, #tpu.memory_space<hbm>>) dst(%arg11 : memref<80xi32, #tpu.memory_space<vmem>>)
        %dma_start3A_295 = arith.constant 0 : i32
        %dma_start3A_296 = arith.constant 0 : i32
        %dma_start3A_297 = tpu.memref_slice %arg2[%dma_start3A_295, %dma_start3A_296] : memref<10000x128xf32, #tpu.memory_space<hbm>> -> memref<10000x128xf32, #tpu.memory_space<hbm>>
        tpu.enqueue_indirect_dma source(%dma_start3A_297 : memref<10000x128xf32, #tpu.memory_space<hbm>>) target(%arg7 : memref<80x128xf32, #tpu.memory_space<vmem>>) offsets(%arg11 : memref<80xi32, #tpu.memory_space<vmem>>) semaphore(%arg21 : memref<!tpu.dma_semaphore, #tpu.memory_space<semaphore_mem>>)
      } else {
      }
      %mul3A_212 = arith.constant 4 : i32
      %mul3A_213 = arith.muli %scan3A_144, %mul3A_212 : i32
      %add3A_214 = arith.constant 2 : i32
      %add3A_215 = arith.addi %mul3A_213, %add3A_214 : i32
      %dma_wait3A_216 = arith.constant 0 : i32
      %dma_wait3A_217 = arith.constant 0 : i32
      %dma_wait3A_218 = tpu.memref_slice %arg2[%dma_wait3A_216, %dma_wait3A_217] : memref<10000x128xf32, #tpu.memory_space<hbm>> -> memref<10000x128xf32, #tpu.memory_space<hbm>>
      tpu.wait_indirect_dma semaphore(%arg22 : memref<!tpu.dma_semaphore, #tpu.memory_space<semaphore_mem>>) src(%dma_wait3A_218 : memref<10000x128xf32, #tpu.memory_space<hbm>>) dst(%arg8 : memref<80x128xf32, #tpu.memory_space<vmem>>)
      %dma_wait3A_219 = arith.constant 0 : i32
      %dma_wait3A_220 = arith.constant 0 : i32
      %dma_wait3A_221 = tpu.memref_slice %arg4[%add3A, %dma_wait3A_219, %dma_wait3A_220] : memref<32x125x80xi32, #tpu.memory_space<hbm>> -> memref<1x1x80xi32, #tpu.memory_space<hbm>>
      %dma_wait3A_222 = tpu.memref_squeeze %dma_wait3A_221 : memref<1x1x80xi32, #tpu.memory_space<hbm>> -> memref<80xi32, #tpu.memory_space<hbm>>
      %dma_wait3A_223 = arith.constant 0 : i32
      %dma_wait3A_224 = tpu.memref_slice %arg4[%add3A, %dma_wait3A_219, %dma_wait3A_223] : memref<32x125x80xi32, #tpu.memory_space<hbm>> -> memref<1x1x80xi32, #tpu.memory_space<hbm>>
      %dma_wait3A_225 = tpu.memref_squeeze %dma_wait3A_224 : memref<1x1x80xi32, #tpu.memory_space<hbm>> -> memref<80xi32, #tpu.memory_space<hbm>>
      tpu.wait_dma2 semaphore(%arg34 : memref<!tpu.dma_semaphore, #tpu.memory_space<semaphore_mem>>) src(%dma_wait3A_225 : memref<80xi32, #tpu.memory_space<hbm>>) dst(%arg16 : memref<80xi32, #tpu.memory_space<vmem>>)
      %dma_start3A_226 = arith.constant 0 : i32
      %dma_start3A_227 = arith.constant 0 : i32
      %dma_start3A_228 = tpu.memref_slice %arg19[%dma_start3A_226, %dma_start3A_227] : memref<10000x128xf32, #tpu.memory_space<vmem_shared>> -> memref<10000x128xf32, #tpu.memory_space<vmem_shared>>
      tpu.enqueue_indirect_dma source(%arg8 : memref<80x128xf32, #tpu.memory_space<vmem>>) target(%dma_start3A_228 : memref<10000x128xf32, #tpu.memory_space<vmem_shared>>) offsets(%arg16 : memref<80xi32, #tpu.memory_space<vmem>>) semaphore(%arg26 : memref<!tpu.dma_semaphore, #tpu.memory_space<semaphore_mem>>) {add = true}
      %add3A_229 = arith.constant 4 : i32
      %add3A_230 = arith.addi %add3A_215, %add3A_229 : i32
      %lt3A_231 = arith.constant 125 : i32
      %lt3A_232 = arith.cmpi slt, %add3A_230, %lt3A_231 : i32
      %convert_element_type3A_233 = arith.extui %lt3A_232 : i1 to i32
      %cond3A_234 = arith.constant 0 : i32
      %cond3A_235 = arith.cmpi ne, %convert_element_type3A_233, %cond3A_234 : i32
      scf.if %cond3A_235 {
        %add3A_280 = arith.constant 4 : i32
        %add3A_281 = arith.addi %add3A_215, %add3A_280 : i32
        %dma_start3A_282 = arith.constant 0 : i32
        %dma_start3A_283 = tpu.memref_slice %arg3[%add3A, %add3A_281, %dma_start3A_282] : memref<32x125x80xi32, #tpu.memory_space<hbm>> -> memref<1x1x80xi32, #tpu.memory_space<hbm>>
        %dma_start3A_284 = tpu.memref_squeeze %dma_start3A_283 : memref<1x1x80xi32, #tpu.memory_space<hbm>> -> memref<80xi32, #tpu.memory_space<hbm>>
        %dma_start3A_285 = arith.constant 0 : i32
        %dma_start3A_286 = tpu.memref_slice %arg3[%add3A, %add3A_281, %dma_start3A_285] : memref<32x125x80xi32, #tpu.memory_space<hbm>> -> memref<1x1x80xi32, #tpu.memory_space<hbm>>
        %dma_start3A_287 = tpu.memref_squeeze %dma_start3A_286 : memref<1x1x80xi32, #tpu.memory_space<hbm>> -> memref<80xi32, #tpu.memory_space<hbm>>
        tpu.enqueue_dma source(%dma_start3A_287 : memref<80xi32, #tpu.memory_space<hbm>>) target(%arg12 : memref<80xi32, #tpu.memory_space<vmem>>) target_semaphore(%arg30 : memref<!tpu.dma_semaphore, #tpu.memory_space<semaphore_mem>>)
      } else {
      }
      %dma_wait3A_236 = arith.constant 0 : i32
      %dma_wait3A_237 = arith.constant 0 : i32
      %dma_wait3A_238 = tpu.memref_slice %arg19[%dma_wait3A_236, %dma_wait3A_237] : memref<10000x128xf32, #tpu.memory_space<vmem_shared>> -> memref<10000x128xf32, #tpu.memory_space<vmem_shared>>
      tpu.wait_indirect_dma semaphore(%arg26 : memref<!tpu.dma_semaphore, #tpu.memory_space<semaphore_mem>>) src(%arg8 : memref<80x128xf32, #tpu.memory_space<vmem>>) dst(%dma_wait3A_238 : memref<10000x128xf32, #tpu.memory_space<vmem_shared>>)
      %add3A_239 = arith.constant 4 : i32
      %add3A_240 = arith.addi %add3A_215, %add3A_239 : i32
      %lt3A_241 = arith.constant 125 : i32
      %lt3A_242 = arith.cmpi slt, %add3A_240, %lt3A_241 : i32
      %convert_element_type3A_243 = arith.extui %lt3A_242 : i1 to i32
      %cond3A_244 = arith.constant 0 : i32
      %cond3A_245 = arith.cmpi ne, %convert_element_type3A_243, %cond3A_244 : i32
      scf.if %cond3A_245 {
        %add3A_280 = arith.constant 4 : i32
        %add3A_281 = arith.addi %add3A_215, %add3A_280 : i32
        %dma_start3A_282 = arith.constant 0 : i32
        %dma_start3A_283 = tpu.memref_slice %arg4[%add3A, %add3A_281, %dma_start3A_282] : memref<32x125x80xi32, #tpu.memory_space<hbm>> -> memref<1x1x80xi32, #tpu.memory_space<hbm>>
        %dma_start3A_284 = tpu.memref_squeeze %dma_start3A_283 : memref<1x1x80xi32, #tpu.memory_space<hbm>> -> memref<80xi32, #tpu.memory_space<hbm>>
        %dma_start3A_285 = arith.constant 0 : i32
        %dma_start3A_286 = tpu.memref_slice %arg4[%add3A, %add3A_281, %dma_start3A_285] : memref<32x125x80xi32, #tpu.memory_space<hbm>> -> memref<1x1x80xi32, #tpu.memory_space<hbm>>
        %dma_start3A_287 = tpu.memref_squeeze %dma_start3A_286 : memref<1x1x80xi32, #tpu.memory_space<hbm>> -> memref<80xi32, #tpu.memory_space<hbm>>
        tpu.enqueue_dma source(%dma_start3A_287 : memref<80xi32, #tpu.memory_space<hbm>>) target(%arg16 : memref<80xi32, #tpu.memory_space<vmem>>) target_semaphore(%arg34 : memref<!tpu.dma_semaphore, #tpu.memory_space<semaphore_mem>>)
        %dma_wait3A_288 = arith.constant 0 : i32
        %dma_wait3A_289 = arith.constant 0 : i32
        %dma_wait3A_290 = tpu.memref_slice %arg3[%add3A, %dma_wait3A_288, %dma_wait3A_289] : memref<32x125x80xi32, #tpu.memory_space<hbm>> -> memref<1x1x80xi32, #tpu.memory_space<hbm>>
        %dma_wait3A_291 = tpu.memref_squeeze %dma_wait3A_290 : memref<1x1x80xi32, #tpu.memory_space<hbm>> -> memref<80xi32, #tpu.memory_space<hbm>>
        %dma_wait3A_292 = arith.constant 0 : i32
        %dma_wait3A_293 = tpu.memref_slice %arg3[%add3A, %dma_wait3A_288, %dma_wait3A_292] : memref<32x125x80xi32, #tpu.memory_space<hbm>> -> memref<1x1x80xi32, #tpu.memory_space<hbm>>
        %dma_wait3A_294 = tpu.memref_squeeze %dma_wait3A_293 : memref<1x1x80xi32, #tpu.memory_space<hbm>> -> memref<80xi32, #tpu.memory_space<hbm>>
        tpu.wait_dma2 semaphore(%arg30 : memref<!tpu.dma_semaphore, #tpu.memory_space<semaphore_mem>>) src(%dma_wait3A_294 : memref<80xi32, #tpu.memory_space<hbm>>) dst(%arg12 : memref<80xi32, #tpu.memory_space<vmem>>)
        %dma_start3A_295 = arith.constant 0 : i32
        %dma_start3A_296 = arith.constant 0 : i32
        %dma_start3A_297 = tpu.memref_slice %arg2[%dma_start3A_295, %dma_start3A_296] : memref<10000x128xf32, #tpu.memory_space<hbm>> -> memref<10000x128xf32, #tpu.memory_space<hbm>>
        tpu.enqueue_indirect_dma source(%dma_start3A_297 : memref<10000x128xf32, #tpu.memory_space<hbm>>) target(%arg8 : memref<80x128xf32, #tpu.memory_space<vmem>>) offsets(%arg12 : memref<80xi32, #tpu.memory_space<vmem>>) semaphore(%arg22 : memref<!tpu.dma_semaphore, #tpu.memory_space<semaphore_mem>>)
      } else {
      }
      %mul3A_246 = arith.constant 4 : i32
      %mul3A_247 = arith.muli %scan3A_144, %mul3A_246 : i32
      %add3A_248 = arith.constant 3 : i32
      %add3A_249 = arith.addi %mul3A_247, %add3A_248 : i32
      %dma_wait3A_250 = arith.constant 0 : i32
      %dma_wait3A_251 = arith.constant 0 : i32
      %dma_wait3A_252 = tpu.memref_slice %arg2[%dma_wait3A_250, %dma_wait3A_251] : memref<10000x128xf32, #tpu.memory_space<hbm>> -> memref<10000x128xf32, #tpu.memory_space<hbm>>
      tpu.wait_indirect_dma semaphore(%arg23 : memref<!tpu.dma_semaphore, #tpu.memory_space<semaphore_mem>>) src(%dma_wait3A_252 : memref<10000x128xf32, #tpu.memory_space<hbm>>) dst(%arg9 : memref<80x128xf32, #tpu.memory_space<vmem>>)
      %dma_wait3A_253 = arith.constant 0 : i32
      %dma_wait3A_254 = arith.constant 0 : i32
      %dma_wait3A_255 = tpu.memref_slice %arg4[%add3A, %dma_wait3A_253, %dma_wait3A_254] : memref<32x125x80xi32, #tpu.memory_space<hbm>> -> memref<1x1x80xi32, #tpu.memory_space<hbm>>
      %dma_wait3A_256 = tpu.memref_squeeze %dma_wait3A_255 : memref<1x1x80xi32, #tpu.memory_space<hbm>> -> memref<80xi32, #tpu.memory_space<hbm>>
      %dma_wait3A_257 = arith.constant 0 : i32
      %dma_wait3A_258 = tpu.memref_slice %arg4[%add3A, %dma_wait3A_253, %dma_wait3A_257] : memref<32x125x80xi32, #tpu.memory_space<hbm>> -> memref<1x1x80xi32, #tpu.memory_space<hbm>>
      %dma_wait3A_259 = tpu.memref_squeeze %dma_wait3A_258 : memref<1x1x80xi32, #tpu.memory_space<hbm>> -> memref<80xi32, #tpu.memory_space<hbm>>
      tpu.wait_dma2 semaphore(%arg35 : memref<!tpu.dma_semaphore, #tpu.memory_space<semaphore_mem>>) src(%dma_wait3A_259 : memref<80xi32, #tpu.memory_space<hbm>>) dst(%arg17 : memref<80xi32, #tpu.memory_space<vmem>>)
      %dma_start3A_260 = arith.constant 0 : i32
      %dma_start3A_261 = arith.constant 0 : i32
      %dma_start3A_262 = tpu.memref_slice %arg19[%dma_start3A_260, %dma_start3A_261] : memref<10000x128xf32, #tpu.memory_space<vmem_shared>> -> memref<10000x128xf32, #tpu.memory_space<vmem_shared>>
      tpu.enqueue_indirect_dma source(%arg9 : memref<80x128xf32, #tpu.memory_space<vmem>>) target(%dma_start3A_262 : memref<10000x128xf32, #tpu.memory_space<vmem_shared>>) offsets(%arg17 : memref<80xi32, #tpu.memory_space<vmem>>) semaphore(%arg27 : memref<!tpu.dma_semaphore, #tpu.memory_space<semaphore_mem>>) {add = true}
      %add3A_263 = arith.constant 4 : i32
      %add3A_264 = arith.addi %add3A_249, %add3A_263 : i32
      %lt3A_265 = arith.constant 125 : i32
      %lt3A_266 = arith.cmpi slt, %add3A_264, %lt3A_265 : i32
      %convert_element_type3A_267 = arith.extui %lt3A_266 : i1 to i32
      %cond3A_268 = arith.constant 0 : i32
      %cond3A_269 = arith.cmpi ne, %convert_element_type3A_267, %cond3A_268 : i32
      scf.if %cond3A_269 {
        %add3A_280 = arith.constant 4 : i32
        %add3A_281 = arith.addi %add3A_249, %add3A_280 : i32
        %dma_start3A_282 = arith.constant 0 : i32
        %dma_start3A_283 = tpu.memref_slice %arg3[%add3A, %add3A_281, %dma_start3A_282] : memref<32x125x80xi32, #tpu.memory_space<hbm>> -> memref<1x1x80xi32, #tpu.memory_space<hbm>>
        %dma_start3A_284 = tpu.memref_squeeze %dma_start3A_283 : memref<1x1x80xi32, #tpu.memory_space<hbm>> -> memref<80xi32, #tpu.memory_space<hbm>>
        %dma_start3A_285 = arith.constant 0 : i32
        %dma_start3A_286 = tpu.memref_slice %arg3[%add3A, %add3A_281, %dma_start3A_285] : memref<32x125x80xi32, #tpu.memory_space<hbm>> -> memref<1x1x80xi32, #tpu.memory_space<hbm>>
        %dma_start3A_287 = tpu.memref_squeeze %dma_start3A_286 : memref<1x1x80xi32, #tpu.memory_space<hbm>> -> memref<80xi32, #tpu.memory_space<hbm>>
        tpu.enqueue_dma source(%dma_start3A_287 : memref<80xi32, #tpu.memory_space<hbm>>) target(%arg13 : memref<80xi32, #tpu.memory_space<vmem>>) target_semaphore(%arg31 : memref<!tpu.dma_semaphore, #tpu.memory_space<semaphore_mem>>)
      } else {
      }
      %dma_wait3A_270 = arith.constant 0 : i32
      %dma_wait3A_271 = arith.constant 0 : i32
      %dma_wait3A_272 = tpu.memref_slice %arg19[%dma_wait3A_270, %dma_wait3A_271] : memref<10000x128xf32, #tpu.memory_space<vmem_shared>> -> memref<10000x128xf32, #tpu.memory_space<vmem_shared>>
      tpu.wait_indirect_dma semaphore(%arg27 : memref<!tpu.dma_semaphore, #tpu.memory_space<semaphore_mem>>) src(%arg9 : memref<80x128xf32, #tpu.memory_space<vmem>>) dst(%dma_wait3A_272 : memref<10000x128xf32, #tpu.memory_space<vmem_shared>>)
      %add3A_273 = arith.constant 4 : i32
      %add3A_274 = arith.addi %add3A_249, %add3A_273 : i32
      %lt3A_275 = arith.constant 125 : i32
      %lt3A_276 = arith.cmpi slt, %add3A_274, %lt3A_275 : i32
      %convert_element_type3A_277 = arith.extui %lt3A_276 : i1 to i32
      %cond3A_278 = arith.constant 0 : i32
      %cond3A_279 = arith.cmpi ne, %convert_element_type3A_277, %cond3A_278 : i32
      scf.if %cond3A_279 {
        %add3A_280 = arith.constant 4 : i32
        %add3A_281 = arith.addi %add3A_249, %add3A_280 : i32
        %dma_start3A_282 = arith.constant 0 : i32
        %dma_start3A_283 = tpu.memref_slice %arg4[%add3A, %add3A_281, %dma_start3A_282] : memref<32x125x80xi32, #tpu.memory_space<hbm>> -> memref<1x1x80xi32, #tpu.memory_space<hbm>>
        %dma_start3A_284 = tpu.memref_squeeze %dma_start3A_283 : memref<1x1x80xi32, #tpu.memory_space<hbm>> -> memref<80xi32, #tpu.memory_space<hbm>>
        %dma_start3A_285 = arith.constant 0 : i32
        %dma_start3A_286 = tpu.memref_slice %arg4[%add3A, %add3A_281, %dma_start3A_285] : memref<32x125x80xi32, #tpu.memory_space<hbm>> -> memref<1x1x80xi32, #tpu.memory_space<hbm>>
        %dma_start3A_287 = tpu.memref_squeeze %dma_start3A_286 : memref<1x1x80xi32, #tpu.memory_space<hbm>> -> memref<80xi32, #tpu.memory_space<hbm>>
        tpu.enqueue_dma source(%dma_start3A_287 : memref<80xi32, #tpu.memory_space<hbm>>) target(%arg17 : memref<80xi32, #tpu.memory_space<vmem>>) target_semaphore(%arg35 : memref<!tpu.dma_semaphore, #tpu.memory_space<semaphore_mem>>)
        %dma_wait3A_288 = arith.constant 0 : i32
        %dma_wait3A_289 = arith.constant 0 : i32
        %dma_wait3A_290 = tpu.memref_slice %arg3[%add3A, %dma_wait3A_288, %dma_wait3A_289] : memref<32x125x80xi32, #tpu.memory_space<hbm>> -> memref<1x1x80xi32, #tpu.memory_space<hbm>>
        %dma_wait3A_291 = tpu.memref_squeeze %dma_wait3A_290 : memref<1x1x80xi32, #tpu.memory_space<hbm>> -> memref<80xi32, #tpu.memory_space<hbm>>
        %dma_wait3A_292 = arith.constant 0 : i32
        %dma_wait3A_293 = tpu.memref_slice %arg3[%add3A, %dma_wait3A_288, %dma_wait3A_292] : memref<32x125x80xi32, #tpu.memory_space<hbm>> -> memref<1x1x80xi32, #tpu.memory_space<hbm>>
        %dma_wait3A_294 = tpu.memref_squeeze %dma_wait3A_293 : memref<1x1x80xi32, #tpu.memory_space<hbm>> -> memref<80xi32, #tpu.memory_space<hbm>>
        tpu.wait_dma2 semaphore(%arg31 : memref<!tpu.dma_semaphore, #tpu.memory_space<semaphore_mem>>) src(%dma_wait3A_294 : memref<80xi32, #tpu.memory_space<hbm>>) dst(%arg13 : memref<80xi32, #tpu.memory_space<vmem>>)
        %dma_start3A_295 = arith.constant 0 : i32
        %dma_start3A_296 = arith.constant 0 : i32
        %dma_start3A_297 = tpu.memref_slice %arg2[%dma_start3A_295, %dma_start3A_296] : memref<10000x128xf32, #tpu.memory_space<hbm>> -> memref<10000x128xf32, #tpu.memory_space<hbm>>
        tpu.enqueue_indirect_dma source(%dma_start3A_297 : memref<10000x128xf32, #tpu.memory_space<hbm>>) target(%arg9 : memref<80x128xf32, #tpu.memory_space<vmem>>) offsets(%arg13 : memref<80xi32, #tpu.memory_space<vmem>>) semaphore(%arg23 : memref<!tpu.dma_semaphore, #tpu.memory_space<semaphore_mem>>)
      } else {
      }
    }
    %scan3A_115 = arith.constant 31 : i32
    %dma_wait3A_116 = arith.constant 0 : i32
    %dma_wait3A_117 = arith.constant 0 : i32
    %dma_wait3A_118 = tpu.memref_slice %arg2[%dma_wait3A_116, %dma_wait3A_117] : memref<10000x128xf32, #tpu.memory_space<hbm>> -> memref<10000x128xf32, #tpu.memory_space<hbm>>
    tpu.wait_indirect_dma semaphore(%arg20 : memref<!tpu.dma_semaphore, #tpu.memory_space<semaphore_mem>>) src(%dma_wait3A_118 : memref<10000x128xf32, #tpu.memory_space<hbm>>) dst(%arg6 : memref<80x128xf32, #tpu.memory_space<vmem>>)
    %dma_wait3A_119 = arith.constant 0 : i32
    %dma_wait3A_120 = arith.constant 0 : i32
    %dma_wait3A_121 = tpu.memref_slice %arg4[%add3A, %dma_wait3A_119, %dma_wait3A_120] : memref<32x125x80xi32, #tpu.memory_space<hbm>> -> memref<1x1x80xi32, #tpu.memory_space<hbm>>
    %dma_wait3A_122 = tpu.memref_squeeze %dma_wait3A_121 : memref<1x1x80xi32, #tpu.memory_space<hbm>> -> memref<80xi32, #tpu.memory_space<hbm>>
    %dma_wait3A_123 = arith.constant 0 : i32
    %dma_wait3A_124 = tpu.memref_slice %arg4[%add3A, %dma_wait3A_119, %dma_wait3A_123] : memref<32x125x80xi32, #tpu.memory_space<hbm>> -> memref<1x1x80xi32, #tpu.memory_space<hbm>>
    %dma_wait3A_125 = tpu.memref_squeeze %dma_wait3A_124 : memref<1x1x80xi32, #tpu.memory_space<hbm>> -> memref<80xi32, #tpu.memory_space<hbm>>
    tpu.wait_dma2 semaphore(%arg32 : memref<!tpu.dma_semaphore, #tpu.memory_space<semaphore_mem>>) src(%dma_wait3A_125 : memref<80xi32, #tpu.memory_space<hbm>>) dst(%arg14 : memref<80xi32, #tpu.memory_space<vmem>>)
    %dma_start3A_126 = arith.constant 0 : i32
    %dma_start3A_127 = arith.constant 0 : i32
    %dma_start3A_128 = tpu.memref_slice %arg19[%dma_start3A_126, %dma_start3A_127] : memref<10000x128xf32, #tpu.memory_space<vmem_shared>> -> memref<10000x128xf32, #tpu.memory_space<vmem_shared>>
    tpu.enqueue_indirect_dma source(%arg6 : memref<80x128xf32, #tpu.memory_space<vmem>>) target(%dma_start3A_128 : memref<10000x128xf32, #tpu.memory_space<vmem_shared>>) offsets(%arg14 : memref<80xi32, #tpu.memory_space<vmem>>) semaphore(%arg24 : memref<!tpu.dma_semaphore, #tpu.memory_space<semaphore_mem>>) {add = true}
    %dma_wait3A_129 = arith.constant 0 : i32
    %dma_wait3A_130 = arith.constant 0 : i32
    %dma_wait3A_131 = tpu.memref_slice %arg19[%dma_wait3A_129, %dma_wait3A_130] : memref<10000x128xf32, #tpu.memory_space<vmem_shared>> -> memref<10000x128xf32, #tpu.memory_space<vmem_shared>>
    tpu.wait_indirect_dma semaphore(%arg24 : memref<!tpu.dma_semaphore, #tpu.memory_space<semaphore_mem>>) src(%arg6 : memref<80x128xf32, #tpu.memory_space<vmem>>) dst(%dma_wait3A_131 : memref<10000x128xf32, #tpu.memory_space<vmem_shared>>)
    %barrier3A_132 = arith.constant 0 : index
    tpu.barrier barrier_id(%barrier3A_132)
    %mul3A_133 = arith.constant 10000 : i32
    %mul3A_134 = arith.muli %arg0, %mul3A_133 : i32
    %mul3A_135 = arith.constant 624 : i32
    %mul3A_136 = arith.muli %arg1, %mul3A_135 : i32
    %add3A_137 = arith.addi %mul3A_134, %mul3A_136 : i32
    %multiple_of3A_138 = tpu.assume_multiple %add3A_137, 16 : i32
    "tpu.region"() ({
      %run_scoped3A = tpu.sem_alloc : memref<!tpu.dma_semaphore, #tpu.memory_space<semaphore_mem>>
      %dma_start3A_144 = arith.constant 0 : i32
      %dma_start3A_145 = tpu.memref_slice %arg5[%multiple_of3A_138, %dma_start3A_144] : memref<20000x128xf32, #tpu.memory_space<hbm>> -> memref<624x128xf32, #tpu.memory_space<hbm>>
      %dma_start3A_146 = arith.constant 0 : i32
      %dma_start3A_147 = tpu.memref_slice %arg19[%multiple_of3A, %dma_start3A_146] : memref<10000x128xf32, #tpu.memory_space<vmem_shared>> -> memref<624x128xf32, #tpu.memory_space<vmem_shared>>
      tpu.enqueue_dma source(%dma_start3A_147 : memref<624x128xf32, #tpu.memory_space<vmem_shared>>) target(%dma_start3A_145 : memref<624x128xf32, #tpu.memory_space<hbm>>) target_semaphore(%run_scoped3A : memref<!tpu.dma_semaphore, #tpu.memory_space<semaphore_mem>>)
      %dma_wait3A_148 = arith.constant 0 : i32
      %dma_wait3A_149 = tpu.memref_slice %arg5[%multiple_of3A_138, %dma_wait3A_148] : memref<20000x128xf32, #tpu.memory_space<hbm>> -> memref<624x128xf32, #tpu.memory_space<hbm>>
      %dma_wait3A_150 = arith.constant 0 : i32
      %dma_wait3A_151 = tpu.memref_slice %arg19[%multiple_of3A, %dma_wait3A_150] : memref<10000x128xf32, #tpu.memory_space<vmem_shared>> -> memref<624x128xf32, #tpu.memory_space<vmem_shared>>
      tpu.wait_dma2 semaphore(%run_scoped3A : memref<!tpu.dma_semaphore, #tpu.memory_space<semaphore_mem>>) src(%dma_wait3A_151 : memref<624x128xf32, #tpu.memory_space<vmem_shared>>) dst(%dma_wait3A_149 : memref<624x128xf32, #tpu.memory_space<hbm>>)
      tpu.yield
    }) : () -> ()
    %eq3A_139 = arith.constant 15 : i32
    %eq3A_140 = arith.cmpi eq, %arg1, %eq3A_139 : i32
    %convert_element_type3A_141 = arith.extui %eq3A_140 : i1 to i32
    %cond3A_142 = arith.constant 0 : i32
    %cond3A_143 = arith.cmpi ne, %convert_element_type3A_141, %cond3A_142 : i32
    scf.if %cond3A_143 {
      %mul3A_144 = arith.constant 10000 : i32
      %mul3A_145 = arith.muli %arg0, %mul3A_144 : i32
      %add3A_146 = arith.constant 9984 : i32
      %add3A_147 = arith.addi %mul3A_145, %add3A_146 : i32
      "tpu.region"() ({
        %run_scoped3A = tpu.sem_alloc : memref<!tpu.dma_semaphore, #tpu.memory_space<semaphore_mem>>
        %dma_start3A_148 = arith.constant 0 : i32
        %dma_start3A_149 = tpu.memref_slice %arg5[%add3A_147, %dma_start3A_148] : memref<20000x128xf32, #tpu.memory_space<hbm>> -> memref<16x128xf32, #tpu.memory_space<hbm>>
        %dma_start3A_150 = arith.constant 9984 : i32
        %dma_start3A_151 = arith.constant 0 : i32
        %dma_start3A_152 = tpu.memref_slice %arg19[%dma_start3A_150, %dma_start3A_151] : memref<10000x128xf32, #tpu.memory_space<vmem_shared>> -> memref<16x128xf32, #tpu.memory_space<vmem_shared>>
        tpu.enqueue_dma source(%dma_start3A_152 : memref<16x128xf32, #tpu.memory_space<vmem_shared>>) target(%dma_start3A_149 : memref<16x128xf32, #tpu.memory_space<hbm>>) target_semaphore(%run_scoped3A : memref<!tpu.dma_semaphore, #tpu.memory_space<semaphore_mem>>)
        %dma_wait3A_153 = arith.constant 0 : i32
        %dma_wait3A_154 = tpu.memref_slice %arg5[%add3A_147, %dma_wait3A_153] : memref<20000x128xf32, #tpu.memory_space<hbm>> -> memref<16x128xf32, #tpu.memory_space<hbm>>
        %dma_wait3A_155 = arith.constant 9984 : i32
        %dma_wait3A_156 = arith.constant 0 : i32
        %dma_wait3A_157 = tpu.memref_slice %arg19[%dma_wait3A_155, %dma_wait3A_156] : memref<10000x128xf32, #tpu.memory_space<vmem_shared>> -> memref<16x128xf32, #tpu.memory_space<vmem_shared>>
        tpu.wait_dma2 semaphore(%run_scoped3A : memref<!tpu.dma_semaphore, #tpu.memory_space<semaphore_mem>>) src(%dma_wait3A_157 : memref<16x128xf32, #tpu.memory_space<vmem_shared>>) dst(%dma_wait3A_154 : memref<16x128xf32, #tpu.memory_space<hbm>>)
        tpu.yield
      }) : () -> ()
    } else {
    }
    return
  }
}

#map = affine_map<(d0, d1) -> (0, 0)>
#map1 = affine_map<(d0, d1) -> (0, 0, 0)>
module attributes {stable_mosaic.version = 14 : i64} {
  func.func @_sc_agg_body(%arg0: i32, %arg1: i32, %arg2: memref<10000x128xf32, #tpu.memory_space<hbm>>, %arg3: memref<32x125x80xi32, #tpu.memory_space<hbm>>, %arg4: memref<32x125x80xi32, #tpu.memory_space<hbm>>, %arg5: memref<20000x128xf32, #tpu.memory_space<hbm>>, %arg6: memref<80x128xf32, #tpu.memory_space<vmem>>, %arg7: memref<80x128xf32, #tpu.memory_space<vmem>>, %arg8: memref<80x128xf32, #tpu.memory_space<vmem>>, %arg9: memref<80x128xf32, #tpu.memory_space<vmem>>, %arg10: memref<80xi32, #tpu.memory_space<vmem>>, %arg11: memref<80xi32, #tpu.memory_space<vmem>>, %arg12: memref<80xi32, #tpu.memory_space<vmem>>, %arg13: memref<80xi32, #tpu.memory_space<vmem>>, %arg14: memref<80xi32, #tpu.memory_space<vmem>>, %arg15: memref<80xi32, #tpu.memory_space<vmem>>, %arg16: memref<80xi32, #tpu.memory_space<vmem>>, %arg17: memref<80xi32, #tpu.memory_space<vmem>>, %arg18: memref<16x128xf32, #tpu.memory_space<vmem>>, %arg19: memref<10000x128xf32, #tpu.memory_space<vmem_shared>>, %arg20: memref<!tpu.dma_semaphore, #tpu.memory_space<semaphore_mem>>, %arg21: memref<!tpu.dma_semaphore, #tpu.memory_space<semaphore_mem>>, %arg22: memref<!tpu.dma_semaphore, #tpu.memory_space<semaphore_mem>>, %arg23: memref<!tpu.dma_semaphore, #tpu.memory_space<semaphore_mem>>, %arg24: memref<!tpu.dma_semaphore, #tpu.memory_space<semaphore_mem>>, %arg25: memref<!tpu.dma_semaphore, #tpu.memory_space<semaphore_mem>>, %arg26: memref<!tpu.dma_semaphore, #tpu.memory_space<semaphore_mem>>, %arg27: memref<!tpu.dma_semaphore, #tpu.memory_space<semaphore_mem>>, %arg28: memref<!tpu.dma_semaphore, #tpu.memory_space<semaphore_mem>>, %arg29: memref<!tpu.dma_semaphore, #tpu.memory_space<semaphore_mem>>, %arg30: memref<!tpu.dma_semaphore, #tpu.memory_space<semaphore_mem>>, %arg31: memref<!tpu.dma_semaphore, #tpu.memory_space<semaphore_mem>>, %arg32: memref<!tpu.dma_semaphore, #tpu.memory_space<semaphore_mem>>, %arg33: memref<!tpu.dma_semaphore, #tpu.memory_space<semaphore_mem>>, %arg34: memref<!tpu.dma_semaphore, #tpu.memory_space<semaphore_mem>>, %arg35: memref<!tpu.dma_semaphore, #tpu.memory_space<semaphore_mem>>) attributes {dimension_semantics = [#tpu.dimension_semantics<core_parallel>, #tpu.dimension_semantics<subcore_parallel>], iteration_bounds = array<i64: 2, 16>, scalar_prefetch = 0 : i64, scratch_operands = 30 : i64, tpu.core_type = #tpu.core_type<sc_vector_subcore>, window_params = [{transform_indices = #map}, {transform_indices = #map1}, {transform_indices = #map1}, {transform_indices = #map}]} {
    %mul3A = arith.constant 16 : i32
    %mul3A_0 = arith.muli %arg0, %mul3A : i32
    %add3A = arith.addi %mul3A_0, %arg1 : i32
    %dma_start3A = arith.constant 0 : i32
    %dma_start3A_1 = arith.constant 0 : i32
    %dma_start3A_2 = tpu.memref_slice %arg3[%add3A, %dma_start3A, %dma_start3A_1] : memref<32x125x80xi32, #tpu.memory_space<hbm>> -> memref<1x1x80xi32, #tpu.memory_space<hbm>>
    %dma_start3A_3 = tpu.memref_squeeze %dma_start3A_2 : memref<1x1x80xi32, #tpu.memory_space<hbm>> -> memref<80xi32, #tpu.memory_space<hbm>>
    %dma_start3A_4 = arith.constant 0 : i32
    %dma_start3A_5 = tpu.memref_slice %arg3[%add3A, %dma_start3A, %dma_start3A_4] : memref<32x125x80xi32, #tpu.memory_space<hbm>> -> memref<1x1x80xi32, #tpu.memory_space<hbm>>
    %dma_start3A_6 = tpu.memref_squeeze %dma_start3A_5 : memref<1x1x80xi32, #tpu.memory_space<hbm>> -> memref<80xi32, #tpu.memory_space<hbm>>
    tpu.enqueue_dma source(%dma_start3A_6 : memref<80xi32, #tpu.memory_space<hbm>>) target(%arg10 : memref<80xi32, #tpu.memory_space<vmem>>) target_semaphore(%arg28 : memref<!tpu.dma_semaphore, #tpu.memory_space<semaphore_mem>>)
    %dma_start3A_7 = arith.constant 0 : i32
    %dma_start3A_8 = arith.constant 0 : i32
    %dma_start3A_9 = tpu.memref_slice %arg4[%add3A, %dma_start3A_7, %dma_start3A_8] : memref<32x125x80xi32, #tpu.memory_space<hbm>> -> memref<1x1x80xi32, #tpu.memory_space<hbm>>
    %dma_start3A_10 = tpu.memref_squeeze %dma_start3A_9 : memref<1x1x80xi32, #tpu.memory_space<hbm>> -> memref<80xi32, #tpu.memory_space<hbm>>
    %dma_start3A_11 = arith.constant 0 : i32
    %dma_start3A_12 = tpu.memref_slice %arg4[%add3A, %dma_start3A_7, %dma_start3A_11] : memref<32x125x80xi32, #tpu.memory_space<hbm>> -> memref<1x1x80xi32, #tpu.memory_space<hbm>>
    %dma_start3A_13 = tpu.memref_squeeze %dma_start3A_12 : memref<1x1x80xi32, #tpu.memory_space<hbm>> -> memref<80xi32, #tpu.memory_space<hbm>>
    tpu.enqueue_dma source(%dma_start3A_13 : memref<80xi32, #tpu.memory_space<hbm>>) target(%arg14 : memref<80xi32, #tpu.memory_space<vmem>>) target_semaphore(%arg32 : memref<!tpu.dma_semaphore, #tpu.memory_space<semaphore_mem>>)
    %dma_start3A_14 = arith.constant 1 : i32
    %dma_start3A_15 = arith.constant 0 : i32
    %dma_start3A_16 = tpu.memref_slice %arg3[%add3A, %dma_start3A_14, %dma_start3A_15] : memref<32x125x80xi32, #tpu.memory_space<hbm>> -> memref<1x1x80xi32, #tpu.memory_space<hbm>>
    %dma_start3A_17 = tpu.memref_squeeze %dma_start3A_16 : memref<1x1x80xi32, #tpu.memory_space<hbm>> -> memref<80xi32, #tpu.memory_space<hbm>>
    %dma_start3A_18 = arith.constant 0 : i32
    %dma_start3A_19 = tpu.memref_slice %arg3[%add3A, %dma_start3A_14, %dma_start3A_18] : memref<32x125x80xi32, #tpu.memory_space<hbm>> -> memref<1x1x80xi32, #tpu.memory_space<hbm>>
    %dma_start3A_20 = tpu.memref_squeeze %dma_start3A_19 : memref<1x1x80xi32, #tpu.memory_space<hbm>> -> memref<80xi32, #tpu.memory_space<hbm>>
    tpu.enqueue_dma source(%dma_start3A_20 : memref<80xi32, #tpu.memory_space<hbm>>) target(%arg11 : memref<80xi32, #tpu.memory_space<vmem>>) target_semaphore(%arg29 : memref<!tpu.dma_semaphore, #tpu.memory_space<semaphore_mem>>)
    %dma_start3A_21 = arith.constant 1 : i32
    %dma_start3A_22 = arith.constant 0 : i32
    %dma_start3A_23 = tpu.memref_slice %arg4[%add3A, %dma_start3A_21, %dma_start3A_22] : memref<32x125x80xi32, #tpu.memory_space<hbm>> -> memref<1x1x80xi32, #tpu.memory_space<hbm>>
    %dma_start3A_24 = tpu.memref_squeeze %dma_start3A_23 : memref<1x1x80xi32, #tpu.memory_space<hbm>> -> memref<80xi32, #tpu.memory_space<hbm>>
    %dma_start3A_25 = arith.constant 0 : i32
    %dma_start3A_26 = tpu.memref_slice %arg4[%add3A, %dma_start3A_21, %dma_start3A_25] : memref<32x125x80xi32, #tpu.memory_space<hbm>> -> memref<1x1x80xi32, #tpu.memory_space<hbm>>
    %dma_start3A_27 = tpu.memref_squeeze %dma_start3A_26 : memref<1x1x80xi32, #tpu.memory_space<hbm>> -> memref<80xi32, #tpu.memory_space<hbm>>
    tpu.enqueue_dma source(%dma_start3A_27 : memref<80xi32, #tpu.memory_space<hbm>>) target(%arg15 : memref<80xi32, #tpu.memory_space<vmem>>) target_semaphore(%arg33 : memref<!tpu.dma_semaphore, #tpu.memory_space<semaphore_mem>>)
    %dma_start3A_28 = arith.constant 2 : i32
    %dma_start3A_29 = arith.constant 0 : i32
    %dma_start3A_30 = tpu.memref_slice %arg3[%add3A, %dma_start3A_28, %dma_start3A_29] : memref<32x125x80xi32, #tpu.memory_space<hbm>> -> memref<1x1x80xi32, #tpu.memory_space<hbm>>
    %dma_start3A_31 = tpu.memref_squeeze %dma_start3A_30 : memref<1x1x80xi32, #tpu.memory_space<hbm>> -> memref<80xi32, #tpu.memory_space<hbm>>
    %dma_start3A_32 = arith.constant 0 : i32
    %dma_start3A_33 = tpu.memref_slice %arg3[%add3A, %dma_start3A_28, %dma_start3A_32] : memref<32x125x80xi32, #tpu.memory_space<hbm>> -> memref<1x1x80xi32, #tpu.memory_space<hbm>>
    %dma_start3A_34 = tpu.memref_squeeze %dma_start3A_33 : memref<1x1x80xi32, #tpu.memory_space<hbm>> -> memref<80xi32, #tpu.memory_space<hbm>>
    tpu.enqueue_dma source(%dma_start3A_34 : memref<80xi32, #tpu.memory_space<hbm>>) target(%arg12 : memref<80xi32, #tpu.memory_space<vmem>>) target_semaphore(%arg30 : memref<!tpu.dma_semaphore, #tpu.memory_space<semaphore_mem>>)
    %dma_start3A_35 = arith.constant 2 : i32
    %dma_start3A_36 = arith.constant 0 : i32
    %dma_start3A_37 = tpu.memref_slice %arg4[%add3A, %dma_start3A_35, %dma_start3A_36] : memref<32x125x80xi32, #tpu.memory_space<hbm>> -> memref<1x1x80xi32, #tpu.memory_space<hbm>>
    %dma_start3A_38 = tpu.memref_squeeze %dma_start3A_37 : memref<1x1x80xi32, #tpu.memory_space<hbm>> -> memref<80xi32, #tpu.memory_space<hbm>>
    %dma_start3A_39 = arith.constant 0 : i32
    %dma_start3A_40 = tpu.memref_slice %arg4[%add3A, %dma_start3A_35, %dma_start3A_39] : memref<32x125x80xi32, #tpu.memory_space<hbm>> -> memref<1x1x80xi32, #tpu.memory_space<hbm>>
    %dma_start3A_41 = tpu.memref_squeeze %dma_start3A_40 : memref<1x1x80xi32, #tpu.memory_space<hbm>> -> memref<80xi32, #tpu.memory_space<hbm>>
    tpu.enqueue_dma source(%dma_start3A_41 : memref<80xi32, #tpu.memory_space<hbm>>) target(%arg16 : memref<80xi32, #tpu.memory_space<vmem>>) target_semaphore(%arg34 : memref<!tpu.dma_semaphore, #tpu.memory_space<semaphore_mem>>)
    %dma_start3A_42 = arith.constant 3 : i32
    %dma_start3A_43 = arith.constant 0 : i32
    %dma_start3A_44 = tpu.memref_slice %arg3[%add3A, %dma_start3A_42, %dma_start3A_43] : memref<32x125x80xi32, #tpu.memory_space<hbm>> -> memref<1x1x80xi32, #tpu.memory_space<hbm>>
    %dma_start3A_45 = tpu.memref_squeeze %dma_start3A_44 : memref<1x1x80xi32, #tpu.memory_space<hbm>> -> memref<80xi32, #tpu.memory_space<hbm>>
    %dma_start3A_46 = arith.constant 0 : i32
    %dma_start3A_47 = tpu.memref_slice %arg3[%add3A, %dma_start3A_42, %dma_start3A_46] : memref<32x125x80xi32, #tpu.memory_space<hbm>> -> memref<1x1x80xi32, #tpu.memory_space<hbm>>
    %dma_start3A_48 = tpu.memref_squeeze %dma_start3A_47 : memref<1x1x80xi32, #tpu.memory_space<hbm>> -> memref<80xi32, #tpu.memory_space<hbm>>
    tpu.enqueue_dma source(%dma_start3A_48 : memref<80xi32, #tpu.memory_space<hbm>>) target(%arg13 : memref<80xi32, #tpu.memory_space<vmem>>) target_semaphore(%arg31 : memref<!tpu.dma_semaphore, #tpu.memory_space<semaphore_mem>>)
    %dma_start3A_49 = arith.constant 3 : i32
    %dma_start3A_50 = arith.constant 0 : i32
    %dma_start3A_51 = tpu.memref_slice %arg4[%add3A, %dma_start3A_49, %dma_start3A_50] : memref<32x125x80xi32, #tpu.memory_space<hbm>> -> memref<1x1x80xi32, #tpu.memory_space<hbm>>
    %dma_start3A_52 = tpu.memref_squeeze %dma_start3A_51 : memref<1x1x80xi32, #tpu.memory_space<hbm>> -> memref<80xi32, #tpu.memory_space<hbm>>
    %dma_start3A_53 = arith.constant 0 : i32
    %dma_start3A_54 = tpu.memref_slice %arg4[%add3A, %dma_start3A_49, %dma_start3A_53] : memref<32x125x80xi32, #tpu.memory_space<hbm>> -> memref<1x1x80xi32, #tpu.memory_space<hbm>>
    %dma_start3A_55 = tpu.memref_squeeze %dma_start3A_54 : memref<1x1x80xi32, #tpu.memory_space<hbm>> -> memref<80xi32, #tpu.memory_space<hbm>>
    tpu.enqueue_dma source(%dma_start3A_55 : memref<80xi32, #tpu.memory_space<hbm>>) target(%arg17 : memref<80xi32, #tpu.memory_space<vmem>>) target_semaphore(%arg35 : memref<!tpu.dma_semaphore, #tpu.memory_space<semaphore_mem>>)
    %dma_wait3A = arith.constant 0 : i32
    %dma_wait3A_56 = arith.constant 0 : i32
    %dma_wait3A_57 = tpu.memref_slice %arg3[%add3A, %dma_wait3A, %dma_wait3A_56] : memref<32x125x80xi32, #tpu.memory_space<hbm>> -> memref<1x1x80xi32, #tpu.memory_space<hbm>>
    %dma_wait3A_58 = tpu.memref_squeeze %dma_wait3A_57 : memref<1x1x80xi32, #tpu.memory_space<hbm>> -> memref<80xi32, #tpu.memory_space<hbm>>
    %dma_wait3A_59 = arith.constant 0 : i32
    %dma_wait3A_60 = tpu.memref_slice %arg3[%add3A, %dma_wait3A, %dma_wait3A_59] : memref<32x125x80xi32, #tpu.memory_space<hbm>> -> memref<1x1x80xi32, #tpu.memory_space<hbm>>
    %dma_wait3A_61 = tpu.memref_squeeze %dma_wait3A_60 : memref<1x1x80xi32, #tpu.memory_space<hbm>> -> memref<80xi32, #tpu.memory_space<hbm>>
    tpu.wait_dma2 semaphore(%arg28 : memref<!tpu.dma_semaphore, #tpu.memory_space<semaphore_mem>>) src(%dma_wait3A_61 : memref<80xi32, #tpu.memory_space<hbm>>) dst(%arg10 : memref<80xi32, #tpu.memory_space<vmem>>)
    %dma_start3A_62 = arith.constant 0 : i32
    %dma_start3A_63 = arith.constant 0 : i32
    %dma_start3A_64 = tpu.memref_slice %arg2[%dma_start3A_62, %dma_start3A_63] : memref<10000x128xf32, #tpu.memory_space<hbm>> -> memref<10000x128xf32, #tpu.memory_space<hbm>>
    tpu.enqueue_indirect_dma source(%dma_start3A_64 : memref<10000x128xf32, #tpu.memory_space<hbm>>) target(%arg6 : memref<80x128xf32, #tpu.memory_space<vmem>>) offsets(%arg10 : memref<80xi32, #tpu.memory_space<vmem>>) semaphore(%arg20 : memref<!tpu.dma_semaphore, #tpu.memory_space<semaphore_mem>>)
    %dma_wait3A_65 = arith.constant 0 : i32
    %dma_wait3A_66 = arith.constant 0 : i32
    %dma_wait3A_67 = tpu.memref_slice %arg3[%add3A, %dma_wait3A_65, %dma_wait3A_66] : memref<32x125x80xi32, #tpu.memory_space<hbm>> -> memref<1x1x80xi32, #tpu.memory_space<hbm>>
    %dma_wait3A_68 = tpu.memref_squeeze %dma_wait3A_67 : memref<1x1x80xi32, #tpu.memory_space<hbm>> -> memref<80xi32, #tpu.memory_space<hbm>>
    %dma_wait3A_69 = arith.constant 0 : i32
    %dma_wait3A_70 = tpu.memref_slice %arg3[%add3A, %dma_wait3A_65, %dma_wait3A_69] : memref<32x125x80xi32, #tpu.memory_space<hbm>> -> memref<1x1x80xi32, #tpu.memory_space<hbm>>
    %dma_wait3A_71 = tpu.memref_squeeze %dma_wait3A_70 : memref<1x1x80xi32, #tpu.memory_space<hbm>> -> memref<80xi32, #tpu.memory_space<hbm>>
    tpu.wait_dma2 semaphore(%arg29 : memref<!tpu.dma_semaphore, #tpu.memory_space<semaphore_mem>>) src(%dma_wait3A_71 : memref<80xi32, #tpu.memory_space<hbm>>) dst(%arg11 : memref<80xi32, #tpu.memory_space<vmem>>)
    %dma_start3A_72 = arith.constant 0 : i32
    %dma_start3A_73 = arith.constant 0 : i32
    %dma_start3A_74 = tpu.memref_slice %arg2[%dma_start3A_72, %dma_start3A_73] : memref<10000x128xf32, #tpu.memory_space<hbm>> -> memref<10000x128xf32, #tpu.memory_space<hbm>>
    tpu.enqueue_indirect_dma source(%dma_start3A_74 : memref<10000x128xf32, #tpu.memory_space<hbm>>) target(%arg7 : memref<80x128xf32, #tpu.memory_space<vmem>>) offsets(%arg11 : memref<80xi32, #tpu.memory_space<vmem>>) semaphore(%arg21 : memref<!tpu.dma_semaphore, #tpu.memory_space<semaphore_mem>>)
    %dma_wait3A_75 = arith.constant 0 : i32
    %dma_wait3A_76 = arith.constant 0 : i32
    %dma_wait3A_77 = tpu.memref_slice %arg3[%add3A, %dma_wait3A_75, %dma_wait3A_76] : memref<32x125x80xi32, #tpu.memory_space<hbm>> -> memref<1x1x80xi32, #tpu.memory_space<hbm>>
    %dma_wait3A_78 = tpu.memref_squeeze %dma_wait3A_77 : memref<1x1x80xi32, #tpu.memory_space<hbm>> -> memref<80xi32, #tpu.memory_space<hbm>>
    %dma_wait3A_79 = arith.constant 0 : i32
    %dma_wait3A_80 = tpu.memref_slice %arg3[%add3A, %dma_wait3A_75, %dma_wait3A_79] : memref<32x125x80xi32, #tpu.memory_space<hbm>> -> memref<1x1x80xi32, #tpu.memory_space<hbm>>
    %dma_wait3A_81 = tpu.memref_squeeze %dma_wait3A_80 : memref<1x1x80xi32, #tpu.memory_space<hbm>> -> memref<80xi32, #tpu.memory_space<hbm>>
    tpu.wait_dma2 semaphore(%arg30 : memref<!tpu.dma_semaphore, #tpu.memory_space<semaphore_mem>>) src(%dma_wait3A_81 : memref<80xi32, #tpu.memory_space<hbm>>) dst(%arg12 : memref<80xi32, #tpu.memory_space<vmem>>)
    %dma_start3A_82 = arith.constant 0 : i32
    %dma_start3A_83 = arith.constant 0 : i32
    %dma_start3A_84 = tpu.memref_slice %arg2[%dma_start3A_82, %dma_start3A_83] : memref<10000x128xf32, #tpu.memory_space<hbm>> -> memref<10000x128xf32, #tpu.memory_space<hbm>>
    tpu.enqueue_indirect_dma source(%dma_start3A_84 : memref<10000x128xf32, #tpu.memory_space<hbm>>) target(%arg8 : memref<80x128xf32, #tpu.memory_space<vmem>>) offsets(%arg12 : memref<80xi32, #tpu.memory_space<vmem>>) semaphore(%arg22 : memref<!tpu.dma_semaphore, #tpu.memory_space<semaphore_mem>>)
    %dma_wait3A_85 = arith.constant 0 : i32
    %dma_wait3A_86 = arith.constant 0 : i32
    %dma_wait3A_87 = tpu.memref_slice %arg3[%add3A, %dma_wait3A_85, %dma_wait3A_86] : memref<32x125x80xi32, #tpu.memory_space<hbm>> -> memref<1x1x80xi32, #tpu.memory_space<hbm>>
    %dma_wait3A_88 = tpu.memref_squeeze %dma_wait3A_87 : memref<1x1x80xi32, #tpu.memory_space<hbm>> -> memref<80xi32, #tpu.memory_space<hbm>>
    %dma_wait3A_89 = arith.constant 0 : i32
    %dma_wait3A_90 = tpu.memref_slice %arg3[%add3A, %dma_wait3A_85, %dma_wait3A_89] : memref<32x125x80xi32, #tpu.memory_space<hbm>> -> memref<1x1x80xi32, #tpu.memory_space<hbm>>
    %dma_wait3A_91 = tpu.memref_squeeze %dma_wait3A_90 : memref<1x1x80xi32, #tpu.memory_space<hbm>> -> memref<80xi32, #tpu.memory_space<hbm>>
    tpu.wait_dma2 semaphore(%arg31 : memref<!tpu.dma_semaphore, #tpu.memory_space<semaphore_mem>>) src(%dma_wait3A_91 : memref<80xi32, #tpu.memory_space<hbm>>) dst(%arg13 : memref<80xi32, #tpu.memory_space<vmem>>)
    %dma_start3A_92 = arith.constant 0 : i32
    %dma_start3A_93 = arith.constant 0 : i32
    %dma_start3A_94 = tpu.memref_slice %arg2[%dma_start3A_92, %dma_start3A_93] : memref<10000x128xf32, #tpu.memory_space<hbm>> -> memref<10000x128xf32, #tpu.memory_space<hbm>>
    tpu.enqueue_indirect_dma source(%dma_start3A_94 : memref<10000x128xf32, #tpu.memory_space<hbm>>) target(%arg9 : memref<80x128xf32, #tpu.memory_space<vmem>>) offsets(%arg13 : memref<80xi32, #tpu.memory_space<vmem>>) semaphore(%arg23 : memref<!tpu.dma_semaphore, #tpu.memory_space<semaphore_mem>>)
    %scan3A = arith.constant 0 : i32
    %scan3A_95 = arith.constant 0 : i32
    %scan3A_96 = arith.constant 16 : i32
    %scan3A_97 = arith.addi %scan3A_95, %scan3A_96 : i32
    %scan3A_98 = arith.constant 1 : i32
    scf.for %scan3A_144 = %scan3A_95 to %scan3A_97 step %scan3A_98  : i32 {
      %broadcast_in_dim3A = arith.constant 0.000000e+00 : f32
      %broadcast_in_dim3A_145 = vector.broadcast %broadcast_in_dim3A : f32 to vector<16xf32>
      %swap3A = arith.index_cast %scan3A_144 : i32 to index
      %swap3A_146 = arith.constant 0 : index
      %swap3A_147 = tpu.vector_load %arg18[%swap3A, %swap3A_146] {strides = array<i32>} : memref<16x128xf32, #tpu.memory_space<vmem>>, vector<1x16xf32>,
      %swap3A_148 = vector.shape_cast %swap3A_147 : vector<1x16xf32> to vector<16xf32>
      %swap3A_149 = vector.shape_cast %broadcast_in_dim3A_145 : vector<16xf32> to vector<1x16xf32>
      tpu.vector_store %arg18[%swap3A, %swap3A_146], %swap3A_149 {strides = array<i32>} : memref<16x128xf32, #tpu.memory_space<vmem>>, vector<1x16xf32>,
      %broadcast_in_dim3A_150 = arith.constant 0.000000e+00 : f32
      %broadcast_in_dim3A_151 = vector.broadcast %broadcast_in_dim3A_150 : f32 to vector<16xf32>
      %swap3A_152 = arith.index_cast %scan3A_144 : i32 to index
      %swap3A_153 = arith.constant 16 : index
      %swap3A_154 = tpu.vector_load %arg18[%swap3A_152, %swap3A_153] {strides = array<i32>} : memref<16x128xf32, #tpu.memory_space<vmem>>, vector<1x16xf32>,
      %swap3A_155 = vector.shape_cast %swap3A_154 : vector<1x16xf32> to vector<16xf32>
      %swap3A_156 = vector.shape_cast %broadcast_in_dim3A_151 : vector<16xf32> to vector<1x16xf32>
      tpu.vector_store %arg18[%swap3A_152, %swap3A_153], %swap3A_156 {strides = array<i32>} : memref<16x128xf32, #tpu.memory_space<vmem>>, vector<1x16xf32>,
      %broadcast_in_dim3A_157 = arith.constant 0.000000e+00 : f32
      %broadcast_in_dim3A_158 = vector.broadcast %broadcast_in_dim3A_157 : f32 to vector<16xf32>
      %swap3A_159 = arith.index_cast %scan3A_144 : i32 to index
      %swap3A_160 = arith.constant 32 : index
      %swap3A_161 = tpu.vector_load %arg18[%swap3A_159, %swap3A_160] {strides = array<i32>} : memref<16x128xf32, #tpu.memory_space<vmem>>, vector<1x16xf32>,
      %swap3A_162 = vector.shape_cast %swap3A_161 : vector<1x16xf32> to vector<16xf32>
      %swap3A_163 = vector.shape_cast %broadcast_in_dim3A_158 : vector<16xf32> to vector<1x16xf32>
      tpu.vector_store %arg18[%swap3A_159, %swap3A_160], %swap3A_163 {strides = array<i32>} : memref<16x128xf32, #tpu.memory_space<vmem>>, vector<1x16xf32>,
      %broadcast_in_dim3A_164 = arith.constant 0.000000e+00 : f32
      %broadcast_in_dim3A_165 = vector.broadcast %broadcast_in_dim3A_164 : f32 to vector<16xf32>
      %swap3A_166 = arith.index_cast %scan3A_144 : i32 to index
      %swap3A_167 = arith.constant 48 : index
      %swap3A_168 = tpu.vector_load %arg18[%swap3A_166, %swap3A_167] {strides = array<i32>} : memref<16x128xf32, #tpu.memory_space<vmem>>, vector<1x16xf32>,
      %swap3A_169 = vector.shape_cast %swap3A_168 : vector<1x16xf32> to vector<16xf32>
      %swap3A_170 = vector.shape_cast %broadcast_in_dim3A_165 : vector<16xf32> to vector<1x16xf32>
      tpu.vector_store %arg18[%swap3A_166, %swap3A_167], %swap3A_170 {strides = array<i32>} : memref<16x128xf32, #tpu.memory_space<vmem>>, vector<1x16xf32>,
      %broadcast_in_dim3A_171 = arith.constant 0.000000e+00 : f32
      %broadcast_in_dim3A_172 = vector.broadcast %broadcast_in_dim3A_171 : f32 to vector<16xf32>
      %swap3A_173 = arith.index_cast %scan3A_144 : i32 to index
      %swap3A_174 = arith.constant 64 : index
      %swap3A_175 = tpu.vector_load %arg18[%swap3A_173, %swap3A_174] {strides = array<i32>} : memref<16x128xf32, #tpu.memory_space<vmem>>, vector<1x16xf32>,
      %swap3A_176 = vector.shape_cast %swap3A_175 : vector<1x16xf32> to vector<16xf32>
      %swap3A_177 = vector.shape_cast %broadcast_in_dim3A_172 : vector<16xf32> to vector<1x16xf32>
      tpu.vector_store %arg18[%swap3A_173, %swap3A_174], %swap3A_177 {strides = array<i32>} : memref<16x128xf32, #tpu.memory_space<vmem>>, vector<1x16xf32>,
      %broadcast_in_dim3A_178 = arith.constant 0.000000e+00 : f32
      %broadcast_in_dim3A_179 = vector.broadcast %broadcast_in_dim3A_178 : f32 to vector<16xf32>
      %swap3A_180 = arith.index_cast %scan3A_144 : i32 to index
      %swap3A_181 = arith.constant 80 : index
      %swap3A_182 = tpu.vector_load %arg18[%swap3A_180, %swap3A_181] {strides = array<i32>} : memref<16x128xf32, #tpu.memory_space<vmem>>, vector<1x16xf32>,
      %swap3A_183 = vector.shape_cast %swap3A_182 : vector<1x16xf32> to vector<16xf32>
      %swap3A_184 = vector.shape_cast %broadcast_in_dim3A_179 : vector<16xf32> to vector<1x16xf32>
      tpu.vector_store %arg18[%swap3A_180, %swap3A_181], %swap3A_184 {strides = array<i32>} : memref<16x128xf32, #tpu.memory_space<vmem>>, vector<1x16xf32>,
      %broadcast_in_dim3A_185 = arith.constant 0.000000e+00 : f32
      %broadcast_in_dim3A_186 = vector.broadcast %broadcast_in_dim3A_185 : f32 to vector<16xf32>
      %swap3A_187 = arith.index_cast %scan3A_144 : i32 to index
      %swap3A_188 = arith.constant 96 : index
      %swap3A_189 = tpu.vector_load %arg18[%swap3A_187, %swap3A_188] {strides = array<i32>} : memref<16x128xf32, #tpu.memory_space<vmem>>, vector<1x16xf32>,
      %swap3A_190 = vector.shape_cast %swap3A_189 : vector<1x16xf32> to vector<16xf32>
      %swap3A_191 = vector.shape_cast %broadcast_in_dim3A_186 : vector<16xf32> to vector<1x16xf32>
      tpu.vector_store %arg18[%swap3A_187, %swap3A_188], %swap3A_191 {strides = array<i32>} : memref<16x128xf32, #tpu.memory_space<vmem>>, vector<1x16xf32>,
      %broadcast_in_dim3A_192 = arith.constant 0.000000e+00 : f32
      %broadcast_in_dim3A_193 = vector.broadcast %broadcast_in_dim3A_192 : f32 to vector<16xf32>
      %swap3A_194 = arith.index_cast %scan3A_144 : i32 to index
      %swap3A_195 = arith.constant 112 : index
      %swap3A_196 = tpu.vector_load %arg18[%swap3A_194, %swap3A_195] {strides = array<i32>} : memref<16x128xf32, #tpu.memory_space<vmem>>, vector<1x16xf32>,
      %swap3A_197 = vector.shape_cast %swap3A_196 : vector<1x16xf32> to vector<16xf32>
      %swap3A_198 = vector.shape_cast %broadcast_in_dim3A_193 : vector<16xf32> to vector<1x16xf32>
      tpu.vector_store %arg18[%swap3A_194, %swap3A_195], %swap3A_198 {strides = array<i32>} : memref<16x128xf32, #tpu.memory_space<vmem>>, vector<1x16xf32>,
    }
    %scan3A_99 = arith.constant 16 : i32
    %mul3A_100 = arith.constant 624 : i32
    %mul3A_101 = arith.muli %arg1, %mul3A_100 : i32
    %multiple_of3A = tpu.assume_multiple %mul3A_101, 16 : i32
    %scan3A_102 = arith.constant 0 : i32
    %scan3A_103 = arith.constant 0 : i32
    %scan3A_104 = arith.constant 39 : i32
    %scan3A_105 = arith.addi %scan3A_103, %scan3A_104 : i32
    %scan3A_106 = arith.constant 1 : i32
    scf.for %scan3A_144 = %scan3A_103 to %scan3A_105 step %scan3A_106  : i32 {
      %mul3A_145 = arith.constant 16 : i32
      %mul3A_146 = arith.muli %scan3A_144, %mul3A_145 : i32
      %add3A_147 = arith.addi %multiple_of3A, %mul3A_146 : i32
      "tpu.region"() ({
        %run_scoped3A = tpu.sem_alloc : memref<!tpu.dma_semaphore, #tpu.memory_space<semaphore_mem>>
        %dma_start3A_148 = arith.constant 0 : i32
        %dma_start3A_149 = tpu.memref_slice %arg19[%add3A_147, %dma_start3A_148] : memref<10000x128xf32, #tpu.memory_space<vmem_shared>> -> memref<16x128xf32, #tpu.memory_space<vmem_shared>>
        %dma_start3A_150 = arith.constant 0 : i32
        %dma_start3A_151 = tpu.memref_slice %arg19[%add3A_147, %dma_start3A_150] : memref<10000x128xf32, #tpu.memory_space<vmem_shared>> -> memref<16x128xf32, #tpu.memory_space<vmem_shared>>
        tpu.enqueue_dma source(%arg18 : memref<16x128xf32, #tpu.memory_space<vmem>>) target(%dma_start3A_151 : memref<16x128xf32, #tpu.memory_space<vmem_shared>>) target_semaphore(%run_scoped3A : memref<!tpu.dma_semaphore, #tpu.memory_space<semaphore_mem>>)
        %dma_wait3A_152 = arith.constant 0 : i32
        %dma_wait3A_153 = tpu.memref_slice %arg19[%add3A_147, %dma_wait3A_152] : memref<10000x128xf32, #tpu.memory_space<vmem_shared>> -> memref<16x128xf32, #tpu.memory_space<vmem_shared>>
        %dma_wait3A_154 = arith.constant 0 : i32
        %dma_wait3A_155 = tpu.memref_slice %arg19[%add3A_147, %dma_wait3A_154] : memref<10000x128xf32, #tpu.memory_space<vmem_shared>> -> memref<16x128xf32, #tpu.memory_space<vmem_shared>>
        tpu.wait_dma2 semaphore(%run_scoped3A : memref<!tpu.dma_semaphore, #tpu.memory_space<semaphore_mem>>) src(%arg18 : memref<16x128xf32, #tpu.memory_space<vmem>>) dst(%dma_wait3A_155 : memref<16x128xf32, #tpu.memory_space<vmem_shared>>)
        tpu.yield
      }) : () -> ()
    }
    %scan3A_107 = arith.constant 39 : i32
    %eq3A = arith.constant 15 : i32
    %eq3A_108 = arith.cmpi eq, %arg1, %eq3A : i32
    %convert_element_type3A = arith.extui %eq3A_108 : i1 to i32
    %cond3A = arith.constant 0 : i32
    %cond3A_109 = arith.cmpi ne, %convert_element_type3A, %cond3A : i32
    scf.if %cond3A_109 {
      "tpu.region"() ({
        %run_scoped3A = tpu.sem_alloc : memref<!tpu.dma_semaphore, #tpu.memory_space<semaphore_mem>>
        %dma_start3A_144 = arith.constant 9984 : i32
        %dma_start3A_145 = arith.constant 0 : i32
        %dma_start3A_146 = tpu.memref_slice %arg19[%dma_start3A_144, %dma_start3A_145] : memref<10000x128xf32, #tpu.memory_space<vmem_shared>> -> memref<16x128xf32, #tpu.memory_space<vmem_shared>>
        %dma_start3A_147 = arith.constant 9984 : i32
        %dma_start3A_148 = arith.constant 0 : i32
        %dma_start3A_149 = tpu.memref_slice %arg19[%dma_start3A_147, %dma_start3A_148] : memref<10000x128xf32, #tpu.memory_space<vmem_shared>> -> memref<16x128xf32, #tpu.memory_space<vmem_shared>>
        tpu.enqueue_dma source(%arg18 : memref<16x128xf32, #tpu.memory_space<vmem>>) target(%dma_start3A_149 : memref<16x128xf32, #tpu.memory_space<vmem_shared>>) target_semaphore(%run_scoped3A : memref<!tpu.dma_semaphore, #tpu.memory_space<semaphore_mem>>)
        %dma_wait3A_150 = arith.constant 9984 : i32
        %dma_wait3A_151 = arith.constant 0 : i32
        %dma_wait3A_152 = tpu.memref_slice %arg19[%dma_wait3A_150, %dma_wait3A_151] : memref<10000x128xf32, #tpu.memory_space<vmem_shared>> -> memref<16x128xf32, #tpu.memory_space<vmem_shared>>
        %dma_wait3A_153 = arith.constant 9984 : i32
        %dma_wait3A_154 = arith.constant 0 : i32
        %dma_wait3A_155 = tpu.memref_slice %arg19[%dma_wait3A_153, %dma_wait3A_154] : memref<10000x128xf32, #tpu.memory_space<vmem_shared>> -> memref<16x128xf32, #tpu.memory_space<vmem_shared>>
        tpu.wait_dma2 semaphore(%run_scoped3A : memref<!tpu.dma_semaphore, #tpu.memory_space<semaphore_mem>>) src(%arg18 : memref<16x128xf32, #tpu.memory_space<vmem>>) dst(%dma_wait3A_155 : memref<16x128xf32, #tpu.memory_space<vmem_shared>>)
        tpu.yield
      }) : () -> ()
    } else {
    }
    %barrier3A = arith.constant 0 : index
    tpu.barrier barrier_id(%barrier3A)
    %scan3A_110 = arith.constant 0 : i32
    %scan3A_111 = arith.constant 0 : i32
    %scan3A_112 = arith.constant 31 : i32
    %scan3A_113 = arith.addi %scan3A_111, %scan3A_112 : i32
    %scan3A_114 = arith.constant 1 : i32
    scf.for %scan3A_144 = %scan3A_111 to %scan3A_113 step %scan3A_114  : i32 {
      %mul3A_145 = arith.constant 4 : i32
      %mul3A_146 = arith.muli %scan3A_144, %mul3A_145 : i32
      %add3A_147 = arith.constant 0 : i32
      %add3A_148 = arith.addi %mul3A_146, %add3A_147 : i32
      %dma_wait3A_149 = arith.constant 0 : i32
      %dma_wait3A_150 = arith.constant 0 : i32
      %dma_wait3A_151 = tpu.memref_slice %arg2[%dma_wait3A_149, %dma_wait3A_150] : memref<10000x128xf32, #tpu.memory_space<hbm>> -> memref<10000x128xf32, #tpu.memory_space<hbm>>
      tpu.wait_indirect_dma semaphore(%arg20 : memref<!tpu.dma_semaphore, #tpu.memory_space<semaphore_mem>>) src(%dma_wait3A_151 : memref<10000x128xf32, #tpu.memory_space<hbm>>) dst(%arg6 : memref<80x128xf32, #tpu.memory_space<vmem>>)
      %dma_wait3A_152 = arith.constant 0 : i32
      %dma_wait3A_153 = arith.constant 0 : i32
      %dma_wait3A_154 = tpu.memref_slice %arg4[%add3A, %dma_wait3A_152, %dma_wait3A_153] : memref<32x125x80xi32, #tpu.memory_space<hbm>> -> memref<1x1x80xi32, #tpu.memory_space<hbm>>
      %dma_wait3A_155 = tpu.memref_squeeze %dma_wait3A_154 : memref<1x1x80xi32, #tpu.memory_space<hbm>> -> memref<80xi32, #tpu.memory_space<hbm>>
      %dma_wait3A_156 = arith.constant 0 : i32
      %dma_wait3A_157 = tpu.memref_slice %arg4[%add3A, %dma_wait3A_152, %dma_wait3A_156] : memref<32x125x80xi32, #tpu.memory_space<hbm>> -> memref<1x1x80xi32, #tpu.memory_space<hbm>>
      %dma_wait3A_158 = tpu.memref_squeeze %dma_wait3A_157 : memref<1x1x80xi32, #tpu.memory_space<hbm>> -> memref<80xi32, #tpu.memory_space<hbm>>
      tpu.wait_dma2 semaphore(%arg32 : memref<!tpu.dma_semaphore, #tpu.memory_space<semaphore_mem>>) src(%dma_wait3A_158 : memref<80xi32, #tpu.memory_space<hbm>>) dst(%arg14 : memref<80xi32, #tpu.memory_space<vmem>>)
      %dma_start3A_159 = arith.constant 0 : i32
      %dma_start3A_160 = arith.constant 0 : i32
      %dma_start3A_161 = tpu.memref_slice %arg19[%dma_start3A_159, %dma_start3A_160] : memref<10000x128xf32, #tpu.memory_space<vmem_shared>> -> memref<10000x128xf32, #tpu.memory_space<vmem_shared>>
      tpu.enqueue_indirect_dma source(%arg6 : memref<80x128xf32, #tpu.memory_space<vmem>>) target(%dma_start3A_161 : memref<10000x128xf32, #tpu.memory_space<vmem_shared>>) offsets(%arg14 : memref<80xi32, #tpu.memory_space<vmem>>) semaphore(%arg24 : memref<!tpu.dma_semaphore, #tpu.memory_space<semaphore_mem>>) {add = true}
      %add3A_162 = arith.constant 4 : i32
      %add3A_163 = arith.addi %add3A_148, %add3A_162 : i32
      %lt3A = arith.constant 125 : i32
      %lt3A_164 = arith.cmpi slt, %add3A_163, %lt3A : i32
      %convert_element_type3A_165 = arith.extui %lt3A_164 : i1 to i32
      %cond3A_166 = arith.constant 0 : i32
      %cond3A_167 = arith.cmpi ne, %convert_element_type3A_165, %cond3A_166 : i32
      scf.if %cond3A_167 {
        %add3A_280 = arith.constant 4 : i32
        %add3A_281 = arith.addi %add3A_148, %add3A_280 : i32
        %dma_start3A_282 = arith.constant 0 : i32
        %dma_start3A_283 = tpu.memref_slice %arg3[%add3A, %add3A_281, %dma_start3A_282] : memref<32x125x80xi32, #tpu.memory_space<hbm>> -> memref<1x1x80xi32, #tpu.memory_space<hbm>>
        %dma_start3A_284 = tpu.memref_squeeze %dma_start3A_283 : memref<1x1x80xi32, #tpu.memory_space<hbm>> -> memref<80xi32, #tpu.memory_space<hbm>>
        %dma_start3A_285 = arith.constant 0 : i32
        %dma_start3A_286 = tpu.memref_slice %arg3[%add3A, %add3A_281, %dma_start3A_285] : memref<32x125x80xi32, #tpu.memory_space<hbm>> -> memref<1x1x80xi32, #tpu.memory_space<hbm>>
        %dma_start3A_287 = tpu.memref_squeeze %dma_start3A_286 : memref<1x1x80xi32, #tpu.memory_space<hbm>> -> memref<80xi32, #tpu.memory_space<hbm>>
        tpu.enqueue_dma source(%dma_start3A_287 : memref<80xi32, #tpu.memory_space<hbm>>) target(%arg10 : memref<80xi32, #tpu.memory_space<vmem>>) target_semaphore(%arg28 : memref<!tpu.dma_semaphore, #tpu.memory_space<semaphore_mem>>)
      } else {
      }
      %dma_wait3A_168 = arith.constant 0 : i32
      %dma_wait3A_169 = arith.constant 0 : i32
      %dma_wait3A_170 = tpu.memref_slice %arg19[%dma_wait3A_168, %dma_wait3A_169] : memref<10000x128xf32, #tpu.memory_space<vmem_shared>> -> memref<10000x128xf32, #tpu.memory_space<vmem_shared>>
      tpu.wait_indirect_dma semaphore(%arg24 : memref<!tpu.dma_semaphore, #tpu.memory_space<semaphore_mem>>) src(%arg6 : memref<80x128xf32, #tpu.memory_space<vmem>>) dst(%dma_wait3A_170 : memref<10000x128xf32, #tpu.memory_space<vmem_shared>>)
      %add3A_171 = arith.constant 4 : i32
      %add3A_172 = arith.addi %add3A_148, %add3A_171 : i32
      %lt3A_173 = arith.constant 125 : i32
      %lt3A_174 = arith.cmpi slt, %add3A_172, %lt3A_173 : i32
      %convert_element_type3A_175 = arith.extui %lt3A_174 : i1 to i32
      %cond3A_176 = arith.constant 0 : i32
      %cond3A_177 = arith.cmpi ne, %convert_element_type3A_175, %cond3A_176 : i32
      scf.if %cond3A_177 {
        %add3A_280 = arith.constant 4 : i32
        %add3A_281 = arith.addi %add3A_148, %add3A_280 : i32
        %dma_start3A_282 = arith.constant 0 : i32
        %dma_start3A_283 = tpu.memref_slice %arg4[%add3A, %add3A_281, %dma_start3A_282] : memref<32x125x80xi32, #tpu.memory_space<hbm>> -> memref<1x1x80xi32, #tpu.memory_space<hbm>>
        %dma_start3A_284 = tpu.memref_squeeze %dma_start3A_283 : memref<1x1x80xi32, #tpu.memory_space<hbm>> -> memref<80xi32, #tpu.memory_space<hbm>>
        %dma_start3A_285 = arith.constant 0 : i32
        %dma_start3A_286 = tpu.memref_slice %arg4[%add3A, %add3A_281, %dma_start3A_285] : memref<32x125x80xi32, #tpu.memory_space<hbm>> -> memref<1x1x80xi32, #tpu.memory_space<hbm>>
        %dma_start3A_287 = tpu.memref_squeeze %dma_start3A_286 : memref<1x1x80xi32, #tpu.memory_space<hbm>> -> memref<80xi32, #tpu.memory_space<hbm>>
        tpu.enqueue_dma source(%dma_start3A_287 : memref<80xi32, #tpu.memory_space<hbm>>) target(%arg14 : memref<80xi32, #tpu.memory_space<vmem>>) target_semaphore(%arg32 : memref<!tpu.dma_semaphore, #tpu.memory_space<semaphore_mem>>)
        %dma_wait3A_288 = arith.constant 0 : i32
        %dma_wait3A_289 = arith.constant 0 : i32
        %dma_wait3A_290 = tpu.memref_slice %arg3[%add3A, %dma_wait3A_288, %dma_wait3A_289] : memref<32x125x80xi32, #tpu.memory_space<hbm>> -> memref<1x1x80xi32, #tpu.memory_space<hbm>>
        %dma_wait3A_291 = tpu.memref_squeeze %dma_wait3A_290 : memref<1x1x80xi32, #tpu.memory_space<hbm>> -> memref<80xi32, #tpu.memory_space<hbm>>
        %dma_wait3A_292 = arith.constant 0 : i32
        %dma_wait3A_293 = tpu.memref_slice %arg3[%add3A, %dma_wait3A_288, %dma_wait3A_292] : memref<32x125x80xi32, #tpu.memory_space<hbm>> -> memref<1x1x80xi32, #tpu.memory_space<hbm>>
        %dma_wait3A_294 = tpu.memref_squeeze %dma_wait3A_293 : memref<1x1x80xi32, #tpu.memory_space<hbm>> -> memref<80xi32, #tpu.memory_space<hbm>>
        tpu.wait_dma2 semaphore(%arg28 : memref<!tpu.dma_semaphore, #tpu.memory_space<semaphore_mem>>) src(%dma_wait3A_294 : memref<80xi32, #tpu.memory_space<hbm>>) dst(%arg10 : memref<80xi32, #tpu.memory_space<vmem>>)
        %dma_start3A_295 = arith.constant 0 : i32
        %dma_start3A_296 = arith.constant 0 : i32
        %dma_start3A_297 = tpu.memref_slice %arg2[%dma_start3A_295, %dma_start3A_296] : memref<10000x128xf32, #tpu.memory_space<hbm>> -> memref<10000x128xf32, #tpu.memory_space<hbm>>
        tpu.enqueue_indirect_dma source(%dma_start3A_297 : memref<10000x128xf32, #tpu.memory_space<hbm>>) target(%arg6 : memref<80x128xf32, #tpu.memory_space<vmem>>) offsets(%arg10 : memref<80xi32, #tpu.memory_space<vmem>>) semaphore(%arg20 : memref<!tpu.dma_semaphore, #tpu.memory_space<semaphore_mem>>)
      } else {
      }
      %mul3A_178 = arith.constant 4 : i32
      %mul3A_179 = arith.muli %scan3A_144, %mul3A_178 : i32
      %add3A_180 = arith.constant 1 : i32
      %add3A_181 = arith.addi %mul3A_179, %add3A_180 : i32
      %dma_wait3A_182 = arith.constant 0 : i32
      %dma_wait3A_183 = arith.constant 0 : i32
      %dma_wait3A_184 = tpu.memref_slice %arg2[%dma_wait3A_182, %dma_wait3A_183] : memref<10000x128xf32, #tpu.memory_space<hbm>> -> memref<10000x128xf32, #tpu.memory_space<hbm>>
      tpu.wait_indirect_dma semaphore(%arg21 : memref<!tpu.dma_semaphore, #tpu.memory_space<semaphore_mem>>) src(%dma_wait3A_184 : memref<10000x128xf32, #tpu.memory_space<hbm>>) dst(%arg7 : memref<80x128xf32, #tpu.memory_space<vmem>>)
      %dma_wait3A_185 = arith.constant 0 : i32
      %dma_wait3A_186 = arith.constant 0 : i32
      %dma_wait3A_187 = tpu.memref_slice %arg4[%add3A, %dma_wait3A_185, %dma_wait3A_186] : memref<32x125x80xi32, #tpu.memory_space<hbm>> -> memref<1x1x80xi32, #tpu.memory_space<hbm>>
      %dma_wait3A_188 = tpu.memref_squeeze %dma_wait3A_187 : memref<1x1x80xi32, #tpu.memory_space<hbm>> -> memref<80xi32, #tpu.memory_space<hbm>>
      %dma_wait3A_189 = arith.constant 0 : i32
      %dma_wait3A_190 = tpu.memref_slice %arg4[%add3A, %dma_wait3A_185, %dma_wait3A_189] : memref<32x125x80xi32, #tpu.memory_space<hbm>> -> memref<1x1x80xi32, #tpu.memory_space<hbm>>
      %dma_wait3A_191 = tpu.memref_squeeze %dma_wait3A_190 : memref<1x1x80xi32, #tpu.memory_space<hbm>> -> memref<80xi32, #tpu.memory_space<hbm>>
      tpu.wait_dma2 semaphore(%arg33 : memref<!tpu.dma_semaphore, #tpu.memory_space<semaphore_mem>>) src(%dma_wait3A_191 : memref<80xi32, #tpu.memory_space<hbm>>) dst(%arg15 : memref<80xi32, #tpu.memory_space<vmem>>)
      %dma_start3A_192 = arith.constant 0 : i32
      %dma_start3A_193 = arith.constant 0 : i32
      %dma_start3A_194 = tpu.memref_slice %arg19[%dma_start3A_192, %dma_start3A_193] : memref<10000x128xf32, #tpu.memory_space<vmem_shared>> -> memref<10000x128xf32, #tpu.memory_space<vmem_shared>>
      tpu.enqueue_indirect_dma source(%arg7 : memref<80x128xf32, #tpu.memory_space<vmem>>) target(%dma_start3A_194 : memref<10000x128xf32, #tpu.memory_space<vmem_shared>>) offsets(%arg15 : memref<80xi32, #tpu.memory_space<vmem>>) semaphore(%arg25 : memref<!tpu.dma_semaphore, #tpu.memory_space<semaphore_mem>>) {add = true}
      %add3A_195 = arith.constant 4 : i32
      %add3A_196 = arith.addi %add3A_181, %add3A_195 : i32
      %lt3A_197 = arith.constant 125 : i32
      %lt3A_198 = arith.cmpi slt, %add3A_196, %lt3A_197 : i32
      %convert_element_type3A_199 = arith.extui %lt3A_198 : i1 to i32
      %cond3A_200 = arith.constant 0 : i32
      %cond3A_201 = arith.cmpi ne, %convert_element_type3A_199, %cond3A_200 : i32
      scf.if %cond3A_201 {
        %add3A_280 = arith.constant 4 : i32
        %add3A_281 = arith.addi %add3A_181, %add3A_280 : i32
        %dma_start3A_282 = arith.constant 0 : i32
        %dma_start3A_283 = tpu.memref_slice %arg3[%add3A, %add3A_281, %dma_start3A_282] : memref<32x125x80xi32, #tpu.memory_space<hbm>> -> memref<1x1x80xi32, #tpu.memory_space<hbm>>
        %dma_start3A_284 = tpu.memref_squeeze %dma_start3A_283 : memref<1x1x80xi32, #tpu.memory_space<hbm>> -> memref<80xi32, #tpu.memory_space<hbm>>
        %dma_start3A_285 = arith.constant 0 : i32
        %dma_start3A_286 = tpu.memref_slice %arg3[%add3A, %add3A_281, %dma_start3A_285] : memref<32x125x80xi32, #tpu.memory_space<hbm>> -> memref<1x1x80xi32, #tpu.memory_space<hbm>>
        %dma_start3A_287 = tpu.memref_squeeze %dma_start3A_286 : memref<1x1x80xi32, #tpu.memory_space<hbm>> -> memref<80xi32, #tpu.memory_space<hbm>>
        tpu.enqueue_dma source(%dma_start3A_287 : memref<80xi32, #tpu.memory_space<hbm>>) target(%arg11 : memref<80xi32, #tpu.memory_space<vmem>>) target_semaphore(%arg29 : memref<!tpu.dma_semaphore, #tpu.memory_space<semaphore_mem>>)
      } else {
      }
      %dma_wait3A_202 = arith.constant 0 : i32
      %dma_wait3A_203 = arith.constant 0 : i32
      %dma_wait3A_204 = tpu.memref_slice %arg19[%dma_wait3A_202, %dma_wait3A_203] : memref<10000x128xf32, #tpu.memory_space<vmem_shared>> -> memref<10000x128xf32, #tpu.memory_space<vmem_shared>>
      tpu.wait_indirect_dma semaphore(%arg25 : memref<!tpu.dma_semaphore, #tpu.memory_space<semaphore_mem>>) src(%arg7 : memref<80x128xf32, #tpu.memory_space<vmem>>) dst(%dma_wait3A_204 : memref<10000x128xf32, #tpu.memory_space<vmem_shared>>)
      %add3A_205 = arith.constant 4 : i32
      %add3A_206 = arith.addi %add3A_181, %add3A_205 : i32
      %lt3A_207 = arith.constant 125 : i32
      %lt3A_208 = arith.cmpi slt, %add3A_206, %lt3A_207 : i32
      %convert_element_type3A_209 = arith.extui %lt3A_208 : i1 to i32
      %cond3A_210 = arith.constant 0 : i32
      %cond3A_211 = arith.cmpi ne, %convert_element_type3A_209, %cond3A_210 : i32
      scf.if %cond3A_211 {
        %add3A_280 = arith.constant 4 : i32
        %add3A_281 = arith.addi %add3A_181, %add3A_280 : i32
        %dma_start3A_282 = arith.constant 0 : i32
        %dma_start3A_283 = tpu.memref_slice %arg4[%add3A, %add3A_281, %dma_start3A_282] : memref<32x125x80xi32, #tpu.memory_space<hbm>> -> memref<1x1x80xi32, #tpu.memory_space<hbm>>
        %dma_start3A_284 = tpu.memref_squeeze %dma_start3A_283 : memref<1x1x80xi32, #tpu.memory_space<hbm>> -> memref<80xi32, #tpu.memory_space<hbm>>
        %dma_start3A_285 = arith.constant 0 : i32
        %dma_start3A_286 = tpu.memref_slice %arg4[%add3A, %add3A_281, %dma_start3A_285] : memref<32x125x80xi32, #tpu.memory_space<hbm>> -> memref<1x1x80xi32, #tpu.memory_space<hbm>>
        %dma_start3A_287 = tpu.memref_squeeze %dma_start3A_286 : memref<1x1x80xi32, #tpu.memory_space<hbm>> -> memref<80xi32, #tpu.memory_space<hbm>>
        tpu.enqueue_dma source(%dma_start3A_287 : memref<80xi32, #tpu.memory_space<hbm>>) target(%arg15 : memref<80xi32, #tpu.memory_space<vmem>>) target_semaphore(%arg33 : memref<!tpu.dma_semaphore, #tpu.memory_space<semaphore_mem>>)
        %dma_wait3A_288 = arith.constant 0 : i32
        %dma_wait3A_289 = arith.constant 0 : i32
        %dma_wait3A_290 = tpu.memref_slice %arg3[%add3A, %dma_wait3A_288, %dma_wait3A_289] : memref<32x125x80xi32, #tpu.memory_space<hbm>> -> memref<1x1x80xi32, #tpu.memory_space<hbm>>
        %dma_wait3A_291 = tpu.memref_squeeze %dma_wait3A_290 : memref<1x1x80xi32, #tpu.memory_space<hbm>> -> memref<80xi32, #tpu.memory_space<hbm>>
        %dma_wait3A_292 = arith.constant 0 : i32
        %dma_wait3A_293 = tpu.memref_slice %arg3[%add3A, %dma_wait3A_288, %dma_wait3A_292] : memref<32x125x80xi32, #tpu.memory_space<hbm>> -> memref<1x1x80xi32, #tpu.memory_space<hbm>>
        %dma_wait3A_294 = tpu.memref_squeeze %dma_wait3A_293 : memref<1x1x80xi32, #tpu.memory_space<hbm>> -> memref<80xi32, #tpu.memory_space<hbm>>
        tpu.wait_dma2 semaphore(%arg29 : memref<!tpu.dma_semaphore, #tpu.memory_space<semaphore_mem>>) src(%dma_wait3A_294 : memref<80xi32, #tpu.memory_space<hbm>>) dst(%arg11 : memref<80xi32, #tpu.memory_space<vmem>>)
        %dma_start3A_295 = arith.constant 0 : i32
        %dma_start3A_296 = arith.constant 0 : i32
        %dma_start3A_297 = tpu.memref_slice %arg2[%dma_start3A_295, %dma_start3A_296] : memref<10000x128xf32, #tpu.memory_space<hbm>> -> memref<10000x128xf32, #tpu.memory_space<hbm>>
        tpu.enqueue_indirect_dma source(%dma_start3A_297 : memref<10000x128xf32, #tpu.memory_space<hbm>>) target(%arg7 : memref<80x128xf32, #tpu.memory_space<vmem>>) offsets(%arg11 : memref<80xi32, #tpu.memory_space<vmem>>) semaphore(%arg21 : memref<!tpu.dma_semaphore, #tpu.memory_space<semaphore_mem>>)
      } else {
      }
      %mul3A_212 = arith.constant 4 : i32
      %mul3A_213 = arith.muli %scan3A_144, %mul3A_212 : i32
      %add3A_214 = arith.constant 2 : i32
      %add3A_215 = arith.addi %mul3A_213, %add3A_214 : i32
      %dma_wait3A_216 = arith.constant 0 : i32
      %dma_wait3A_217 = arith.constant 0 : i32
      %dma_wait3A_218 = tpu.memref_slice %arg2[%dma_wait3A_216, %dma_wait3A_217] : memref<10000x128xf32, #tpu.memory_space<hbm>> -> memref<10000x128xf32, #tpu.memory_space<hbm>>
      tpu.wait_indirect_dma semaphore(%arg22 : memref<!tpu.dma_semaphore, #tpu.memory_space<semaphore_mem>>) src(%dma_wait3A_218 : memref<10000x128xf32, #tpu.memory_space<hbm>>) dst(%arg8 : memref<80x128xf32, #tpu.memory_space<vmem>>)
      %dma_wait3A_219 = arith.constant 0 : i32
      %dma_wait3A_220 = arith.constant 0 : i32
      %dma_wait3A_221 = tpu.memref_slice %arg4[%add3A, %dma_wait3A_219, %dma_wait3A_220] : memref<32x125x80xi32, #tpu.memory_space<hbm>> -> memref<1x1x80xi32, #tpu.memory_space<hbm>>
      %dma_wait3A_222 = tpu.memref_squeeze %dma_wait3A_221 : memref<1x1x80xi32, #tpu.memory_space<hbm>> -> memref<80xi32, #tpu.memory_space<hbm>>
      %dma_wait3A_223 = arith.constant 0 : i32
      %dma_wait3A_224 = tpu.memref_slice %arg4[%add3A, %dma_wait3A_219, %dma_wait3A_223] : memref<32x125x80xi32, #tpu.memory_space<hbm>> -> memref<1x1x80xi32, #tpu.memory_space<hbm>>
      %dma_wait3A_225 = tpu.memref_squeeze %dma_wait3A_224 : memref<1x1x80xi32, #tpu.memory_space<hbm>> -> memref<80xi32, #tpu.memory_space<hbm>>
      tpu.wait_dma2 semaphore(%arg34 : memref<!tpu.dma_semaphore, #tpu.memory_space<semaphore_mem>>) src(%dma_wait3A_225 : memref<80xi32, #tpu.memory_space<hbm>>) dst(%arg16 : memref<80xi32, #tpu.memory_space<vmem>>)
      %dma_start3A_226 = arith.constant 0 : i32
      %dma_start3A_227 = arith.constant 0 : i32
      %dma_start3A_228 = tpu.memref_slice %arg19[%dma_start3A_226, %dma_start3A_227] : memref<10000x128xf32, #tpu.memory_space<vmem_shared>> -> memref<10000x128xf32, #tpu.memory_space<vmem_shared>>
      tpu.enqueue_indirect_dma source(%arg8 : memref<80x128xf32, #tpu.memory_space<vmem>>) target(%dma_start3A_228 : memref<10000x128xf32, #tpu.memory_space<vmem_shared>>) offsets(%arg16 : memref<80xi32, #tpu.memory_space<vmem>>) semaphore(%arg26 : memref<!tpu.dma_semaphore, #tpu.memory_space<semaphore_mem>>) {add = true}
      %add3A_229 = arith.constant 4 : i32
      %add3A_230 = arith.addi %add3A_215, %add3A_229 : i32
      %lt3A_231 = arith.constant 125 : i32
      %lt3A_232 = arith.cmpi slt, %add3A_230, %lt3A_231 : i32
      %convert_element_type3A_233 = arith.extui %lt3A_232 : i1 to i32
      %cond3A_234 = arith.constant 0 : i32
      %cond3A_235 = arith.cmpi ne, %convert_element_type3A_233, %cond3A_234 : i32
      scf.if %cond3A_235 {
        %add3A_280 = arith.constant 4 : i32
        %add3A_281 = arith.addi %add3A_215, %add3A_280 : i32
        %dma_start3A_282 = arith.constant 0 : i32
        %dma_start3A_283 = tpu.memref_slice %arg3[%add3A, %add3A_281, %dma_start3A_282] : memref<32x125x80xi32, #tpu.memory_space<hbm>> -> memref<1x1x80xi32, #tpu.memory_space<hbm>>
        %dma_start3A_284 = tpu.memref_squeeze %dma_start3A_283 : memref<1x1x80xi32, #tpu.memory_space<hbm>> -> memref<80xi32, #tpu.memory_space<hbm>>
        %dma_start3A_285 = arith.constant 0 : i32
        %dma_start3A_286 = tpu.memref_slice %arg3[%add3A, %add3A_281, %dma_start3A_285] : memref<32x125x80xi32, #tpu.memory_space<hbm>> -> memref<1x1x80xi32, #tpu.memory_space<hbm>>
        %dma_start3A_287 = tpu.memref_squeeze %dma_start3A_286 : memref<1x1x80xi32, #tpu.memory_space<hbm>> -> memref<80xi32, #tpu.memory_space<hbm>>
        tpu.enqueue_dma source(%dma_start3A_287 : memref<80xi32, #tpu.memory_space<hbm>>) target(%arg12 : memref<80xi32, #tpu.memory_space<vmem>>) target_semaphore(%arg30 : memref<!tpu.dma_semaphore, #tpu.memory_space<semaphore_mem>>)
      } else {
      }
      %dma_wait3A_236 = arith.constant 0 : i32
      %dma_wait3A_237 = arith.constant 0 : i32
      %dma_wait3A_238 = tpu.memref_slice %arg19[%dma_wait3A_236, %dma_wait3A_237] : memref<10000x128xf32, #tpu.memory_space<vmem_shared>> -> memref<10000x128xf32, #tpu.memory_space<vmem_shared>>
      tpu.wait_indirect_dma semaphore(%arg26 : memref<!tpu.dma_semaphore, #tpu.memory_space<semaphore_mem>>) src(%arg8 : memref<80x128xf32, #tpu.memory_space<vmem>>) dst(%dma_wait3A_238 : memref<10000x128xf32, #tpu.memory_space<vmem_shared>>)
      %add3A_239 = arith.constant 4 : i32
      %add3A_240 = arith.addi %add3A_215, %add3A_239 : i32
      %lt3A_241 = arith.constant 125 : i32
      %lt3A_242 = arith.cmpi slt, %add3A_240, %lt3A_241 : i32
      %convert_element_type3A_243 = arith.extui %lt3A_242 : i1 to i32
      %cond3A_244 = arith.constant 0 : i32
      %cond3A_245 = arith.cmpi ne, %convert_element_type3A_243, %cond3A_244 : i32
      scf.if %cond3A_245 {
        %add3A_280 = arith.constant 4 : i32
        %add3A_281 = arith.addi %add3A_215, %add3A_280 : i32
        %dma_start3A_282 = arith.constant 0 : i32
        %dma_start3A_283 = tpu.memref_slice %arg4[%add3A, %add3A_281, %dma_start3A_282] : memref<32x125x80xi32, #tpu.memory_space<hbm>> -> memref<1x1x80xi32, #tpu.memory_space<hbm>>
        %dma_start3A_284 = tpu.memref_squeeze %dma_start3A_283 : memref<1x1x80xi32, #tpu.memory_space<hbm>> -> memref<80xi32, #tpu.memory_space<hbm>>
        %dma_start3A_285 = arith.constant 0 : i32
        %dma_start3A_286 = tpu.memref_slice %arg4[%add3A, %add3A_281, %dma_start3A_285] : memref<32x125x80xi32, #tpu.memory_space<hbm>> -> memref<1x1x80xi32, #tpu.memory_space<hbm>>
        %dma_start3A_287 = tpu.memref_squeeze %dma_start3A_286 : memref<1x1x80xi32, #tpu.memory_space<hbm>> -> memref<80xi32, #tpu.memory_space<hbm>>
        tpu.enqueue_dma source(%dma_start3A_287 : memref<80xi32, #tpu.memory_space<hbm>>) target(%arg16 : memref<80xi32, #tpu.memory_space<vmem>>) target_semaphore(%arg34 : memref<!tpu.dma_semaphore, #tpu.memory_space<semaphore_mem>>)
        %dma_wait3A_288 = arith.constant 0 : i32
        %dma_wait3A_289 = arith.constant 0 : i32
        %dma_wait3A_290 = tpu.memref_slice %arg3[%add3A, %dma_wait3A_288, %dma_wait3A_289] : memref<32x125x80xi32, #tpu.memory_space<hbm>> -> memref<1x1x80xi32, #tpu.memory_space<hbm>>
        %dma_wait3A_291 = tpu.memref_squeeze %dma_wait3A_290 : memref<1x1x80xi32, #tpu.memory_space<hbm>> -> memref<80xi32, #tpu.memory_space<hbm>>
        %dma_wait3A_292 = arith.constant 0 : i32
        %dma_wait3A_293 = tpu.memref_slice %arg3[%add3A, %dma_wait3A_288, %dma_wait3A_292] : memref<32x125x80xi32, #tpu.memory_space<hbm>> -> memref<1x1x80xi32, #tpu.memory_space<hbm>>
        %dma_wait3A_294 = tpu.memref_squeeze %dma_wait3A_293 : memref<1x1x80xi32, #tpu.memory_space<hbm>> -> memref<80xi32, #tpu.memory_space<hbm>>
        tpu.wait_dma2 semaphore(%arg30 : memref<!tpu.dma_semaphore, #tpu.memory_space<semaphore_mem>>) src(%dma_wait3A_294 : memref<80xi32, #tpu.memory_space<hbm>>) dst(%arg12 : memref<80xi32, #tpu.memory_space<vmem>>)
        %dma_start3A_295 = arith.constant 0 : i32
        %dma_start3A_296 = arith.constant 0 : i32
        %dma_start3A_297 = tpu.memref_slice %arg2[%dma_start3A_295, %dma_start3A_296] : memref<10000x128xf32, #tpu.memory_space<hbm>> -> memref<10000x128xf32, #tpu.memory_space<hbm>>
        tpu.enqueue_indirect_dma source(%dma_start3A_297 : memref<10000x128xf32, #tpu.memory_space<hbm>>) target(%arg8 : memref<80x128xf32, #tpu.memory_space<vmem>>) offsets(%arg12 : memref<80xi32, #tpu.memory_space<vmem>>) semaphore(%arg22 : memref<!tpu.dma_semaphore, #tpu.memory_space<semaphore_mem>>)
      } else {
      }
      %mul3A_246 = arith.constant 4 : i32
      %mul3A_247 = arith.muli %scan3A_144, %mul3A_246 : i32
      %add3A_248 = arith.constant 3 : i32
      %add3A_249 = arith.addi %mul3A_247, %add3A_248 : i32
      %dma_wait3A_250 = arith.constant 0 : i32
      %dma_wait3A_251 = arith.constant 0 : i32
      %dma_wait3A_252 = tpu.memref_slice %arg2[%dma_wait3A_250, %dma_wait3A_251] : memref<10000x128xf32, #tpu.memory_space<hbm>> -> memref<10000x128xf32, #tpu.memory_space<hbm>>
      tpu.wait_indirect_dma semaphore(%arg23 : memref<!tpu.dma_semaphore, #tpu.memory_space<semaphore_mem>>) src(%dma_wait3A_252 : memref<10000x128xf32, #tpu.memory_space<hbm>>) dst(%arg9 : memref<80x128xf32, #tpu.memory_space<vmem>>)
      %dma_wait3A_253 = arith.constant 0 : i32
      %dma_wait3A_254 = arith.constant 0 : i32
      %dma_wait3A_255 = tpu.memref_slice %arg4[%add3A, %dma_wait3A_253, %dma_wait3A_254] : memref<32x125x80xi32, #tpu.memory_space<hbm>> -> memref<1x1x80xi32, #tpu.memory_space<hbm>>
      %dma_wait3A_256 = tpu.memref_squeeze %dma_wait3A_255 : memref<1x1x80xi32, #tpu.memory_space<hbm>> -> memref<80xi32, #tpu.memory_space<hbm>>
      %dma_wait3A_257 = arith.constant 0 : i32
      %dma_wait3A_258 = tpu.memref_slice %arg4[%add3A, %dma_wait3A_253, %dma_wait3A_257] : memref<32x125x80xi32, #tpu.memory_space<hbm>> -> memref<1x1x80xi32, #tpu.memory_space<hbm>>
      %dma_wait3A_259 = tpu.memref_squeeze %dma_wait3A_258 : memref<1x1x80xi32, #tpu.memory_space<hbm>> -> memref<80xi32, #tpu.memory_space<hbm>>
      tpu.wait_dma2 semaphore(%arg35 : memref<!tpu.dma_semaphore, #tpu.memory_space<semaphore_mem>>) src(%dma_wait3A_259 : memref<80xi32, #tpu.memory_space<hbm>>) dst(%arg17 : memref<80xi32, #tpu.memory_space<vmem>>)
      %dma_start3A_260 = arith.constant 0 : i32
      %dma_start3A_261 = arith.constant 0 : i32
      %dma_start3A_262 = tpu.memref_slice %arg19[%dma_start3A_260, %dma_start3A_261] : memref<10000x128xf32, #tpu.memory_space<vmem_shared>> -> memref<10000x128xf32, #tpu.memory_space<vmem_shared>>
      tpu.enqueue_indirect_dma source(%arg9 : memref<80x128xf32, #tpu.memory_space<vmem>>) target(%dma_start3A_262 : memref<10000x128xf32, #tpu.memory_space<vmem_shared>>) offsets(%arg17 : memref<80xi32, #tpu.memory_space<vmem>>) semaphore(%arg27 : memref<!tpu.dma_semaphore, #tpu.memory_space<semaphore_mem>>) {add = true}
      %add3A_263 = arith.constant 4 : i32
      %add3A_264 = arith.addi %add3A_249, %add3A_263 : i32
      %lt3A_265 = arith.constant 125 : i32
      %lt3A_266 = arith.cmpi slt, %add3A_264, %lt3A_265 : i32
      %convert_element_type3A_267 = arith.extui %lt3A_266 : i1 to i32
      %cond3A_268 = arith.constant 0 : i32
      %cond3A_269 = arith.cmpi ne, %convert_element_type3A_267, %cond3A_268 : i32
      scf.if %cond3A_269 {
        %add3A_280 = arith.constant 4 : i32
        %add3A_281 = arith.addi %add3A_249, %add3A_280 : i32
        %dma_start3A_282 = arith.constant 0 : i32
        %dma_start3A_283 = tpu.memref_slice %arg3[%add3A, %add3A_281, %dma_start3A_282] : memref<32x125x80xi32, #tpu.memory_space<hbm>> -> memref<1x1x80xi32, #tpu.memory_space<hbm>>
        %dma_start3A_284 = tpu.memref_squeeze %dma_start3A_283 : memref<1x1x80xi32, #tpu.memory_space<hbm>> -> memref<80xi32, #tpu.memory_space<hbm>>
        %dma_start3A_285 = arith.constant 0 : i32
        %dma_start3A_286 = tpu.memref_slice %arg3[%add3A, %add3A_281, %dma_start3A_285] : memref<32x125x80xi32, #tpu.memory_space<hbm>> -> memref<1x1x80xi32, #tpu.memory_space<hbm>>
        %dma_start3A_287 = tpu.memref_squeeze %dma_start3A_286 : memref<1x1x80xi32, #tpu.memory_space<hbm>> -> memref<80xi32, #tpu.memory_space<hbm>>
        tpu.enqueue_dma source(%dma_start3A_287 : memref<80xi32, #tpu.memory_space<hbm>>) target(%arg13 : memref<80xi32, #tpu.memory_space<vmem>>) target_semaphore(%arg31 : memref<!tpu.dma_semaphore, #tpu.memory_space<semaphore_mem>>)
      } else {
      }
      %dma_wait3A_270 = arith.constant 0 : i32
      %dma_wait3A_271 = arith.constant 0 : i32
      %dma_wait3A_272 = tpu.memref_slice %arg19[%dma_wait3A_270, %dma_wait3A_271] : memref<10000x128xf32, #tpu.memory_space<vmem_shared>> -> memref<10000x128xf32, #tpu.memory_space<vmem_shared>>
      tpu.wait_indirect_dma semaphore(%arg27 : memref<!tpu.dma_semaphore, #tpu.memory_space<semaphore_mem>>) src(%arg9 : memref<80x128xf32, #tpu.memory_space<vmem>>) dst(%dma_wait3A_272 : memref<10000x128xf32, #tpu.memory_space<vmem_shared>>)
      %add3A_273 = arith.constant 4 : i32
      %add3A_274 = arith.addi %add3A_249, %add3A_273 : i32
      %lt3A_275 = arith.constant 125 : i32
      %lt3A_276 = arith.cmpi slt, %add3A_274, %lt3A_275 : i32
      %convert_element_type3A_277 = arith.extui %lt3A_276 : i1 to i32
      %cond3A_278 = arith.constant 0 : i32
      %cond3A_279 = arith.cmpi ne, %convert_element_type3A_277, %cond3A_278 : i32
      scf.if %cond3A_279 {
        %add3A_280 = arith.constant 4 : i32
        %add3A_281 = arith.addi %add3A_249, %add3A_280 : i32
        %dma_start3A_282 = arith.constant 0 : i32
        %dma_start3A_283 = tpu.memref_slice %arg4[%add3A, %add3A_281, %dma_start3A_282] : memref<32x125x80xi32, #tpu.memory_space<hbm>> -> memref<1x1x80xi32, #tpu.memory_space<hbm>>
        %dma_start3A_284 = tpu.memref_squeeze %dma_start3A_283 : memref<1x1x80xi32, #tpu.memory_space<hbm>> -> memref<80xi32, #tpu.memory_space<hbm>>
        %dma_start3A_285 = arith.constant 0 : i32
        %dma_start3A_286 = tpu.memref_slice %arg4[%add3A, %add3A_281, %dma_start3A_285] : memref<32x125x80xi32, #tpu.memory_space<hbm>> -> memref<1x1x80xi32, #tpu.memory_space<hbm>>
        %dma_start3A_287 = tpu.memref_squeeze %dma_start3A_286 : memref<1x1x80xi32, #tpu.memory_space<hbm>> -> memref<80xi32, #tpu.memory_space<hbm>>
        tpu.enqueue_dma source(%dma_start3A_287 : memref<80xi32, #tpu.memory_space<hbm>>) target(%arg17 : memref<80xi32, #tpu.memory_space<vmem>>) target_semaphore(%arg35 : memref<!tpu.dma_semaphore, #tpu.memory_space<semaphore_mem>>)
        %dma_wait3A_288 = arith.constant 0 : i32
        %dma_wait3A_289 = arith.constant 0 : i32
        %dma_wait3A_290 = tpu.memref_slice %arg3[%add3A, %dma_wait3A_288, %dma_wait3A_289] : memref<32x125x80xi32, #tpu.memory_space<hbm>> -> memref<1x1x80xi32, #tpu.memory_space<hbm>>
        %dma_wait3A_291 = tpu.memref_squeeze %dma_wait3A_290 : memref<1x1x80xi32, #tpu.memory_space<hbm>> -> memref<80xi32, #tpu.memory_space<hbm>>
        %dma_wait3A_292 = arith.constant 0 : i32
        %dma_wait3A_293 = tpu.memref_slice %arg3[%add3A, %dma_wait3A_288, %dma_wait3A_292] : memref<32x125x80xi32, #tpu.memory_space<hbm>> -> memref<1x1x80xi32, #tpu.memory_space<hbm>>
        %dma_wait3A_294 = tpu.memref_squeeze %dma_wait3A_293 : memref<1x1x80xi32, #tpu.memory_space<hbm>> -> memref<80xi32, #tpu.memory_space<hbm>>
        tpu.wait_dma2 semaphore(%arg31 : memref<!tpu.dma_semaphore, #tpu.memory_space<semaphore_mem>>) src(%dma_wait3A_294 : memref<80xi32, #tpu.memory_space<hbm>>) dst(%arg13 : memref<80xi32, #tpu.memory_space<vmem>>)
        %dma_start3A_295 = arith.constant 0 : i32
        %dma_start3A_296 = arith.constant 0 : i32
        %dma_start3A_297 = tpu.memref_slice %arg2[%dma_start3A_295, %dma_start3A_296] : memref<10000x128xf32, #tpu.memory_space<hbm>> -> memref<10000x128xf32, #tpu.memory_space<hbm>>
        tpu.enqueue_indirect_dma source(%dma_start3A_297 : memref<10000x128xf32, #tpu.memory_space<hbm>>) target(%arg9 : memref<80x128xf32, #tpu.memory_space<vmem>>) offsets(%arg13 : memref<80xi32, #tpu.memory_space<vmem>>) semaphore(%arg23 : memref<!tpu.dma_semaphore, #tpu.memory_space<semaphore_mem>>)
      } else {
      }
    }
    %scan3A_115 = arith.constant 31 : i32
    %dma_wait3A_116 = arith.constant 0 : i32
    %dma_wait3A_117 = arith.constant 0 : i32
    %dma_wait3A_118 = tpu.memref_slice %arg2[%dma_wait3A_116, %dma_wait3A_117] : memref<10000x128xf32, #tpu.memory_space<hbm>> -> memref<10000x128xf32, #tpu.memory_space<hbm>>
    tpu.wait_indirect_dma semaphore(%arg20 : memref<!tpu.dma_semaphore, #tpu.memory_space<semaphore_mem>>) src(%dma_wait3A_118 : memref<10000x128xf32, #tpu.memory_space<hbm>>) dst(%arg6 : memref<80x128xf32, #tpu.memory_space<vmem>>)
    %dma_wait3A_119 = arith.constant 0 : i32
    %dma_wait3A_120 = arith.constant 0 : i32
    %dma_wait3A_121 = tpu.memref_slice %arg4[%add3A, %dma_wait3A_119, %dma_wait3A_120] : memref<32x125x80xi32, #tpu.memory_space<hbm>> -> memref<1x1x80xi32, #tpu.memory_space<hbm>>
    %dma_wait3A_122 = tpu.memref_squeeze %dma_wait3A_121 : memref<1x1x80xi32, #tpu.memory_space<hbm>> -> memref<80xi32, #tpu.memory_space<hbm>>
    %dma_wait3A_123 = arith.constant 0 : i32
    %dma_wait3A_124 = tpu.memref_slice %arg4[%add3A, %dma_wait3A_119, %dma_wait3A_123] : memref<32x125x80xi32, #tpu.memory_space<hbm>> -> memref<1x1x80xi32, #tpu.memory_space<hbm>>
    %dma_wait3A_125 = tpu.memref_squeeze %dma_wait3A_124 : memref<1x1x80xi32, #tpu.memory_space<hbm>> -> memref<80xi32, #tpu.memory_space<hbm>>
    tpu.wait_dma2 semaphore(%arg32 : memref<!tpu.dma_semaphore, #tpu.memory_space<semaphore_mem>>) src(%dma_wait3A_125 : memref<80xi32, #tpu.memory_space<hbm>>) dst(%arg14 : memref<80xi32, #tpu.memory_space<vmem>>)
    %dma_start3A_126 = arith.constant 0 : i32
    %dma_start3A_127 = arith.constant 0 : i32
    %dma_start3A_128 = tpu.memref_slice %arg19[%dma_start3A_126, %dma_start3A_127] : memref<10000x128xf32, #tpu.memory_space<vmem_shared>> -> memref<10000x128xf32, #tpu.memory_space<vmem_shared>>
    tpu.enqueue_indirect_dma source(%arg6 : memref<80x128xf32, #tpu.memory_space<vmem>>) target(%dma_start3A_128 : memref<10000x128xf32, #tpu.memory_space<vmem_shared>>) offsets(%arg14 : memref<80xi32, #tpu.memory_space<vmem>>) semaphore(%arg24 : memref<!tpu.dma_semaphore, #tpu.memory_space<semaphore_mem>>) {add = true}
    %dma_wait3A_129 = arith.constant 0 : i32
    %dma_wait3A_130 = arith.constant 0 : i32
    %dma_wait3A_131 = tpu.memref_slice %arg19[%dma_wait3A_129, %dma_wait3A_130] : memref<10000x128xf32, #tpu.memory_space<vmem_shared>> -> memref<10000x128xf32, #tpu.memory_space<vmem_shared>>
    tpu.wait_indirect_dma semaphore(%arg24 : memref<!tpu.dma_semaphore, #tpu.memory_space<semaphore_mem>>) src(%arg6 : memref<80x128xf32, #tpu.memory_space<vmem>>) dst(%dma_wait3A_131 : memref<10000x128xf32, #tpu.memory_space<vmem_shared>>)
    %barrier3A_132 = arith.constant 0 : index
    tpu.barrier barrier_id(%barrier3A_132)
    %mul3A_133 = arith.constant 10000 : i32
    %mul3A_134 = arith.muli %arg0, %mul3A_133 : i32
    %mul3A_135 = arith.constant 624 : i32
    %mul3A_136 = arith.muli %arg1, %mul3A_135 : i32
    %add3A_137 = arith.addi %mul3A_134, %mul3A_136 : i32
    %multiple_of3A_138 = tpu.assume_multiple %add3A_137, 16 : i32
    "tpu.region"() ({
      %run_scoped3A = tpu.sem_alloc : memref<!tpu.dma_semaphore, #tpu.memory_space<semaphore_mem>>
      %dma_start3A_144 = arith.constant 0 : i32
      %dma_start3A_145 = tpu.memref_slice %arg5[%multiple_of3A_138, %dma_start3A_144] : memref<20000x128xf32, #tpu.memory_space<hbm>> -> memref<624x128xf32, #tpu.memory_space<hbm>>
      %dma_start3A_146 = arith.constant 0 : i32
      %dma_start3A_147 = tpu.memref_slice %arg19[%multiple_of3A, %dma_start3A_146] : memref<10000x128xf32, #tpu.memory_space<vmem_shared>> -> memref<624x128xf32, #tpu.memory_space<vmem_shared>>
      tpu.enqueue_dma source(%dma_start3A_147 : memref<624x128xf32, #tpu.memory_space<vmem_shared>>) target(%dma_start3A_145 : memref<624x128xf32, #tpu.memory_space<hbm>>) target_semaphore(%run_scoped3A : memref<!tpu.dma_semaphore, #tpu.memory_space<semaphore_mem>>)
      %dma_wait3A_148 = arith.constant 0 : i32
      %dma_wait3A_149 = tpu.memref_slice %arg5[%multiple_of3A_138, %dma_wait3A_148] : memref<20000x128xf32, #tpu.memory_space<hbm>> -> memref<624x128xf32, #tpu.memory_space<hbm>>
      %dma_wait3A_150 = arith.constant 0 : i32
      %dma_wait3A_151 = tpu.memref_slice %arg19[%multiple_of3A, %dma_wait3A_150] : memref<10000x128xf32, #tpu.memory_space<vmem_shared>> -> memref<624x128xf32, #tpu.memory_space<vmem_shared>>
      tpu.wait_dma2 semaphore(%run_scoped3A : memref<!tpu.dma_semaphore, #tpu.memory_space<semaphore_mem>>) src(%dma_wait3A_151 : memref<624x128xf32, #tpu.memory_space<vmem_shared>>) dst(%dma_wait3A_149 : memref<624x128xf32, #tpu.memory_space<hbm>>)
      tpu.yield
    }) : () -> ()
    %eq3A_139 = arith.constant 15 : i32
    %eq3A_140 = arith.cmpi eq, %arg1, %eq3A_139 : i32
    %convert_element_type3A_141 = arith.extui %eq3A_140 : i1 to i32
    %cond3A_142 = arith.constant 0 : i32
    %cond3A_143 = arith.cmpi ne, %convert_element_type3A_141, %cond3A_142 : i32
    scf.if %cond3A_143 {
      %mul3A_144 = arith.constant 10000 : i32
      %mul3A_145 = arith.muli %arg0, %mul3A_144 : i32
      %add3A_146 = arith.constant 9984 : i32
      %add3A_147 = arith.addi %mul3A_145, %add3A_146 : i32
      "tpu.region"() ({
        %run_scoped3A = tpu.sem_alloc : memref<!tpu.dma_semaphore, #tpu.memory_space<semaphore_mem>>
        %dma_start3A_148 = arith.constant 0 : i32
        %dma_start3A_149 = tpu.memref_slice %arg5[%add3A_147, %dma_start3A_148] : memref<20000x128xf32, #tpu.memory_space<hbm>> -> memref<16x128xf32, #tpu.memory_space<hbm>>
        %dma_start3A_150 = arith.constant 9984 : i32
        %dma_start3A_151 = arith.constant 0 : i32
        %dma_start3A_152 = tpu.memref_slice %arg19[%dma_start3A_150, %dma_start3A_151] : memref<10000x128xf32, #tpu.memory_space<vmem_shared>> -> memref<16x128xf32, #tpu.memory_space<vmem_shared>>
        tpu.enqueue_dma source(%dma_start3A_152 : memref<16x128xf32, #tpu.memory_space<vmem_shared>>) target(%dma_start3A_149 : memref<16x128xf32, #tpu.memory_space<hbm>>) target_semaphore(%run_scoped3A : memref<!tpu.dma_semaphore, #tpu.memory_space<semaphore_mem>>)
        %dma_wait3A_153 = arith.constant 0 : i32
        %dma_wait3A_154 = tpu.memref_slice %arg5[%add3A_147, %dma_wait3A_153] : memref<20000x128xf32, #tpu.memory_space<hbm>> -> memref<16x128xf32, #tpu.memory_space<hbm>>
        %dma_wait3A_155 = arith.constant 9984 : i32
        %dma_wait3A_156 = arith.constant 0 : i32
        %dma_wait3A_157 = tpu.memref_slice %arg19[%dma_wait3A_155, %dma_wait3A_156] : memref<10000x128xf32, #tpu.memory_space<vmem_shared>> -> memref<16x128xf32, #tpu.memory_space<vmem_shared>>
        tpu.wait_dma2 semaphore(%run_scoped3A : memref<!tpu.dma_semaphore, #tpu.memory_space<semaphore_mem>>) src(%dma_wait3A_157 : memref<16x128xf32, #tpu.memory_space<vmem_shared>>) dst(%dma_wait3A_154 : memref<16x128xf32, #tpu.memory_space<hbm>>)
        tpu.yield
      }) : () -> ()
    } else {
    }
    return
  }
}

module attributes {stable_mosaic.version = 14 : i64} {
  func.func @_tc_in_body(%arg0: i32, %arg1: memref<2000x128xf32, #tpu.memory_space<vmem>>, %arg2: memref<128x128xf32, #tpu.memory_space<vmem>>, %arg3: memref<1x128xf32, #tpu.memory_space<vmem>>, %arg4: memref<128x128xf32, #tpu.memory_space<vmem>>, %arg5: memref<1x128xf32, #tpu.memory_space<vmem>>, %arg6: memref<2000x128xf32, #tpu.memory_space<vmem>>) attributes {dimension_semantics = [#tpu.dimension_semantics<arbitrary>], iteration_bounds = array<i64: 5>, scalar_prefetch = 0 : i64, scratch_operands = 0 : i64, tpu.core_type = #tpu.core_type<tc>, window_params = [{transform_indices = @transform_0, window_bounds = array<i64: 2000, 128>}, {pipeline_mode = #tpu.pipeline_mode<synchronous>, transform_indices = @transform_1, window_bounds = array<i64: 128, 128>}, {pipeline_mode = #tpu.pipeline_mode<synchronous>, transform_indices = @transform_2, window_bounds = array<i64: 1, 128>}, {pipeline_mode = #tpu.pipeline_mode<synchronous>, transform_indices = @transform_3, window_bounds = array<i64: 128, 128>}, {pipeline_mode = #tpu.pipeline_mode<synchronous>, transform_indices = @transform_4, window_bounds = array<i64: 1, 128>}, {transform_indices = @transform_5, window_bounds = array<i64: 2000, 128>}]} {
    %get3A = arith.constant 0 : index
    %get3A_0 = arith.constant 0 : index
    %get3A_1 = vector.load %arg1[%get3A, %get3A_0] : memref<2000x128xf32, #tpu.memory_space<vmem>>, vector<2000x128xf32>
    %get3A_2 = arith.constant 0 : index
    %get3A_3 = arith.constant 0 : index
    %get3A_4 = vector.load %arg2[%get3A_2, %get3A_3] : memref<128x128xf32, #tpu.memory_space<vmem>>, vector<128x128xf32>
    %dot_general3A = arith.constant dense<0.000000e+00> : vector<2000x128xf32>
    %dot_general3A_5 = tpu.matmul %get3A_1, %get3A_4, %dot_general3A {dimension_numbers = #tpu.dot_dimension_numbers<[1], [0], [0], [1], [0, 0, 1, 1], [], []>, transpose_lhs_hint = false} : vector<2000x128xf32>, vector<128x128xf32>, vector<2000x128xf32> -> vector<2000x128xf32>
    %get3A_6 = arith.constant 0 : index
    %get3A_7 = arith.constant 0 : index
    %get3A_8 = vector.load %arg3[%get3A_6, %get3A_7] : memref<1x128xf32, #tpu.memory_space<vmem>>, vector<1x128xf32>
    %add3A = vector.broadcast %get3A_8 : vector<1x128xf32> to vector<2000x128xf32>
    %add3A_9 = arith.addf %dot_general3A_5, %add3A : vector<2000x128xf32>
    %max3A = arith.constant 0.000000e+00 : f32
    %max3A_10 = vector.broadcast %max3A : f32 to vector<2000x128xf32>
    %max3A_11 = arith.maximumf %add3A_9, %max3A_10 : vector<2000x128xf32>
    %get3A_12 = arith.constant 0 : index
    %get3A_13 = arith.constant 0 : index
    %get3A_14 = vector.load %arg4[%get3A_12, %get3A_13] : memref<128x128xf32, #tpu.memory_space<vmem>>, vector<128x128xf32>
    %dot_general3A_15 = arith.constant dense<0.000000e+00> : vector<2000x128xf32>
    %dot_general3A_16 = tpu.matmul %max3A_11, %get3A_14, %dot_general3A_15 {dimension_numbers = #tpu.dot_dimension_numbers<[1], [0], [0], [1], [0, 0, 1, 1], [], []>, transpose_lhs_hint = false} : vector<2000x128xf32>, vector<128x128xf32>, vector<2000x128xf32> -> vector<2000x128xf32>
    %get3A_17 = arith.constant 0 : index
    %get3A_18 = arith.constant 0 : index
    %get3A_19 = vector.load %arg5[%get3A_17, %get3A_18] : memref<1x128xf32, #tpu.memory_space<vmem>>, vector<1x128xf32>
    %add3A_20 = vector.broadcast %get3A_19 : vector<1x128xf32> to vector<2000x128xf32>
    %add3A_21 = arith.addf %dot_general3A_16, %add3A_20 : vector<2000x128xf32>
    %iota3A = tpu.iota {dimensions = array<i32: 1>} : vector<2000x128xi32>
    %bitcast_convert_type3A = tpu.bitcast %add3A_21 : vector<2000x128xf32> -> vector<2000x128xi32>
    %shift_right_arithmetic3A = arith.constant 31 : i32
    %shift_right_arithmetic3A_22 = vector.broadcast %shift_right_arithmetic3A : i32 to vector<2000x128xi32>
    %shift_right_arithmetic3A_23 = arith.shrsi %bitcast_convert_type3A, %shift_right_arithmetic3A_22 : vector<2000x128xi32>
    %and3A = arith.constant 2147483647 : i32
    %and3A_24 = vector.broadcast %and3A : i32 to vector<2000x128xi32>
    %and3A_25 = arith.andi %shift_right_arithmetic3A_23, %and3A_24 : vector<2000x128xi32>
    %xor3A = arith.xori %bitcast_convert_type3A, %and3A_25 : vector<2000x128xi32>
    %and3A_26 = arith.constant -128 : i32
    %and3A_27 = vector.broadcast %and3A_26 : i32 to vector<2000x128xi32>
    %and3A_28 = arith.andi %xor3A, %and3A_27 : vector<2000x128xi32>
    %sub3A = arith.constant 127 : i32
    %sub3A_29 = vector.broadcast %sub3A : i32 to vector<2000x128xi32>
    %sub3A_30 = arith.subi %sub3A_29, %iota3A : vector<2000x128xi32>
    %or3A = arith.ori %and3A_28, %sub3A_30 : vector<2000x128xi32>
    %and3A_31 = arith.constant 2 : i32
    %and3A_32 = vector.broadcast %and3A_31 : i32 to vector<2000x128xi32>
    %and3A_33 = arith.andi %iota3A, %and3A_32 : vector<2000x128xi32>
    %eq3A = arith.constant 0 : i32
    %eq3A_34 = vector.broadcast %eq3A : i32 to vector<2000x128xi32>
    %eq3A_35 = arith.cmpi eq, %and3A_33, %eq3A_34 : vector<2000x128xi32>
    %and3A_36 = arith.constant 1 : i32
    %and3A_37 = vector.broadcast %and3A_36 : i32 to vector<2000x128xi32>
    %and3A_38 = arith.andi %iota3A, %and3A_37 : vector<2000x128xi32>
    %eq3A_39 = arith.constant 0 : i32
    %eq3A_40 = vector.broadcast %eq3A_39 : i32 to vector<2000x128xi32>
    %eq3A_41 = arith.cmpi eq, %and3A_38, %eq3A_40 : vector<2000x128xi32>
    %roll3A = arith.constant 127 : i32
    %roll3A_42 = tpu.dynamic_rotate %or3A by %roll3A dim 1 : vector<2000x128xi32>, i32 -> vector<2000x128xi32>
    %roll3A_43 = arith.constant 1 : i32
    %roll3A_44 = tpu.dynamic_rotate %or3A by %roll3A_43 dim 1 : vector<2000x128xi32>, i32 -> vector<2000x128xi32>
    %select_n3A = arith.select %eq3A_41, %roll3A_42, %roll3A_44 : vector<2000x128xi1>, vector<2000x128xi32>
    %eq3A_45 = arith.xori %eq3A_35, %eq3A_41 : vector<2000x128xi1>
    %eq3A_46 = arith.constant dense<true> : vector<2000x128xi1>
    %eq3A_47 = arith.xori %eq3A_45, %eq3A_46 : vector<2000x128xi1>
    %min3A = arith.minsi %or3A, %select_n3A : vector<2000x128xi32>
    %max3A_48 = arith.maxsi %or3A, %select_n3A : vector<2000x128xi32>
    %select_n3A_49 = arith.select %eq3A_47, %min3A, %max3A_48 : vector<2000x128xi1>, vector<2000x128xi32>
    %and3A_50 = arith.constant 4 : i32
    %and3A_51 = vector.broadcast %and3A_50 : i32 to vector<2000x128xi32>
    %and3A_52 = arith.andi %iota3A, %and3A_51 : vector<2000x128xi32>
    %eq3A_53 = arith.constant 0 : i32
    %eq3A_54 = vector.broadcast %eq3A_53 : i32 to vector<2000x128xi32>
    %eq3A_55 = arith.cmpi eq, %and3A_52, %eq3A_54 : vector<2000x128xi32>
    %and3A_56 = arith.constant 2 : i32
    %and3A_57 = vector.broadcast %and3A_56 : i32 to vector<2000x128xi32>
    %and3A_58 = arith.andi %iota3A, %and3A_57 : vector<2000x128xi32>
    %eq3A_59 = arith.constant 0 : i32
    %eq3A_60 = vector.broadcast %eq3A_59 : i32 to vector<2000x128xi32>
    %eq3A_61 = arith.cmpi eq, %and3A_58, %eq3A_60 : vector<2000x128xi32>
    %roll3A_62 = arith.constant 126 : i32
    %roll3A_63 = tpu.dynamic_rotate %select_n3A_49 by %roll3A_62 dim 1 : vector<2000x128xi32>, i32 -> vector<2000x128xi32>
    %roll3A_64 = arith.constant 2 : i32
    %roll3A_65 = tpu.dynamic_rotate %select_n3A_49 by %roll3A_64 dim 1 : vector<2000x128xi32>, i32 -> vector<2000x128xi32>
    %select_n3A_66 = arith.select %eq3A_61, %roll3A_63, %roll3A_65 : vector<2000x128xi1>, vector<2000x128xi32>
    %eq3A_67 = arith.xori %eq3A_55, %eq3A_61 : vector<2000x128xi1>
    %eq3A_68 = arith.constant dense<true> : vector<2000x128xi1>
    %eq3A_69 = arith.xori %eq3A_67, %eq3A_68 : vector<2000x128xi1>
    %min3A_70 = arith.minsi %select_n3A_49, %select_n3A_66 : vector<2000x128xi32>
    %max3A_71 = arith.maxsi %select_n3A_49, %select_n3A_66 : vector<2000x128xi32>
    %select_n3A_72 = arith.select %eq3A_69, %min3A_70, %max3A_71 : vector<2000x128xi1>, vector<2000x128xi32>
    %and3A_73 = arith.constant 1 : i32
    %and3A_74 = vector.broadcast %and3A_73 : i32 to vector<2000x128xi32>
    %and3A_75 = arith.andi %iota3A, %and3A_74 : vector<2000x128xi32>
    %eq3A_76 = arith.constant 0 : i32
    %eq3A_77 = vector.broadcast %eq3A_76 : i32 to vector<2000x128xi32>
    %eq3A_78 = arith.cmpi eq, %and3A_75, %eq3A_77 : vector<2000x128xi32>
    %roll3A_79 = arith.constant 127 : i32
    %roll3A_80 = tpu.dynamic_rotate %select_n3A_72 by %roll3A_79 dim 1 : vector<2000x128xi32>, i32 -> vector<2000x128xi32>
    %roll3A_81 = arith.constant 1 : i32
    %roll3A_82 = tpu.dynamic_rotate %select_n3A_72 by %roll3A_81 dim 1 : vector<2000x128xi32>, i32 -> vector<2000x128xi32>
    %select_n3A_83 = arith.select %eq3A_78, %roll3A_80, %roll3A_82 : vector<2000x128xi1>, vector<2000x128xi32>
    %eq3A_84 = arith.xori %eq3A_55, %eq3A_78 : vector<2000x128xi1>
    %eq3A_85 = arith.constant dense<true> : vector<2000x128xi1>
    %eq3A_86 = arith.xori %eq3A_84, %eq3A_85 : vector<2000x128xi1>
    %min3A_87 = arith.minsi %select_n3A_72, %select_n3A_83 : vector<2000x128xi32>
    %max3A_88 = arith.maxsi %select_n3A_72, %select_n3A_83 : vector<2000x128xi32>
    %select_n3A_89 = arith.select %eq3A_86, %min3A_87, %max3A_88 : vector<2000x128xi1>, vector<2000x128xi32>
    %and3A_90 = arith.constant 8 : i32
    %and3A_91 = vector.broadcast %and3A_90 : i32 to vector<2000x128xi32>
    %and3A_92 = arith.andi %iota3A, %and3A_91 : vector<2000x128xi32>
    %eq3A_93 = arith.constant 0 : i32
    %eq3A_94 = vector.broadcast %eq3A_93 : i32 to vector<2000x128xi32>
    %eq3A_95 = arith.cmpi eq, %and3A_92, %eq3A_94 : vector<2000x128xi32>
    %and3A_96 = arith.constant 4 : i32
    %and3A_97 = vector.broadcast %and3A_96 : i32 to vector<2000x128xi32>
    %and3A_98 = arith.andi %iota3A, %and3A_97 : vector<2000x128xi32>
    %eq3A_99 = arith.constant 0 : i32
    %eq3A_100 = vector.broadcast %eq3A_99 : i32 to vector<2000x128xi32>
    %eq3A_101 = arith.cmpi eq, %and3A_98, %eq3A_100 : vector<2000x128xi32>
    %roll3A_102 = arith.constant 124 : i32
    %roll3A_103 = tpu.dynamic_rotate %select_n3A_89 by %roll3A_102 dim 1 : vector<2000x128xi32>, i32 -> vector<2000x128xi32>
    %roll3A_104 = arith.constant 4 : i32
    %roll3A_105 = tpu.dynamic_rotate %select_n3A_89 by %roll3A_104 dim 1 : vector<2000x128xi32>, i32 -> vector<2000x128xi32>
    %select_n3A_106 = arith.select %eq3A_101, %roll3A_103, %roll3A_105 : vector<2000x128xi1>, vector<2000x128xi32>
    %eq3A_107 = arith.xori %eq3A_95, %eq3A_101 : vector<2000x128xi1>
    %eq3A_108 = arith.constant dense<true> : vector<2000x128xi1>
    %eq3A_109 = arith.xori %eq3A_107, %eq3A_108 : vector<2000x128xi1>
    %min3A_110 = arith.minsi %select_n3A_89, %select_n3A_106 : vector<2000x128xi32>
    %max3A_111 = arith.maxsi %select_n3A_89, %select_n3A_106 : vector<2000x128xi32>
    %select_n3A_112 = arith.select %eq3A_109, %min3A_110, %max3A_111 : vector<2000x128xi1>, vector<2000x128xi32>
    %and3A_113 = arith.constant 2 : i32
    %and3A_114 = vector.broadcast %and3A_113 : i32 to vector<2000x128xi32>
    %and3A_115 = arith.andi %iota3A, %and3A_114 : vector<2000x128xi32>
    %eq3A_116 = arith.constant 0 : i32
    %eq3A_117 = vector.broadcast %eq3A_116 : i32 to vector<2000x128xi32>
    %eq3A_118 = arith.cmpi eq, %and3A_115, %eq3A_117 : vector<2000x128xi32>
    %roll3A_119 = arith.constant 126 : i32
    %roll3A_120 = tpu.dynamic_rotate %select_n3A_112 by %roll3A_119 dim 1 : vector<2000x128xi32>, i32 -> vector<2000x128xi32>
    %roll3A_121 = arith.constant 2 : i32
    %roll3A_122 = tpu.dynamic_rotate %select_n3A_112 by %roll3A_121 dim 1 : vector<2000x128xi32>, i32 -> vector<2000x128xi32>
    %select_n3A_123 = arith.select %eq3A_118, %roll3A_120, %roll3A_122 : vector<2000x128xi1>, vector<2000x128xi32>
    %eq3A_124 = arith.xori %eq3A_95, %eq3A_118 : vector<2000x128xi1>
    %eq3A_125 = arith.constant dense<true> : vector<2000x128xi1>
    %eq3A_126 = arith.xori %eq3A_124, %eq3A_125 : vector<2000x128xi1>
    %min3A_127 = arith.minsi %select_n3A_112, %select_n3A_123 : vector<2000x128xi32>
    %max3A_128 = arith.maxsi %select_n3A_112, %select_n3A_123 : vector<2000x128xi32>
    %select_n3A_129 = arith.select %eq3A_126, %min3A_127, %max3A_128 : vector<2000x128xi1>, vector<2000x128xi32>
    %and3A_130 = arith.constant 1 : i32
    %and3A_131 = vector.broadcast %and3A_130 : i32 to vector<2000x128xi32>
    %and3A_132 = arith.andi %iota3A, %and3A_131 : vector<2000x128xi32>
    %eq3A_133 = arith.constant 0 : i32
    %eq3A_134 = vector.broadcast %eq3A_133 : i32 to vector<2000x128xi32>
    %eq3A_135 = arith.cmpi eq, %and3A_132, %eq3A_134 : vector<2000x128xi32>
    %roll3A_136 = arith.constant 127 : i32
    %roll3A_137 = tpu.dynamic_rotate %select_n3A_129 by %roll3A_136 dim 1 : vector<2000x128xi32>, i32 -> vector<2000x128xi32>
    %roll3A_138 = arith.constant 1 : i32
    %roll3A_139 = tpu.dynamic_rotate %select_n3A_129 by %roll3A_138 dim 1 : vector<2000x128xi32>, i32 -> vector<2000x128xi32>
    %select_n3A_140 = arith.select %eq3A_135, %roll3A_137, %roll3A_139 : vector<2000x128xi1>, vector<2000x128xi32>
    %eq3A_141 = arith.xori %eq3A_95, %eq3A_135 : vector<2000x128xi1>
    %eq3A_142 = arith.constant dense<true> : vector<2000x128xi1>
    %eq3A_143 = arith.xori %eq3A_141, %eq3A_142 : vector<2000x128xi1>
    %min3A_144 = arith.minsi %select_n3A_129, %select_n3A_140 : vector<2000x128xi32>
    %max3A_145 = arith.maxsi %select_n3A_129, %select_n3A_140 : vector<2000x128xi32>
    %select_n3A_146 = arith.select %eq3A_143, %min3A_144, %max3A_145 : vector<2000x128xi1>, vector<2000x128xi32>
    %and3A_147 = arith.constant 16 : i32
    %and3A_148 = vector.broadcast %and3A_147 : i32 to vector<2000x128xi32>
    %and3A_149 = arith.andi %iota3A, %and3A_148 : vector<2000x128xi32>
    %eq3A_150 = arith.constant 0 : i32
    %eq3A_151 = vector.broadcast %eq3A_150 : i32 to vector<2000x128xi32>
    %eq3A_152 = arith.cmpi eq, %and3A_149, %eq3A_151 : vector<2000x128xi32>
    %and3A_153 = arith.constant 8 : i32
    %and3A_154 = vector.broadcast %and3A_153 : i32 to vector<2000x128xi32>
    %and3A_155 = arith.andi %iota3A, %and3A_154 : vector<2000x128xi32>
    %eq3A_156 = arith.constant 0 : i32
    %eq3A_157 = vector.broadcast %eq3A_156 : i32 to vector<2000x128xi32>
    %eq3A_158 = arith.cmpi eq, %and3A_155, %eq3A_157 : vector<2000x128xi32>
    %roll3A_159 = arith.constant 120 : i32
    %roll3A_160 = tpu.dynamic_rotate %select_n3A_146 by %roll3A_159 dim 1 : vector<2000x128xi32>, i32 -> vector<2000x128xi32>
    %roll3A_161 = arith.constant 8 : i32
    %roll3A_162 = tpu.dynamic_rotate %select_n3A_146 by %roll3A_161 dim 1 : vector<2000x128xi32>, i32 -> vector<2000x128xi32>
    %select_n3A_163 = arith.select %eq3A_158, %roll3A_160, %roll3A_162 : vector<2000x128xi1>, vector<2000x128xi32>
    %eq3A_164 = arith.xori %eq3A_152, %eq3A_158 : vector<2000x128xi1>
    %eq3A_165 = arith.constant dense<true> : vector<2000x128xi1>
    %eq3A_166 = arith.xori %eq3A_164, %eq3A_165 : vector<2000x128xi1>
    %min3A_167 = arith.minsi %select_n3A_146, %select_n3A_163 : vector<2000x128xi32>
    %max3A_168 = arith.maxsi %select_n3A_146, %select_n3A_163 : vector<2000x128xi32>
    %select_n3A_169 = arith.select %eq3A_166, %min3A_167, %max3A_168 : vector<2000x128xi1>, vector<2000x128xi32>
    %and3A_170 = arith.constant 4 : i32
    %and3A_171 = vector.broadcast %and3A_170 : i32 to vector<2000x128xi32>
    %and3A_172 = arith.andi %iota3A, %and3A_171 : vector<2000x128xi32>
    %eq3A_173 = arith.constant 0 : i32
    %eq3A_174 = vector.broadcast %eq3A_173 : i32 to vector<2000x128xi32>
    %eq3A_175 = arith.cmpi eq, %and3A_172, %eq3A_174 : vector<2000x128xi32>
    %roll3A_176 = arith.constant 124 : i32
    %roll3A_177 = tpu.dynamic_rotate %select_n3A_169 by %roll3A_176 dim 1 : vector<2000x128xi32>, i32 -> vector<2000x128xi32>
    %roll3A_178 = arith.constant 4 : i32
    %roll3A_179 = tpu.dynamic_rotate %select_n3A_169 by %roll3A_178 dim 1 : vector<2000x128xi32>, i32 -> vector<2000x128xi32>
    %select_n3A_180 = arith.select %eq3A_175, %roll3A_177, %roll3A_179 : vector<2000x128xi1>, vector<2000x128xi32>
    %eq3A_181 = arith.xori %eq3A_152, %eq3A_175 : vector<2000x128xi1>
    %eq3A_182 = arith.constant dense<true> : vector<2000x128xi1>
    %eq3A_183 = arith.xori %eq3A_181, %eq3A_182 : vector<2000x128xi1>
    %min3A_184 = arith.minsi %select_n3A_169, %select_n3A_180 : vector<2000x128xi32>
    %max3A_185 = arith.maxsi %select_n3A_169, %select_n3A_180 : vector<2000x128xi32>
    %select_n3A_186 = arith.select %eq3A_183, %min3A_184, %max3A_185 : vector<2000x128xi1>, vector<2000x128xi32>
    %and3A_187 = arith.constant 2 : i32
    %and3A_188 = vector.broadcast %and3A_187 : i32 to vector<2000x128xi32>
    %and3A_189 = arith.andi %iota3A, %and3A_188 : vector<2000x128xi32>
    %eq3A_190 = arith.constant 0 : i32
    %eq3A_191 = vector.broadcast %eq3A_190 : i32 to vector<2000x128xi32>
    %eq3A_192 = arith.cmpi eq, %and3A_189, %eq3A_191 : vector<2000x128xi32>
    %roll3A_193 = arith.constant 126 : i32
    %roll3A_194 = tpu.dynamic_rotate %select_n3A_186 by %roll3A_193 dim 1 : vector<2000x128xi32>, i32 -> vector<2000x128xi32>
    %roll3A_195 = arith.constant 2 : i32
    %roll3A_196 = tpu.dynamic_rotate %select_n3A_186 by %roll3A_195 dim 1 : vector<2000x128xi32>, i32 -> vector<2000x128xi32>
    %select_n3A_197 = arith.select %eq3A_192, %roll3A_194, %roll3A_196 : vector<2000x128xi1>, vector<2000x128xi32>
    %eq3A_198 = arith.xori %eq3A_152, %eq3A_192 : vector<2000x128xi1>
    %eq3A_199 = arith.constant dense<true> : vector<2000x128xi1>
    %eq3A_200 = arith.xori %eq3A_198, %eq3A_199 : vector<2000x128xi1>
    %min3A_201 = arith.minsi %select_n3A_186, %select_n3A_197 : vector<2000x128xi32>
    %max3A_202 = arith.maxsi %select_n3A_186, %select_n3A_197 : vector<2000x128xi32>
    %select_n3A_203 = arith.select %eq3A_200, %min3A_201, %max3A_202 : vector<2000x128xi1>, vector<2000x128xi32>
    %and3A_204 = arith.constant 1 : i32
    %and3A_205 = vector.broadcast %and3A_204 : i32 to vector<2000x128xi32>
    %and3A_206 = arith.andi %iota3A, %and3A_205 : vector<2000x128xi32>
    %eq3A_207 = arith.constant 0 : i32
    %eq3A_208 = vector.broadcast %eq3A_207 : i32 to vector<2000x128xi32>
    %eq3A_209 = arith.cmpi eq, %and3A_206, %eq3A_208 : vector<2000x128xi32>
    %roll3A_210 = arith.constant 127 : i32
    %roll3A_211 = tpu.dynamic_rotate %select_n3A_203 by %roll3A_210 dim 1 : vector<2000x128xi32>, i32 -> vector<2000x128xi32>
    %roll3A_212 = arith.constant 1 : i32
    %roll3A_213 = tpu.dynamic_rotate %select_n3A_203 by %roll3A_212 dim 1 : vector<2000x128xi32>, i32 -> vector<2000x128xi32>
    %select_n3A_214 = arith.select %eq3A_209, %roll3A_211, %roll3A_213 : vector<2000x128xi1>, vector<2000x128xi32>
    %eq3A_215 = arith.xori %eq3A_152, %eq3A_209 : vector<2000x128xi1>
    %eq3A_216 = arith.constant dense<true> : vector<2000x128xi1>
    %eq3A_217 = arith.xori %eq3A_215, %eq3A_216 : vector<2000x128xi1>
    %min3A_218 = arith.minsi %select_n3A_203, %select_n3A_214 : vector<2000x128xi32>
    %max3A_219 = arith.maxsi %select_n3A_203, %select_n3A_214 : vector<2000x128xi32>
    %select_n3A_220 = arith.select %eq3A_217, %min3A_218, %max3A_219 : vector<2000x128xi1>, vector<2000x128xi32>
    %and3A_221 = arith.constant 32 : i32
    %and3A_222 = vector.broadcast %and3A_221 : i32 to vector<2000x128xi32>
    %and3A_223 = arith.andi %iota3A, %and3A_222 : vector<2000x128xi32>
    %eq3A_224 = arith.constant 0 : i32
    %eq3A_225 = vector.broadcast %eq3A_224 : i32 to vector<2000x128xi32>
    %eq3A_226 = arith.cmpi eq, %and3A_223, %eq3A_225 : vector<2000x128xi32>
    %and3A_227 = arith.constant 16 : i32
    %and3A_228 = vector.broadcast %and3A_227 : i32 to vector<2000x128xi32>
    %and3A_229 = arith.andi %iota3A, %and3A_228 : vector<2000x128xi32>
    %eq3A_230 = arith.constant 0 : i32
    %eq3A_231 = vector.broadcast %eq3A_230 : i32 to vector<2000x128xi32>
    %eq3A_232 = arith.cmpi eq, %and3A_229, %eq3A_231 : vector<2000x128xi32>
    %roll3A_233 = arith.constant 112 : i32
    %roll3A_234 = tpu.dynamic_rotate %select_n3A_220 by %roll3A_233 dim 1 : vector<2000x128xi32>, i32 -> vector<2000x128xi32>
    %roll3A_235 = arith.constant 16 : i32
    %roll3A_236 = tpu.dynamic_rotate %select_n3A_220 by %roll3A_235 dim 1 : vector<2000x128xi32>, i32 -> vector<2000x128xi32>
    %select_n3A_237 = arith.select %eq3A_232, %roll3A_234, %roll3A_236 : vector<2000x128xi1>, vector<2000x128xi32>
    %eq3A_238 = arith.xori %eq3A_226, %eq3A_232 : vector<2000x128xi1>
    %eq3A_239 = arith.constant dense<true> : vector<2000x128xi1>
    %eq3A_240 = arith.xori %eq3A_238, %eq3A_239 : vector<2000x128xi1>
    %min3A_241 = arith.minsi %select_n3A_220, %select_n3A_237 : vector<2000x128xi32>
    %max3A_242 = arith.maxsi %select_n3A_220, %select_n3A_237 : vector<2000x128xi32>
    %select_n3A_243 = arith.select %eq3A_240, %min3A_241, %max3A_242 : vector<2000x128xi1>, vector<2000x128xi32>
    %and3A_244 = arith.constant 8 : i32
    %and3A_245 = vector.broadcast %and3A_244 : i32 to vector<2000x128xi32>
    %and3A_246 = arith.andi %iota3A, %and3A_245 : vector<2000x128xi32>
    %eq3A_247 = arith.constant 0 : i32
    %eq3A_248 = vector.broadcast %eq3A_247 : i32 to vector<2000x128xi32>
    %eq3A_249 = arith.cmpi eq, %and3A_246, %eq3A_248 : vector<2000x128xi32>
    %roll3A_250 = arith.constant 120 : i32
    %roll3A_251 = tpu.dynamic_rotate %select_n3A_243 by %roll3A_250 dim 1 : vector<2000x128xi32>, i32 -> vector<2000x128xi32>
    %roll3A_252 = arith.constant 8 : i32
    %roll3A_253 = tpu.dynamic_rotate %select_n3A_243 by %roll3A_252 dim 1 : vector<2000x128xi32>, i32 -> vector<2000x128xi32>
    %select_n3A_254 = arith.select %eq3A_249, %roll3A_251, %roll3A_253 : vector<2000x128xi1>, vector<2000x128xi32>
    %eq3A_255 = arith.xori %eq3A_226, %eq3A_249 : vector<2000x128xi1>
    %eq3A_256 = arith.constant dense<true> : vector<2000x128xi1>
    %eq3A_257 = arith.xori %eq3A_255, %eq3A_256 : vector<2000x128xi1>
    %min3A_258 = arith.minsi %select_n3A_243, %select_n3A_254 : vector<2000x128xi32>
    %max3A_259 = arith.maxsi %select_n3A_243, %select_n3A_254 : vector<2000x128xi32>
    %select_n3A_260 = arith.select %eq3A_257, %min3A_258, %max3A_259 : vector<2000x128xi1>, vector<2000x128xi32>
    %and3A_261 = arith.constant 4 : i32
    %and3A_262 = vector.broadcast %and3A_261 : i32 to vector<2000x128xi32>
    %and3A_263 = arith.andi %iota3A, %and3A_262 : vector<2000x128xi32>
    %eq3A_264 = arith.constant 0 : i32
    %eq3A_265 = vector.broadcast %eq3A_264 : i32 to vector<2000x128xi32>
    %eq3A_266 = arith.cmpi eq, %and3A_263, %eq3A_265 : vector<2000x128xi32>
    %roll3A_267 = arith.constant 124 : i32
    %roll3A_268 = tpu.dynamic_rotate %select_n3A_260 by %roll3A_267 dim 1 : vector<2000x128xi32>, i32 -> vector<2000x128xi32>
    %roll3A_269 = arith.constant 4 : i32
    %roll3A_270 = tpu.dynamic_rotate %select_n3A_260 by %roll3A_269 dim 1 : vector<2000x128xi32>, i32 -> vector<2000x128xi32>
    %select_n3A_271 = arith.select %eq3A_266, %roll3A_268, %roll3A_270 : vector<2000x128xi1>, vector<2000x128xi32>
    %eq3A_272 = arith.xori %eq3A_226, %eq3A_266 : vector<2000x128xi1>
    %eq3A_273 = arith.constant dense<true> : vector<2000x128xi1>
    %eq3A_274 = arith.xori %eq3A_272, %eq3A_273 : vector<2000x128xi1>
    %min3A_275 = arith.minsi %select_n3A_260, %select_n3A_271 : vector<2000x128xi32>
    %max3A_276 = arith.maxsi %select_n3A_260, %select_n3A_271 : vector<2000x128xi32>
    %select_n3A_277 = arith.select %eq3A_274, %min3A_275, %max3A_276 : vector<2000x128xi1>, vector<2000x128xi32>
    %and3A_278 = arith.constant 2 : i32
    %and3A_279 = vector.broadcast %and3A_278 : i32 to vector<2000x128xi32>
    %and3A_280 = arith.andi %iota3A, %and3A_279 : vector<2000x128xi32>
    %eq3A_281 = arith.constant 0 : i32
    %eq3A_282 = vector.broadcast %eq3A_281 : i32 to vector<2000x128xi32>
    %eq3A_283 = arith.cmpi eq, %and3A_280, %eq3A_282 : vector<2000x128xi32>
    %roll3A_284 = arith.constant 126 : i32
    %roll3A_285 = tpu.dynamic_rotate %select_n3A_277 by %roll3A_284 dim 1 : vector<2000x128xi32>, i32 -> vector<2000x128xi32>
    %roll3A_286 = arith.constant 2 : i32
    %roll3A_287 = tpu.dynamic_rotate %select_n3A_277 by %roll3A_286 dim 1 : vector<2000x128xi32>, i32 -> vector<2000x128xi32>
    %select_n3A_288 = arith.select %eq3A_283, %roll3A_285, %roll3A_287 : vector<2000x128xi1>, vector<2000x128xi32>
    %eq3A_289 = arith.xori %eq3A_226, %eq3A_283 : vector<2000x128xi1>
    %eq3A_290 = arith.constant dense<true> : vector<2000x128xi1>
    %eq3A_291 = arith.xori %eq3A_289, %eq3A_290 : vector<2000x128xi1>
    %min3A_292 = arith.minsi %select_n3A_277, %select_n3A_288 : vector<2000x128xi32>
    %max3A_293 = arith.maxsi %select_n3A_277, %select_n3A_288 : vector<2000x128xi32>
    %select_n3A_294 = arith.select %eq3A_291, %min3A_292, %max3A_293 : vector<2000x128xi1>, vector<2000x128xi32>
    %and3A_295 = arith.constant 1 : i32
    %and3A_296 = vector.broadcast %and3A_295 : i32 to vector<2000x128xi32>
    %and3A_297 = arith.andi %iota3A, %and3A_296 : vector<2000x128xi32>
    %eq3A_298 = arith.constant 0 : i32
    %eq3A_299 = vector.broadcast %eq3A_298 : i32 to vector<2000x128xi32>
    %eq3A_300 = arith.cmpi eq, %and3A_297, %eq3A_299 : vector<2000x128xi32>
    %roll3A_301 = arith.constant 127 : i32
    %roll3A_302 = tpu.dynamic_rotate %select_n3A_294 by %roll3A_301 dim 1 : vector<2000x128xi32>, i32 -> vector<2000x128xi32>
    %roll3A_303 = arith.constant 1 : i32
    %roll3A_304 = tpu.dynamic_rotate %select_n3A_294 by %roll3A_303 dim 1 : vector<2000x128xi32>, i32 -> vector<2000x128xi32>
    %select_n3A_305 = arith.select %eq3A_300, %roll3A_302, %roll3A_304 : vector<2000x128xi1>, vector<2000x128xi32>
    %eq3A_306 = arith.xori %eq3A_226, %eq3A_300 : vector<2000x128xi1>
    %eq3A_307 = arith.constant dense<true> : vector<2000x128xi1>
    %eq3A_308 = arith.xori %eq3A_306, %eq3A_307 : vector<2000x128xi1>
    %min3A_309 = arith.minsi %select_n3A_294, %select_n3A_305 : vector<2000x128xi32>
    %max3A_310 = arith.maxsi %select_n3A_294, %select_n3A_305 : vector<2000x128xi32>
    %select_n3A_311 = arith.select %eq3A_308, %min3A_309, %max3A_310 : vector<2000x128xi1>, vector<2000x128xi32>
    %and3A_312 = arith.constant 64 : i32
    %and3A_313 = vector.broadcast %and3A_312 : i32 to vector<2000x128xi32>
    %and3A_314 = arith.andi %iota3A, %and3A_313 : vector<2000x128xi32>
    %eq3A_315 = arith.constant 0 : i32
    %eq3A_316 = vector.broadcast %eq3A_315 : i32 to vector<2000x128xi32>
    %eq3A_317 = arith.cmpi eq, %and3A_314, %eq3A_316 : vector<2000x128xi32>
    %and3A_318 = arith.constant 32 : i32
    %and3A_319 = vector.broadcast %and3A_318 : i32 to vector<2000x128xi32>
    %and3A_320 = arith.andi %iota3A, %and3A_319 : vector<2000x128xi32>
    %eq3A_321 = arith.constant 0 : i32
    %eq3A_322 = vector.broadcast %eq3A_321 : i32 to vector<2000x128xi32>
    %eq3A_323 = arith.cmpi eq, %and3A_320, %eq3A_322 : vector<2000x128xi32>
    %roll3A_324 = arith.constant 96 : i32
    %roll3A_325 = tpu.dynamic_rotate %select_n3A_311 by %roll3A_324 dim 1 : vector<2000x128xi32>, i32 -> vector<2000x128xi32>
    %roll3A_326 = arith.constant 32 : i32
    %roll3A_327 = tpu.dynamic_rotate %select_n3A_311 by %roll3A_326 dim 1 : vector<2000x128xi32>, i32 -> vector<2000x128xi32>
    %select_n3A_328 = arith.select %eq3A_323, %roll3A_325, %roll3A_327 : vector<2000x128xi1>, vector<2000x128xi32>
    %eq3A_329 = arith.xori %eq3A_317, %eq3A_323 : vector<2000x128xi1>
    %eq3A_330 = arith.constant dense<true> : vector<2000x128xi1>
    %eq3A_331 = arith.xori %eq3A_329, %eq3A_330 : vector<2000x128xi1>
    %min3A_332 = arith.minsi %select_n3A_311, %select_n3A_328 : vector<2000x128xi32>
    %max3A_333 = arith.maxsi %select_n3A_311, %select_n3A_328 : vector<2000x128xi32>
    %select_n3A_334 = arith.select %eq3A_331, %min3A_332, %max3A_333 : vector<2000x128xi1>, vector<2000x128xi32>
    %and3A_335 = arith.constant 16 : i32
    %and3A_336 = vector.broadcast %and3A_335 : i32 to vector<2000x128xi32>
    %and3A_337 = arith.andi %iota3A, %and3A_336 : vector<2000x128xi32>
    %eq3A_338 = arith.constant 0 : i32
    %eq3A_339 = vector.broadcast %eq3A_338 : i32 to vector<2000x128xi32>
    %eq3A_340 = arith.cmpi eq, %and3A_337, %eq3A_339 : vector<2000x128xi32>
    %roll3A_341 = arith.constant 112 : i32
    %roll3A_342 = tpu.dynamic_rotate %select_n3A_334 by %roll3A_341 dim 1 : vector<2000x128xi32>, i32 -> vector<2000x128xi32>
    %roll3A_343 = arith.constant 16 : i32
    %roll3A_344 = tpu.dynamic_rotate %select_n3A_334 by %roll3A_343 dim 1 : vector<2000x128xi32>, i32 -> vector<2000x128xi32>
    %select_n3A_345 = arith.select %eq3A_340, %roll3A_342, %roll3A_344 : vector<2000x128xi1>, vector<2000x128xi32>
    %eq3A_346 = arith.xori %eq3A_317, %eq3A_340 : vector<2000x128xi1>
    %eq3A_347 = arith.constant dense<true> : vector<2000x128xi1>
    %eq3A_348 = arith.xori %eq3A_346, %eq3A_347 : vector<2000x128xi1>
    %min3A_349 = arith.minsi %select_n3A_334, %select_n3A_345 : vector<2000x128xi32>
    %max3A_350 = arith.maxsi %select_n3A_334, %select_n3A_345 : vector<2000x128xi32>
    %select_n3A_351 = arith.select %eq3A_348, %min3A_349, %max3A_350 : vector<2000x128xi1>, vector<2000x128xi32>
    %and3A_352 = arith.constant 8 : i32
    %and3A_353 = vector.broadcast %and3A_352 : i32 to vector<2000x128xi32>
    %and3A_354 = arith.andi %iota3A, %and3A_353 : vector<2000x128xi32>
    %eq3A_355 = arith.constant 0 : i32
    %eq3A_356 = vector.broadcast %eq3A_355 : i32 to vector<2000x128xi32>
    %eq3A_357 = arith.cmpi eq, %and3A_354, %eq3A_356 : vector<2000x128xi32>
    %roll3A_358 = arith.constant 120 : i32
    %roll3A_359 = tpu.dynamic_rotate %select_n3A_351 by %roll3A_358 dim 1 : vector<2000x128xi32>, i32 -> vector<2000x128xi32>
    %roll3A_360 = arith.constant 8 : i32
    %roll3A_361 = tpu.dynamic_rotate %select_n3A_351 by %roll3A_360 dim 1 : vector<2000x128xi32>, i32 -> vector<2000x128xi32>
    %select_n3A_362 = arith.select %eq3A_357, %roll3A_359, %roll3A_361 : vector<2000x128xi1>, vector<2000x128xi32>
    %eq3A_363 = arith.xori %eq3A_317, %eq3A_357 : vector<2000x128xi1>
    %eq3A_364 = arith.constant dense<true> : vector<2000x128xi1>
    %eq3A_365 = arith.xori %eq3A_363, %eq3A_364 : vector<2000x128xi1>
    %min3A_366 = arith.minsi %select_n3A_351, %select_n3A_362 : vector<2000x128xi32>
    %max3A_367 = arith.maxsi %select_n3A_351, %select_n3A_362 : vector<2000x128xi32>
    %select_n3A_368 = arith.select %eq3A_365, %min3A_366, %max3A_367 : vector<2000x128xi1>, vector<2000x128xi32>
    %and3A_369 = arith.constant 4 : i32
    %and3A_370 = vector.broadcast %and3A_369 : i32 to vector<2000x128xi32>
    %and3A_371 = arith.andi %iota3A, %and3A_370 : vector<2000x128xi32>
    %eq3A_372 = arith.constant 0 : i32
    %eq3A_373 = vector.broadcast %eq3A_372 : i32 to vector<2000x128xi32>
    %eq3A_374 = arith.cmpi eq, %and3A_371, %eq3A_373 : vector<2000x128xi32>
    %roll3A_375 = arith.constant 124 : i32
    %roll3A_376 = tpu.dynamic_rotate %select_n3A_368 by %roll3A_375 dim 1 : vector<2000x128xi32>, i32 -> vector<2000x128xi32>
    %roll3A_377 = arith.constant 4 : i32
    %roll3A_378 = tpu.dynamic_rotate %select_n3A_368 by %roll3A_377 dim 1 : vector<2000x128xi32>, i32 -> vector<2000x128xi32>
    %select_n3A_379 = arith.select %eq3A_374, %roll3A_376, %roll3A_378 : vector<2000x128xi1>, vector<2000x128xi32>
    %eq3A_380 = arith.xori %eq3A_317, %eq3A_374 : vector<2000x128xi1>
    %eq3A_381 = arith.constant dense<true> : vector<2000x128xi1>
    %eq3A_382 = arith.xori %eq3A_380, %eq3A_381 : vector<2000x128xi1>
    %min3A_383 = arith.minsi %select_n3A_368, %select_n3A_379 : vector<2000x128xi32>
    %max3A_384 = arith.maxsi %select_n3A_368, %select_n3A_379 : vector<2000x128xi32>
    %select_n3A_385 = arith.select %eq3A_382, %min3A_383, %max3A_384 : vector<2000x128xi1>, vector<2000x128xi32>
    %and3A_386 = arith.constant 2 : i32
    %and3A_387 = vector.broadcast %and3A_386 : i32 to vector<2000x128xi32>
    %and3A_388 = arith.andi %iota3A, %and3A_387 : vector<2000x128xi32>
    %eq3A_389 = arith.constant 0 : i32
    %eq3A_390 = vector.broadcast %eq3A_389 : i32 to vector<2000x128xi32>
    %eq3A_391 = arith.cmpi eq, %and3A_388, %eq3A_390 : vector<2000x128xi32>
    %roll3A_392 = arith.constant 126 : i32
    %roll3A_393 = tpu.dynamic_rotate %select_n3A_385 by %roll3A_392 dim 1 : vector<2000x128xi32>, i32 -> vector<2000x128xi32>
    %roll3A_394 = arith.constant 2 : i32
    %roll3A_395 = tpu.dynamic_rotate %select_n3A_385 by %roll3A_394 dim 1 : vector<2000x128xi32>, i32 -> vector<2000x128xi32>
    %select_n3A_396 = arith.select %eq3A_391, %roll3A_393, %roll3A_395 : vector<2000x128xi1>, vector<2000x128xi32>
    %eq3A_397 = arith.xori %eq3A_317, %eq3A_391 : vector<2000x128xi1>
    %eq3A_398 = arith.constant dense<true> : vector<2000x128xi1>
    %eq3A_399 = arith.xori %eq3A_397, %eq3A_398 : vector<2000x128xi1>
    %min3A_400 = arith.minsi %select_n3A_385, %select_n3A_396 : vector<2000x128xi32>
    %max3A_401 = arith.maxsi %select_n3A_385, %select_n3A_396 : vector<2000x128xi32>
    %select_n3A_402 = arith.select %eq3A_399, %min3A_400, %max3A_401 : vector<2000x128xi1>, vector<2000x128xi32>
    %and3A_403 = arith.constant 1 : i32
    %and3A_404 = vector.broadcast %and3A_403 : i32 to vector<2000x128xi32>
    %and3A_405 = arith.andi %iota3A, %and3A_404 : vector<2000x128xi32>
    %eq3A_406 = arith.constant 0 : i32
    %eq3A_407 = vector.broadcast %eq3A_406 : i32 to vector<2000x128xi32>
    %eq3A_408 = arith.cmpi eq, %and3A_405, %eq3A_407 : vector<2000x128xi32>
    %roll3A_409 = arith.constant 127 : i32
    %roll3A_410 = tpu.dynamic_rotate %select_n3A_402 by %roll3A_409 dim 1 : vector<2000x128xi32>, i32 -> vector<2000x128xi32>
    %roll3A_411 = arith.constant 1 : i32
    %roll3A_412 = tpu.dynamic_rotate %select_n3A_402 by %roll3A_411 dim 1 : vector<2000x128xi32>, i32 -> vector<2000x128xi32>
    %select_n3A_413 = arith.select %eq3A_408, %roll3A_410, %roll3A_412 : vector<2000x128xi1>, vector<2000x128xi32>
    %eq3A_414 = arith.xori %eq3A_317, %eq3A_408 : vector<2000x128xi1>
    %eq3A_415 = arith.constant dense<true> : vector<2000x128xi1>
    %eq3A_416 = arith.xori %eq3A_414, %eq3A_415 : vector<2000x128xi1>
    %min3A_417 = arith.minsi %select_n3A_402, %select_n3A_413 : vector<2000x128xi32>
    %max3A_418 = arith.maxsi %select_n3A_402, %select_n3A_413 : vector<2000x128xi32>
    %select_n3A_419 = arith.select %eq3A_416, %min3A_417, %max3A_418 : vector<2000x128xi1>, vector<2000x128xi32>
    %and3A_420 = arith.constant 64 : i32
    %and3A_421 = vector.broadcast %and3A_420 : i32 to vector<2000x128xi32>
    %and3A_422 = arith.andi %iota3A, %and3A_421 : vector<2000x128xi32>
    %eq3A_423 = arith.constant 0 : i32
    %eq3A_424 = vector.broadcast %eq3A_423 : i32 to vector<2000x128xi32>
    %eq3A_425 = arith.cmpi eq, %and3A_422, %eq3A_424 : vector<2000x128xi32>
    %roll3A_426 = arith.constant 64 : i32
    %roll3A_427 = tpu.dynamic_rotate %select_n3A_419 by %roll3A_426 dim 1 : vector<2000x128xi32>, i32 -> vector<2000x128xi32>
    %roll3A_428 = arith.constant 64 : i32
    %roll3A_429 = tpu.dynamic_rotate %select_n3A_419 by %roll3A_428 dim 1 : vector<2000x128xi32>, i32 -> vector<2000x128xi32>
    %select_n3A_430 = arith.select %eq3A_425, %roll3A_427, %roll3A_429 : vector<2000x128xi1>, vector<2000x128xi32>
    %min3A_431 = arith.minsi %select_n3A_419, %select_n3A_430 : vector<2000x128xi32>
    %max3A_432 = arith.maxsi %select_n3A_419, %select_n3A_430 : vector<2000x128xi32>
    %select_n3A_433 = arith.select %eq3A_425, %min3A_431, %max3A_432 : vector<2000x128xi1>, vector<2000x128xi32>
    %and3A_434 = arith.constant 32 : i32
    %and3A_435 = vector.broadcast %and3A_434 : i32 to vector<2000x128xi32>
    %and3A_436 = arith.andi %iota3A, %and3A_435 : vector<2000x128xi32>
    %eq3A_437 = arith.constant 0 : i32
    %eq3A_438 = vector.broadcast %eq3A_437 : i32 to vector<2000x128xi32>
    %eq3A_439 = arith.cmpi eq, %and3A_436, %eq3A_438 : vector<2000x128xi32>
    %roll3A_440 = arith.constant 96 : i32
    %roll3A_441 = tpu.dynamic_rotate %select_n3A_433 by %roll3A_440 dim 1 : vector<2000x128xi32>, i32 -> vector<2000x128xi32>
    %roll3A_442 = arith.constant 32 : i32
    %roll3A_443 = tpu.dynamic_rotate %select_n3A_433 by %roll3A_442 dim 1 : vector<2000x128xi32>, i32 -> vector<2000x128xi32>
    %select_n3A_444 = arith.select %eq3A_439, %roll3A_441, %roll3A_443 : vector<2000x128xi1>, vector<2000x128xi32>
    %min3A_445 = arith.minsi %select_n3A_433, %select_n3A_444 : vector<2000x128xi32>
    %max3A_446 = arith.maxsi %select_n3A_433, %select_n3A_444 : vector<2000x128xi32>
    %select_n3A_447 = arith.select %eq3A_439, %min3A_445, %max3A_446 : vector<2000x128xi1>, vector<2000x128xi32>
    %ge3A = arith.constant 96 : i32
    %ge3A_448 = vector.broadcast %ge3A : i32 to vector<2000x128xi32>
    %ge3A_449 = arith.cmpi sge, %iota3A, %ge3A_448 : vector<2000x128xi32>
    %jit3A = arith.constant 2147483647 : i32
    %broadcast_in_dim3A = vector.broadcast %jit3A : i32 to vector<2000x128xi32>
    %select_n3A_450 = arith.select %ge3A_449, %select_n3A_447, %broadcast_in_dim3A : vector<2000x128xi1>, vector<2000x128xi32>
    %roll3A_451 = arith.constant 112 : i32
    %roll3A_452 = tpu.dynamic_rotate %select_n3A_450 by %roll3A_451 dim 1 : vector<2000x128xi32>, i32 -> vector<2000x128xi32>
    %min3A_453 = arith.minsi %select_n3A_450, %roll3A_452 : vector<2000x128xi32>
    %roll3A_454 = arith.constant 120 : i32
    %roll3A_455 = tpu.dynamic_rotate %min3A_453 by %roll3A_454 dim 1 : vector<2000x128xi32>, i32 -> vector<2000x128xi32>
    %min3A_456 = arith.minsi %min3A_453, %roll3A_455 : vector<2000x128xi32>
    %roll3A_457 = arith.constant 124 : i32
    %roll3A_458 = tpu.dynamic_rotate %min3A_456 by %roll3A_457 dim 1 : vector<2000x128xi32>, i32 -> vector<2000x128xi32>
    %min3A_459 = arith.minsi %min3A_456, %roll3A_458 : vector<2000x128xi32>
    %roll3A_460 = arith.constant 126 : i32
    %roll3A_461 = tpu.dynamic_rotate %min3A_459 by %roll3A_460 dim 1 : vector<2000x128xi32>, i32 -> vector<2000x128xi32>
    %min3A_462 = arith.minsi %min3A_459, %roll3A_461 : vector<2000x128xi32>
    %roll3A_463 = arith.constant 127 : i32
    %roll3A_464 = tpu.dynamic_rotate %min3A_462 by %roll3A_463 dim 1 : vector<2000x128xi32>, i32 -> vector<2000x128xi32>
    %min3A_465 = arith.minsi %min3A_462, %roll3A_464 : vector<2000x128xi32>
    %slice3A = vector.extract_strided_slice %min3A_465 {offsets = [0, 96], sizes = [2000, 1], strides = [1, 1]} : vector<2000x128xi32> to vector<2000x1xi32>
    %ge3A_466 = vector.broadcast %slice3A : vector<2000x1xi32> to vector<2000x128xi32>
    %ge3A_467 = arith.cmpi sge, %or3A, %ge3A_466 : vector<2000x128xi32>
    %jit3A_468 = arith.constant 0.000000e+00 : f32
    %broadcast_in_dim3A_469 = vector.broadcast %jit3A_468 : f32 to vector<2000x128xf32>
    %select_n3A_470 = arith.select %ge3A_467, %add3A_21, %broadcast_in_dim3A_469 : vector<2000x128xi1>, vector<2000x128xf32>
    %swap3A = arith.constant 0 : index
    %swap3A_471 = arith.constant 0 : index
    %swap3A_472 = vector.load %arg6[%swap3A, %swap3A_471] : memref<2000x128xf32, #tpu.memory_space<vmem>>, vector<2000x128xf32>
    tpu.vector_store %arg6[%swap3A, %swap3A_471], %select_n3A_470 {strides = array<i32>} : memref<2000x128xf32, #tpu.memory_space<vmem>>, vector<2000x128xf32>,
    return
  }
  func.func @transform_0(%arg0: i32) -> (i32, i32) {
    %c0_i32 = arith.constant 0 : i32
    %c0_i32_0 = arith.constant 0 : i32
    return %arg0, %c0_i32 : i32, i32
  }
  func.func @transform_1(%arg0: i32) -> (i32, i32) {
    %c0_i32 = arith.constant 0 : i32
    %c0_i32_0 = arith.constant 0 : i32
    %c0_i32_1 = arith.constant 0 : i32
    return %c0_i32, %c0_i32_0 : i32, i32
  }
  func.func @transform_2(%arg0: i32) -> (i32, i32) {
    %c0_i32 = arith.constant 0 : i32
    %c0_i32_0 = arith.constant 0 : i32
    %c0_i32_1 = arith.constant 0 : i32
    return %c0_i32, %c0_i32_0 : i32, i32
  }
  func.func @transform_3(%arg0: i32) -> (i32, i32) {
    %c0_i32 = arith.constant 0 : i32
    %c0_i32_0 = arith.constant 0 : i32
    %c0_i32_1 = arith.constant 0 : i32
    return %c0_i32, %c0_i32_0 : i32, i32
  }
  func.func @transform_4(%arg0: i32) -> (i32, i32) {
    %c0_i32 = arith.constant 0 : i32
    %c0_i32_0 = arith.constant 0 : i32
    %c0_i32_1 = arith.constant 0 : i32
    return %c0_i32, %c0_i32_0 : i32, i32
  }
  func.func @transform_5(%arg0: i32) -> (i32, i32) {
    %c0_i32 = arith.constant 0 : i32
    %c0_i32_0 = arith.constant 0 : i32
    return %arg0, %c0_i32 : i32, i32
  }
}

module attributes {stable_mosaic.version = 14 : i64} {
  func.func @_tc_mid_body(%arg0: i32, %arg1: memref<2000x128xf32, #tpu.memory_space<vmem>>, %arg2: memref<2000x128xf32, #tpu.memory_space<vmem>>, %arg3: memref<2000x128xf32, #tpu.memory_space<vmem>>, %arg4: memref<1x128xf32, #tpu.memory_space<vmem>>, %arg5: memref<128x128xf32, #tpu.memory_space<vmem>>, %arg6: memref<1x128xf32, #tpu.memory_space<vmem>>, %arg7: memref<2000x128xf32, #tpu.memory_space<vmem>>) attributes {dimension_semantics = [#tpu.dimension_semantics<arbitrary>], iteration_bounds = array<i64: 5>, scalar_prefetch = 0 : i64, scratch_operands = 0 : i64, tpu.core_type = #tpu.core_type<tc>, window_params = [{transform_indices = @transform_0, window_bounds = array<i64: 2000, 128>}, {transform_indices = @transform_1, window_bounds = array<i64: 2000, 128>}, {transform_indices = @transform_2, window_bounds = array<i64: 2000, 128>}, {pipeline_mode = #tpu.pipeline_mode<synchronous>, transform_indices = @transform_3, window_bounds = array<i64: 1, 128>}, {pipeline_mode = #tpu.pipeline_mode<synchronous>, transform_indices = @transform_4, window_bounds = array<i64: 128, 128>}, {pipeline_mode = #tpu.pipeline_mode<synchronous>, transform_indices = @transform_5, window_bounds = array<i64: 1, 128>}, {transform_indices = @transform_6, window_bounds = array<i64: 2000, 128>}]} {
    %get3A = arith.constant 0 : index
    %get3A_0 = arith.constant 0 : index
    %get3A_1 = vector.load %arg4[%get3A, %get3A_0] : memref<1x128xf32, #tpu.memory_space<vmem>>, vector<1x128xf32>
    %get3A_2 = arith.constant 0 : index
    %get3A_3 = arith.constant 0 : index
    %get3A_4 = vector.load %arg1[%get3A_2, %get3A_3] : memref<2000x128xf32, #tpu.memory_space<vmem>>, vector<2000x128xf32>
    %mul3A = vector.broadcast %get3A_1 : vector<1x128xf32> to vector<2000x128xf32>
    %mul3A_5 = arith.mulf %mul3A, %get3A_4 : vector<2000x128xf32>
    %get3A_6 = arith.constant 0 : index
    %get3A_7 = arith.constant 0 : index
    %get3A_8 = vector.load %arg2[%get3A_6, %get3A_7] : memref<2000x128xf32, #tpu.memory_space<vmem>>, vector<2000x128xf32>
    %add3A = arith.addf %mul3A_5, %get3A_8 : vector<2000x128xf32>
    %get3A_9 = arith.constant 0 : index
    %get3A_10 = arith.constant 0 : index
    %get3A_11 = vector.load %arg3[%get3A_9, %get3A_10] : memref<2000x128xf32, #tpu.memory_space<vmem>>, vector<2000x128xf32>
    %add3A_12 = arith.addf %add3A, %get3A_11 : vector<2000x128xf32>
    %get3A_13 = arith.constant 0 : index
    %get3A_14 = arith.constant 0 : index
    %get3A_15 = vector.load %arg5[%get3A_13, %get3A_14] : memref<128x128xf32, #tpu.memory_space<vmem>>, vector<128x128xf32>
    %dot_general3A = arith.constant dense<0.000000e+00> : vector<2000x128xf32>
    %dot_general3A_16 = tpu.matmul %add3A_12, %get3A_15, %dot_general3A {dimension_numbers = #tpu.dot_dimension_numbers<[1], [0], [0], [1], [0, 0, 1, 1], [], []>, transpose_lhs_hint = false} : vector<2000x128xf32>, vector<128x128xf32>, vector<2000x128xf32> -> vector<2000x128xf32>
    %get3A_17 = arith.constant 0 : index
    %get3A_18 = arith.constant 0 : index
    %get3A_19 = vector.load %arg6[%get3A_17, %get3A_18] : memref<1x128xf32, #tpu.memory_space<vmem>>, vector<1x128xf32>
    %add3A_20 = vector.broadcast %get3A_19 : vector<1x128xf32> to vector<2000x128xf32>
    %add3A_21 = arith.addf %dot_general3A_16, %add3A_20 : vector<2000x128xf32>
    %iota3A = tpu.iota {dimensions = array<i32: 1>} : vector<2000x128xi32>
    %bitcast_convert_type3A = tpu.bitcast %add3A_21 : vector<2000x128xf32> -> vector<2000x128xi32>
    %shift_right_arithmetic3A = arith.constant 31 : i32
    %shift_right_arithmetic3A_22 = vector.broadcast %shift_right_arithmetic3A : i32 to vector<2000x128xi32>
    %shift_right_arithmetic3A_23 = arith.shrsi %bitcast_convert_type3A, %shift_right_arithmetic3A_22 : vector<2000x128xi32>
    %and3A = arith.constant 2147483647 : i32
    %and3A_24 = vector.broadcast %and3A : i32 to vector<2000x128xi32>
    %and3A_25 = arith.andi %shift_right_arithmetic3A_23, %and3A_24 : vector<2000x128xi32>
    %xor3A = arith.xori %bitcast_convert_type3A, %and3A_25 : vector<2000x128xi32>
    %and3A_26 = arith.constant -128 : i32
    %and3A_27 = vector.broadcast %and3A_26 : i32 to vector<2000x128xi32>
    %and3A_28 = arith.andi %xor3A, %and3A_27 : vector<2000x128xi32>
    %sub3A = arith.constant 127 : i32
    %sub3A_29 = vector.broadcast %sub3A : i32 to vector<2000x128xi32>
    %sub3A_30 = arith.subi %sub3A_29, %iota3A : vector<2000x128xi32>
    %or3A = arith.ori %and3A_28, %sub3A_30 : vector<2000x128xi32>
    %and3A_31 = arith.constant 2 : i32
    %and3A_32 = vector.broadcast %and3A_31 : i32 to vector<2000x128xi32>
    %and3A_33 = arith.andi %iota3A, %and3A_32 : vector<2000x128xi32>
    %eq3A = arith.constant 0 : i32
    %eq3A_34 = vector.broadcast %eq3A : i32 to vector<2000x128xi32>
    %eq3A_35 = arith.cmpi eq, %and3A_33, %eq3A_34 : vector<2000x128xi32>
    %and3A_36 = arith.constant 1 : i32
    %and3A_37 = vector.broadcast %and3A_36 : i32 to vector<2000x128xi32>
    %and3A_38 = arith.andi %iota3A, %and3A_37 : vector<2000x128xi32>
    %eq3A_39 = arith.constant 0 : i32
    %eq3A_40 = vector.broadcast %eq3A_39 : i32 to vector<2000x128xi32>
    %eq3A_41 = arith.cmpi eq, %and3A_38, %eq3A_40 : vector<2000x128xi32>
    %roll3A = arith.constant 127 : i32
    %roll3A_42 = tpu.dynamic_rotate %or3A by %roll3A dim 1 : vector<2000x128xi32>, i32 -> vector<2000x128xi32>
    %roll3A_43 = arith.constant 1 : i32
    %roll3A_44 = tpu.dynamic_rotate %or3A by %roll3A_43 dim 1 : vector<2000x128xi32>, i32 -> vector<2000x128xi32>
    %select_n3A = arith.select %eq3A_41, %roll3A_42, %roll3A_44 : vector<2000x128xi1>, vector<2000x128xi32>
    %eq3A_45 = arith.xori %eq3A_35, %eq3A_41 : vector<2000x128xi1>
    %eq3A_46 = arith.constant dense<true> : vector<2000x128xi1>
    %eq3A_47 = arith.xori %eq3A_45, %eq3A_46 : vector<2000x128xi1>
    %min3A = arith.minsi %or3A, %select_n3A : vector<2000x128xi32>
    %max3A = arith.maxsi %or3A, %select_n3A : vector<2000x128xi32>
    %select_n3A_48 = arith.select %eq3A_47, %min3A, %max3A : vector<2000x128xi1>, vector<2000x128xi32>
    %and3A_49 = arith.constant 4 : i32
    %and3A_50 = vector.broadcast %and3A_49 : i32 to vector<2000x128xi32>
    %and3A_51 = arith.andi %iota3A, %and3A_50 : vector<2000x128xi32>
    %eq3A_52 = arith.constant 0 : i32
    %eq3A_53 = vector.broadcast %eq3A_52 : i32 to vector<2000x128xi32>
    %eq3A_54 = arith.cmpi eq, %and3A_51, %eq3A_53 : vector<2000x128xi32>
    %and3A_55 = arith.constant 2 : i32
    %and3A_56 = vector.broadcast %and3A_55 : i32 to vector<2000x128xi32>
    %and3A_57 = arith.andi %iota3A, %and3A_56 : vector<2000x128xi32>
    %eq3A_58 = arith.constant 0 : i32
    %eq3A_59 = vector.broadcast %eq3A_58 : i32 to vector<2000x128xi32>
    %eq3A_60 = arith.cmpi eq, %and3A_57, %eq3A_59 : vector<2000x128xi32>
    %roll3A_61 = arith.constant 126 : i32
    %roll3A_62 = tpu.dynamic_rotate %select_n3A_48 by %roll3A_61 dim 1 : vector<2000x128xi32>, i32 -> vector<2000x128xi32>
    %roll3A_63 = arith.constant 2 : i32
    %roll3A_64 = tpu.dynamic_rotate %select_n3A_48 by %roll3A_63 dim 1 : vector<2000x128xi32>, i32 -> vector<2000x128xi32>
    %select_n3A_65 = arith.select %eq3A_60, %roll3A_62, %roll3A_64 : vector<2000x128xi1>, vector<2000x128xi32>
    %eq3A_66 = arith.xori %eq3A_54, %eq3A_60 : vector<2000x128xi1>
    %eq3A_67 = arith.constant dense<true> : vector<2000x128xi1>
    %eq3A_68 = arith.xori %eq3A_66, %eq3A_67 : vector<2000x128xi1>
    %min3A_69 = arith.minsi %select_n3A_48, %select_n3A_65 : vector<2000x128xi32>
    %max3A_70 = arith.maxsi %select_n3A_48, %select_n3A_65 : vector<2000x128xi32>
    %select_n3A_71 = arith.select %eq3A_68, %min3A_69, %max3A_70 : vector<2000x128xi1>, vector<2000x128xi32>
    %and3A_72 = arith.constant 1 : i32
    %and3A_73 = vector.broadcast %and3A_72 : i32 to vector<2000x128xi32>
    %and3A_74 = arith.andi %iota3A, %and3A_73 : vector<2000x128xi32>
    %eq3A_75 = arith.constant 0 : i32
    %eq3A_76 = vector.broadcast %eq3A_75 : i32 to vector<2000x128xi32>
    %eq3A_77 = arith.cmpi eq, %and3A_74, %eq3A_76 : vector<2000x128xi32>
    %roll3A_78 = arith.constant 127 : i32
    %roll3A_79 = tpu.dynamic_rotate %select_n3A_71 by %roll3A_78 dim 1 : vector<2000x128xi32>, i32 -> vector<2000x128xi32>
    %roll3A_80 = arith.constant 1 : i32
    %roll3A_81 = tpu.dynamic_rotate %select_n3A_71 by %roll3A_80 dim 1 : vector<2000x128xi32>, i32 -> vector<2000x128xi32>
    %select_n3A_82 = arith.select %eq3A_77, %roll3A_79, %roll3A_81 : vector<2000x128xi1>, vector<2000x128xi32>
    %eq3A_83 = arith.xori %eq3A_54, %eq3A_77 : vector<2000x128xi1>
    %eq3A_84 = arith.constant dense<true> : vector<2000x128xi1>
    %eq3A_85 = arith.xori %eq3A_83, %eq3A_84 : vector<2000x128xi1>
    %min3A_86 = arith.minsi %select_n3A_71, %select_n3A_82 : vector<2000x128xi32>
    %max3A_87 = arith.maxsi %select_n3A_71, %select_n3A_82 : vector<2000x128xi32>
    %select_n3A_88 = arith.select %eq3A_85, %min3A_86, %max3A_87 : vector<2000x128xi1>, vector<2000x128xi32>
    %and3A_89 = arith.constant 8 : i32
    %and3A_90 = vector.broadcast %and3A_89 : i32 to vector<2000x128xi32>
    %and3A_91 = arith.andi %iota3A, %and3A_90 : vector<2000x128xi32>
    %eq3A_92 = arith.constant 0 : i32
    %eq3A_93 = vector.broadcast %eq3A_92 : i32 to vector<2000x128xi32>
    %eq3A_94 = arith.cmpi eq, %and3A_91, %eq3A_93 : vector<2000x128xi32>
    %and3A_95 = arith.constant 4 : i32
    %and3A_96 = vector.broadcast %and3A_95 : i32 to vector<2000x128xi32>
    %and3A_97 = arith.andi %iota3A, %and3A_96 : vector<2000x128xi32>
    %eq3A_98 = arith.constant 0 : i32
    %eq3A_99 = vector.broadcast %eq3A_98 : i32 to vector<2000x128xi32>
    %eq3A_100 = arith.cmpi eq, %and3A_97, %eq3A_99 : vector<2000x128xi32>
    %roll3A_101 = arith.constant 124 : i32
    %roll3A_102 = tpu.dynamic_rotate %select_n3A_88 by %roll3A_101 dim 1 : vector<2000x128xi32>, i32 -> vector<2000x128xi32>
    %roll3A_103 = arith.constant 4 : i32
    %roll3A_104 = tpu.dynamic_rotate %select_n3A_88 by %roll3A_103 dim 1 : vector<2000x128xi32>, i32 -> vector<2000x128xi32>
    %select_n3A_105 = arith.select %eq3A_100, %roll3A_102, %roll3A_104 : vector<2000x128xi1>, vector<2000x128xi32>
    %eq3A_106 = arith.xori %eq3A_94, %eq3A_100 : vector<2000x128xi1>
    %eq3A_107 = arith.constant dense<true> : vector<2000x128xi1>
    %eq3A_108 = arith.xori %eq3A_106, %eq3A_107 : vector<2000x128xi1>
    %min3A_109 = arith.minsi %select_n3A_88, %select_n3A_105 : vector<2000x128xi32>
    %max3A_110 = arith.maxsi %select_n3A_88, %select_n3A_105 : vector<2000x128xi32>
    %select_n3A_111 = arith.select %eq3A_108, %min3A_109, %max3A_110 : vector<2000x128xi1>, vector<2000x128xi32>
    %and3A_112 = arith.constant 2 : i32
    %and3A_113 = vector.broadcast %and3A_112 : i32 to vector<2000x128xi32>
    %and3A_114 = arith.andi %iota3A, %and3A_113 : vector<2000x128xi32>
    %eq3A_115 = arith.constant 0 : i32
    %eq3A_116 = vector.broadcast %eq3A_115 : i32 to vector<2000x128xi32>
    %eq3A_117 = arith.cmpi eq, %and3A_114, %eq3A_116 : vector<2000x128xi32>
    %roll3A_118 = arith.constant 126 : i32
    %roll3A_119 = tpu.dynamic_rotate %select_n3A_111 by %roll3A_118 dim 1 : vector<2000x128xi32>, i32 -> vector<2000x128xi32>
    %roll3A_120 = arith.constant 2 : i32
    %roll3A_121 = tpu.dynamic_rotate %select_n3A_111 by %roll3A_120 dim 1 : vector<2000x128xi32>, i32 -> vector<2000x128xi32>
    %select_n3A_122 = arith.select %eq3A_117, %roll3A_119, %roll3A_121 : vector<2000x128xi1>, vector<2000x128xi32>
    %eq3A_123 = arith.xori %eq3A_94, %eq3A_117 : vector<2000x128xi1>
    %eq3A_124 = arith.constant dense<true> : vector<2000x128xi1>
    %eq3A_125 = arith.xori %eq3A_123, %eq3A_124 : vector<2000x128xi1>
    %min3A_126 = arith.minsi %select_n3A_111, %select_n3A_122 : vector<2000x128xi32>
    %max3A_127 = arith.maxsi %select_n3A_111, %select_n3A_122 : vector<2000x128xi32>
    %select_n3A_128 = arith.select %eq3A_125, %min3A_126, %max3A_127 : vector<2000x128xi1>, vector<2000x128xi32>
    %and3A_129 = arith.constant 1 : i32
    %and3A_130 = vector.broadcast %and3A_129 : i32 to vector<2000x128xi32>
    %and3A_131 = arith.andi %iota3A, %and3A_130 : vector<2000x128xi32>
    %eq3A_132 = arith.constant 0 : i32
    %eq3A_133 = vector.broadcast %eq3A_132 : i32 to vector<2000x128xi32>
    %eq3A_134 = arith.cmpi eq, %and3A_131, %eq3A_133 : vector<2000x128xi32>
    %roll3A_135 = arith.constant 127 : i32
    %roll3A_136 = tpu.dynamic_rotate %select_n3A_128 by %roll3A_135 dim 1 : vector<2000x128xi32>, i32 -> vector<2000x128xi32>
    %roll3A_137 = arith.constant 1 : i32
    %roll3A_138 = tpu.dynamic_rotate %select_n3A_128 by %roll3A_137 dim 1 : vector<2000x128xi32>, i32 -> vector<2000x128xi32>
    %select_n3A_139 = arith.select %eq3A_134, %roll3A_136, %roll3A_138 : vector<2000x128xi1>, vector<2000x128xi32>
    %eq3A_140 = arith.xori %eq3A_94, %eq3A_134 : vector<2000x128xi1>
    %eq3A_141 = arith.constant dense<true> : vector<2000x128xi1>
    %eq3A_142 = arith.xori %eq3A_140, %eq3A_141 : vector<2000x128xi1>
    %min3A_143 = arith.minsi %select_n3A_128, %select_n3A_139 : vector<2000x128xi32>
    %max3A_144 = arith.maxsi %select_n3A_128, %select_n3A_139 : vector<2000x128xi32>
    %select_n3A_145 = arith.select %eq3A_142, %min3A_143, %max3A_144 : vector<2000x128xi1>, vector<2000x128xi32>
    %and3A_146 = arith.constant 16 : i32
    %and3A_147 = vector.broadcast %and3A_146 : i32 to vector<2000x128xi32>
    %and3A_148 = arith.andi %iota3A, %and3A_147 : vector<2000x128xi32>
    %eq3A_149 = arith.constant 0 : i32
    %eq3A_150 = vector.broadcast %eq3A_149 : i32 to vector<2000x128xi32>
    %eq3A_151 = arith.cmpi eq, %and3A_148, %eq3A_150 : vector<2000x128xi32>
    %and3A_152 = arith.constant 8 : i32
    %and3A_153 = vector.broadcast %and3A_152 : i32 to vector<2000x128xi32>
    %and3A_154 = arith.andi %iota3A, %and3A_153 : vector<2000x128xi32>
    %eq3A_155 = arith.constant 0 : i32
    %eq3A_156 = vector.broadcast %eq3A_155 : i32 to vector<2000x128xi32>
    %eq3A_157 = arith.cmpi eq, %and3A_154, %eq3A_156 : vector<2000x128xi32>
    %roll3A_158 = arith.constant 120 : i32
    %roll3A_159 = tpu.dynamic_rotate %select_n3A_145 by %roll3A_158 dim 1 : vector<2000x128xi32>, i32 -> vector<2000x128xi32>
    %roll3A_160 = arith.constant 8 : i32
    %roll3A_161 = tpu.dynamic_rotate %select_n3A_145 by %roll3A_160 dim 1 : vector<2000x128xi32>, i32 -> vector<2000x128xi32>
    %select_n3A_162 = arith.select %eq3A_157, %roll3A_159, %roll3A_161 : vector<2000x128xi1>, vector<2000x128xi32>
    %eq3A_163 = arith.xori %eq3A_151, %eq3A_157 : vector<2000x128xi1>
    %eq3A_164 = arith.constant dense<true> : vector<2000x128xi1>
    %eq3A_165 = arith.xori %eq3A_163, %eq3A_164 : vector<2000x128xi1>
    %min3A_166 = arith.minsi %select_n3A_145, %select_n3A_162 : vector<2000x128xi32>
    %max3A_167 = arith.maxsi %select_n3A_145, %select_n3A_162 : vector<2000x128xi32>
    %select_n3A_168 = arith.select %eq3A_165, %min3A_166, %max3A_167 : vector<2000x128xi1>, vector<2000x128xi32>
    %and3A_169 = arith.constant 4 : i32
    %and3A_170 = vector.broadcast %and3A_169 : i32 to vector<2000x128xi32>
    %and3A_171 = arith.andi %iota3A, %and3A_170 : vector<2000x128xi32>
    %eq3A_172 = arith.constant 0 : i32
    %eq3A_173 = vector.broadcast %eq3A_172 : i32 to vector<2000x128xi32>
    %eq3A_174 = arith.cmpi eq, %and3A_171, %eq3A_173 : vector<2000x128xi32>
    %roll3A_175 = arith.constant 124 : i32
    %roll3A_176 = tpu.dynamic_rotate %select_n3A_168 by %roll3A_175 dim 1 : vector<2000x128xi32>, i32 -> vector<2000x128xi32>
    %roll3A_177 = arith.constant 4 : i32
    %roll3A_178 = tpu.dynamic_rotate %select_n3A_168 by %roll3A_177 dim 1 : vector<2000x128xi32>, i32 -> vector<2000x128xi32>
    %select_n3A_179 = arith.select %eq3A_174, %roll3A_176, %roll3A_178 : vector<2000x128xi1>, vector<2000x128xi32>
    %eq3A_180 = arith.xori %eq3A_151, %eq3A_174 : vector<2000x128xi1>
    %eq3A_181 = arith.constant dense<true> : vector<2000x128xi1>
    %eq3A_182 = arith.xori %eq3A_180, %eq3A_181 : vector<2000x128xi1>
    %min3A_183 = arith.minsi %select_n3A_168, %select_n3A_179 : vector<2000x128xi32>
    %max3A_184 = arith.maxsi %select_n3A_168, %select_n3A_179 : vector<2000x128xi32>
    %select_n3A_185 = arith.select %eq3A_182, %min3A_183, %max3A_184 : vector<2000x128xi1>, vector<2000x128xi32>
    %and3A_186 = arith.constant 2 : i32
    %and3A_187 = vector.broadcast %and3A_186 : i32 to vector<2000x128xi32>
    %and3A_188 = arith.andi %iota3A, %and3A_187 : vector<2000x128xi32>
    %eq3A_189 = arith.constant 0 : i32
    %eq3A_190 = vector.broadcast %eq3A_189 : i32 to vector<2000x128xi32>
    %eq3A_191 = arith.cmpi eq, %and3A_188, %eq3A_190 : vector<2000x128xi32>
    %roll3A_192 = arith.constant 126 : i32
    %roll3A_193 = tpu.dynamic_rotate %select_n3A_185 by %roll3A_192 dim 1 : vector<2000x128xi32>, i32 -> vector<2000x128xi32>
    %roll3A_194 = arith.constant 2 : i32
    %roll3A_195 = tpu.dynamic_rotate %select_n3A_185 by %roll3A_194 dim 1 : vector<2000x128xi32>, i32 -> vector<2000x128xi32>
    %select_n3A_196 = arith.select %eq3A_191, %roll3A_193, %roll3A_195 : vector<2000x128xi1>, vector<2000x128xi32>
    %eq3A_197 = arith.xori %eq3A_151, %eq3A_191 : vector<2000x128xi1>
    %eq3A_198 = arith.constant dense<true> : vector<2000x128xi1>
    %eq3A_199 = arith.xori %eq3A_197, %eq3A_198 : vector<2000x128xi1>
    %min3A_200 = arith.minsi %select_n3A_185, %select_n3A_196 : vector<2000x128xi32>
    %max3A_201 = arith.maxsi %select_n3A_185, %select_n3A_196 : vector<2000x128xi32>
    %select_n3A_202 = arith.select %eq3A_199, %min3A_200, %max3A_201 : vector<2000x128xi1>, vector<2000x128xi32>
    %and3A_203 = arith.constant 1 : i32
    %and3A_204 = vector.broadcast %and3A_203 : i32 to vector<2000x128xi32>
    %and3A_205 = arith.andi %iota3A, %and3A_204 : vector<2000x128xi32>
    %eq3A_206 = arith.constant 0 : i32
    %eq3A_207 = vector.broadcast %eq3A_206 : i32 to vector<2000x128xi32>
    %eq3A_208 = arith.cmpi eq, %and3A_205, %eq3A_207 : vector<2000x128xi32>
    %roll3A_209 = arith.constant 127 : i32
    %roll3A_210 = tpu.dynamic_rotate %select_n3A_202 by %roll3A_209 dim 1 : vector<2000x128xi32>, i32 -> vector<2000x128xi32>
    %roll3A_211 = arith.constant 1 : i32
    %roll3A_212 = tpu.dynamic_rotate %select_n3A_202 by %roll3A_211 dim 1 : vector<2000x128xi32>, i32 -> vector<2000x128xi32>
    %select_n3A_213 = arith.select %eq3A_208, %roll3A_210, %roll3A_212 : vector<2000x128xi1>, vector<2000x128xi32>
    %eq3A_214 = arith.xori %eq3A_151, %eq3A_208 : vector<2000x128xi1>
    %eq3A_215 = arith.constant dense<true> : vector<2000x128xi1>
    %eq3A_216 = arith.xori %eq3A_214, %eq3A_215 : vector<2000x128xi1>
    %min3A_217 = arith.minsi %select_n3A_202, %select_n3A_213 : vector<2000x128xi32>
    %max3A_218 = arith.maxsi %select_n3A_202, %select_n3A_213 : vector<2000x128xi32>
    %select_n3A_219 = arith.select %eq3A_216, %min3A_217, %max3A_218 : vector<2000x128xi1>, vector<2000x128xi32>
    %and3A_220 = arith.constant 32 : i32
    %and3A_221 = vector.broadcast %and3A_220 : i32 to vector<2000x128xi32>
    %and3A_222 = arith.andi %iota3A, %and3A_221 : vector<2000x128xi32>
    %eq3A_223 = arith.constant 0 : i32
    %eq3A_224 = vector.broadcast %eq3A_223 : i32 to vector<2000x128xi32>
    %eq3A_225 = arith.cmpi eq, %and3A_222, %eq3A_224 : vector<2000x128xi32>
    %and3A_226 = arith.constant 16 : i32
    %and3A_227 = vector.broadcast %and3A_226 : i32 to vector<2000x128xi32>
    %and3A_228 = arith.andi %iota3A, %and3A_227 : vector<2000x128xi32>
    %eq3A_229 = arith.constant 0 : i32
    %eq3A_230 = vector.broadcast %eq3A_229 : i32 to vector<2000x128xi32>
    %eq3A_231 = arith.cmpi eq, %and3A_228, %eq3A_230 : vector<2000x128xi32>
    %roll3A_232 = arith.constant 112 : i32
    %roll3A_233 = tpu.dynamic_rotate %select_n3A_219 by %roll3A_232 dim 1 : vector<2000x128xi32>, i32 -> vector<2000x128xi32>
    %roll3A_234 = arith.constant 16 : i32
    %roll3A_235 = tpu.dynamic_rotate %select_n3A_219 by %roll3A_234 dim 1 : vector<2000x128xi32>, i32 -> vector<2000x128xi32>
    %select_n3A_236 = arith.select %eq3A_231, %roll3A_233, %roll3A_235 : vector<2000x128xi1>, vector<2000x128xi32>
    %eq3A_237 = arith.xori %eq3A_225, %eq3A_231 : vector<2000x128xi1>
    %eq3A_238 = arith.constant dense<true> : vector<2000x128xi1>
    %eq3A_239 = arith.xori %eq3A_237, %eq3A_238 : vector<2000x128xi1>
    %min3A_240 = arith.minsi %select_n3A_219, %select_n3A_236 : vector<2000x128xi32>
    %max3A_241 = arith.maxsi %select_n3A_219, %select_n3A_236 : vector<2000x128xi32>
    %select_n3A_242 = arith.select %eq3A_239, %min3A_240, %max3A_241 : vector<2000x128xi1>, vector<2000x128xi32>
    %and3A_243 = arith.constant 8 : i32
    %and3A_244 = vector.broadcast %and3A_243 : i32 to vector<2000x128xi32>
    %and3A_245 = arith.andi %iota3A, %and3A_244 : vector<2000x128xi32>
    %eq3A_246 = arith.constant 0 : i32
    %eq3A_247 = vector.broadcast %eq3A_246 : i32 to vector<2000x128xi32>
    %eq3A_248 = arith.cmpi eq, %and3A_245, %eq3A_247 : vector<2000x128xi32>
    %roll3A_249 = arith.constant 120 : i32
    %roll3A_250 = tpu.dynamic_rotate %select_n3A_242 by %roll3A_249 dim 1 : vector<2000x128xi32>, i32 -> vector<2000x128xi32>
    %roll3A_251 = arith.constant 8 : i32
    %roll3A_252 = tpu.dynamic_rotate %select_n3A_242 by %roll3A_251 dim 1 : vector<2000x128xi32>, i32 -> vector<2000x128xi32>
    %select_n3A_253 = arith.select %eq3A_248, %roll3A_250, %roll3A_252 : vector<2000x128xi1>, vector<2000x128xi32>
    %eq3A_254 = arith.xori %eq3A_225, %eq3A_248 : vector<2000x128xi1>
    %eq3A_255 = arith.constant dense<true> : vector<2000x128xi1>
    %eq3A_256 = arith.xori %eq3A_254, %eq3A_255 : vector<2000x128xi1>
    %min3A_257 = arith.minsi %select_n3A_242, %select_n3A_253 : vector<2000x128xi32>
    %max3A_258 = arith.maxsi %select_n3A_242, %select_n3A_253 : vector<2000x128xi32>
    %select_n3A_259 = arith.select %eq3A_256, %min3A_257, %max3A_258 : vector<2000x128xi1>, vector<2000x128xi32>
    %and3A_260 = arith.constant 4 : i32
    %and3A_261 = vector.broadcast %and3A_260 : i32 to vector<2000x128xi32>
    %and3A_262 = arith.andi %iota3A, %and3A_261 : vector<2000x128xi32>
    %eq3A_263 = arith.constant 0 : i32
    %eq3A_264 = vector.broadcast %eq3A_263 : i32 to vector<2000x128xi32>
    %eq3A_265 = arith.cmpi eq, %and3A_262, %eq3A_264 : vector<2000x128xi32>
    %roll3A_266 = arith.constant 124 : i32
    %roll3A_267 = tpu.dynamic_rotate %select_n3A_259 by %roll3A_266 dim 1 : vector<2000x128xi32>, i32 -> vector<2000x128xi32>
    %roll3A_268 = arith.constant 4 : i32
    %roll3A_269 = tpu.dynamic_rotate %select_n3A_259 by %roll3A_268 dim 1 : vector<2000x128xi32>, i32 -> vector<2000x128xi32>
    %select_n3A_270 = arith.select %eq3A_265, %roll3A_267, %roll3A_269 : vector<2000x128xi1>, vector<2000x128xi32>
    %eq3A_271 = arith.xori %eq3A_225, %eq3A_265 : vector<2000x128xi1>
    %eq3A_272 = arith.constant dense<true> : vector<2000x128xi1>
    %eq3A_273 = arith.xori %eq3A_271, %eq3A_272 : vector<2000x128xi1>
    %min3A_274 = arith.minsi %select_n3A_259, %select_n3A_270 : vector<2000x128xi32>
    %max3A_275 = arith.maxsi %select_n3A_259, %select_n3A_270 : vector<2000x128xi32>
    %select_n3A_276 = arith.select %eq3A_273, %min3A_274, %max3A_275 : vector<2000x128xi1>, vector<2000x128xi32>
    %and3A_277 = arith.constant 2 : i32
    %and3A_278 = vector.broadcast %and3A_277 : i32 to vector<2000x128xi32>
    %and3A_279 = arith.andi %iota3A, %and3A_278 : vector<2000x128xi32>
    %eq3A_280 = arith.constant 0 : i32
    %eq3A_281 = vector.broadcast %eq3A_280 : i32 to vector<2000x128xi32>
    %eq3A_282 = arith.cmpi eq, %and3A_279, %eq3A_281 : vector<2000x128xi32>
    %roll3A_283 = arith.constant 126 : i32
    %roll3A_284 = tpu.dynamic_rotate %select_n3A_276 by %roll3A_283 dim 1 : vector<2000x128xi32>, i32 -> vector<2000x128xi32>
    %roll3A_285 = arith.constant 2 : i32
    %roll3A_286 = tpu.dynamic_rotate %select_n3A_276 by %roll3A_285 dim 1 : vector<2000x128xi32>, i32 -> vector<2000x128xi32>
    %select_n3A_287 = arith.select %eq3A_282, %roll3A_284, %roll3A_286 : vector<2000x128xi1>, vector<2000x128xi32>
    %eq3A_288 = arith.xori %eq3A_225, %eq3A_282 : vector<2000x128xi1>
    %eq3A_289 = arith.constant dense<true> : vector<2000x128xi1>
    %eq3A_290 = arith.xori %eq3A_288, %eq3A_289 : vector<2000x128xi1>
    %min3A_291 = arith.minsi %select_n3A_276, %select_n3A_287 : vector<2000x128xi32>
    %max3A_292 = arith.maxsi %select_n3A_276, %select_n3A_287 : vector<2000x128xi32>
    %select_n3A_293 = arith.select %eq3A_290, %min3A_291, %max3A_292 : vector<2000x128xi1>, vector<2000x128xi32>
    %and3A_294 = arith.constant 1 : i32
    %and3A_295 = vector.broadcast %and3A_294 : i32 to vector<2000x128xi32>
    %and3A_296 = arith.andi %iota3A, %and3A_295 : vector<2000x128xi32>
    %eq3A_297 = arith.constant 0 : i32
    %eq3A_298 = vector.broadcast %eq3A_297 : i32 to vector<2000x128xi32>
    %eq3A_299 = arith.cmpi eq, %and3A_296, %eq3A_298 : vector<2000x128xi32>
    %roll3A_300 = arith.constant 127 : i32
    %roll3A_301 = tpu.dynamic_rotate %select_n3A_293 by %roll3A_300 dim 1 : vector<2000x128xi32>, i32 -> vector<2000x128xi32>
    %roll3A_302 = arith.constant 1 : i32
    %roll3A_303 = tpu.dynamic_rotate %select_n3A_293 by %roll3A_302 dim 1 : vector<2000x128xi32>, i32 -> vector<2000x128xi32>
    %select_n3A_304 = arith.select %eq3A_299, %roll3A_301, %roll3A_303 : vector<2000x128xi1>, vector<2000x128xi32>
    %eq3A_305 = arith.xori %eq3A_225, %eq3A_299 : vector<2000x128xi1>
    %eq3A_306 = arith.constant dense<true> : vector<2000x128xi1>
    %eq3A_307 = arith.xori %eq3A_305, %eq3A_306 : vector<2000x128xi1>
    %min3A_308 = arith.minsi %select_n3A_293, %select_n3A_304 : vector<2000x128xi32>
    %max3A_309 = arith.maxsi %select_n3A_293, %select_n3A_304 : vector<2000x128xi32>
    %select_n3A_310 = arith.select %eq3A_307, %min3A_308, %max3A_309 : vector<2000x128xi1>, vector<2000x128xi32>
    %and3A_311 = arith.constant 64 : i32
    %and3A_312 = vector.broadcast %and3A_311 : i32 to vector<2000x128xi32>
    %and3A_313 = arith.andi %iota3A, %and3A_312 : vector<2000x128xi32>
    %eq3A_314 = arith.constant 0 : i32
    %eq3A_315 = vector.broadcast %eq3A_314 : i32 to vector<2000x128xi32>
    %eq3A_316 = arith.cmpi eq, %and3A_313, %eq3A_315 : vector<2000x128xi32>
    %and3A_317 = arith.constant 32 : i32
    %and3A_318 = vector.broadcast %and3A_317 : i32 to vector<2000x128xi32>
    %and3A_319 = arith.andi %iota3A, %and3A_318 : vector<2000x128xi32>
    %eq3A_320 = arith.constant 0 : i32
    %eq3A_321 = vector.broadcast %eq3A_320 : i32 to vector<2000x128xi32>
    %eq3A_322 = arith.cmpi eq, %and3A_319, %eq3A_321 : vector<2000x128xi32>
    %roll3A_323 = arith.constant 96 : i32
    %roll3A_324 = tpu.dynamic_rotate %select_n3A_310 by %roll3A_323 dim 1 : vector<2000x128xi32>, i32 -> vector<2000x128xi32>
    %roll3A_325 = arith.constant 32 : i32
    %roll3A_326 = tpu.dynamic_rotate %select_n3A_310 by %roll3A_325 dim 1 : vector<2000x128xi32>, i32 -> vector<2000x128xi32>
    %select_n3A_327 = arith.select %eq3A_322, %roll3A_324, %roll3A_326 : vector<2000x128xi1>, vector<2000x128xi32>
    %eq3A_328 = arith.xori %eq3A_316, %eq3A_322 : vector<2000x128xi1>
    %eq3A_329 = arith.constant dense<true> : vector<2000x128xi1>
    %eq3A_330 = arith.xori %eq3A_328, %eq3A_329 : vector<2000x128xi1>
    %min3A_331 = arith.minsi %select_n3A_310, %select_n3A_327 : vector<2000x128xi32>
    %max3A_332 = arith.maxsi %select_n3A_310, %select_n3A_327 : vector<2000x128xi32>
    %select_n3A_333 = arith.select %eq3A_330, %min3A_331, %max3A_332 : vector<2000x128xi1>, vector<2000x128xi32>
    %and3A_334 = arith.constant 16 : i32
    %and3A_335 = vector.broadcast %and3A_334 : i32 to vector<2000x128xi32>
    %and3A_336 = arith.andi %iota3A, %and3A_335 : vector<2000x128xi32>
    %eq3A_337 = arith.constant 0 : i32
    %eq3A_338 = vector.broadcast %eq3A_337 : i32 to vector<2000x128xi32>
    %eq3A_339 = arith.cmpi eq, %and3A_336, %eq3A_338 : vector<2000x128xi32>
    %roll3A_340 = arith.constant 112 : i32
    %roll3A_341 = tpu.dynamic_rotate %select_n3A_333 by %roll3A_340 dim 1 : vector<2000x128xi32>, i32 -> vector<2000x128xi32>
    %roll3A_342 = arith.constant 16 : i32
    %roll3A_343 = tpu.dynamic_rotate %select_n3A_333 by %roll3A_342 dim 1 : vector<2000x128xi32>, i32 -> vector<2000x128xi32>
    %select_n3A_344 = arith.select %eq3A_339, %roll3A_341, %roll3A_343 : vector<2000x128xi1>, vector<2000x128xi32>
    %eq3A_345 = arith.xori %eq3A_316, %eq3A_339 : vector<2000x128xi1>
    %eq3A_346 = arith.constant dense<true> : vector<2000x128xi1>
    %eq3A_347 = arith.xori %eq3A_345, %eq3A_346 : vector<2000x128xi1>
    %min3A_348 = arith.minsi %select_n3A_333, %select_n3A_344 : vector<2000x128xi32>
    %max3A_349 = arith.maxsi %select_n3A_333, %select_n3A_344 : vector<2000x128xi32>
    %select_n3A_350 = arith.select %eq3A_347, %min3A_348, %max3A_349 : vector<2000x128xi1>, vector<2000x128xi32>
    %and3A_351 = arith.constant 8 : i32
    %and3A_352 = vector.broadcast %and3A_351 : i32 to vector<2000x128xi32>
    %and3A_353 = arith.andi %iota3A, %and3A_352 : vector<2000x128xi32>
    %eq3A_354 = arith.constant 0 : i32
    %eq3A_355 = vector.broadcast %eq3A_354 : i32 to vector<2000x128xi32>
    %eq3A_356 = arith.cmpi eq, %and3A_353, %eq3A_355 : vector<2000x128xi32>
    %roll3A_357 = arith.constant 120 : i32
    %roll3A_358 = tpu.dynamic_rotate %select_n3A_350 by %roll3A_357 dim 1 : vector<2000x128xi32>, i32 -> vector<2000x128xi32>
    %roll3A_359 = arith.constant 8 : i32
    %roll3A_360 = tpu.dynamic_rotate %select_n3A_350 by %roll3A_359 dim 1 : vector<2000x128xi32>, i32 -> vector<2000x128xi32>
    %select_n3A_361 = arith.select %eq3A_356, %roll3A_358, %roll3A_360 : vector<2000x128xi1>, vector<2000x128xi32>
    %eq3A_362 = arith.xori %eq3A_316, %eq3A_356 : vector<2000x128xi1>
    %eq3A_363 = arith.constant dense<true> : vector<2000x128xi1>
    %eq3A_364 = arith.xori %eq3A_362, %eq3A_363 : vector<2000x128xi1>
    %min3A_365 = arith.minsi %select_n3A_350, %select_n3A_361 : vector<2000x128xi32>
    %max3A_366 = arith.maxsi %select_n3A_350, %select_n3A_361 : vector<2000x128xi32>
    %select_n3A_367 = arith.select %eq3A_364, %min3A_365, %max3A_366 : vector<2000x128xi1>, vector<2000x128xi32>
    %and3A_368 = arith.constant 4 : i32
    %and3A_369 = vector.broadcast %and3A_368 : i32 to vector<2000x128xi32>
    %and3A_370 = arith.andi %iota3A, %and3A_369 : vector<2000x128xi32>
    %eq3A_371 = arith.constant 0 : i32
    %eq3A_372 = vector.broadcast %eq3A_371 : i32 to vector<2000x128xi32>
    %eq3A_373 = arith.cmpi eq, %and3A_370, %eq3A_372 : vector<2000x128xi32>
    %roll3A_374 = arith.constant 124 : i32
    %roll3A_375 = tpu.dynamic_rotate %select_n3A_367 by %roll3A_374 dim 1 : vector<2000x128xi32>, i32 -> vector<2000x128xi32>
    %roll3A_376 = arith.constant 4 : i32
    %roll3A_377 = tpu.dynamic_rotate %select_n3A_367 by %roll3A_376 dim 1 : vector<2000x128xi32>, i32 -> vector<2000x128xi32>
    %select_n3A_378 = arith.select %eq3A_373, %roll3A_375, %roll3A_377 : vector<2000x128xi1>, vector<2000x128xi32>
    %eq3A_379 = arith.xori %eq3A_316, %eq3A_373 : vector<2000x128xi1>
    %eq3A_380 = arith.constant dense<true> : vector<2000x128xi1>
    %eq3A_381 = arith.xori %eq3A_379, %eq3A_380 : vector<2000x128xi1>
    %min3A_382 = arith.minsi %select_n3A_367, %select_n3A_378 : vector<2000x128xi32>
    %max3A_383 = arith.maxsi %select_n3A_367, %select_n3A_378 : vector<2000x128xi32>
    %select_n3A_384 = arith.select %eq3A_381, %min3A_382, %max3A_383 : vector<2000x128xi1>, vector<2000x128xi32>
    %and3A_385 = arith.constant 2 : i32
    %and3A_386 = vector.broadcast %and3A_385 : i32 to vector<2000x128xi32>
    %and3A_387 = arith.andi %iota3A, %and3A_386 : vector<2000x128xi32>
    %eq3A_388 = arith.constant 0 : i32
    %eq3A_389 = vector.broadcast %eq3A_388 : i32 to vector<2000x128xi32>
    %eq3A_390 = arith.cmpi eq, %and3A_387, %eq3A_389 : vector<2000x128xi32>
    %roll3A_391 = arith.constant 126 : i32
    %roll3A_392 = tpu.dynamic_rotate %select_n3A_384 by %roll3A_391 dim 1 : vector<2000x128xi32>, i32 -> vector<2000x128xi32>
    %roll3A_393 = arith.constant 2 : i32
    %roll3A_394 = tpu.dynamic_rotate %select_n3A_384 by %roll3A_393 dim 1 : vector<2000x128xi32>, i32 -> vector<2000x128xi32>
    %select_n3A_395 = arith.select %eq3A_390, %roll3A_392, %roll3A_394 : vector<2000x128xi1>, vector<2000x128xi32>
    %eq3A_396 = arith.xori %eq3A_316, %eq3A_390 : vector<2000x128xi1>
    %eq3A_397 = arith.constant dense<true> : vector<2000x128xi1>
    %eq3A_398 = arith.xori %eq3A_396, %eq3A_397 : vector<2000x128xi1>
    %min3A_399 = arith.minsi %select_n3A_384, %select_n3A_395 : vector<2000x128xi32>
    %max3A_400 = arith.maxsi %select_n3A_384, %select_n3A_395 : vector<2000x128xi32>
    %select_n3A_401 = arith.select %eq3A_398, %min3A_399, %max3A_400 : vector<2000x128xi1>, vector<2000x128xi32>
    %and3A_402 = arith.constant 1 : i32
    %and3A_403 = vector.broadcast %and3A_402 : i32 to vector<2000x128xi32>
    %and3A_404 = arith.andi %iota3A, %and3A_403 : vector<2000x128xi32>
    %eq3A_405 = arith.constant 0 : i32
    %eq3A_406 = vector.broadcast %eq3A_405 : i32 to vector<2000x128xi32>
    %eq3A_407 = arith.cmpi eq, %and3A_404, %eq3A_406 : vector<2000x128xi32>
    %roll3A_408 = arith.constant 127 : i32
    %roll3A_409 = tpu.dynamic_rotate %select_n3A_401 by %roll3A_408 dim 1 : vector<2000x128xi32>, i32 -> vector<2000x128xi32>
    %roll3A_410 = arith.constant 1 : i32
    %roll3A_411 = tpu.dynamic_rotate %select_n3A_401 by %roll3A_410 dim 1 : vector<2000x128xi32>, i32 -> vector<2000x128xi32>
    %select_n3A_412 = arith.select %eq3A_407, %roll3A_409, %roll3A_411 : vector<2000x128xi1>, vector<2000x128xi32>
    %eq3A_413 = arith.xori %eq3A_316, %eq3A_407 : vector<2000x128xi1>
    %eq3A_414 = arith.constant dense<true> : vector<2000x128xi1>
    %eq3A_415 = arith.xori %eq3A_413, %eq3A_414 : vector<2000x128xi1>
    %min3A_416 = arith.minsi %select_n3A_401, %select_n3A_412 : vector<2000x128xi32>
    %max3A_417 = arith.maxsi %select_n3A_401, %select_n3A_412 : vector<2000x128xi32>
    %select_n3A_418 = arith.select %eq3A_415, %min3A_416, %max3A_417 : vector<2000x128xi1>, vector<2000x128xi32>
    %and3A_419 = arith.constant 64 : i32
    %and3A_420 = vector.broadcast %and3A_419 : i32 to vector<2000x128xi32>
    %and3A_421 = arith.andi %iota3A, %and3A_420 : vector<2000x128xi32>
    %eq3A_422 = arith.constant 0 : i32
    %eq3A_423 = vector.broadcast %eq3A_422 : i32 to vector<2000x128xi32>
    %eq3A_424 = arith.cmpi eq, %and3A_421, %eq3A_423 : vector<2000x128xi32>
    %roll3A_425 = arith.constant 64 : i32
    %roll3A_426 = tpu.dynamic_rotate %select_n3A_418 by %roll3A_425 dim 1 : vector<2000x128xi32>, i32 -> vector<2000x128xi32>
    %roll3A_427 = arith.constant 64 : i32
    %roll3A_428 = tpu.dynamic_rotate %select_n3A_418 by %roll3A_427 dim 1 : vector<2000x128xi32>, i32 -> vector<2000x128xi32>
    %select_n3A_429 = arith.select %eq3A_424, %roll3A_426, %roll3A_428 : vector<2000x128xi1>, vector<2000x128xi32>
    %min3A_430 = arith.minsi %select_n3A_418, %select_n3A_429 : vector<2000x128xi32>
    %max3A_431 = arith.maxsi %select_n3A_418, %select_n3A_429 : vector<2000x128xi32>
    %select_n3A_432 = arith.select %eq3A_424, %min3A_430, %max3A_431 : vector<2000x128xi1>, vector<2000x128xi32>
    %and3A_433 = arith.constant 32 : i32
    %and3A_434 = vector.broadcast %and3A_433 : i32 to vector<2000x128xi32>
    %and3A_435 = arith.andi %iota3A, %and3A_434 : vector<2000x128xi32>
    %eq3A_436 = arith.constant 0 : i32
    %eq3A_437 = vector.broadcast %eq3A_436 : i32 to vector<2000x128xi32>
    %eq3A_438 = arith.cmpi eq, %and3A_435, %eq3A_437 : vector<2000x128xi32>
    %roll3A_439 = arith.constant 96 : i32
    %roll3A_440 = tpu.dynamic_rotate %select_n3A_432 by %roll3A_439 dim 1 : vector<2000x128xi32>, i32 -> vector<2000x128xi32>
    %roll3A_441 = arith.constant 32 : i32
    %roll3A_442 = tpu.dynamic_rotate %select_n3A_432 by %roll3A_441 dim 1 : vector<2000x128xi32>, i32 -> vector<2000x128xi32>
    %select_n3A_443 = arith.select %eq3A_438, %roll3A_440, %roll3A_442 : vector<2000x128xi1>, vector<2000x128xi32>
    %min3A_444 = arith.minsi %select_n3A_432, %select_n3A_443 : vector<2000x128xi32>
    %max3A_445 = arith.maxsi %select_n3A_432, %select_n3A_443 : vector<2000x128xi32>
    %select_n3A_446 = arith.select %eq3A_438, %min3A_444, %max3A_445 : vector<2000x128xi1>, vector<2000x128xi32>
    %ge3A = arith.constant 96 : i32
    %ge3A_447 = vector.broadcast %ge3A : i32 to vector<2000x128xi32>
    %ge3A_448 = arith.cmpi sge, %iota3A, %ge3A_447 : vector<2000x128xi32>
    %jit3A = arith.constant 2147483647 : i32
    %broadcast_in_dim3A = vector.broadcast %jit3A : i32 to vector<2000x128xi32>
    %select_n3A_449 = arith.select %ge3A_448, %select_n3A_446, %broadcast_in_dim3A : vector<2000x128xi1>, vector<2000x128xi32>
    %roll3A_450 = arith.constant 112 : i32
    %roll3A_451 = tpu.dynamic_rotate %select_n3A_449 by %roll3A_450 dim 1 : vector<2000x128xi32>, i32 -> vector<2000x128xi32>
    %min3A_452 = arith.minsi %select_n3A_449, %roll3A_451 : vector<2000x128xi32>
    %roll3A_453 = arith.constant 120 : i32
    %roll3A_454 = tpu.dynamic_rotate %min3A_452 by %roll3A_453 dim 1 : vector<2000x128xi32>, i32 -> vector<2000x128xi32>
    %min3A_455 = arith.minsi %min3A_452, %roll3A_454 : vector<2000x128xi32>
    %roll3A_456 = arith.constant 124 : i32
    %roll3A_457 = tpu.dynamic_rotate %min3A_455 by %roll3A_456 dim 1 : vector<2000x128xi32>, i32 -> vector<2000x128xi32>
    %min3A_458 = arith.minsi %min3A_455, %roll3A_457 : vector<2000x128xi32>
    %roll3A_459 = arith.constant 126 : i32
    %roll3A_460 = tpu.dynamic_rotate %min3A_458 by %roll3A_459 dim 1 : vector<2000x128xi32>, i32 -> vector<2000x128xi32>
    %min3A_461 = arith.minsi %min3A_458, %roll3A_460 : vector<2000x128xi32>
    %roll3A_462 = arith.constant 127 : i32
    %roll3A_463 = tpu.dynamic_rotate %min3A_461 by %roll3A_462 dim 1 : vector<2000x128xi32>, i32 -> vector<2000x128xi32>
    %min3A_464 = arith.minsi %min3A_461, %roll3A_463 : vector<2000x128xi32>
    %slice3A = vector.extract_strided_slice %min3A_464 {offsets = [0, 96], sizes = [2000, 1], strides = [1, 1]} : vector<2000x128xi32> to vector<2000x1xi32>
    %ge3A_465 = vector.broadcast %slice3A : vector<2000x1xi32> to vector<2000x128xi32>
    %ge3A_466 = arith.cmpi sge, %or3A, %ge3A_465 : vector<2000x128xi32>
    %jit3A_467 = arith.constant 0.000000e+00 : f32
    %broadcast_in_dim3A_468 = vector.broadcast %jit3A_467 : f32 to vector<2000x128xf32>
    %select_n3A_469 = arith.select %ge3A_466, %add3A_21, %broadcast_in_dim3A_468 : vector<2000x128xi1>, vector<2000x128xf32>
    %swap3A = arith.constant 0 : index
    %swap3A_470 = arith.constant 0 : index
    %swap3A_471 = vector.load %arg7[%swap3A, %swap3A_470] : memref<2000x128xf32, #tpu.memory_space<vmem>>, vector<2000x128xf32>
    tpu.vector_store %arg7[%swap3A, %swap3A_470], %select_n3A_469 {strides = array<i32>} : memref<2000x128xf32, #tpu.memory_space<vmem>>, vector<2000x128xf32>,
    return
  }
  func.func @transform_0(%arg0: i32) -> (i32, i32) {
    %c0_i32 = arith.constant 0 : i32
    %c0_i32_0 = arith.constant 0 : i32
    return %arg0, %c0_i32 : i32, i32
  }
  func.func @transform_1(%arg0: i32) -> (i32, i32) {
    %c0_i32 = arith.constant 0 : i32
    %c0_i32_0 = arith.constant 0 : i32
    return %arg0, %c0_i32 : i32, i32
  }
  func.func @transform_2(%arg0: i32) -> (i32, i32) {
    %c0_i32 = arith.constant 0 : i32
    %c0_i32_0 = arith.constant 0 : i32
    return %arg0, %c0_i32 : i32, i32
  }
  func.func @transform_3(%arg0: i32) -> (i32, i32) {
    %c0_i32 = arith.constant 0 : i32
    %c0_i32_0 = arith.constant 0 : i32
    %c0_i32_1 = arith.constant 0 : i32
    return %c0_i32, %c0_i32_0 : i32, i32
  }
  func.func @transform_4(%arg0: i32) -> (i32, i32) {
    %c0_i32 = arith.constant 0 : i32
    %c0_i32_0 = arith.constant 0 : i32
    %c0_i32_1 = arith.constant 0 : i32
    return %c0_i32, %c0_i32_0 : i32, i32
  }
  func.func @transform_5(%arg0: i32) -> (i32, i32) {
    %c0_i32 = arith.constant 0 : i32
    %c0_i32_0 = arith.constant 0 : i32
    %c0_i32_1 = arith.constant 0 : i32
    return %c0_i32, %c0_i32_0 : i32, i32
  }
  func.func @transform_6(%arg0: i32) -> (i32, i32) {
    %c0_i32 = arith.constant 0 : i32
    %c0_i32_0 = arith.constant 0 : i32
    return %arg0, %c0_i32 : i32, i32
  }
}

module attributes {stable_mosaic.version = 14 : i64} {
  func.func @_tc_out_body(%arg0: i32, %arg1: memref<2000x128xf32, #tpu.memory_space<vmem>>, %arg2: memref<2000x128xf32, #tpu.memory_space<vmem>>, %arg3: memref<2000x128xf32, #tpu.memory_space<vmem>>, %arg4: memref<1x128xf32, #tpu.memory_space<vmem>>, %arg5: memref<128x128xf32, #tpu.memory_space<vmem>>, %arg6: memref<1x128xf32, #tpu.memory_space<vmem>>, %arg7: memref<2000x128xf32, #tpu.memory_space<vmem>>) attributes {dimension_semantics = [#tpu.dimension_semantics<arbitrary>], iteration_bounds = array<i64: 5>, scalar_prefetch = 0 : i64, scratch_operands = 0 : i64, tpu.core_type = #tpu.core_type<tc>, window_params = [{transform_indices = @transform_0, window_bounds = array<i64: 2000, 128>}, {transform_indices = @transform_1, window_bounds = array<i64: 2000, 128>}, {transform_indices = @transform_2, window_bounds = array<i64: 2000, 128>}, {pipeline_mode = #tpu.pipeline_mode<synchronous>, transform_indices = @transform_3, window_bounds = array<i64: 1, 128>}, {pipeline_mode = #tpu.pipeline_mode<synchronous>, transform_indices = @transform_4, window_bounds = array<i64: 128, 128>}, {pipeline_mode = #tpu.pipeline_mode<synchronous>, transform_indices = @transform_5, window_bounds = array<i64: 1, 128>}, {transform_indices = @transform_6, window_bounds = array<i64: 2000, 128>}]} {
    %get3A = arith.constant 0 : index
    %get3A_0 = arith.constant 0 : index
    %get3A_1 = vector.load %arg4[%get3A, %get3A_0] : memref<1x128xf32, #tpu.memory_space<vmem>>, vector<1x128xf32>
    %get3A_2 = arith.constant 0 : index
    %get3A_3 = arith.constant 0 : index
    %get3A_4 = vector.load %arg1[%get3A_2, %get3A_3] : memref<2000x128xf32, #tpu.memory_space<vmem>>, vector<2000x128xf32>
    %mul3A = vector.broadcast %get3A_1 : vector<1x128xf32> to vector<2000x128xf32>
    %mul3A_5 = arith.mulf %mul3A, %get3A_4 : vector<2000x128xf32>
    %get3A_6 = arith.constant 0 : index
    %get3A_7 = arith.constant 0 : index
    %get3A_8 = vector.load %arg2[%get3A_6, %get3A_7] : memref<2000x128xf32, #tpu.memory_space<vmem>>, vector<2000x128xf32>
    %add3A = arith.addf %mul3A_5, %get3A_8 : vector<2000x128xf32>
    %get3A_9 = arith.constant 0 : index
    %get3A_10 = arith.constant 0 : index
    %get3A_11 = vector.load %arg3[%get3A_9, %get3A_10] : memref<2000x128xf32, #tpu.memory_space<vmem>>, vector<2000x128xf32>
    %add3A_12 = arith.addf %add3A, %get3A_11 : vector<2000x128xf32>
    %get3A_13 = arith.constant 0 : index
    %get3A_14 = arith.constant 0 : index
    %get3A_15 = vector.load %arg5[%get3A_13, %get3A_14] : memref<128x128xf32, #tpu.memory_space<vmem>>, vector<128x128xf32>
    %dot_general3A = arith.constant dense<0.000000e+00> : vector<2000x128xf32>
    %dot_general3A_16 = tpu.matmul %add3A_12, %get3A_15, %dot_general3A {dimension_numbers = #tpu.dot_dimension_numbers<[1], [0], [0], [1], [0, 0, 1, 1], [], []>, transpose_lhs_hint = false} : vector<2000x128xf32>, vector<128x128xf32>, vector<2000x128xf32> -> vector<2000x128xf32>
    %get3A_17 = arith.constant 0 : index
    %get3A_18 = arith.constant 0 : index
    %get3A_19 = vector.load %arg6[%get3A_17, %get3A_18] : memref<1x128xf32, #tpu.memory_space<vmem>>, vector<1x128xf32>
    %add3A_20 = vector.broadcast %get3A_19 : vector<1x128xf32> to vector<2000x128xf32>
    %add3A_21 = arith.addf %dot_general3A_16, %add3A_20 : vector<2000x128xf32>
    %swap3A = arith.constant 0 : index
    %swap3A_22 = arith.constant 0 : index
    %swap3A_23 = vector.load %arg7[%swap3A, %swap3A_22] : memref<2000x128xf32, #tpu.memory_space<vmem>>, vector<2000x128xf32>
    tpu.vector_store %arg7[%swap3A, %swap3A_22], %add3A_21 {strides = array<i32>} : memref<2000x128xf32, #tpu.memory_space<vmem>>, vector<2000x128xf32>,
    return
  }
  func.func @transform_0(%arg0: i32) -> (i32, i32) {
    %c0_i32 = arith.constant 0 : i32
    %c0_i32_0 = arith.constant 0 : i32
    return %arg0, %c0_i32 : i32, i32
  }
  func.func @transform_1(%arg0: i32) -> (i32, i32) {
    %c0_i32 = arith.constant 0 : i32
    %c0_i32_0 = arith.constant 0 : i32
    return %arg0, %c0_i32 : i32, i32
  }
  func.func @transform_2(%arg0: i32) -> (i32, i32) {
    %c0_i32 = arith.constant 0 : i32
    %c0_i32_0 = arith.constant 0 : i32
    return %arg0, %c0_i32 : i32, i32
  }
  func.func @transform_3(%arg0: i32) -> (i32, i32) {
    %c0_i32 = arith.constant 0 : i32
    %c0_i32_0 = arith.constant 0 : i32
    %c0_i32_1 = arith.constant 0 : i32
    return %c0_i32, %c0_i32_0 : i32, i32
  }
  func.func @transform_4(%arg0: i32) -> (i32, i32) {
    %c0_i32 = arith.constant 0 : i32
    %c0_i32_0 = arith.constant 0 : i32
    %c0_i32_1 = arith.constant 0 : i32
    return %c0_i32, %c0_i32_0 : i32, i32
  }
  func.func @transform_5(%arg0: i32) -> (i32, i32) {
    %c0_i32 = arith.constant 0 : i32
    %c0_i32_0 = arith.constant 0 : i32
    %c0_i32_1 = arith.constant 0 : i32
    return %c0_i32, %c0_i32_0 : i32, i32
  }
  func.func @transform_6(%arg0: i32) -> (i32, i32) {
    %c0_i32 = arith.constant 0 : i32
    %c0_i32_0 = arith.constant 0 : i32
    return %arg0, %c0_i32 : i32, i32
  }
}

</mosaic_0001>

<sc_bundles>
// kernel: kernel.12.cloned.1.call-start
scs
__scs_entry_jumppad:
0x0: {  	(pc) =	sbr.rel $0x88, $3  }
0x1: {  	(tag) =	ssettag $0x0;
	lr =	simm.s32 $0x1  }
0x2: {  	[smem:$0x3F98] =	sst lr;
	_ =	strace $0xD0000000  }
0x3: {  	_ = 	snop  }
0x4: {  	_ = 	snop  }
0x5: {  	_ = 	snop  }
0x6: {  	_ = 	snop  }
0x7: {  	_ = 	snop  }
__scs_overlays_trampoline_lowered:
0x8: {  	[smem:$0x3FA7] =	sst s0  }
0x9: {  	[smem:$0x3FA8] =	sst s1  }
0xa: {  	[smem:$0x3FA9] =	sst s2  }
0xb: {  	[smem:$0x3FAA] =	sst s3  }
0xc: {  	[smem:$0x3FAB] =	sst s4  }
0xd: {  	[smem:$0x3FAC] =	sst s5  }
0xe: {  	[smem:$0x3FAD] =	sst s6  }
0xf: {  	[smem:$0x3FAE] =	sst s7  }
0x10: {  	[smem:$0x3FAF] =	sst s8  }
0x11: {  	[smem:$0x3FB0] =	sst s9;
	s0 =	simm.s32 @!p0 $0x0  }
0x12: {  	s1 =	sld [smem:$0x3F96];
	s0 =	simm.s32 @p0 $0x1  }
0x13: {  	[smem:$0x3FB1] =	sst s0;
	s0 =	simm.s32 @!p1 $0x0  }
0x14: {  	s2 =	sld [smem:$0x3F95];
	s0 =	simm.s32 @p1 $0x1  }
0x15: {  	[smem:$0x3FB2] =	sst s0;
	s0 =	simm.s32 @!p2 $0x0  }
0x16: {  	s3 =	sld [smem:$0x3FDB];
	s0 =	simm.s32 @p2 $0x1  }
0x17: {  	s4 =	simm.s32 $0x1BF5;
	[smem:$0x3FB4] =	sst s0  }
0x18: {  	s0 =	sld [smem:$0x3F97];
	_ =	swait.ge [sflag:s4], $0x0  }
0x19: {  	s7 =	sld [smem:$0x3F98]  }
0x1a: {  	s8 =	sadd.s32 $0xFFFFE003, lr  }
0x1b: {  	s9 =	sadd.s32 $0xFFFFFEF7, lr;
	s5 =	simm.s32 $0xFFFFFFFF;
	p2 =	slt.u32 s8, $0xFFFFF086  }
0x1c: {  	p1 =	slt.u32 s9, $0xF7A;
	s5 =	simm.s32 @!p2 $0x0  }
0x1d: {  	s5 =	simm.s32 @p1 $0x1;
	p0 =	seq.s32 s7, s2  }
0x1e: {  	s7 =	smul.u32 @!p0 $0xF7A, s2;
	p2 =	seq.s32 @!p0 s5, $0x0  }
0x1f: {  	s9 =	smul.u32 $0xF7A, s1;
	s8 =	simm.s32 @!p0 $0x1BF5;
	p2 =	por !p2, p0  }
0x20: {  	[sflag:s8] =	ssyncset.s32 @!p0 $0xFFFFF086;
	s6 =	sadd.s32 @!p0 s3, s7;
	s7 =	simm.s32 @!p0 $0x108  }
0x21: {  	s3 =	sadd.s32 s3, s9;
	s6 =	sadd.s32 @!p0 $0x88, s6;
	s7 =	simm.s32 @p2 $0x1082  }
0x22: {  	[simem:s7], [sflag:s8] =	dma.local @!p0 [hbm:s6], $0xF7A  }
0x23: {  	s9 =	sor.u32 $0xD0000000, s2;
	s6 =	simm.s32 $0x108;
	_ =	swait.ge @!p0 [sflag:s8], $0x0  }
0x24: {  	s3 =	sadd.s32 $0x88, s3;
	s6 =	simm.s32 @!p1 $0x1082;
	[sflag:s4] =	ssyncset.s32 $0xFFFFF086  }
0x25: {  	[simem:s6], [sflag:s4] =	dma.local [hbm:s3], $0xF7A  }
0x26: {  	[smem:$0x3F98] =	sst s1;
	(tag) =	ssettag s2;
	_ =	strace s9  }
0x27: {  	s1 =	sld [smem:$0x3FA8]  }
0x28: {  	s2 =	sld [smem:$0x3FA9]  }
0x29: {  	s4 =	sld [smem:$0x3FAB]  }
0x2a: {  	p0 =	seq.s32 s5, $0x0;
	s5 =	sld [smem:$0x3FAC]  }
0x2b: {  	s6 =	sld [smem:$0x3FAD]  }
0x2c: {  	s7 =	sld [smem:$0x3FAE]  }
0x2d: {  	s3 =	simm.s32 $0x108;
	s8 =	sld [smem:$0x3FAF]  }
0x2e: {  	s3 =	simm.s32 @!p0 $0x1082;
	s9 =	sld [smem:$0x3FB0]  }
0x2f: {  	lr =	sadd.s32 s0, s3;
	s0 =	sld [smem:$0x3FA7]  }
0x30: {  	s3 =	sld [smem:$0x3FAA]  }
0x31: {  	[smem:$0x3FB3] =	sst s10  }
0x32: {  	s10 =	sld [smem:$0x3FB1];
	_ =	sdelay $0x3  }
0x33: {  	p0 =	seq.s32 s10, $0x1;
	s10 =	sld [smem:$0x3FB3];
	_ =	sdelay $0x3  }
0x34: {  	[smem:$0x3FB3] =	sst s10  }
0x35: {  	s10 =	sld [smem:$0x3FB2];
	_ =	sdelay $0x3  }
0x36: {  	p1 =	seq.s32 s10, $0x1;
	s10 =	sld [smem:$0x3FB3];
	_ =	sdelay $0x3  }
0x37: {  	[smem:$0x3FB3] =	sst s10  }
0x38: {  	s10 =	sld [smem:$0x3FB4]  }
0x39: {  	_ = 	snop;
	(pc) =	sbr.ind lr, $3  }
0x3a: {  	_ = 	snop  }
0x3b: {  	_ = 	snop  }
0x3c: {  	p2 =	seq.s32 s10, $0x1;
	s10 =	sld [smem:$0x3FB3]  }
0x3d: {  	_ =	shalt  }
0x3e: {  	_ =	shalt  }
0x3f: {  	_ =	shalt  }
0x40: {  	_ =	shalt  }
0x41: {  	_ =	shalt  }
0x42: {  	_ =	shalt  }
0x43: {  	_ =	shalt  }
0x44: {  	_ =	shalt  }
0x45: {  	_ =	shalt  }
0x46: {  	_ =	shalt  }
0x47: {  	_ =	shalt  }
0x48: {  	_ =	shalt  }
0x49: {  	_ =	shalt  }
0x4a: {  	_ =	shalt  }
0x4b: {  	_ =	shalt  }
0x4c: {  	_ =	shalt  }
0x4d: {  	_ =	shalt  }
0x4e: {  	_ =	shalt  }
0x4f: {  	_ =	shalt  }
0x50: {  	_ =	shalt  }
0x51: {  	_ =	shalt  }
0x52: {  	_ =	shalt  }
0x53: {  	_ =	shalt  }
0x54: {  	_ =	shalt  }
0x55: {  	_ =	shalt  }
0x56: {  	_ =	shalt  }
0x57: {  	_ =	shalt  }
0x58: {  	_ =	shalt  }
0x59: {  	_ =	shalt  }
0x5a: {  	_ =	shalt  }
0x5b: {  	_ =	shalt  }
0x5c: {  	_ =	shalt  }
0x5d: {  	_ =	shalt  }
0x5e: {  	_ =	shalt  }
0x5f: {  	_ =	shalt  }
0x60: {  	_ =	shalt  }
0x61: {  	_ =	shalt  }
0x62: {  	_ =	shalt  }
0x63: {  	_ =	shalt  }
0x64: {  	_ =	shalt  }
0x65: {  	_ =	shalt  }
0x66: {  	_ =	shalt  }
0x67: {  	_ =	shalt  }
0x68: {  	_ =	shalt  }
0x69: {  	_ =	shalt  }
0x6a: {  	_ =	shalt  }
0x6b: {  	_ =	shalt  }
0x6c: {  	_ =	shalt  }
0x6d: {  	_ =	shalt  }
0x6e: {  	_ =	shalt  }
0x6f: {  	_ =	shalt  }
0x70: {  	_ =	shalt  }
0x71: {  	_ =	shalt  }
0x72: {  	_ =	shalt  }
0x73: {  	_ =	shalt  }
0x74: {  	_ =	shalt  }
0x75: {  	_ =	shalt  }
0x76: {  	_ =	shalt  }
0x77: {  	_ =	shalt  }
0x78: {  	_ =	shalt  }
0x79: {  	_ =	shalt  }
0x7a: {  	_ =	shalt  }
0x7b: {  	_ =	shalt  }
0x7c: {  	_ =	shalt  }
0x7d: {  	_ =	shalt  }
0x7e: {  	_ =	shalt  }
0x7f: {  	_ =	shalt  }
0x80: {  	_ =	shalt  }
0x81: {  	_ =	shalt  }
0x82: {  	_ =	shalt  }
0x83: {  	_ =	shalt  }
0x84: {  	_ =	shalt  }
0x85: {  	_ =	shalt  }
0x86: {  	_ =	shalt  }
0x87: {  	_ =	shalt  }
.Lfunc_end0:
.L_simem_size_0:
called_computation.1_lowered:
.L_overlay_start_0:
0x88: {  	s2 =	sld [smem:$0x3FD9]  }
0x89: {  	s3 =	sld [smem:$0x3FFE];
	_ =	sdelay $0x1  }
0x8a: {  	s1 =	srdreg.scid  }
0x8b: {  	s0 =	sand.u32 $0x1, s1  }
0x8c: {  	s17 =	sshll.u32 s0, $0xA;
	s2 =	sadd.s32 s3, s2  }
0x8d: {  	s2 =	sadd.s32 s2, s17  }
0x8e: {  	[smem:$0x3FBF] =	sst s2  }
0x8f: {  	_ = 	snop  }
0x90: {  	s2 =	sld [smem:$0x3FD0];
	(tm) =	ssettm $0x1  }
0x91: {  	s18 =	sld [smem:$0x3FFB];
	_ =	sdelay $0x3  }
0x92: {  	_ =	strace s18  }
0x93: {  	s3 =	sld [smem:$0x3FFC];
	_ =	sdelay $0x3  }
0x94: {  	_ =	strace s3  }
0x95: {  	s3 =	sld [smem:$0x3FFD];
	_ =	sdelay $0x3  }
0x96: {  	_ =	strace s3  }
0x97: {  	_ =	strace $0x8FFFFFFF  }
0x98: {  	s19 =	sld [smem:$0x3FDB];
	_ =	sdelay $0x1  }
0x99: {  	s4 =	simm.s32 $_scs_section_size  }
0x9a: {  	s5 =	simm.s32 $_size__tile_overlayer_lowered;
	s6 =	simm.s32 $_tile_overlayer_lowered  }
0x9b: {  	s22 =	simm.s32 $0x1BFF;
	s21 =	sshll.u32 s6, $0x1;
	s3 =	sadd.s32 s4, s19  }
0x9c: {  	s7 =	simm.s32 $0x0;
	s20 =	sshll.u32 s5, $0x1;
	s5 =	sadd.s32 s21, s3  }
0x9d: {  	[timem:s7], [sflag:s22] =	dma.local [hbm:s5], s20  }
0x9e: {  	_ =	swait.ge [sflag:s22], s20  }
0x9f: {  	s4 =	ssub.s32 $0x0, s20;
	[sflag:s22] =	ssyncset.done $0x0  }
0xa0: {  	[sflag:s22] =	ssyncadd.s32 s4;
	_ =	sdelay $0x1  }
0xa1: {  	s23 =	simm.s32 $0x1B8B  }
0xa2: {  	_ =	swait.ge [sflag:s23], $0x1  }
0xa3: {  	[sflag:s23] =	ssyncset.done $0x0  }
0xa4: {  	s25 =	simm.s32 $0x1B8E;
	s24 =	sld [smem:$0x3FFE];
	[sflag:s23] =	ssyncadd.s32 $0xFFFFFFFF  }
0xa5: {  	s26 =	simm.s32 $execute0_lowered;
	[smem:$0x3FD2] =	sst s25  }
0xa6: {  	s5 =	sshll.u32 s26, $0x1;
	_ =	strace $0x80000049;
	[dreg:$0x1] =	wrdreg $0xFFFFFFFF  }
0xa7: {  	s28 =	simm.s32 $_size_execute0_lowered;
	s3 =	sadd.s32 s3, s5;
	[dreg:$0x0] =	wrdreg $0x0  }
0xa8: {  	s5 =	sshll.u32 s28, $0x1;
	[dreg:$0x2] =	wrdreg s3  }
0xa9: {  	[dreg:$0x3] =	wrdreg s5  }
0xaa: {  	[dreg:$0x4] =	wrdreg $0xC0  }
0xab: {  	_ =	task [dreg:s7], $0x5FFFF  }
0xac: {  	[dreg:$0x1] =	wrdreg $0xFFFFFFFF  }
0xad: {  	[dreg:$0x0] =	wrdreg $0x60  }
0xae: {  	[dreg:$0x2] =	wrdreg s2  }
0xaf: {  	[dreg:$0x3] =	wrdreg s24  }
0xb0: {  	[dreg:$0x4] =	wrdreg $0xAC000  }
0xb1: {  	[dreg:$0x5] =	wrdreg $0x9  }
0xb2: {  	_ =	task.clear_ibuf [dreg:s7], $0x6FFFF;
	_ =	strace $0x90000049  }
0xb3: {  	s29 =	simm.s32 $0x9;
	_ =	strace $0x8000004B  }
0xb4: {  	_ =	swait.ge [sflag:s29], $0x1  }
0xb5: {  	[sflag:s29] =	ssyncadd.s32 $0xFFFFFFFF  }
0xb6: {  	_ =	strace $0x9000004B  }
0xb7: {  	_ =	sfence  }
0xb8: {  	s30 =	sld [smem:$0x0];
	_ =	sdelay $0x2  }
0xb9: {  	s31 =	sshll.u32 s1, $0xD;
	s1 =	sshrl.u32 s1, $0x2  }
0xba: {  	s3 =	sand.u32 $0x4000, s31;
	s1 =	sadd.s32 s1, s30  }
0xbb: {  	s0 =	sor.u32 s3, s0;
	s1 =	sshll.u32 s1, $0x11  }
0xbc: {  	s0 =	sor.u32 s1, s0  }
0xbd: {  	s0 =	sadd.s32 $0x8F2B, s0  }
0xbe: {  	[sflag:s0] =	ssyncadd.remote.s32 $0x1  }
0xbf: {  	_ =	sfence.sel $0xFFFF  }
0xc0: {  	[dreg:$0x0] =	wrdreg $0xFFFFFFFF;
	(pc) =	sbr.abs _section_cstart, $3  }
0xc1: {  	[dreg:$0x1] =	wrdreg $0xFFFFFFFF  }
0xc2: {  	_ =	task.clear_ibuf [dreg:s7], $0x2FFFF;
	_ =	strace $0x9FFFFFFF  }
0xc3: {  	(tm) =	ssettm $0x7FFFFFFF  }
tec
execute0_lowered:
.L_overlay_start_1:
0x0: {  	(tag) =	ssettag $0x1  }
0x1: {  	s1 =	rddreg [dreg:$0x0]  }
0x2: {  	s0 =	rddreg [dreg:$0x1]  }
0x3: {  	s2 =	rddreg [dreg:$0x2];
	s3 =	simm.s32 $0x0  }
0x4: {  	s4 =	srdreg.scid;
	s13 =	stileid.u32;
	s30 =	simm.s32 $0x9  }
0x5: {  	s31 =	simm.s32 $0x50;
	s15 =	simm.s32 $0xD;
	s17 =	simm.s32 $0x8  }
0x6: {  	[smem:$0x7FF] =	sst s3;
	s5 =	sadd.s32 $0x3A00, s0;
	s4 =	sand.u32 $0x1, s4  }
0x7: {  	s9 =	sshll.u32 s13, $0xE;
	s6 =	sadd.s32 $0x13A00, s0;
	s12 =	smul.u32 $0x2700, s13  }
0x8: {  	s0 =	sadd.s32 $0x23A00, s0;
	s23 =	smul.u32 $0x4E000, s13;
	s28 =	sadd.s32 $0x138000, s2  }
0x9: {  	p0 =	sne.s32 s13, $0xF;
	s13 =	simm.s32 $0x11;
	_ =	strace $0x8000004A  }
0xa: {  	s8 =	ssub.s32 $0x2, s4;
	s7 =	sshll.u32 s4, $0x12;
	s24 =	smul.u32 $0x138800, s4  }
0xb: {  	s4 =	smul.u32 $0x27100, s4;
	s10 =	sshrl.u32 s8, $0x1;
	s7 =	sor.u32 s9, s7  }
0xc: {  	[dreg:$0xc] =	wrdreg s28;
	s8 =	ssub.s32 s8, s10;
	s9 =	sshrl.u32 s7, $0x3  }
0xd: {  	s25 =	sshrl.u32 s24, $0x3;
	s4 =	sadd.s32 s12, s4;
	s12 =	simm.s32 $0xA400  }
0xe: {  	s24 =	simm.s32 $0x0;
	s18 =	sadd.s32 s5, s9;
	s19 =	sadd.s32 s6, s9  }
0xf: {  	s20 =	sor.u32 $0x10, s9;
	s21 =	sor.u32 $0x20, s9;
	[dreg:$0x4] =	wrdreg s18  }
0x10: {  	s9 =	sor.u32 $0x30, s9;
	s29 =	smax.u32 s8, $0x1;
	[dreg:$0x5] =	wrdreg s19  }
0x11: {  	s8 =	simm.s32 $0x10;
	s11 =	sadd.s32 s5, s20;
	[dreg:$0xf] =	wrdreg s29  }
0x12: {  	s10 =	sadd.s32 s6, s20;
	s22 =	sadd.s32 s5, s21;
	[dreg:$0x6] =	wrdreg s11  }
0x13: {  	s14 =	sadd.s32 s5, s9;
	s9 =	sadd.s32 s6, s9;
	[dreg:$0x7] =	wrdreg s10  }
0x14: {  	s18 =	simm.s32 $0x5;
	s19 =	simm.s32 $0xE;
	[dreg:$0x8] =	wrdreg s22  }
0x15: {  	s20 =	simm.s32 $0x3;
	s11 =	sadd.s32 s6, s21;
	[dreg:$0xa] =	wrdreg s14  }
0x16: {  	s10 =	sshrl.u32 s23, $0x2;
	[dreg:$0xb] =	wrdreg s9;
	s9 =	sadd.s32 s0, s25  }
.Ltmp0:
0x17: {  	s0 =	sadd.s32 s0, s4;
	s22 =	simm.s32 $0xA200;
	(pc) =	sbr.rel .LBB2_1-.Ltmp0, $4  }
0x18: {  	s21 =	simm.s32 $0xA380;
	s14 =	simm.s32 $0x1;
	s23 =	simm.s32 $0x2  }
0x19: {  	s25 =	simm.s32 $0xF;
	[dreg:$0x9] =	wrdreg s11;
	s16 =	sadd.s32 s10, s2  }
0x1a: {  	[dreg:$0xd] =	wrdreg s0;
	s26 =	sadd.s32 $0x27000, s9;
	s10 =	simm.s32 $0xC  }
0x1b: {  	v0 =	vimm.f32 $0.0e+00;
	s11 =	simm.s32 $0x7800;
	s0 =	simm.s32 $0x4;
	[dreg:$0xe] =	wrdreg s26  }
.LBB2_8:
0x1c: {  	_ =	swait.ge [sflag:s17], $0x2800  }
0x1d: {  	[sflag:s17] =	ssyncset.done $0x0  }
0x1e: {  	[sflag:s17] =	ssyncadd.s32 $0xFFFFD800  }
0x1f: {  	_ =	swait.ge [sflag:s14], $0x2800  }
0x20: {  	[sflag:s14] =	ssyncset.done $0x0  }
0x21: {  	[sflag:s14] =	ssyncadd.s32 $0xFFFFD800  }
0x22: {  	_ =	swait.ge [sflag:s15], $0x80  }
0x23: {  	[sflag:s15] =	ssyncset.done $0x0  }
0x24: {  	[sflag:s15] =	ssyncadd.s32 $0xFFFFFF80  }
0x25: {  	[spmem:s2] =	stream.indirect.scatter.add.f32 [tilespmem:s3], [sflag:$0x5], $0x80, s22, s31, $0xb8;
	[tilespmem:$0x1E480] =	vst v63  }
0x26: {  	_ =	swait.ge [sflag:s18], $0x2800  }
0x27: {  	[sflag:s18] =	ssyncset.done $0x0  }
0x28: {  	s4 =	stileid.u32;
	[sflag:s18] =	ssyncadd.s32 $0xFFFFD800  }
0x29: {  	s4 =	sshll.u32 s4, $0x6;
	[bflag:$0x0] =	sbarrier.arrive $0xFFFF  }
0x2a: {  	s9 =	sshrl.u32 s16, $0x3;
	s4 =	sor.u32 $0x1C11, s4;
	s24 =	rddreg [dreg:$0xd]  }
0x2b: {  	[hbm:s24], [sflag:s4] =	dma.local [spmem:s9], $0x2700  }
0x2c: {  	_ =	swait.ge [sflag:s13], $0x2700  }
0x2d: {  	[sflag:s13] =	ssyncset.done $0x0;
	s28 =	rddreg [dreg:$0xc]  }
0x2e: {  	s24 =	rddreg [dreg:$0xe];
	[sflag:s13] =	ssyncadd.s32 $0xFFFFD900;
	s9 =	sshrl.u32 @!p0 s28, $0x3  }
0x2f: {  	[hbm:s24], [sflag:s4] =	dma.local @!p0 [spmem:s9], $0x100  }
0x30: {  	s4 =	simm.s32 @!p0 $0x11  }
0x31: {  	_ =	swait.ge @!p0 [sflag:s4], $0x100  }
0x32: {  	s26 =	rddreg [dreg:$0x10]  }
0x33: {  	s29 =	rddreg [dreg:$0xf];
	s24 =	sadd.s32 $0x1, s26  }
0x34: {  	p1 =	sne.s32 s24, s29  }
.Ltmp1:
0x35: {  	_ = 	snop;
	(pc) =	sbr.rel @!p1 .LBB2_9-.Ltmp1, $3  }
0x36: {  	_ =	sdelay $0x1  }
0x37: {  	[sflag:s4] =	ssyncset.done @!p0 $0x0  }
0x38: {  	[sflag:s4] =	ssyncadd.s32 @!p0 $0xFFFFFF00  }
.LBB2_1:
0x39: {  	[dreg:$0x10] =	wrdreg s24  }
0x3a: {  	s4 =	rddreg [dreg:$0x4];
	s29 =	simm.s32 $0xA000  }
0x3b: {  	[tilespmem:s29], [sflag:$0x9] =	stream.linear.gather [hbm4b:s4+s3], $0x80, $0x38;
	[tilespmem:$0x1E480] =	vst v63  }
0x3c: {  	s24 =	rddreg [dreg:$0x5]  }
0x3d: {  	[tilespmem:s22], [sflag:$0xD] =	stream.linear.gather [hbm4b:s24+s3], $0x80, $0x38;
	[tilespmem:$0x1E480] =	vst v63  }
0x3e: {  	s26 =	rddreg [dreg:$0x6];
	s9 =	simm.s32 $0xA080  }
0x3f: {  	[tilespmem:s9], [sflag:$0xA] =	stream.linear.gather [hbm4b:s26+s3], $0x80, $0x38;
	[tilespmem:$0x1E480] =	vst v63  }
0x40: {  	s24 =	rddreg [dreg:$0x7];
	s26 =	simm.s32 $0xA280  }
0x41: {  	[tilespmem:s26], [sflag:$0xE] =	stream.linear.gather [hbm4b:s24+s3], $0x80, $0x38;
	[tilespmem:$0x1E480] =	vst v63  }
0x42: {  	s26 =	rddreg [dreg:$0x8];
	s24 =	simm.s32 $0xA100  }
0x43: {  	[tilespmem:s24], [sflag:$0xB] =	stream.linear.gather [hbm4b:s26+s3], $0x80, $0x38;
	[tilespmem:$0x1E480] =	vst v63  }
0x44: {  	s4 =	rddreg [dreg:$0x9];
	s26 =	simm.s32 $0xA300  }
0x45: {  	[tilespmem:s26], [sflag:$0xF] =	stream.linear.gather [hbm4b:s4+s3], $0x80, $0x38;
	[tilespmem:$0x1E480] =	vst v63  }
0x46: {  	s4 =	rddreg [dreg:$0xa];
	s26 =	simm.s32 $0xA180  }
0x47: {  	[tilespmem:s26], [sflag:$0xC] =	stream.linear.gather [hbm4b:s4+s3], $0x80, $0x38;
	[tilespmem:$0x1E480] =	vst v63  }
0x48: {  	s4 =	rddreg [dreg:$0xb]  }
0x49: {  	[tilespmem:s21], [sflag:$0x10] =	stream.linear.gather [hbm4b:s4+s3], $0x80, $0x38;
	[tilespmem:$0x1E480] =	vst v63  }
0x4a: {  	_ =	swait.ge [sflag:s30], $0x80  }
0x4b: {  	[sflag:s30] =	ssyncset.done $0x0  }
0x4c: {  	s21 =	simm.s32 $0xA;
	[sflag:s30] =	ssyncadd.s32 $0xFFFFFF80  }
0x4d: {  	[tilespmem:s3], [sflag:$0x1] =	stream.indirect.gather [hbm4b:s1+s31], $0x80, s29, s31, $0xb8;
	[tilespmem:$0x1E480] =	vst v63  }
0x4e: {  	_ =	swait.ge [sflag:s21], $0x80  }
0x4f: {  	[sflag:s21] =	ssyncset.done $0x0  }
0x50: {  	s29 =	simm.s32 $0x2800;
	[sflag:s21] =	ssyncadd.s32 $0xFFFFFF80;
	s21 =	simm.s32 $0xB  }
0x51: {  	[tilespmem:s29], [sflag:$0x2] =	stream.indirect.gather [hbm4b:s1+s31], $0x80, s9, s31, $0xb8;
	[tilespmem:$0x1E480] =	vst v63  }
0x52: {  	_ =	swait.ge [sflag:s21], $0x80  }
0x53: {  	[sflag:s21] =	ssyncset.done $0x0  }
0x54: {  	s29 =	simm.s32 $0x5000;
	[sflag:s21] =	ssyncadd.s32 $0xFFFFFF80  }
0x55: {  	[tilespmem:s29], [sflag:$0x3] =	stream.indirect.gather [hbm4b:s1+s31], $0x80, s24, s31, $0xb8;
	[tilespmem:$0x1E480] =	vst v63  }
0x56: {  	_ =	swait.ge [sflag:s10], $0x80  }
0x57: {  	[sflag:s10] =	ssyncset.done $0x0  }
0x58: {  	[sflag:s10] =	ssyncadd.s32 $0xFFFFFF80  }
0x59: {  	[tilespmem:s11], [sflag:$0x4] =	stream.indirect.gather [hbm4b:s1+s31], $0x80, s26, s31, $0xb8;
	[tilespmem:$0x1E480] =	vst v63  }
0x5a: {  	s24 =	simm.s32 $0x0;
	s26 =	simm.s32 $0x200  }
.LBB2_2:
0x5b: {  	p1 =	sne.s32 s26, $0x1E00;
	[tilespmem:s24+$0xA470] =	vst v0  }
0x5c: {  	[tilespmem:s24+$0xA400] =	vst v0  }
0x5d: {  	[tilespmem:s24+$0xA410] =	vst v0  }
.Ltmp2:
0x5e: {  	[tilespmem:s24+$0xA420] =	vst v0;
	(pc) =	sbr.rel @p1 .LBB2_2-.Ltmp2, $4  }
0x5f: {  	[tilespmem:s24+$0xA430] =	vst v0  }
0x60: {  	[tilespmem:s24+$0xA440] =	vst v0  }
0x61: {  	[tilespmem:s24+$0xA450] =	vst v0  }
0x62: {  	[tilespmem:s24+$0xA460] =	vst v0;
	s24 =	sshra.s32 s26, $0x2;
	s26 =	sadd.s32 $0x200, s26  }
0x63: {  	[tilespmem:s24+$0xA470] =	vst v0  }
0x64: {  	[tilespmem:s24+$0xA400] =	vst v0  }
0x65: {  	[tilespmem:s24+$0xA410] =	vst v0  }
0x66: {  	[tilespmem:s24+$0xA420] =	vst v0  }
0x67: {  	[tilespmem:s24+$0xA430] =	vst v0  }
0x68: {  	[tilespmem:s24+$0xA440] =	vst v0  }
0x69: {  	[tilespmem:s24+$0xA450] =	vst v0  }
0x6a: {  	[tilespmem:s24+$0xA460] =	vst v0;
	s29 =	sadd.s32 $0x0, s16  }
0x6b: {  	[spmem:s29] =	stream.linear.scatter [tilespmem:s12], [sflag:$0x11], $0x800, $0x38;
	[tilespmem:$0x1E480] =	vst v63  }
0x6c: {  	s24 =	simm.s32 $0x2000;
	_ =	swait.ge [sflag:s13], $0x800  }
.LBB2_4:
0x6d: {  	s26 =	sshra.s32 s24, $0x2;
	[sflag:s13] =	ssyncset.done $0x0;
	p1 =	sne.s32 s24, $0x4C000  }
.Ltmp3:
0x6e: {  	s26 =	sadd.s32 s26, s16;
	[sflag:s13] =	ssyncadd.s32 $0xFFFFF800;
	(pc) =	sbr.rel @p1 .LBB2_4-.Ltmp3, $3  }
0x6f: {  	[spmem:s26] =	stream.linear.scatter [tilespmem:s12], [sflag:$0x11], $0x800, $0x38;
	[tilespmem:$0x1E480] =	vst v63  }
0x70: {  	s24 =	sadd.s32 $0x2000, s24;
	_ =	sdelay $0x1  }
0x71: {  	_ =	swait.ge [sflag:s13], $0x800  }
0x72: {  	[sflag:s13] =	ssyncset.done $0x0  }
0x73: {  	s24 =	simm.s32 @!p0 $0xA400;
	[sflag:s13] =	ssyncadd.s32 $0xFFFFF800  }
0x74: {  	[spmem:s28] =	stream.linear.scatter @!p0 [tilespmem:s24], [sflag:$0x11], $0x800, $0x38;
	[tilespmem:$0x1E480] =	vst v63  }
0x75: {  	s24 =	simm.s32 @!p0 $0x11  }
0x76: {  	_ =	swait.ge @!p0 [sflag:s24], $0x800  }
0x77: {  	[sflag:s24] =	ssyncset.done @!p0 $0x0  }
0x78: {  	[sflag:s24] =	ssyncadd.s32 @!p0 $0xFFFFF800  }
0x79: {  	s21 =	simm.s32 $0xA380;
	s24 =	simm.s32 $0x380;
	[bflag:$0x0] =	sbarrier.arrive $0xFFFF  }
.LBB2_6:
0x7a: {  	_ =	swait.ge [sflag:s14], $0x2800  }
0x7b: {  	s26 =	sadd.s32 $0xFFFFFE80, s24;
	[sflag:s14] =	ssyncset.done $0x0  }
0x7c: {  	s4 =	sand.u32 $0x7C00, s26;
	[sflag:s14] =	ssyncadd.s32 $0xFFFFD800  }
0x7d: {  	s26 =	sand.u32 $0x200, s26;
	s4 =	sadd.s32 s7, s4;
	_ =	swait.ge [sflag:s15], $0x80  }
0x7e: {  	s4 =	sor.u32 s26, s4;
	[sflag:s15] =	ssyncset.done $0x0  }
0x7f: {  	s4 =	sshrl.u32 s4, $0x3;
	[sflag:s15] =	ssyncadd.s32 $0xFFFFFF80  }
0x80: {  	[spmem:s2] =	stream.indirect.scatter.add.f32 [tilespmem:s3], [sflag:$0x5], $0x80, s22, s31, $0xb8;
	[tilespmem:$0x1E480] =	vst v63  }
0x81: {  	s9 =	simm.s32 $0xA000;
	s29 =	sadd.s32 s5, s4  }
0x82: {  	[tilespmem:s9], [sflag:$0x9] =	stream.linear.gather [hbm4b:s29+s3], $0x80, $0x38;
	[tilespmem:$0x1E480] =	vst v63  }
0x83: {  	_ =	swait.ge [sflag:s18], $0x2800  }
0x84: {  	[sflag:s18] =	ssyncset.done $0x0  }
0x85: {  	s4 =	sadd.s32 s6, s4;
	[sflag:s18] =	ssyncadd.s32 $0xFFFFD800  }
0x86: {  	[tilespmem:s22], [sflag:$0xD] =	stream.linear.gather [hbm4b:s4+s3], $0x80, $0x38;
	[tilespmem:$0x1E480] =	vst v63  }
0x87: {  	_ =	swait.ge [sflag:s30], $0x80  }
0x88: {  	[sflag:s30] =	ssyncset.done $0x0  }
0x89: {  	[sflag:s30] =	ssyncadd.s32 $0xFFFFFF80  }
0x8a: {  	[tilespmem:s3], [sflag:$0x1] =	stream.indirect.gather [hbm4b:s1+s31], $0x80, s9, s31, $0xb8;
	[tilespmem:$0x1E480] =	vst v63  }
0x8b: {  	_ =	swait.ge [sflag:s23], $0x2800  }
0x8c: {  	[sflag:s23] =	ssyncset.done $0x0  }
0x8d: {  	p1 =	seq.s32 s24, $0x3F80;
	[sflag:s23] =	ssyncadd.s32 $0xFFFFD800  }
0x8e: {  	s28 =	simm.s32 $0x2800;
	s4 =	sadd.s32 @!p1 $0xFFFFFF00, s24;
	_ =	swait.ge [sflag:s19], $0x80  }
0x8f: {  	s26 =	simm.s32 $0xA280;
	s9 =	sand.u32 @!p1 $0x7C00, s4;
	[sflag:s19] =	ssyncset.done $0x0  }
0x90: {  	s4 =	sand.u32 @!p1 $0x280, s4;
	s9 =	sadd.s32 @!p1 s7, s9;
	[sflag:s19] =	ssyncadd.s32 $0xFFFFFF80  }
0x91: {  	[spmem:s2] =	stream.indirect.scatter.add.f32 [tilespmem:s28], [sflag:$0x6], $0x80, s26, s31, $0xb8;
	[tilespmem:$0x1E480] =	vst v63  }
0x92: {  	s4 =	sor.u32 @!p1 s4, s9;
	s26 =	simm.s32 @p1 $0x6  }
0x93: {  	s4 =	sshrl.u32 @!p1 s4, $0x3;
	_ =	swait.ge @p1 [sflag:s26], $0x2800  }
0x94: {  	s9 =	sadd.s32 @!p1 s5, s4;
	[sflag:s26] =	ssyncset.done @p1 $0x0  }
0x95: {  	s28 =	simm.s32 @!p1 $0xA080;
	[sflag:s26] =	ssyncadd.s32 @p1 $0xFFFFD800;
	s26 =	simm.s32 @!p1 $0x0  }
0x96: {  	[tilespmem:s28], [sflag:$0xA] =	stream.linear.gather @!p1 [hbm4b:s9+s26], $0x80, $0x38;
	[tilespmem:$0x1E480] =	vst v63  }
0x97: {  	s9 =	simm.s32 @!p1 $0x6  }
0x98: {  	_ =	swait.ge @!p1 [sflag:s9], $0x2800  }
0x99: {  	[sflag:s9] =	ssyncset.done @!p1 $0x0  }
0x9a: {  	s4 =	sadd.s32 @!p1 s6, s4;
	[sflag:s9] =	ssyncadd.s32 @!p1 $0xFFFFD800;
	s9 =	simm.s32 @!p1 $0xA280  }
0x9b: {  	[tilespmem:s9], [sflag:$0xE] =	stream.linear.gather @!p1 [hbm4b:s4+s26], $0x80, $0x38;
	[tilespmem:$0x1E480] =	vst v63  }
0x9c: {  	s4 =	simm.s32 @!p1 $0xA  }
0x9d: {  	_ =	swait.ge @!p1 [sflag:s4], $0x80  }
0x9e: {  	[sflag:s4] =	ssyncset.done @!p1 $0x0  }
0x9f: {  	s9 =	simm.s32 @!p1 $0x2800;
	[sflag:s4] =	ssyncadd.s32 @!p1 $0xFFFFFF80;
	s4 =	simm.s32 @!p1 $0x50  }
0xa0: {  	[tilespmem:s9], [sflag:$0x2] =	stream.indirect.gather @!p1 [hbm4b:s1+s4], $0x80, s28, s4, $0xb8;
	[tilespmem:$0x1E480] =	vst v63  }
0xa1: {  	_ =	swait.ge [sflag:s20], $0x2800  }
0xa2: {  	[sflag:s20] =	ssyncset.done $0x0  }
0xa3: {  	[sflag:s20] =	ssyncadd.s32 $0xFFFFD800  }
0xa4: {  	_ =	swait.ge [sflag:s25], $0x80  }
0xa5: {  	[sflag:s25] =	ssyncset.done $0x0  }
0xa6: {  	s29 =	simm.s32 $0x5000;
	s9 =	simm.s32 $0xA300;
	[sflag:s25] =	ssyncadd.s32 $0xFFFFFF80  }
0xa7: {  	[spmem:s2] =	stream.indirect.scatter.add.f32 [tilespmem:s29], [sflag:$0x7], $0x80, s9, s31, $0xb8;
	[tilespmem:$0x1E480] =	vst v63  }
0xa8: {  	s9 =	sadd.s32 @!p1 $0xFFFFFF80, s24  }
0xa9: {  	s28 =	sand.u32 @!p1 $0x7C00, s9  }
0xaa: {  	s29 =	simm.s32 @p1 $0x7;
	s9 =	sand.u32 @!p1 $0x300, s9;
	s28 =	sadd.s32 @!p1 s7, s28  }
0xab: {  	_ =	swait.ge @p1 [sflag:s29], $0x2800;
	s9 =	sor.u32 @!p1 s9, s28  }
0xac: {  	[sflag:s29] =	ssyncset.done @p1 $0x0;
	s9 =	sshrl.u32 @!p1 s9, $0x3  }
0xad: {  	[sflag:s29] =	ssyncadd.s32 @p1 $0xFFFFD800;
	s29 =	simm.s32 @!p1 $0xA100;
	s28 =	sadd.s32 @!p1 s5, s9  }
0xae: {  	[tilespmem:s29], [sflag:$0xB] =	stream.linear.gather @!p1 [hbm4b:s28+s26], $0x80, $0x38;
	[tilespmem:$0x1E480] =	vst v63  }
0xaf: {  	s28 =	simm.s32 @!p1 $0x7  }
0xb0: {  	_ =	swait.ge @!p1 [sflag:s28], $0x2800  }
0xb1: {  	[sflag:s28] =	ssyncset.done @!p1 $0x0  }
0xb2: {  	s9 =	sadd.s32 @!p1 s6, s9;
	[sflag:s28] =	ssyncadd.s32 @!p1 $0xFFFFD800;
	s28 =	simm.s32 @!p1 $0xA300  }
0xb3: {  	[tilespmem:s28], [sflag:$0xF] =	stream.linear.gather @!p1 [hbm4b:s9+s26], $0x80, $0x38;
	[tilespmem:$0x1E480] =	vst v63  }
0xb4: {  	s9 =	simm.s32 @!p1 $0xB  }
0xb5: {  	_ =	swait.ge @!p1 [sflag:s9], $0x80  }
0xb6: {  	[sflag:s9] =	ssyncset.done @!p1 $0x0  }
0xb7: {  	[sflag:s9] =	ssyncadd.s32 @!p1 $0xFFFFFF80;
	s9 =	simm.s32 @!p1 $0x5000  }
0xb8: {  	[tilespmem:s9], [sflag:$0x3] =	stream.indirect.gather @!p1 [hbm4b:s1+s4], $0x80, s29, s4, $0xb8;
	[tilespmem:$0x1E480] =	vst v63  }
0xb9: {  	_ =	swait.ge [sflag:s0], $0x2800  }
0xba: {  	[sflag:s0] =	ssyncset.done $0x0  }
0xbb: {  	[sflag:s0] =	ssyncadd.s32 $0xFFFFD800  }
.Ltmp4:
0xbc: {  	_ =	swait.ge [sflag:s8], $0x80;
	(pc) =	sbr.rel @p1 .LBB2_8-.Ltmp4, $4  }
0xbd: {  	[sflag:s8] =	ssyncset.done $0x0  }
0xbe: {  	[sflag:s8] =	ssyncadd.s32 $0xFFFFFF80  }
0xbf: {  	[spmem:s2] =	stream.indirect.scatter.add.f32 [tilespmem:s11], [sflag:$0x8], $0x80, s21, s31, $0xb8;
	[tilespmem:$0x1E480] =	vst v63  }
0xc0: {  	s21 =	simm.s32 $0xA380  }
0xc1: {  	s4 =	sand.u32 $0x7C00, s24  }
0xc2: {  	s9 =	sand.u32 $0x380, s24;
	s4 =	sadd.s32 s7, s4  }
0xc3: {  	s4 =	sor.u32 s9, s4  }
0xc4: {  	s4 =	sshrl.u32 s4, $0x3  }
0xc5: {  	s26 =	simm.s32 $0xA180;
	s29 =	sadd.s32 s5, s4  }
0xc6: {  	[tilespmem:s26], [sflag:$0xC] =	stream.linear.gather [hbm4b:s29+s3], $0x80, $0x38;
	[tilespmem:$0x1E480] =	vst v63  }
0xc7: {  	_ =	swait.ge [sflag:s17], $0x2800  }
0xc8: {  	[sflag:s17] =	ssyncset.done $0x0  }
0xc9: {  	s4 =	sadd.s32 s6, s4;
	[sflag:s17] =	ssyncadd.s32 $0xFFFFD800  }
0xca: {  	[tilespmem:s21], [sflag:$0x10] =	stream.linear.gather [hbm4b:s4+s3], $0x80, $0x38;
	[tilespmem:$0x1E480] =	vst v63  }
.Ltmp5:
0xcb: {  	_ = 	snop;
	(pc) =	sbr.rel .LBB2_6-.Ltmp5, $4  }
0xcc: {  	_ =	swait.ge [sflag:s10], $0x80  }
0xcd: {  	[sflag:s10] =	ssyncset.done $0x0  }
0xce: {  	s24 =	sadd.s32 $0x200, s24;
	s21 =	simm.s32 $0xA380;
	[sflag:s10] =	ssyncadd.s32 $0xFFFFFF80  }
0xcf: {  	[tilespmem:s11], [sflag:$0x4] =	stream.indirect.gather [hbm4b:s1+s31], $0x80, s26, s31, $0xb8;
	[tilespmem:$0x1E480] =	vst v63  }
.LBB2_9:
0xd0: {  	_ =	sfence.sel $0x180000  }
0xd1: {  	[bflag:$0x0] =	sbarrier.arrive $0xFFFF  }
0xd2: {  	_ =	strace $0x9000004A  }
0xd3: {  	s0 =	stileid.u32;
	[bflag:$0x2] =	sbarrier.arrive $0xFFFF  }
0xd4: {  	p0 =	sne.s32 s0, $0x0;
	s0 =	rddreg [dreg:$0x3]  }
0xd5: {  	s0 =	sadd.s32 @!p0 $0x100000, s0  }
0xd6: {  	[sflag:s0] =	ssyncadd.tile.s32 @!p0 $0x1;
	_ =	shalt  }
.Lfunc_end2:
_tile_overlayer_lowered:
.L_overlay_start_2:
0xd7: {  	(tag) =	ssettag $0x2  }
0xd8: {  	s0 =	rddreg [dreg:$0x0];
	s2 =	stileid.u32  }
0xd9: {  	s1 =	rddreg [dreg:$0x1];
	p0 =	sne.s32 s2, $0x0  }
0xda: {  	s3 =	rddreg [dreg:$0x2];
	[bflag:$0x3] =	sbarrier.arrive $0xFFFF;
	s2 =	simm.s32 @!p0 $0x1C11  }
0xdb: {  	[timem:s3], [sflag:s2] =	dma.local @!p0 [hbm:s0], s1  }
0xdc: {  	s0 =	simm.s32 @!p0 $0x11  }
0xdd: {  	_ =	swait.ge @!p0 [sflag:s0], s1  }
0xde: {  	s1 =	ssub.s32 @!p0 $0x0, s1;
	[sflag:s0] =	ssyncset.done @!p0 $0x0  }
0xdf: {  	[sflag:s0] =	ssyncadd.s32 @!p0 s1  }
0xe0: {  	[bflag:$0x3] =	sbarrier.arrive $0xFFFF  }
0xe1: {  	_ =	shalt  }

// kernel: kernel.15.cloned.1.call-start
scs
__scs_entry_jumppad:
0x0: {  	(pc) =	sbr.rel $0x88, $3  }
0x1: {  	(tag) =	ssettag $0x0;
	lr =	simm.s32 $0x1  }
0x2: {  	[smem:$0x3F98] =	sst lr;
	_ =	strace $0xD0000000  }
0x3: {  	_ = 	snop  }
0x4: {  	_ = 	snop  }
0x5: {  	_ = 	snop  }
0x6: {  	_ = 	snop  }
0x7: {  	_ = 	snop  }
__scs_overlays_trampoline_lowered:
0x8: {  	[smem:$0x3FA7] =	sst s0  }
0x9: {  	[smem:$0x3FA8] =	sst s1  }
0xa: {  	[smem:$0x3FA9] =	sst s2  }
0xb: {  	[smem:$0x3FAA] =	sst s3  }
0xc: {  	[smem:$0x3FAB] =	sst s4  }
0xd: {  	[smem:$0x3FAC] =	sst s5  }
0xe: {  	[smem:$0x3FAD] =	sst s6  }
0xf: {  	[smem:$0x3FAE] =	sst s7  }
0x10: {  	[smem:$0x3FAF] =	sst s8  }
0x11: {  	[smem:$0x3FB0] =	sst s9;
	s0 =	simm.s32 @!p0 $0x0  }
0x12: {  	s1 =	sld [smem:$0x3F96];
	s0 =	simm.s32 @p0 $0x1  }
0x13: {  	[smem:$0x3FB1] =	sst s0;
	s0 =	simm.s32 @!p1 $0x0  }
0x14: {  	s2 =	sld [smem:$0x3F95];
	s0 =	simm.s32 @p1 $0x1  }
0x15: {  	[smem:$0x3FB2] =	sst s0;
	s0 =	simm.s32 @!p2 $0x0  }
0x16: {  	s3 =	sld [smem:$0x3FDB];
	s0 =	simm.s32 @p2 $0x1  }
0x17: {  	s4 =	simm.s32 $0x1BF5;
	[smem:$0x3FB4] =	sst s0  }
0x18: {  	s0 =	sld [smem:$0x3F97];
	_ =	swait.ge [sflag:s4], $0x0  }
0x19: {  	s7 =	sld [smem:$0x3F98]  }
0x1a: {  	s8 =	sadd.s32 $0xFFFFE003, lr  }
0x1b: {  	s9 =	sadd.s32 $0xFFFFFEF7, lr;
	s5 =	simm.s32 $0xFFFFFFFF;
	p2 =	slt.u32 s8, $0xFFFFF086  }
0x1c: {  	p1 =	slt.u32 s9, $0xF7A;
	s5 =	simm.s32 @!p2 $0x0  }
0x1d: {  	s5 =	simm.s32 @p1 $0x1;
	p0 =	seq.s32 s7, s2  }
0x1e: {  	s7 =	smul.u32 @!p0 $0xF7A, s2;
	p2 =	seq.s32 @!p0 s5, $0x0  }
0x1f: {  	s9 =	smul.u32 $0xF7A, s1;
	s8 =	simm.s32 @!p0 $0x1BF5;
	p2 =	por !p2, p0  }
0x20: {  	[sflag:s8] =	ssyncset.s32 @!p0 $0xFFFFF086;
	s6 =	sadd.s32 @!p0 s3, s7;
	s7 =	simm.s32 @!p0 $0x108  }
0x21: {  	s3 =	sadd.s32 s3, s9;
	s6 =	sadd.s32 @!p0 $0x88, s6;
	s7 =	simm.s32 @p2 $0x1082  }
0x22: {  	[simem:s7], [sflag:s8] =	dma.local @!p0 [hbm:s6], $0xF7A  }
0x23: {  	s9 =	sor.u32 $0xD0000000, s2;
	s6 =	simm.s32 $0x108;
	_ =	swait.ge @!p0 [sflag:s8], $0x0  }
0x24: {  	s3 =	sadd.s32 $0x88, s3;
	s6 =	simm.s32 @!p1 $0x1082;
	[sflag:s4] =	ssyncset.s32 $0xFFFFF086  }
0x25: {  	[simem:s6], [sflag:s4] =	dma.local [hbm:s3], $0xF7A  }
0x26: {  	[smem:$0x3F98] =	sst s1;
	(tag) =	ssettag s2;
	_ =	strace s9  }
0x27: {  	s1 =	sld [smem:$0x3FA8]  }
0x28: {  	s2 =	sld [smem:$0x3FA9]  }
0x29: {  	s4 =	sld [smem:$0x3FAB]  }
0x2a: {  	p0 =	seq.s32 s5, $0x0;
	s5 =	sld [smem:$0x3FAC]  }
0x2b: {  	s6 =	sld [smem:$0x3FAD]  }
0x2c: {  	s7 =	sld [smem:$0x3FAE]  }
0x2d: {  	s3 =	simm.s32 $0x108;
	s8 =	sld [smem:$0x3FAF]  }
0x2e: {  	s3 =	simm.s32 @!p0 $0x1082;
	s9 =	sld [smem:$0x3FB0]  }
0x2f: {  	lr =	sadd.s32 s0, s3;
	s0 =	sld [smem:$0x3FA7]  }
0x30: {  	s3 =	sld [smem:$0x3FAA]  }
0x31: {  	[smem:$0x3FB3] =	sst s10  }
0x32: {  	s10 =	sld [smem:$0x3FB1];
	_ =	sdelay $0x3  }
0x33: {  	p0 =	seq.s32 s10, $0x1;
	s10 =	sld [smem:$0x3FB3];
	_ =	sdelay $0x3  }
0x34: {  	[smem:$0x3FB3] =	sst s10  }
0x35: {  	s10 =	sld [smem:$0x3FB2];
	_ =	sdelay $0x3  }
0x36: {  	p1 =	seq.s32 s10, $0x1;
	s10 =	sld [smem:$0x3FB3];
	_ =	sdelay $0x3  }
0x37: {  	[smem:$0x3FB3] =	sst s10  }
0x38: {  	s10 =	sld [smem:$0x3FB4]  }
0x39: {  	_ = 	snop;
	(pc) =	sbr.ind lr, $3  }
0x3a: {  	_ = 	snop  }
0x3b: {  	_ = 	snop  }
0x3c: {  	p2 =	seq.s32 s10, $0x1;
	s10 =	sld [smem:$0x3FB3]  }
0x3d: {  	_ =	shalt  }
0x3e: {  	_ =	shalt  }
0x3f: {  	_ =	shalt  }
0x40: {  	_ =	shalt  }
0x41: {  	_ =	shalt  }
0x42: {  	_ =	shalt  }
0x43: {  	_ =	shalt  }
0x44: {  	_ =	shalt  }
0x45: {  	_ =	shalt  }
0x46: {  	_ =	shalt  }
0x47: {  	_ =	shalt  }
0x48: {  	_ =	shalt  }
0x49: {  	_ =	shalt  }
0x4a: {  	_ =	shalt  }
0x4b: {  	_ =	shalt  }
0x4c: {  	_ =	shalt  }
0x4d: {  	_ =	shalt  }
0x4e: {  	_ =	shalt  }
0x4f: {  	_ =	shalt  }
0x50: {  	_ =	shalt  }
0x51: {  	_ =	shalt  }
0x52: {  	_ =	shalt  }
0x53: {  	_ =	shalt  }
0x54: {  	_ =	shalt  }
0x55: {  	_ =	shalt  }
0x56: {  	_ =	shalt  }
0x57: {  	_ =	shalt  }
0x58: {  	_ =	shalt  }
0x59: {  	_ =	shalt  }
0x5a: {  	_ =	shalt  }
0x5b: {  	_ =	shalt  }
0x5c: {  	_ =	shalt  }
0x5d: {  	_ =	shalt  }
0x5e: {  	_ =	shalt  }
0x5f: {  	_ =	shalt  }
0x60: {  	_ =	shalt  }
0x61: {  	_ =	shalt  }
0x62: {  	_ =	shalt  }
0x63: {  	_ =	shalt  }
0x64: {  	_ =	shalt  }
0x65: {  	_ =	shalt  }
0x66: {  	_ =	shalt  }
0x67: {  	_ =	shalt  }
0x68: {  	_ =	shalt  }
0x69: {  	_ =	shalt  }
0x6a: {  	_ =	shalt  }
0x6b: {  	_ =	shalt  }
0x6c: {  	_ =	shalt  }
0x6d: {  	_ =	shalt  }
0x6e: {  	_ =	shalt  }
0x6f: {  	_ =	shalt  }
0x70: {  	_ =	shalt  }
0x71: {  	_ =	shalt  }
0x72: {  	_ =	shalt  }
0x73: {  	_ =	shalt  }
0x74: {  	_ =	shalt  }
0x75: {  	_ =	shalt  }
0x76: {  	_ =	shalt  }
0x77: {  	_ =	shalt  }
0x78: {  	_ =	shalt  }
0x79: {  	_ =	shalt  }
0x7a: {  	_ =	shalt  }
0x7b: {  	_ =	shalt  }
0x7c: {  	_ =	shalt  }
0x7d: {  	_ =	shalt  }
0x7e: {  	_ =	shalt  }
0x7f: {  	_ =	shalt  }
0x80: {  	_ =	shalt  }
0x81: {  	_ =	shalt  }
0x82: {  	_ =	shalt  }
0x83: {  	_ =	shalt  }
0x84: {  	_ =	shalt  }
0x85: {  	_ =	shalt  }
0x86: {  	_ =	shalt  }
0x87: {  	_ =	shalt  }
.Lfunc_end0:
.L_simem_size_0:
called_computation.2_lowered:
.L_overlay_start_0:
0x88: {  	s2 =	sld [smem:$0x3FD9]  }
0x89: {  	s3 =	sld [smem:$0x3FFE];
	_ =	sdelay $0x1  }
0x8a: {  	s1 =	srdreg.scid  }
0x8b: {  	s0 =	sand.u32 $0x1, s1  }
0x8c: {  	s17 =	sshll.u32 s0, $0xA;
	s2 =	sadd.s32 s3, s2  }
0x8d: {  	s2 =	sadd.s32 s2, s17  }
0x8e: {  	[smem:$0x3FBF] =	sst s2  }
0x8f: {  	_ = 	snop  }
0x90: {  	s2 =	sld [smem:$0x3FD0];
	(tm) =	ssettm $0x1  }
0x91: {  	s18 =	sld [smem:$0x3FFB];
	_ =	sdelay $0x3  }
0x92: {  	_ =	strace s18  }
0x93: {  	s3 =	sld [smem:$0x3FFC];
	_ =	sdelay $0x3  }
0x94: {  	_ =	strace s3  }
0x95: {  	s3 =	sld [smem:$0x3FFD];
	_ =	sdelay $0x3  }
0x96: {  	_ =	strace s3  }
0x97: {  	_ =	strace $0x8FFFFFFF  }
0x98: {  	s19 =	sld [smem:$0x3FDB];
	_ =	sdelay $0x1  }
0x99: {  	s4 =	simm.s32 $_scs_section_size  }
0x9a: {  	s5 =	simm.s32 $_size__tile_overlayer_lowered;
	s6 =	simm.s32 $_tile_overlayer_lowered  }
0x9b: {  	s22 =	simm.s32 $0x1BFF;
	s21 =	sshll.u32 s6, $0x1;
	s3 =	sadd.s32 s4, s19  }
0x9c: {  	s7 =	simm.s32 $0x0;
	s20 =	sshll.u32 s5, $0x1;
	s5 =	sadd.s32 s21, s3  }
0x9d: {  	[timem:s7], [sflag:s22] =	dma.local [hbm:s5], s20  }
0x9e: {  	_ =	swait.ge [sflag:s22], s20  }
0x9f: {  	s4 =	ssub.s32 $0x0, s20;
	[sflag:s22] =	ssyncset.done $0x0  }
0xa0: {  	[sflag:s22] =	ssyncadd.s32 s4;
	_ =	sdelay $0x1  }
0xa1: {  	s23 =	simm.s32 $0x1B8B  }
0xa2: {  	_ =	swait.ge [sflag:s23], $0x1  }
0xa3: {  	[sflag:s23] =	ssyncset.done $0x0  }
0xa4: {  	s25 =	simm.s32 $0x1B8E;
	s24 =	sld [smem:$0x3FFE];
	[sflag:s23] =	ssyncadd.s32 $0xFFFFFFFF  }
0xa5: {  	s26 =	simm.s32 $execute0_lowered;
	[smem:$0x3FD2] =	sst s25  }
0xa6: {  	s5 =	sshll.u32 s26, $0x1;
	_ =	strace $0x8000004C;
	[dreg:$0x1] =	wrdreg $0xFFFFFFFF  }
0xa7: {  	s28 =	simm.s32 $_size_execute0_lowered;
	s3 =	sadd.s32 s3, s5;
	[dreg:$0x0] =	wrdreg $0x0  }
0xa8: {  	s5 =	sshll.u32 s28, $0x1;
	[dreg:$0x2] =	wrdreg s3  }
0xa9: {  	[dreg:$0x3] =	wrdreg s5  }
0xaa: {  	[dreg:$0x4] =	wrdreg $0xC0  }
0xab: {  	_ =	task [dreg:s7], $0x5FFFF  }
0xac: {  	[dreg:$0x1] =	wrdreg $0xFFFFFFFF  }
0xad: {  	[dreg:$0x0] =	wrdreg $0x60  }
0xae: {  	[dreg:$0x2] =	wrdreg s2  }
0xaf: {  	[dreg:$0x3] =	wrdreg s24  }
0xb0: {  	[dreg:$0x4] =	wrdreg $0xAC000  }
0xb1: {  	[dreg:$0x5] =	wrdreg $0x9  }
0xb2: {  	_ =	task.clear_ibuf [dreg:s7], $0x6FFFF;
	_ =	strace $0x9000004C  }
0xb3: {  	s29 =	simm.s32 $0x9;
	_ =	strace $0x8000004E  }
0xb4: {  	_ =	swait.ge [sflag:s29], $0x1  }
0xb5: {  	[sflag:s29] =	ssyncadd.s32 $0xFFFFFFFF  }
0xb6: {  	_ =	strace $0x9000004E  }
0xb7: {  	_ =	sfence  }
0xb8: {  	s30 =	sld [smem:$0x0];
	_ =	sdelay $0x2  }
0xb9: {  	s31 =	sshll.u32 s1, $0xD;
	s1 =	sshrl.u32 s1, $0x2  }
0xba: {  	s3 =	sand.u32 $0x4000, s31;
	s1 =	sadd.s32 s1, s30  }
0xbb: {  	s0 =	sor.u32 s3, s0;
	s1 =	sshll.u32 s1, $0x11  }
0xbc: {  	s0 =	sor.u32 s1, s0  }
0xbd: {  	s0 =	sadd.s32 $0x8F2B, s0  }
0xbe: {  	[sflag:s0] =	ssyncadd.remote.s32 $0x1  }
0xbf: {  	_ =	sfence.sel $0xFFFF  }
0xc0: {  	[dreg:$0x0] =	wrdreg $0xFFFFFFFF;
	(pc) =	sbr.abs _section_cstart, $3  }
0xc1: {  	[dreg:$0x1] =	wrdreg $0xFFFFFFFF  }
0xc2: {  	_ =	task.clear_ibuf [dreg:s7], $0x2FFFF;
	_ =	strace $0x9FFFFFFF  }
0xc3: {  	(tm) =	ssettm $0x7FFFFFFF  }
tec
execute0_lowered:
.L_overlay_start_1:
0x0: {  	(tag) =	ssettag $0x1  }
0x1: {  	s1 =	rddreg [dreg:$0x0]  }
0x2: {  	s0 =	rddreg [dreg:$0x1]  }
0x3: {  	s2 =	rddreg [dreg:$0x2];
	s3 =	simm.s32 $0x0  }
0x4: {  	s4 =	srdreg.scid;
	s13 =	stileid.u32;
	s30 =	simm.s32 $0x9  }
0x5: {  	s31 =	simm.s32 $0x50;
	s15 =	simm.s32 $0xD;
	s17 =	simm.s32 $0x8  }
0x6: {  	[smem:$0x7FF] =	sst s3;
	s5 =	sadd.s32 $0x3A00, s0;
	s4 =	sand.u32 $0x1, s4  }
0x7: {  	s9 =	sshll.u32 s13, $0xE;
	s6 =	sadd.s32 $0x13A00, s0;
	s12 =	smul.u32 $0x2700, s13  }
0x8: {  	s0 =	sadd.s32 $0x23A00, s0;
	s23 =	smul.u32 $0x4E000, s13;
	s28 =	sadd.s32 $0x138000, s2  }
0x9: {  	p0 =	sne.s32 s13, $0xF;
	s13 =	simm.s32 $0x11;
	_ =	strace $0x8000004D  }
0xa: {  	s8 =	ssub.s32 $0x2, s4;
	s7 =	sshll.u32 s4, $0x12;
	s24 =	smul.u32 $0x138800, s4  }
0xb: {  	s4 =	smul.u32 $0x27100, s4;
	s10 =	sshrl.u32 s8, $0x1;
	s7 =	sor.u32 s9, s7  }
0xc: {  	[dreg:$0xc] =	wrdreg s28;
	s8 =	ssub.s32 s8, s10;
	s9 =	sshrl.u32 s7, $0x3  }
0xd: {  	s25 =	sshrl.u32 s24, $0x3;
	s4 =	sadd.s32 s12, s4;
	s12 =	simm.s32 $0xA400  }
0xe: {  	s24 =	simm.s32 $0x0;
	s18 =	sadd.s32 s5, s9;
	s19 =	sadd.s32 s6, s9  }
0xf: {  	s20 =	sor.u32 $0x10, s9;
	s21 =	sor.u32 $0x20, s9;
	[dreg:$0x4] =	wrdreg s18  }
0x10: {  	s9 =	sor.u32 $0x30, s9;
	s29 =	smax.u32 s8, $0x1;
	[dreg:$0x5] =	wrdreg s19  }
0x11: {  	s8 =	simm.s32 $0x10;
	s11 =	sadd.s32 s5, s20;
	[dreg:$0xf] =	wrdreg s29  }
0x12: {  	s10 =	sadd.s32 s6, s20;
	s22 =	sadd.s32 s5, s21;
	[dreg:$0x6] =	wrdreg s11  }
0x13: {  	s14 =	sadd.s32 s5, s9;
	s9 =	sadd.s32 s6, s9;
	[dreg:$0x7] =	wrdreg s10  }
0x14: {  	s18 =	simm.s32 $0x5;
	s19 =	simm.s32 $0xE;
	[dreg:$0x8] =	wrdreg s22  }
0x15: {  	s20 =	simm.s32 $0x3;
	s11 =	sadd.s32 s6, s21;
	[dreg:$0xa] =	wrdreg s14  }
0x16: {  	s10 =	sshrl.u32 s23, $0x2;
	[dreg:$0xb] =	wrdreg s9;
	s9 =	sadd.s32 s0, s25  }
.Ltmp0:
0x17: {  	s0 =	sadd.s32 s0, s4;
	s22 =	simm.s32 $0xA200;
	(pc) =	sbr.rel .LBB2_1-.Ltmp0, $4  }
0x18: {  	s21 =	simm.s32 $0xA380;
	s14 =	simm.s32 $0x1;
	s23 =	simm.s32 $0x2  }
0x19: {  	s25 =	simm.s32 $0xF;
	[dreg:$0x9] =	wrdreg s11;
	s16 =	sadd.s32 s10, s2  }
0x1a: {  	[dreg:$0xd] =	wrdreg s0;
	s26 =	sadd.s32 $0x27000, s9;
	s10 =	simm.s32 $0xC  }
0x1b: {  	v0 =	vimm.f32 $0.0e+00;
	s11 =	simm.s32 $0x7800;
	s0 =	simm.s32 $0x4;
	[dreg:$0xe] =	wrdreg s26  }
.LBB2_8:
0x1c: {  	_ =	swait.ge [sflag:s17], $0x2800  }
0x1d: {  	[sflag:s17] =	ssyncset.done $0x0  }
0x1e: {  	[sflag:s17] =	ssyncadd.s32 $0xFFFFD800  }
0x1f: {  	_ =	swait.ge [sflag:s14], $0x2800  }
0x20: {  	[sflag:s14] =	ssyncset.done $0x0  }
0x21: {  	[sflag:s14] =	ssyncadd.s32 $0xFFFFD800  }
0x22: {  	_ =	swait.ge [sflag:s15], $0x80  }
0x23: {  	[sflag:s15] =	ssyncset.done $0x0  }
0x24: {  	[sflag:s15] =	ssyncadd.s32 $0xFFFFFF80  }
0x25: {  	[spmem:s2] =	stream.indirect.scatter.add.f32 [tilespmem:s3], [sflag:$0x5], $0x80, s22, s31, $0xb8;
	[tilespmem:$0x1E480] =	vst v63  }
0x26: {  	_ =	swait.ge [sflag:s18], $0x2800  }
0x27: {  	[sflag:s18] =	ssyncset.done $0x0  }
0x28: {  	s4 =	stileid.u32;
	[sflag:s18] =	ssyncadd.s32 $0xFFFFD800  }
0x29: {  	s4 =	sshll.u32 s4, $0x6;
	[bflag:$0x0] =	sbarrier.arrive $0xFFFF  }
0x2a: {  	s9 =	sshrl.u32 s16, $0x3;
	s4 =	sor.u32 $0x1C11, s4;
	s24 =	rddreg [dreg:$0xd]  }
0x2b: {  	[hbm:s24], [sflag:s4] =	dma.local [spmem:s9], $0x2700  }
0x2c: {  	_ =	swait.ge [sflag:s13], $0x2700  }
0x2d: {  	[sflag:s13] =	ssyncset.done $0x0;
	s28 =	rddreg [dreg:$0xc]  }
0x2e: {  	s24 =	rddreg [dreg:$0xe];
	[sflag:s13] =	ssyncadd.s32 $0xFFFFD900;
	s9 =	sshrl.u32 @!p0 s28, $0x3  }
0x2f: {  	[hbm:s24], [sflag:s4] =	dma.local @!p0 [spmem:s9], $0x100  }
0x30: {  	s4 =	simm.s32 @!p0 $0x11  }
0x31: {  	_ =	swait.ge @!p0 [sflag:s4], $0x100  }
0x32: {  	s26 =	rddreg [dreg:$0x10]  }
0x33: {  	s29 =	rddreg [dreg:$0xf];
	s24 =	sadd.s32 $0x1, s26  }
0x34: {  	p1 =	sne.s32 s24, s29  }
.Ltmp1:
0x35: {  	_ = 	snop;
	(pc) =	sbr.rel @!p1 .LBB2_9-.Ltmp1, $3  }
0x36: {  	_ =	sdelay $0x1  }
0x37: {  	[sflag:s4] =	ssyncset.done @!p0 $0x0  }
0x38: {  	[sflag:s4] =	ssyncadd.s32 @!p0 $0xFFFFFF00  }
.LBB2_1:
0x39: {  	[dreg:$0x10] =	wrdreg s24  }
0x3a: {  	s4 =	rddreg [dreg:$0x4];
	s29 =	simm.s32 $0xA000  }
0x3b: {  	[tilespmem:s29], [sflag:$0x9] =	stream.linear.gather [hbm4b:s4+s3], $0x80, $0x38;
	[tilespmem:$0x1E480] =	vst v63  }
0x3c: {  	s24 =	rddreg [dreg:$0x5]  }
0x3d: {  	[tilespmem:s22], [sflag:$0xD] =	stream.linear.gather [hbm4b:s24+s3], $0x80, $0x38;
	[tilespmem:$0x1E480] =	vst v63  }
0x3e: {  	s26 =	rddreg [dreg:$0x6];
	s9 =	simm.s32 $0xA080  }
0x3f: {  	[tilespmem:s9], [sflag:$0xA] =	stream.linear.gather [hbm4b:s26+s3], $0x80, $0x38;
	[tilespmem:$0x1E480] =	vst v63  }
0x40: {  	s24 =	rddreg [dreg:$0x7];
	s26 =	simm.s32 $0xA280  }
0x41: {  	[tilespmem:s26], [sflag:$0xE] =	stream.linear.gather [hbm4b:s24+s3], $0x80, $0x38;
	[tilespmem:$0x1E480] =	vst v63  }
0x42: {  	s26 =	rddreg [dreg:$0x8];
	s24 =	simm.s32 $0xA100  }
0x43: {  	[tilespmem:s24], [sflag:$0xB] =	stream.linear.gather [hbm4b:s26+s3], $0x80, $0x38;
	[tilespmem:$0x1E480] =	vst v63  }
0x44: {  	s4 =	rddreg [dreg:$0x9];
	s26 =	simm.s32 $0xA300  }
0x45: {  	[tilespmem:s26], [sflag:$0xF] =	stream.linear.gather [hbm4b:s4+s3], $0x80, $0x38;
	[tilespmem:$0x1E480] =	vst v63  }
0x46: {  	s4 =	rddreg [dreg:$0xa];
	s26 =	simm.s32 $0xA180  }
0x47: {  	[tilespmem:s26], [sflag:$0xC] =	stream.linear.gather [hbm4b:s4+s3], $0x80, $0x38;
	[tilespmem:$0x1E480] =	vst v63  }
0x48: {  	s4 =	rddreg [dreg:$0xb]  }
0x49: {  	[tilespmem:s21], [sflag:$0x10] =	stream.linear.gather [hbm4b:s4+s3], $0x80, $0x38;
	[tilespmem:$0x1E480] =	vst v63  }
0x4a: {  	_ =	swait.ge [sflag:s30], $0x80  }
0x4b: {  	[sflag:s30] =	ssyncset.done $0x0  }
0x4c: {  	s21 =	simm.s32 $0xA;
	[sflag:s30] =	ssyncadd.s32 $0xFFFFFF80  }
0x4d: {  	[tilespmem:s3], [sflag:$0x1] =	stream.indirect.gather [hbm4b:s1+s31], $0x80, s29, s31, $0xb8;
	[tilespmem:$0x1E480] =	vst v63  }
0x4e: {  	_ =	swait.ge [sflag:s21], $0x80  }
0x4f: {  	[sflag:s21] =	ssyncset.done $0x0  }
0x50: {  	s29 =	simm.s32 $0x2800;
	[sflag:s21] =	ssyncadd.s32 $0xFFFFFF80;
	s21 =	simm.s32 $0xB  }
0x51: {  	[tilespmem:s29], [sflag:$0x2] =	stream.indirect.gather [hbm4b:s1+s31], $0x80, s9, s31, $0xb8;
	[tilespmem:$0x1E480] =	vst v63  }
0x52: {  	_ =	swait.ge [sflag:s21], $0x80  }
0x53: {  	[sflag:s21] =	ssyncset.done $0x0  }
0x54: {  	s29 =	simm.s32 $0x5000;
	[sflag:s21] =	ssyncadd.s32 $0xFFFFFF80  }
0x55: {  	[tilespmem:s29], [sflag:$0x3] =	stream.indirect.gather [hbm4b:s1+s31], $0x80, s24, s31, $0xb8;
	[tilespmem:$0x1E480] =	vst v63  }
0x56: {  	_ =	swait.ge [sflag:s10], $0x80  }
0x57: {  	[sflag:s10] =	ssyncset.done $0x0  }
0x58: {  	[sflag:s10] =	ssyncadd.s32 $0xFFFFFF80  }
0x59: {  	[tilespmem:s11], [sflag:$0x4] =	stream.indirect.gather [hbm4b:s1+s31], $0x80, s26, s31, $0xb8;
	[tilespmem:$0x1E480] =	vst v63  }
0x5a: {  	s24 =	simm.s32 $0x0;
	s26 =	simm.s32 $0x200  }
.LBB2_2:
0x5b: {  	p1 =	sne.s32 s26, $0x1E00;
	[tilespmem:s24+$0xA470] =	vst v0  }
0x5c: {  	[tilespmem:s24+$0xA400] =	vst v0  }
0x5d: {  	[tilespmem:s24+$0xA410] =	vst v0  }
.Ltmp2:
0x5e: {  	[tilespmem:s24+$0xA420] =	vst v0;
	(pc) =	sbr.rel @p1 .LBB2_2-.Ltmp2, $4  }
0x5f: {  	[tilespmem:s24+$0xA430] =	vst v0  }
0x60: {  	[tilespmem:s24+$0xA440] =	vst v0  }
0x61: {  	[tilespmem:s24+$0xA450] =	vst v0  }
0x62: {  	[tilespmem:s24+$0xA460] =	vst v0;
	s24 =	sshra.s32 s26, $0x2;
	s26 =	sadd.s32 $0x200, s26  }
0x63: {  	[tilespmem:s24+$0xA470] =	vst v0  }
0x64: {  	[tilespmem:s24+$0xA400] =	vst v0  }
0x65: {  	[tilespmem:s24+$0xA410] =	vst v0  }
0x66: {  	[tilespmem:s24+$0xA420] =	vst v0  }
0x67: {  	[tilespmem:s24+$0xA430] =	vst v0  }
0x68: {  	[tilespmem:s24+$0xA440] =	vst v0  }
0x69: {  	[tilespmem:s24+$0xA450] =	vst v0  }
0x6a: {  	[tilespmem:s24+$0xA460] =	vst v0;
	s29 =	sadd.s32 $0x0, s16  }
0x6b: {  	[spmem:s29] =	stream.linear.scatter [tilespmem:s12], [sflag:$0x11], $0x800, $0x38;
	[tilespmem:$0x1E480] =	vst v63  }
0x6c: {  	s24 =	simm.s32 $0x2000;
	_ =	swait.ge [sflag:s13], $0x800  }
.LBB2_4:
0x6d: {  	s26 =	sshra.s32 s24, $0x2;
	[sflag:s13] =	ssyncset.done $0x0;
	p1 =	sne.s32 s24, $0x4C000  }
.Ltmp3:
0x6e: {  	s26 =	sadd.s32 s26, s16;
	[sflag:s13] =	ssyncadd.s32 $0xFFFFF800;
	(pc) =	sbr.rel @p1 .LBB2_4-.Ltmp3, $3  }
0x6f: {  	[spmem:s26] =	stream.linear.scatter [tilespmem:s12], [sflag:$0x11], $0x800, $0x38;
	[tilespmem:$0x1E480] =	vst v63  }
0x70: {  	s24 =	sadd.s32 $0x2000, s24;
	_ =	sdelay $0x1  }
0x71: {  	_ =	swait.ge [sflag:s13], $0x800  }
0x72: {  	[sflag:s13] =	ssyncset.done $0x0  }
0x73: {  	s24 =	simm.s32 @!p0 $0xA400;
	[sflag:s13] =	ssyncadd.s32 $0xFFFFF800  }
0x74: {  	[spmem:s28] =	stream.linear.scatter @!p0 [tilespmem:s24], [sflag:$0x11], $0x800, $0x38;
	[tilespmem:$0x1E480] =	vst v63  }
0x75: {  	s24 =	simm.s32 @!p0 $0x11  }
0x76: {  	_ =	swait.ge @!p0 [sflag:s24], $0x800  }
0x77: {  	[sflag:s24] =	ssyncset.done @!p0 $0x0  }
0x78: {  	[sflag:s24] =	ssyncadd.s32 @!p0 $0xFFFFF800  }
0x79: {  	s21 =	simm.s32 $0xA380;
	s24 =	simm.s32 $0x380;
	[bflag:$0x0] =	sbarrier.arrive $0xFFFF  }
.LBB2_6:
0x7a: {  	_ =	swait.ge [sflag:s14], $0x2800  }
0x7b: {  	s26 =	sadd.s32 $0xFFFFFE80, s24;
	[sflag:s14] =	ssyncset.done $0x0  }
0x7c: {  	s4 =	sand.u32 $0x7C00, s26;
	[sflag:s14] =	ssyncadd.s32 $0xFFFFD800  }
0x7d: {  	s26 =	sand.u32 $0x200, s26;
	s4 =	sadd.s32 s7, s4;
	_ =	swait.ge [sflag:s15], $0x80  }
0x7e: {  	s4 =	sor.u32 s26, s4;
	[sflag:s15] =	ssyncset.done $0x0  }
0x7f: {  	s4 =	sshrl.u32 s4, $0x3;
	[sflag:s15] =	ssyncadd.s32 $0xFFFFFF80  }
0x80: {  	[spmem:s2] =	stream.indirect.scatter.add.f32 [tilespmem:s3], [sflag:$0x5], $0x80, s22, s31, $0xb8;
	[tilespmem:$0x1E480] =	vst v63  }
0x81: {  	s9 =	simm.s32 $0xA000;
	s29 =	sadd.s32 s5, s4  }
0x82: {  	[tilespmem:s9], [sflag:$0x9] =	stream.linear.gather [hbm4b:s29+s3], $0x80, $0x38;
	[tilespmem:$0x1E480] =	vst v63  }
0x83: {  	_ =	swait.ge [sflag:s18], $0x2800  }
0x84: {  	[sflag:s18] =	ssyncset.done $0x0  }
0x85: {  	s4 =	sadd.s32 s6, s4;
	[sflag:s18] =	ssyncadd.s32 $0xFFFFD800  }
0x86: {  	[tilespmem:s22], [sflag:$0xD] =	stream.linear.gather [hbm4b:s4+s3], $0x80, $0x38;
	[tilespmem:$0x1E480] =	vst v63  }
0x87: {  	_ =	swait.ge [sflag:s30], $0x80  }
0x88: {  	[sflag:s30] =	ssyncset.done $0x0  }
0x89: {  	[sflag:s30] =	ssyncadd.s32 $0xFFFFFF80  }
0x8a: {  	[tilespmem:s3], [sflag:$0x1] =	stream.indirect.gather [hbm4b:s1+s31], $0x80, s9, s31, $0xb8;
	[tilespmem:$0x1E480] =	vst v63  }
0x8b: {  	_ =	swait.ge [sflag:s23], $0x2800  }
0x8c: {  	[sflag:s23] =	ssyncset.done $0x0  }
0x8d: {  	p1 =	seq.s32 s24, $0x3F80;
	[sflag:s23] =	ssyncadd.s32 $0xFFFFD800  }
0x8e: {  	s28 =	simm.s32 $0x2800;
	s4 =	sadd.s32 @!p1 $0xFFFFFF00, s24;
	_ =	swait.ge [sflag:s19], $0x80  }
0x8f: {  	s26 =	simm.s32 $0xA280;
	s9 =	sand.u32 @!p1 $0x7C00, s4;
	[sflag:s19] =	ssyncset.done $0x0  }
0x90: {  	s4 =	sand.u32 @!p1 $0x280, s4;
	s9 =	sadd.s32 @!p1 s7, s9;
	[sflag:s19] =	ssyncadd.s32 $0xFFFFFF80  }
0x91: {  	[spmem:s2] =	stream.indirect.scatter.add.f32 [tilespmem:s28], [sflag:$0x6], $0x80, s26, s31, $0xb8;
	[tilespmem:$0x1E480] =	vst v63  }
0x92: {  	s4 =	sor.u32 @!p1 s4, s9;
	s26 =	simm.s32 @p1 $0x6  }
0x93: {  	s4 =	sshrl.u32 @!p1 s4, $0x3;
	_ =	swait.ge @p1 [sflag:s26], $0x2800  }
0x94: {  	s9 =	sadd.s32 @!p1 s5, s4;
	[sflag:s26] =	ssyncset.done @p1 $0x0  }
0x95: {  	s28 =	simm.s32 @!p1 $0xA080;
	[sflag:s26] =	ssyncadd.s32 @p1 $0xFFFFD800;
	s26 =	simm.s32 @!p1 $0x0  }
0x96: {  	[tilespmem:s28], [sflag:$0xA] =	stream.linear.gather @!p1 [hbm4b:s9+s26], $0x80, $0x38;
	[tilespmem:$0x1E480] =	vst v63  }
0x97: {  	s9 =	simm.s32 @!p1 $0x6  }
0x98: {  	_ =	swait.ge @!p1 [sflag:s9], $0x2800  }
0x99: {  	[sflag:s9] =	ssyncset.done @!p1 $0x0  }
0x9a: {  	s4 =	sadd.s32 @!p1 s6, s4;
	[sflag:s9] =	ssyncadd.s32 @!p1 $0xFFFFD800;
	s9 =	simm.s32 @!p1 $0xA280  }
0x9b: {  	[tilespmem:s9], [sflag:$0xE] =	stream.linear.gather @!p1 [hbm4b:s4+s26], $0x80, $0x38;
	[tilespmem:$0x1E480] =	vst v63  }
0x9c: {  	s4 =	simm.s32 @!p1 $0xA  }
0x9d: {  	_ =	swait.ge @!p1 [sflag:s4], $0x80  }
0x9e: {  	[sflag:s4] =	ssyncset.done @!p1 $0x0  }
0x9f: {  	s9 =	simm.s32 @!p1 $0x2800;
	[sflag:s4] =	ssyncadd.s32 @!p1 $0xFFFFFF80;
	s4 =	simm.s32 @!p1 $0x50  }
0xa0: {  	[tilespmem:s9], [sflag:$0x2] =	stream.indirect.gather @!p1 [hbm4b:s1+s4], $0x80, s28, s4, $0xb8;
	[tilespmem:$0x1E480] =	vst v63  }
0xa1: {  	_ =	swait.ge [sflag:s20], $0x2800  }
0xa2: {  	[sflag:s20] =	ssyncset.done $0x0  }
0xa3: {  	[sflag:s20] =	ssyncadd.s32 $0xFFFFD800  }
0xa4: {  	_ =	swait.ge [sflag:s25], $0x80  }
0xa5: {  	[sflag:s25] =	ssyncset.done $0x0  }
0xa6: {  	s29 =	simm.s32 $0x5000;
	s9 =	simm.s32 $0xA300;
	[sflag:s25] =	ssyncadd.s32 $0xFFFFFF80  }
0xa7: {  	[spmem:s2] =	stream.indirect.scatter.add.f32 [tilespmem:s29], [sflag:$0x7], $0x80, s9, s31, $0xb8;
	[tilespmem:$0x1E480] =	vst v63  }
0xa8: {  	s9 =	sadd.s32 @!p1 $0xFFFFFF80, s24  }
0xa9: {  	s28 =	sand.u32 @!p1 $0x7C00, s9  }
0xaa: {  	s29 =	simm.s32 @p1 $0x7;
	s9 =	sand.u32 @!p1 $0x300, s9;
	s28 =	sadd.s32 @!p1 s7, s28  }
0xab: {  	_ =	swait.ge @p1 [sflag:s29], $0x2800;
	s9 =	sor.u32 @!p1 s9, s28  }
0xac: {  	[sflag:s29] =	ssyncset.done @p1 $0x0;
	s9 =	sshrl.u32 @!p1 s9, $0x3  }
0xad: {  	[sflag:s29] =	ssyncadd.s32 @p1 $0xFFFFD800;
	s29 =	simm.s32 @!p1 $0xA100;
	s28 =	sadd.s32 @!p1 s5, s9  }
0xae: {  	[tilespmem:s29], [sflag:$0xB] =	stream.linear.gather @!p1 [hbm4b:s28+s26], $0x80, $0x38;
	[tilespmem:$0x1E480] =	vst v63  }
0xaf: {  	s28 =	simm.s32 @!p1 $0x7  }
0xb0: {  	_ =	swait.ge @!p1 [sflag:s28], $0x2800  }
0xb1: {  	[sflag:s28] =	ssyncset.done @!p1 $0x0  }
0xb2: {  	s9 =	sadd.s32 @!p1 s6, s9;
	[sflag:s28] =	ssyncadd.s32 @!p1 $0xFFFFD800;
	s28 =	simm.s32 @!p1 $0xA300  }
0xb3: {  	[tilespmem:s28], [sflag:$0xF] =	stream.linear.gather @!p1 [hbm4b:s9+s26], $0x80, $0x38;
	[tilespmem:$0x1E480] =	vst v63  }
0xb4: {  	s9 =	simm.s32 @!p1 $0xB  }
0xb5: {  	_ =	swait.ge @!p1 [sflag:s9], $0x80  }
0xb6: {  	[sflag:s9] =	ssyncset.done @!p1 $0x0  }
0xb7: {  	[sflag:s9] =	ssyncadd.s32 @!p1 $0xFFFFFF80;
	s9 =	simm.s32 @!p1 $0x5000  }
0xb8: {  	[tilespmem:s9], [sflag:$0x3] =	stream.indirect.gather @!p1 [hbm4b:s1+s4], $0x80, s29, s4, $0xb8;
	[tilespmem:$0x1E480] =	vst v63  }
0xb9: {  	_ =	swait.ge [sflag:s0], $0x2800  }
0xba: {  	[sflag:s0] =	ssyncset.done $0x0  }
0xbb: {  	[sflag:s0] =	ssyncadd.s32 $0xFFFFD800  }
.Ltmp4:
0xbc: {  	_ =	swait.ge [sflag:s8], $0x80;
	(pc) =	sbr.rel @p1 .LBB2_8-.Ltmp4, $4  }
0xbd: {  	[sflag:s8] =	ssyncset.done $0x0  }
0xbe: {  	[sflag:s8] =	ssyncadd.s32 $0xFFFFFF80  }
0xbf: {  	[spmem:s2] =	stream.indirect.scatter.add.f32 [tilespmem:s11], [sflag:$0x8], $0x80, s21, s31, $0xb8;
	[tilespmem:$0x1E480] =	vst v63  }
0xc0: {  	s21 =	simm.s32 $0xA380  }
0xc1: {  	s4 =	sand.u32 $0x7C00, s24  }
0xc2: {  	s9 =	sand.u32 $0x380, s24;
	s4 =	sadd.s32 s7, s4  }
0xc3: {  	s4 =	sor.u32 s9, s4  }
0xc4: {  	s4 =	sshrl.u32 s4, $0x3  }
0xc5: {  	s26 =	simm.s32 $0xA180;
	s29 =	sadd.s32 s5, s4  }
0xc6: {  	[tilespmem:s26], [sflag:$0xC] =	stream.linear.gather [hbm4b:s29+s3], $0x80, $0x38;
	[tilespmem:$0x1E480] =	vst v63  }
0xc7: {  	_ =	swait.ge [sflag:s17], $0x2800  }
0xc8: {  	[sflag:s17] =	ssyncset.done $0x0  }
0xc9: {  	s4 =	sadd.s32 s6, s4;
	[sflag:s17] =	ssyncadd.s32 $0xFFFFD800  }
0xca: {  	[tilespmem:s21], [sflag:$0x10] =	stream.linear.gather [hbm4b:s4+s3], $0x80, $0x38;
	[tilespmem:$0x1E480] =	vst v63  }
.Ltmp5:
0xcb: {  	_ = 	snop;
	(pc) =	sbr.rel .LBB2_6-.Ltmp5, $4  }
0xcc: {  	_ =	swait.ge [sflag:s10], $0x80  }
0xcd: {  	[sflag:s10] =	ssyncset.done $0x0  }
0xce: {  	s24 =	sadd.s32 $0x200, s24;
	s21 =	simm.s32 $0xA380;
	[sflag:s10] =	ssyncadd.s32 $0xFFFFFF80  }
0xcf: {  	[tilespmem:s11], [sflag:$0x4] =	stream.indirect.gather [hbm4b:s1+s31], $0x80, s26, s31, $0xb8;
	[tilespmem:$0x1E480] =	vst v63  }
.LBB2_9:
0xd0: {  	_ =	sfence.sel $0x180000  }
0xd1: {  	[bflag:$0x0] =	sbarrier.arrive $0xFFFF  }
0xd2: {  	_ =	strace $0x9000004D  }
0xd3: {  	s0 =	stileid.u32;
	[bflag:$0x2] =	sbarrier.arrive $0xFFFF  }
0xd4: {  	p0 =	sne.s32 s0, $0x0;
	s0 =	rddreg [dreg:$0x3]  }
0xd5: {  	s0 =	sadd.s32 @!p0 $0x100000, s0  }
0xd6: {  	[sflag:s0] =	ssyncadd.tile.s32 @!p0 $0x1;
	_ =	shalt  }
.Lfunc_end2:
_tile_overlayer_lowered:
.L_overlay_start_2:
0xd7: {  	(tag) =	ssettag $0x2  }
0xd8: {  	s0 =	rddreg [dreg:$0x0];
	s2 =	stileid.u32  }
0xd9: {  	s1 =	rddreg [dreg:$0x1];
	p0 =	sne.s32 s2, $0x0  }
0xda: {  	s3 =	rddreg [dreg:$0x2];
	[bflag:$0x3] =	sbarrier.arrive $0xFFFF;
	s2 =	simm.s32 @!p0 $0x1C11  }
0xdb: {  	[timem:s3], [sflag:s2] =	dma.local @!p0 [hbm:s0], s1  }
0xdc: {  	s0 =	simm.s32 @!p0 $0x11  }
0xdd: {  	_ =	swait.ge @!p0 [sflag:s0], s1  }
0xde: {  	s1 =	ssub.s32 @!p0 $0x0, s1;
	[sflag:s0] =	ssyncset.done @!p0 $0x0  }
0xdf: {  	[sflag:s0] =	ssyncadd.s32 @!p0 s1  }
0xe0: {  	[bflag:$0x3] =	sbarrier.arrive $0xFFFF  }
0xe1: {  	_ =	shalt  }

// kernel: kernel.9.cloned.1.call-start
scs
__scs_entry_jumppad:
0x0: {  	(pc) =	sbr.rel $0x88, $3  }
0x1: {  	(tag) =	ssettag $0x0;
	lr =	simm.s32 $0x1  }
0x2: {  	[smem:$0x3F98] =	sst lr;
	_ =	strace $0xD0000000  }
0x3: {  	_ = 	snop  }
0x4: {  	_ = 	snop  }
0x5: {  	_ = 	snop  }
0x6: {  	_ = 	snop  }
0x7: {  	_ = 	snop  }
__scs_overlays_trampoline_lowered:
0x8: {  	[smem:$0x3FA7] =	sst s0  }
0x9: {  	[smem:$0x3FA8] =	sst s1  }
0xa: {  	[smem:$0x3FA9] =	sst s2  }
0xb: {  	[smem:$0x3FAA] =	sst s3  }
0xc: {  	[smem:$0x3FAB] =	sst s4  }
0xd: {  	[smem:$0x3FAC] =	sst s5  }
0xe: {  	[smem:$0x3FAD] =	sst s6  }
0xf: {  	[smem:$0x3FAE] =	sst s7  }
0x10: {  	[smem:$0x3FAF] =	sst s8  }
0x11: {  	[smem:$0x3FB0] =	sst s9;
	s0 =	simm.s32 @!p0 $0x0  }
0x12: {  	s1 =	sld [smem:$0x3F96];
	s0 =	simm.s32 @p0 $0x1  }
0x13: {  	[smem:$0x3FB1] =	sst s0;
	s0 =	simm.s32 @!p1 $0x0  }
0x14: {  	s2 =	sld [smem:$0x3F95];
	s0 =	simm.s32 @p1 $0x1  }
0x15: {  	[smem:$0x3FB2] =	sst s0;
	s0 =	simm.s32 @!p2 $0x0  }
0x16: {  	s3 =	sld [smem:$0x3FDB];
	s0 =	simm.s32 @p2 $0x1  }
0x17: {  	s4 =	simm.s32 $0x1BF5;
	[smem:$0x3FB4] =	sst s0  }
0x18: {  	s0 =	sld [smem:$0x3F97];
	_ =	swait.ge [sflag:s4], $0x0  }
0x19: {  	s7 =	sld [smem:$0x3F98]  }
0x1a: {  	s8 =	sadd.s32 $0xFFFFE003, lr  }
0x1b: {  	s9 =	sadd.s32 $0xFFFFFEF7, lr;
	s5 =	simm.s32 $0xFFFFFFFF;
	p2 =	slt.u32 s8, $0xFFFFF086  }
0x1c: {  	p1 =	slt.u32 s9, $0xF7A;
	s5 =	simm.s32 @!p2 $0x0  }
0x1d: {  	s5 =	simm.s32 @p1 $0x1;
	p0 =	seq.s32 s7, s2  }
0x1e: {  	s7 =	smul.u32 @!p0 $0xF7A, s2;
	p2 =	seq.s32 @!p0 s5, $0x0  }
0x1f: {  	s9 =	smul.u32 $0xF7A, s1;
	s8 =	simm.s32 @!p0 $0x1BF5;
	p2 =	por !p2, p0  }
0x20: {  	[sflag:s8] =	ssyncset.s32 @!p0 $0xFFFFF086;
	s6 =	sadd.s32 @!p0 s3, s7;
	s7 =	simm.s32 @!p0 $0x108  }
0x21: {  	s3 =	sadd.s32 s3, s9;
	s6 =	sadd.s32 @!p0 $0x88, s6;
	s7 =	simm.s32 @p2 $0x1082  }
0x22: {  	[simem:s7], [sflag:s8] =	dma.local @!p0 [hbm:s6], $0xF7A  }
0x23: {  	s9 =	sor.u32 $0xD0000000, s2;
	s6 =	simm.s32 $0x108;
	_ =	swait.ge @!p0 [sflag:s8], $0x0  }
0x24: {  	s3 =	sadd.s32 $0x88, s3;
	s6 =	simm.s32 @!p1 $0x1082;
	[sflag:s4] =	ssyncset.s32 $0xFFFFF086  }
0x25: {  	[simem:s6], [sflag:s4] =	dma.local [hbm:s3], $0xF7A  }
0x26: {  	[smem:$0x3F98] =	sst s1;
	(tag) =	ssettag s2;
	_ =	strace s9  }
0x27: {  	s1 =	sld [smem:$0x3FA8]  }
0x28: {  	s2 =	sld [smem:$0x3FA9]  }
0x29: {  	s4 =	sld [smem:$0x3FAB]  }
0x2a: {  	p0 =	seq.s32 s5, $0x0;
	s5 =	sld [smem:$0x3FAC]  }
0x2b: {  	s6 =	sld [smem:$0x3FAD]  }
0x2c: {  	s7 =	sld [smem:$0x3FAE]  }
0x2d: {  	s3 =	simm.s32 $0x108;
	s8 =	sld [smem:$0x3FAF]  }
0x2e: {  	s3 =	simm.s32 @!p0 $0x1082;
	s9 =	sld [smem:$0x3FB0]  }
0x2f: {  	lr =	sadd.s32 s0, s3;
	s0 =	sld [smem:$0x3FA7]  }
0x30: {  	s3 =	sld [smem:$0x3FAA]  }
0x31: {  	[smem:$0x3FB3] =	sst s10  }
0x32: {  	s10 =	sld [smem:$0x3FB1];
	_ =	sdelay $0x3  }
0x33: {  	p0 =	seq.s32 s10, $0x1;
	s10 =	sld [smem:$0x3FB3];
	_ =	sdelay $0x3  }
0x34: {  	[smem:$0x3FB3] =	sst s10  }
0x35: {  	s10 =	sld [smem:$0x3FB2];
	_ =	sdelay $0x3  }
0x36: {  	p1 =	seq.s32 s10, $0x1;
	s10 =	sld [smem:$0x3FB3];
	_ =	sdelay $0x3  }
0x37: {  	[smem:$0x3FB3] =	sst s10  }
0x38: {  	s10 =	sld [smem:$0x3FB4]  }
0x39: {  	_ = 	snop;
	(pc) =	sbr.ind lr, $3  }
0x3a: {  	_ = 	snop  }
0x3b: {  	_ = 	snop  }
0x3c: {  	p2 =	seq.s32 s10, $0x1;
	s10 =	sld [smem:$0x3FB3]  }
0x3d: {  	_ =	shalt  }
0x3e: {  	_ =	shalt  }
0x3f: {  	_ =	shalt  }
0x40: {  	_ =	shalt  }
0x41: {  	_ =	shalt  }
0x42: {  	_ =	shalt  }
0x43: {  	_ =	shalt  }
0x44: {  	_ =	shalt  }
0x45: {  	_ =	shalt  }
0x46: {  	_ =	shalt  }
0x47: {  	_ =	shalt  }
0x48: {  	_ =	shalt  }
0x49: {  	_ =	shalt  }
0x4a: {  	_ =	shalt  }
0x4b: {  	_ =	shalt  }
0x4c: {  	_ =	shalt  }
0x4d: {  	_ =	shalt  }
0x4e: {  	_ =	shalt  }
0x4f: {  	_ =	shalt  }
0x50: {  	_ =	shalt  }
0x51: {  	_ =	shalt  }
0x52: {  	_ =	shalt  }
0x53: {  	_ =	shalt  }
0x54: {  	_ =	shalt  }
0x55: {  	_ =	shalt  }
0x56: {  	_ =	shalt  }
0x57: {  	_ =	shalt  }
0x58: {  	_ =	shalt  }
0x59: {  	_ =	shalt  }
0x5a: {  	_ =	shalt  }
0x5b: {  	_ =	shalt  }
0x5c: {  	_ =	shalt  }
0x5d: {  	_ =	shalt  }
0x5e: {  	_ =	shalt  }
0x5f: {  	_ =	shalt  }
0x60: {  	_ =	shalt  }
0x61: {  	_ =	shalt  }
0x62: {  	_ =	shalt  }
0x63: {  	_ =	shalt  }
0x64: {  	_ =	shalt  }
0x65: {  	_ =	shalt  }
0x66: {  	_ =	shalt  }
0x67: {  	_ =	shalt  }
0x68: {  	_ =	shalt  }
0x69: {  	_ =	shalt  }
0x6a: {  	_ =	shalt  }
0x6b: {  	_ =	shalt  }
0x6c: {  	_ =	shalt  }
0x6d: {  	_ =	shalt  }
0x6e: {  	_ =	shalt  }
0x6f: {  	_ =	shalt  }
0x70: {  	_ =	shalt  }
0x71: {  	_ =	shalt  }
0x72: {  	_ =	shalt  }
0x73: {  	_ =	shalt  }
0x74: {  	_ =	shalt  }
0x75: {  	_ =	shalt  }
0x76: {  	_ =	shalt  }
0x77: {  	_ =	shalt  }
0x78: {  	_ =	shalt  }
0x79: {  	_ =	shalt  }
0x7a: {  	_ =	shalt  }
0x7b: {  	_ =	shalt  }
0x7c: {  	_ =	shalt  }
0x7d: {  	_ =	shalt  }
0x7e: {  	_ =	shalt  }
0x7f: {  	_ =	shalt  }
0x80: {  	_ =	shalt  }
0x81: {  	_ =	shalt  }
0x82: {  	_ =	shalt  }
0x83: {  	_ =	shalt  }
0x84: {  	_ =	shalt  }
0x85: {  	_ =	shalt  }
0x86: {  	_ =	shalt  }
0x87: {  	_ =	shalt  }
.Lfunc_end0:
.L_simem_size_0:
called_computation_lowered:
.L_overlay_start_0:
0x88: {  	s2 =	sld [smem:$0x3FD9]  }
0x89: {  	s3 =	sld [smem:$0x3FFE];
	_ =	sdelay $0x1  }
0x8a: {  	s1 =	srdreg.scid  }
0x8b: {  	s0 =	sand.u32 $0x1, s1  }
0x8c: {  	s17 =	sshll.u32 s0, $0xA;
	s2 =	sadd.s32 s3, s2  }
0x8d: {  	s2 =	sadd.s32 s2, s17  }
0x8e: {  	[smem:$0x3FBF] =	sst s2  }
0x8f: {  	_ = 	snop  }
0x90: {  	s2 =	sld [smem:$0x3FD0];
	(tm) =	ssettm $0x1  }
0x91: {  	s18 =	sld [smem:$0x3FFB];
	_ =	sdelay $0x3  }
0x92: {  	_ =	strace s18  }
0x93: {  	s3 =	sld [smem:$0x3FFC];
	_ =	sdelay $0x3  }
0x94: {  	_ =	strace s3  }
0x95: {  	s3 =	sld [smem:$0x3FFD];
	_ =	sdelay $0x3  }
0x96: {  	_ =	strace s3  }
0x97: {  	_ =	strace $0x8FFFFFFF  }
0x98: {  	s19 =	sld [smem:$0x3FDB];
	_ =	sdelay $0x1  }
0x99: {  	s4 =	simm.s32 $_scs_section_size  }
0x9a: {  	s5 =	simm.s32 $_size__tile_overlayer_lowered;
	s6 =	simm.s32 $_tile_overlayer_lowered  }
0x9b: {  	s22 =	simm.s32 $0x1BFF;
	s21 =	sshll.u32 s6, $0x1;
	s3 =	sadd.s32 s4, s19  }
0x9c: {  	s7 =	simm.s32 $0x0;
	s20 =	sshll.u32 s5, $0x1;
	s5 =	sadd.s32 s21, s3  }
0x9d: {  	[timem:s7], [sflag:s22] =	dma.local [hbm:s5], s20  }
0x9e: {  	_ =	swait.ge [sflag:s22], s20  }
0x9f: {  	s4 =	ssub.s32 $0x0, s20;
	[sflag:s22] =	ssyncset.done $0x0  }
0xa0: {  	[sflag:s22] =	ssyncadd.s32 s4;
	_ =	sdelay $0x1  }
0xa1: {  	s23 =	simm.s32 $0x1B8B  }
0xa2: {  	_ =	swait.ge [sflag:s23], $0x1  }
0xa3: {  	[sflag:s23] =	ssyncset.done $0x0  }
0xa4: {  	s25 =	simm.s32 $0x1B8E;
	s24 =	sld [smem:$0x3FFE];
	[sflag:s23] =	ssyncadd.s32 $0xFFFFFFFF  }
0xa5: {  	s26 =	simm.s32 $execute0_lowered;
	[smem:$0x3FD2] =	sst s25  }
0xa6: {  	s5 =	sshll.u32 s26, $0x1;
	_ =	strace $0x80000046;
	[dreg:$0x1] =	wrdreg $0xFFFFFFFF  }
0xa7: {  	s28 =	simm.s32 $_size_execute0_lowered;
	s3 =	sadd.s32 s3, s5;
	[dreg:$0x0] =	wrdreg $0x0  }
0xa8: {  	s5 =	sshll.u32 s28, $0x1;
	[dreg:$0x2] =	wrdreg s3  }
0xa9: {  	[dreg:$0x3] =	wrdreg s5  }
0xaa: {  	[dreg:$0x4] =	wrdreg $0xC0  }
0xab: {  	_ =	task [dreg:s7], $0x5FFFF  }
0xac: {  	[dreg:$0x1] =	wrdreg $0xFFFFFFFF  }
0xad: {  	[dreg:$0x0] =	wrdreg $0x60  }
0xae: {  	[dreg:$0x2] =	wrdreg s2  }
0xaf: {  	[dreg:$0x3] =	wrdreg s24  }
0xb0: {  	[dreg:$0x4] =	wrdreg $0xAC000  }
0xb1: {  	[dreg:$0x5] =	wrdreg $0x9  }
0xb2: {  	_ =	task.clear_ibuf [dreg:s7], $0x6FFFF;
	_ =	strace $0x90000046  }
0xb3: {  	s29 =	simm.s32 $0x9;
	_ =	strace $0x80000048  }
0xb4: {  	_ =	swait.ge [sflag:s29], $0x1  }
0xb5: {  	[sflag:s29] =	ssyncadd.s32 $0xFFFFFFFF  }
0xb6: {  	_ =	strace $0x90000048  }
0xb7: {  	_ =	sfence  }
0xb8: {  	s30 =	sld [smem:$0x0];
	_ =	sdelay $0x2  }
0xb9: {  	s31 =	sshll.u32 s1, $0xD;
	s1 =	sshrl.u32 s1, $0x2  }
0xba: {  	s3 =	sand.u32 $0x4000, s31;
	s1 =	sadd.s32 s1, s30  }
0xbb: {  	s0 =	sor.u32 s3, s0;
	s1 =	sshll.u32 s1, $0x11  }
0xbc: {  	s0 =	sor.u32 s1, s0  }
0xbd: {  	s0 =	sadd.s32 $0x8F2B, s0  }
0xbe: {  	[sflag:s0] =	ssyncadd.remote.s32 $0x1  }
0xbf: {  	_ =	sfence.sel $0xFFFF  }
0xc0: {  	[dreg:$0x0] =	wrdreg $0xFFFFFFFF;
	(pc) =	sbr.abs _section_cstart, $3  }
0xc1: {  	[dreg:$0x1] =	wrdreg $0xFFFFFFFF  }
0xc2: {  	_ =	task.clear_ibuf [dreg:s7], $0x2FFFF;
	_ =	strace $0x9FFFFFFF  }
0xc3: {  	(tm) =	ssettm $0x7FFFFFFF  }
tec
execute0_lowered:
.L_overlay_start_1:
0x0: {  	(tag) =	ssettag $0x1  }
0x1: {  	s1 =	rddreg [dreg:$0x0]  }
0x2: {  	s0 =	rddreg [dreg:$0x1]  }
0x3: {  	s2 =	rddreg [dreg:$0x2];
	s3 =	simm.s32 $0x0  }
0x4: {  	s4 =	srdreg.scid;
	s13 =	stileid.u32;
	s30 =	simm.s32 $0x9  }
0x5: {  	s31 =	simm.s32 $0x50;
	s15 =	simm.s32 $0xD;
	s17 =	simm.s32 $0x8  }
0x6: {  	[smem:$0x7FF] =	sst s3;
	s5 =	sadd.s32 $0x3A00, s0;
	s4 =	sand.u32 $0x1, s4  }
0x7: {  	s9 =	sshll.u32 s13, $0xE;
	s6 =	sadd.s32 $0x13A00, s0;
	s12 =	smul.u32 $0x2700, s13  }
0x8: {  	s0 =	sadd.s32 $0x23A00, s0;
	s23 =	smul.u32 $0x4E000, s13;
	s28 =	sadd.s32 $0x138000, s2  }
0x9: {  	p0 =	sne.s32 s13, $0xF;
	s13 =	simm.s32 $0x11;
	_ =	strace $0x80000047  }
0xa: {  	s8 =	ssub.s32 $0x2, s4;
	s7 =	sshll.u32 s4, $0x12;
	s24 =	smul.u32 $0x138800, s4  }
0xb: {  	s4 =	smul.u32 $0x27100, s4;
	s10 =	sshrl.u32 s8, $0x1;
	s7 =	sor.u32 s9, s7  }
0xc: {  	[dreg:$0xc] =	wrdreg s28;
	s8 =	ssub.s32 s8, s10;
	s9 =	sshrl.u32 s7, $0x3  }
0xd: {  	s25 =	sshrl.u32 s24, $0x3;
	s4 =	sadd.s32 s12, s4;
	s12 =	simm.s32 $0xA400  }
0xe: {  	s24 =	simm.s32 $0x0;
	s18 =	sadd.s32 s5, s9;
	s19 =	sadd.s32 s6, s9  }
0xf: {  	s20 =	sor.u32 $0x10, s9;
	s21 =	sor.u32 $0x20, s9;
	[dreg:$0x4] =	wrdreg s18  }
0x10: {  	s9 =	sor.u32 $0x30, s9;
	s29 =	smax.u32 s8, $0x1;
	[dreg:$0x5] =	wrdreg s19  }
0x11: {  	s8 =	simm.s32 $0x10;
	s11 =	sadd.s32 s5, s20;
	[dreg:$0xf] =	wrdreg s29  }
0x12: {  	s10 =	sadd.s32 s6, s20;
	s22 =	sadd.s32 s5, s21;
	[dreg:$0x6] =	wrdreg s11  }
0x13: {  	s14 =	sadd.s32 s5, s9;
	s9 =	sadd.s32 s6, s9;
	[dreg:$0x7] =	wrdreg s10  }
0x14: {  	s18 =	simm.s32 $0x5;
	s19 =	simm.s32 $0xE;
	[dreg:$0x8] =	wrdreg s22  }
0x15: {  	s20 =	simm.s32 $0x3;
	s11 =	sadd.s32 s6, s21;
	[dreg:$0xa] =	wrdreg s14  }
0x16: {  	s10 =	sshrl.u32 s23, $0x2;
	[dreg:$0xb] =	wrdreg s9;
	s9 =	sadd.s32 s0, s25  }
.Ltmp0:
0x17: {  	s0 =	sadd.s32 s0, s4;
	s22 =	simm.s32 $0xA200;
	(pc) =	sbr.rel .LBB2_1-.Ltmp0, $4  }
0x18: {  	s21 =	simm.s32 $0xA380;
	s14 =	simm.s32 $0x1;
	s23 =	simm.s32 $0x2  }
0x19: {  	s25 =	simm.s32 $0xF;
	[dreg:$0x9] =	wrdreg s11;
	s16 =	sadd.s32 s10, s2  }
0x1a: {  	[dreg:$0xd] =	wrdreg s0;
	s26 =	sadd.s32 $0x27000, s9;
	s10 =	simm.s32 $0xC  }
0x1b: {  	v0 =	vimm.f32 $0.0e+00;
	s11 =	simm.s32 $0x7800;
	s0 =	simm.s32 $0x4;
	[dreg:$0xe] =	wrdreg s26  }
.LBB2_8:
0x1c: {  	_ =	swait.ge [sflag:s17], $0x2800  }
0x1d: {  	[sflag:s17] =	ssyncset.done $0x0  }
0x1e: {  	[sflag:s17] =	ssyncadd.s32 $0xFFFFD800  }
0x1f: {  	_ =	swait.ge [sflag:s14], $0x2800  }
0x20: {  	[sflag:s14] =	ssyncset.done $0x0  }
0x21: {  	[sflag:s14] =	ssyncadd.s32 $0xFFFFD800  }
0x22: {  	_ =	swait.ge [sflag:s15], $0x80  }
0x23: {  	[sflag:s15] =	ssyncset.done $0x0  }
0x24: {  	[sflag:s15] =	ssyncadd.s32 $0xFFFFFF80  }
0x25: {  	[spmem:s2] =	stream.indirect.scatter.add.f32 [tilespmem:s3], [sflag:$0x5], $0x80, s22, s31, $0xb8;
	[tilespmem:$0x1E480] =	vst v63  }
0x26: {  	_ =	swait.ge [sflag:s18], $0x2800  }
0x27: {  	[sflag:s18] =	ssyncset.done $0x0  }
0x28: {  	s4 =	stileid.u32;
	[sflag:s18] =	ssyncadd.s32 $0xFFFFD800  }
0x29: {  	s4 =	sshll.u32 s4, $0x6;
	[bflag:$0x0] =	sbarrier.arrive $0xFFFF  }
0x2a: {  	s9 =	sshrl.u32 s16, $0x3;
	s4 =	sor.u32 $0x1C11, s4;
	s24 =	rddreg [dreg:$0xd]  }
0x2b: {  	[hbm:s24], [sflag:s4] =	dma.local [spmem:s9], $0x2700  }
0x2c: {  	_ =	swait.ge [sflag:s13], $0x2700  }
0x2d: {  	[sflag:s13] =	ssyncset.done $0x0;
	s28 =	rddreg [dreg:$0xc]  }
0x2e: {  	s24 =	rddreg [dreg:$0xe];
	[sflag:s13] =	ssyncadd.s32 $0xFFFFD900;
	s9 =	sshrl.u32 @!p0 s28, $0x3  }
0x2f: {  	[hbm:s24], [sflag:s4] =	dma.local @!p0 [spmem:s9], $0x100  }
0x30: {  	s4 =	simm.s32 @!p0 $0x11  }
0x31: {  	_ =	swait.ge @!p0 [sflag:s4], $0x100  }
0x32: {  	s26 =	rddreg [dreg:$0x10]  }
0x33: {  	s29 =	rddreg [dreg:$0xf];
	s24 =	sadd.s32 $0x1, s26  }
0x34: {  	p1 =	sne.s32 s24, s29  }
.Ltmp1:
0x35: {  	_ = 	snop;
	(pc) =	sbr.rel @!p1 .LBB2_9-.Ltmp1, $3  }
0x36: {  	_ =	sdelay $0x1  }
0x37: {  	[sflag:s4] =	ssyncset.done @!p0 $0x0  }
0x38: {  	[sflag:s4] =	ssyncadd.s32 @!p0 $0xFFFFFF00  }
.LBB2_1:
0x39: {  	[dreg:$0x10] =	wrdreg s24  }
0x3a: {  	s4 =	rddreg [dreg:$0x4];
	s29 =	simm.s32 $0xA000  }
0x3b: {  	[tilespmem:s29], [sflag:$0x9] =	stream.linear.gather [hbm4b:s4+s3], $0x80, $0x38;
	[tilespmem:$0x1E480] =	vst v63  }
0x3c: {  	s24 =	rddreg [dreg:$0x5]  }
0x3d: {  	[tilespmem:s22], [sflag:$0xD] =	stream.linear.gather [hbm4b:s24+s3], $0x80, $0x38;
	[tilespmem:$0x1E480] =	vst v63  }
0x3e: {  	s26 =	rddreg [dreg:$0x6];
	s9 =	simm.s32 $0xA080  }
0x3f: {  	[tilespmem:s9], [sflag:$0xA] =	stream.linear.gather [hbm4b:s26+s3], $0x80, $0x38;
	[tilespmem:$0x1E480] =	vst v63  }
0x40: {  	s24 =	rddreg [dreg:$0x7];
	s26 =	simm.s32 $0xA280  }
0x41: {  	[tilespmem:s26], [sflag:$0xE] =	stream.linear.gather [hbm4b:s24+s3], $0x80, $0x38;
	[tilespmem:$0x1E480] =	vst v63  }
0x42: {  	s26 =	rddreg [dreg:$0x8];
	s24 =	simm.s32 $0xA100  }
0x43: {  	[tilespmem:s24], [sflag:$0xB] =	stream.linear.gather [hbm4b:s26+s3], $0x80, $0x38;
	[tilespmem:$0x1E480] =	vst v63  }
0x44: {  	s4 =	rddreg [dreg:$0x9];
	s26 =	simm.s32 $0xA300  }
0x45: {  	[tilespmem:s26], [sflag:$0xF] =	stream.linear.gather [hbm4b:s4+s3], $0x80, $0x38;
	[tilespmem:$0x1E480] =	vst v63  }
0x46: {  	s4 =	rddreg [dreg:$0xa];
	s26 =	simm.s32 $0xA180  }
0x47: {  	[tilespmem:s26], [sflag:$0xC] =	stream.linear.gather [hbm4b:s4+s3], $0x80, $0x38;
	[tilespmem:$0x1E480] =	vst v63  }
0x48: {  	s4 =	rddreg [dreg:$0xb]  }
0x49: {  	[tilespmem:s21], [sflag:$0x10] =	stream.linear.gather [hbm4b:s4+s3], $0x80, $0x38;
	[tilespmem:$0x1E480] =	vst v63  }
0x4a: {  	_ =	swait.ge [sflag:s30], $0x80  }
0x4b: {  	[sflag:s30] =	ssyncset.done $0x0  }
0x4c: {  	s21 =	simm.s32 $0xA;
	[sflag:s30] =	ssyncadd.s32 $0xFFFFFF80  }
0x4d: {  	[tilespmem:s3], [sflag:$0x1] =	stream.indirect.gather [hbm4b:s1+s31], $0x80, s29, s31, $0xb8;
	[tilespmem:$0x1E480] =	vst v63  }
0x4e: {  	_ =	swait.ge [sflag:s21], $0x80  }
0x4f: {  	[sflag:s21] =	ssyncset.done $0x0  }
0x50: {  	s29 =	simm.s32 $0x2800;
	[sflag:s21] =	ssyncadd.s32 $0xFFFFFF80;
	s21 =	simm.s32 $0xB  }
0x51: {  	[tilespmem:s29], [sflag:$0x2] =	stream.indirect.gather [hbm4b:s1+s31], $0x80, s9, s31, $0xb8;
	[tilespmem:$0x1E480] =	vst v63  }
0x52: {  	_ =	swait.ge [sflag:s21], $0x80  }
0x53: {  	[sflag:s21] =	ssyncset.done $0x0  }
0x54: {  	s29 =	simm.s32 $0x5000;
	[sflag:s21] =	ssyncadd.s32 $0xFFFFFF80  }
0x55: {  	[tilespmem:s29], [sflag:$0x3] =	stream.indirect.gather [hbm4b:s1+s31], $0x80, s24, s31, $0xb8;
	[tilespmem:$0x1E480] =	vst v63  }
0x56: {  	_ =	swait.ge [sflag:s10], $0x80  }
0x57: {  	[sflag:s10] =	ssyncset.done $0x0  }
0x58: {  	[sflag:s10] =	ssyncadd.s32 $0xFFFFFF80  }
0x59: {  	[tilespmem:s11], [sflag:$0x4] =	stream.indirect.gather [hbm4b:s1+s31], $0x80, s26, s31, $0xb8;
	[tilespmem:$0x1E480] =	vst v63  }
0x5a: {  	s24 =	simm.s32 $0x0;
	s26 =	simm.s32 $0x200  }
.LBB2_2:
0x5b: {  	p1 =	sne.s32 s26, $0x1E00;
	[tilespmem:s24+$0xA470] =	vst v0  }
0x5c: {  	[tilespmem:s24+$0xA400] =	vst v0  }
0x5d: {  	[tilespmem:s24+$0xA410] =	vst v0  }
.Ltmp2:
0x5e: {  	[tilespmem:s24+$0xA420] =	vst v0;
	(pc) =	sbr.rel @p1 .LBB2_2-.Ltmp2, $4  }
0x5f: {  	[tilespmem:s24+$0xA430] =	vst v0  }
0x60: {  	[tilespmem:s24+$0xA440] =	vst v0  }
0x61: {  	[tilespmem:s24+$0xA450] =	vst v0  }
0x62: {  	[tilespmem:s24+$0xA460] =	vst v0;
	s24 =	sshra.s32 s26, $0x2;
	s26 =	sadd.s32 $0x200, s26  }
0x63: {  	[tilespmem:s24+$0xA470] =	vst v0  }
0x64: {  	[tilespmem:s24+$0xA400] =	vst v0  }
0x65: {  	[tilespmem:s24+$0xA410] =	vst v0  }
0x66: {  	[tilespmem:s24+$0xA420] =	vst v0  }
0x67: {  	[tilespmem:s24+$0xA430] =	vst v0  }
0x68: {  	[tilespmem:s24+$0xA440] =	vst v0  }
0x69: {  	[tilespmem:s24+$0xA450] =	vst v0  }
0x6a: {  	[tilespmem:s24+$0xA460] =	vst v0;
	s29 =	sadd.s32 $0x0, s16  }
0x6b: {  	[spmem:s29] =	stream.linear.scatter [tilespmem:s12], [sflag:$0x11], $0x800, $0x38;
	[tilespmem:$0x1E480] =	vst v63  }
0x6c: {  	s24 =	simm.s32 $0x2000;
	_ =	swait.ge [sflag:s13], $0x800  }
.LBB2_4:
0x6d: {  	s26 =	sshra.s32 s24, $0x2;
	[sflag:s13] =	ssyncset.done $0x0;
	p1 =	sne.s32 s24, $0x4C000  }
.Ltmp3:
0x6e: {  	s26 =	sadd.s32 s26, s16;
	[sflag:s13] =	ssyncadd.s32 $0xFFFFF800;
	(pc) =	sbr.rel @p1 .LBB2_4-.Ltmp3, $3  }
0x6f: {  	[spmem:s26] =	stream.linear.scatter [tilespmem:s12], [sflag:$0x11], $0x800, $0x38;
	[tilespmem:$0x1E480] =	vst v63  }
0x70: {  	s24 =	sadd.s32 $0x2000, s24;
	_ =	sdelay $0x1  }
0x71: {  	_ =	swait.ge [sflag:s13], $0x800  }
0x72: {  	[sflag:s13] =	ssyncset.done $0x0  }
0x73: {  	s24 =	simm.s32 @!p0 $0xA400;
	[sflag:s13] =	ssyncadd.s32 $0xFFFFF800  }
0x74: {  	[spmem:s28] =	stream.linear.scatter @!p0 [tilespmem:s24], [sflag:$0x11], $0x800, $0x38;
	[tilespmem:$0x1E480] =	vst v63  }
0x75: {  	s24 =	simm.s32 @!p0 $0x11  }
0x76: {  	_ =	swait.ge @!p0 [sflag:s24], $0x800  }
0x77: {  	[sflag:s24] =	ssyncset.done @!p0 $0x0  }
0x78: {  	[sflag:s24] =	ssyncadd.s32 @!p0 $0xFFFFF800  }
0x79: {  	s21 =	simm.s32 $0xA380;
	s24 =	simm.s32 $0x380;
	[bflag:$0x0] =	sbarrier.arrive $0xFFFF  }
.LBB2_6:
0x7a: {  	_ =	swait.ge [sflag:s14], $0x2800  }
0x7b: {  	s26 =	sadd.s32 $0xFFFFFE80, s24;
	[sflag:s14] =	ssyncset.done $0x0  }
0x7c: {  	s4 =	sand.u32 $0x7C00, s26;
	[sflag:s14] =	ssyncadd.s32 $0xFFFFD800  }
0x7d: {  	s26 =	sand.u32 $0x200, s26;
	s4 =	sadd.s32 s7, s4;
	_ =	swait.ge [sflag:s15], $0x80  }
0x7e: {  	s4 =	sor.u32 s26, s4;
	[sflag:s15] =	ssyncset.done $0x0  }
0x7f: {  	s4 =	sshrl.u32 s4, $0x3;
	[sflag:s15] =	ssyncadd.s32 $0xFFFFFF80  }
0x80: {  	[spmem:s2] =	stream.indirect.scatter.add.f32 [tilespmem:s3], [sflag:$0x5], $0x80, s22, s31, $0xb8;
	[tilespmem:$0x1E480] =	vst v63  }
0x81: {  	s9 =	simm.s32 $0xA000;
	s29 =	sadd.s32 s5, s4  }
0x82: {  	[tilespmem:s9], [sflag:$0x9] =	stream.linear.gather [hbm4b:s29+s3], $0x80, $0x38;
	[tilespmem:$0x1E480] =	vst v63  }
0x83: {  	_ =	swait.ge [sflag:s18], $0x2800  }
0x84: {  	[sflag:s18] =	ssyncset.done $0x0  }
0x85: {  	s4 =	sadd.s32 s6, s4;
	[sflag:s18] =	ssyncadd.s32 $0xFFFFD800  }
0x86: {  	[tilespmem:s22], [sflag:$0xD] =	stream.linear.gather [hbm4b:s4+s3], $0x80, $0x38;
	[tilespmem:$0x1E480] =	vst v63  }
0x87: {  	_ =	swait.ge [sflag:s30], $0x80  }
0x88: {  	[sflag:s30] =	ssyncset.done $0x0  }
0x89: {  	[sflag:s30] =	ssyncadd.s32 $0xFFFFFF80  }
0x8a: {  	[tilespmem:s3], [sflag:$0x1] =	stream.indirect.gather [hbm4b:s1+s31], $0x80, s9, s31, $0xb8;
	[tilespmem:$0x1E480] =	vst v63  }
0x8b: {  	_ =	swait.ge [sflag:s23], $0x2800  }
0x8c: {  	[sflag:s23] =	ssyncset.done $0x0  }
0x8d: {  	p1 =	seq.s32 s24, $0x3F80;
	[sflag:s23] =	ssyncadd.s32 $0xFFFFD800  }
0x8e: {  	s28 =	simm.s32 $0x2800;
	s4 =	sadd.s32 @!p1 $0xFFFFFF00, s24;
	_ =	swait.ge [sflag:s19], $0x80  }
0x8f: {  	s26 =	simm.s32 $0xA280;
	s9 =	sand.u32 @!p1 $0x7C00, s4;
	[sflag:s19] =	ssyncset.done $0x0  }
0x90: {  	s4 =	sand.u32 @!p1 $0x280, s4;
	s9 =	sadd.s32 @!p1 s7, s9;
	[sflag:s19] =	ssyncadd.s32 $0xFFFFFF80  }
0x91: {  	[spmem:s2] =	stream.indirect.scatter.add.f32 [tilespmem:s28], [sflag:$0x6], $0x80, s26, s31, $0xb8;
	[tilespmem:$0x1E480] =	vst v63  }
0x92: {  	s4 =	sor.u32 @!p1 s4, s9;
	s26 =	simm.s32 @p1 $0x6  }
0x93: {  	s4 =	sshrl.u32 @!p1 s4, $0x3;
	_ =	swait.ge @p1 [sflag:s26], $0x2800  }
0x94: {  	s9 =	sadd.s32 @!p1 s5, s4;
	[sflag:s26] =	ssyncset.done @p1 $0x0  }
0x95: {  	s28 =	simm.s32 @!p1 $0xA080;
	[sflag:s26] =	ssyncadd.s32 @p1 $0xFFFFD800;
	s26 =	simm.s32 @!p1 $0x0  }
0x96: {  	[tilespmem:s28], [sflag:$0xA] =	stream.linear.gather @!p1 [hbm4b:s9+s26], $0x80, $0x38;
	[tilespmem:$0x1E480] =	vst v63  }
0x97: {  	s9 =	simm.s32 @!p1 $0x6  }
0x98: {  	_ =	swait.ge @!p1 [sflag:s9], $0x2800  }
0x99: {  	[sflag:s9] =	ssyncset.done @!p1 $0x0  }
0x9a: {  	s4 =	sadd.s32 @!p1 s6, s4;
	[sflag:s9] =	ssyncadd.s32 @!p1 $0xFFFFD800;
	s9 =	simm.s32 @!p1 $0xA280  }
0x9b: {  	[tilespmem:s9], [sflag:$0xE] =	stream.linear.gather @!p1 [hbm4b:s4+s26], $0x80, $0x38;
	[tilespmem:$0x1E480] =	vst v63  }
0x9c: {  	s4 =	simm.s32 @!p1 $0xA  }
0x9d: {  	_ =	swait.ge @!p1 [sflag:s4], $0x80  }
0x9e: {  	[sflag:s4] =	ssyncset.done @!p1 $0x0  }
0x9f: {  	s9 =	simm.s32 @!p1 $0x2800;
	[sflag:s4] =	ssyncadd.s32 @!p1 $0xFFFFFF80;
	s4 =	simm.s32 @!p1 $0x50  }
0xa0: {  	[tilespmem:s9], [sflag:$0x2] =	stream.indirect.gather @!p1 [hbm4b:s1+s4], $0x80, s28, s4, $0xb8;
	[tilespmem:$0x1E480] =	vst v63  }
0xa1: {  	_ =	swait.ge [sflag:s20], $0x2800  }
0xa2: {  	[sflag:s20] =	ssyncset.done $0x0  }
0xa3: {  	[sflag:s20] =	ssyncadd.s32 $0xFFFFD800  }
0xa4: {  	_ =	swait.ge [sflag:s25], $0x80  }
0xa5: {  	[sflag:s25] =	ssyncset.done $0x0  }
0xa6: {  	s29 =	simm.s32 $0x5000;
	s9 =	simm.s32 $0xA300;
	[sflag:s25] =	ssyncadd.s32 $0xFFFFFF80  }
0xa7: {  	[spmem:s2] =	stream.indirect.scatter.add.f32 [tilespmem:s29], [sflag:$0x7], $0x80, s9, s31, $0xb8;
	[tilespmem:$0x1E480] =	vst v63  }
0xa8: {  	s9 =	sadd.s32 @!p1 $0xFFFFFF80, s24  }
0xa9: {  	s28 =	sand.u32 @!p1 $0x7C00, s9  }
0xaa: {  	s29 =	simm.s32 @p1 $0x7;
	s9 =	sand.u32 @!p1 $0x300, s9;
	s28 =	sadd.s32 @!p1 s7, s28  }
0xab: {  	_ =	swait.ge @p1 [sflag:s29], $0x2800;
	s9 =	sor.u32 @!p1 s9, s28  }
0xac: {  	[sflag:s29] =	ssyncset.done @p1 $0x0;
	s9 =	sshrl.u32 @!p1 s9, $0x3  }
0xad: {  	[sflag:s29] =	ssyncadd.s32 @p1 $0xFFFFD800;
	s29 =	simm.s32 @!p1 $0xA100;
	s28 =	sadd.s32 @!p1 s5, s9  }
0xae: {  	[tilespmem:s29], [sflag:$0xB] =	stream.linear.gather @!p1 [hbm4b:s28+s26], $0x80, $0x38;
	[tilespmem:$0x1E480] =	vst v63  }
0xaf: {  	s28 =	simm.s32 @!p1 $0x7  }
0xb0: {  	_ =	swait.ge @!p1 [sflag:s28], $0x2800  }
0xb1: {  	[sflag:s28] =	ssyncset.done @!p1 $0x0  }
0xb2: {  	s9 =	sadd.s32 @!p1 s6, s9;
	[sflag:s28] =	ssyncadd.s32 @!p1 $0xFFFFD800;
	s28 =	simm.s32 @!p1 $0xA300  }
0xb3: {  	[tilespmem:s28], [sflag:$0xF] =	stream.linear.gather @!p1 [hbm4b:s9+s26], $0x80, $0x38;
	[tilespmem:$0x1E480] =	vst v63  }
0xb4: {  	s9 =	simm.s32 @!p1 $0xB  }
0xb5: {  	_ =	swait.ge @!p1 [sflag:s9], $0x80  }
0xb6: {  	[sflag:s9] =	ssyncset.done @!p1 $0x0  }
0xb7: {  	[sflag:s9] =	ssyncadd.s32 @!p1 $0xFFFFFF80;
	s9 =	simm.s32 @!p1 $0x5000  }
0xb8: {  	[tilespmem:s9], [sflag:$0x3] =	stream.indirect.gather @!p1 [hbm4b:s1+s4], $0x80, s29, s4, $0xb8;
	[tilespmem:$0x1E480] =	vst v63  }
0xb9: {  	_ =	swait.ge [sflag:s0], $0x2800  }
0xba: {  	[sflag:s0] =	ssyncset.done $0x0  }
0xbb: {  	[sflag:s0] =	ssyncadd.s32 $0xFFFFD800  }
.Ltmp4:
0xbc: {  	_ =	swait.ge [sflag:s8], $0x80;
	(pc) =	sbr.rel @p1 .LBB2_8-.Ltmp4, $4  }
0xbd: {  	[sflag:s8] =	ssyncset.done $0x0  }
0xbe: {  	[sflag:s8] =	ssyncadd.s32 $0xFFFFFF80  }
0xbf: {  	[spmem:s2] =	stream.indirect.scatter.add.f32 [tilespmem:s11], [sflag:$0x8], $0x80, s21, s31, $0xb8;
	[tilespmem:$0x1E480] =	vst v63  }
0xc0: {  	s21 =	simm.s32 $0xA380  }
0xc1: {  	s4 =	sand.u32 $0x7C00, s24  }
0xc2: {  	s9 =	sand.u32 $0x380, s24;
	s4 =	sadd.s32 s7, s4  }
0xc3: {  	s4 =	sor.u32 s9, s4  }
0xc4: {  	s4 =	sshrl.u32 s4, $0x3  }
0xc5: {  	s26 =	simm.s32 $0xA180;
	s29 =	sadd.s32 s5, s4  }
0xc6: {  	[tilespmem:s26], [sflag:$0xC] =	stream.linear.gather [hbm4b:s29+s3], $0x80, $0x38;
	[tilespmem:$0x1E480] =	vst v63  }
0xc7: {  	_ =	swait.ge [sflag:s17], $0x2800  }
0xc8: {  	[sflag:s17] =	ssyncset.done $0x0  }
0xc9: {  	s4 =	sadd.s32 s6, s4;
	[sflag:s17] =	ssyncadd.s32 $0xFFFFD800  }
0xca: {  	[tilespmem:s21], [sflag:$0x10] =	stream.linear.gather [hbm4b:s4+s3], $0x80, $0x38;
	[tilespmem:$0x1E480] =	vst v63  }
.Ltmp5:
0xcb: {  	_ = 	snop;
	(pc) =	sbr.rel .LBB2_6-.Ltmp5, $4  }
0xcc: {  	_ =	swait.ge [sflag:s10], $0x80  }
0xcd: {  	[sflag:s10] =	ssyncset.done $0x0  }
0xce: {  	s24 =	sadd.s32 $0x200, s24;
	s21 =	simm.s32 $0xA380;
	[sflag:s10] =	ssyncadd.s32 $0xFFFFFF80  }
0xcf: {  	[tilespmem:s11], [sflag:$0x4] =	stream.indirect.gather [hbm4b:s1+s31], $0x80, s26, s31, $0xb8;
	[tilespmem:$0x1E480] =	vst v63  }
.LBB2_9:
0xd0: {  	_ =	sfence.sel $0x180000  }
0xd1: {  	[bflag:$0x0] =	sbarrier.arrive $0xFFFF  }
0xd2: {  	_ =	strace $0x90000047  }
0xd3: {  	s0 =	stileid.u32;
	[bflag:$0x2] =	sbarrier.arrive $0xFFFF  }
0xd4: {  	p0 =	sne.s32 s0, $0x0;
	s0 =	rddreg [dreg:$0x3]  }
0xd5: {  	s0 =	sadd.s32 @!p0 $0x100000, s0  }
0xd6: {  	[sflag:s0] =	ssyncadd.tile.s32 @!p0 $0x1;
	_ =	shalt  }
.Lfunc_end2:
_tile_overlayer_lowered:
.L_overlay_start_2:
0xd7: {  	(tag) =	ssettag $0x2  }
0xd8: {  	s0 =	rddreg [dreg:$0x0];
	s2 =	stileid.u32  }
0xd9: {  	s1 =	rddreg [dreg:$0x1];
	p0 =	sne.s32 s2, $0x0  }
0xda: {  	s3 =	rddreg [dreg:$0x2];
	[bflag:$0x3] =	sbarrier.arrive $0xFFFF;
	s2 =	simm.s32 @!p0 $0x1C11  }
0xdb: {  	[timem:s3], [sflag:s2] =	dma.local @!p0 [hbm:s0], s1  }
0xdc: {  	s0 =	simm.s32 @!p0 $0x11  }
0xdd: {  	_ =	swait.ge @!p0 [sflag:s0], s1  }
0xde: {  	s1 =	ssub.s32 @!p0 $0x0, s1;
	[sflag:s0] =	ssyncset.done @!p0 $0x0  }
0xdf: {  	[sflag:s0] =	ssyncadd.s32 @!p0 s1  }
0xe0: {  	[bflag:$0x3] =	sbarrier.arrive $0xFFFF  }
0xe1: {  	_ =	shalt  }

</sc_bundles>
